<compile_context>
chip_gen: v7x
topology: tpu7x:2x2x1
jax: 0.10.2.dev20260603
libtpu: 0.0.44.dev20260713+nightly
codegen_flags: <defaults>
</compile_context>

<pallas_src>
import functools

import jax
import jax.numpy as jnp
from jax import lax
from jax.experimental import pallas as pl
from jax.experimental.pallas import tpu as pltpu
from jax.experimental.pallas import tpu_sc as plsc

N = 10000
E = 320000
D = 128

NC = 2
NS = 16
NW = NC * NS
C = 128
NCH = E // C
BASE_CH = NCH // NW
EXTRA = NCH - BASE_CH * NW
CH_PER_TILE = 80
E_PAD = NW * CH_PER_TILE * C
NACC = 10240
DUMMY = N
ACC_PER_TILE = NACC // NS
ROWS_PER_TILE = 624
TAIL_R0 = ROWS_PER_TILE * NS
TAIL_ROWS = N - TAIL_R0


def _copy_rows(copy_fn, s):
    copy_fn(s * ROWS_PER_TILE, ROWS_PER_TILE)

    @pl.when(s == NS - 1)
    def _():
        copy_fn(TAIL_R0, TAIL_ROWS)

_mesh = plsc.VectorSubcoreMesh(core_axis_name="c", subcore_axis_name="s")



def _init_accum(zeros_hbm, accum, s):
    r0 = s * ACC_PER_TILE
    pltpu.sync_copy(zeros_hbm.at[pl.ds(r0, ACC_PER_TILE)],
                    accum.at[pl.ds(r0, ACC_PER_TILE)])


def _writeback(accum, out_hbm, c, s):
    _copy_rows(lambda r0, nr: pltpu.sync_copy(
        accum.at[pl.ds(r0, nr)], out_hbm.at[c, pl.ds(r0, nr)]), s)


@functools.partial(
    pl.kernel,
    mesh=_mesh,
    out_type=jax.ShapeDtypeStruct((NC, N, D), jnp.float32),
    scratch_types=[
        pltpu.VMEM((CH_PER_TILE, C), jnp.int32),
        pltpu.VMEM((C, D), jnp.float32),
        pltpu.VMEM_SHARED((NACC, D), jnp.float32),
    ],
)
def _deg_kernel(dst_hbm, ones_hbm, zeros_hbm, out_hbm, dst_all, ones_v, accum):
    c = lax.axis_index("c")
    s = lax.axis_index("s")
    wid = s * NC + c
    _init_accum(zeros_hbm, accum, s)
    pltpu.sync_copy(dst_hbm.at[pl.ds(wid * CH_PER_TILE, CH_PER_TILE)], dst_all)
    pltpu.sync_copy(ones_hbm, ones_v)
    plsc.subcore_barrier()

    def body(j, carry):
        pltpu.sync_copy(ones_v, accum.at[dst_all.at[j]], add=True)
        return carry

    lax.fori_loop(0, CH_PER_TILE, body, 0)
    plsc.subcore_barrier()
    _writeback(accum, out_hbm, c, s)


@functools.partial(
    pl.kernel,
    mesh=_mesh,
    out_type=jax.ShapeDtypeStruct((NC, N, D), jnp.float32),
    scratch_types=[
        pltpu.VMEM((C,), jnp.int32),
        pltpu.VMEM((C,), jnp.int32),
        pltpu.VMEM((C,), jnp.int32),
        pltpu.VMEM((C, D), jnp.float32),
        pltpu.VMEM((C, D), jnp.float32),
        pltpu.VMEM_SHARED((NACC, D), jnp.float32),
        pltpu.SemaphoreType.DMA,
        pltpu.SemaphoreType.DMA,
    ],
)
def _spmm_kernel(g_hbm, src_hbm, dst_hbm, zeros_hbm, out_hbm,
                 dbuf, sbuf0, sbuf1, rows_a, rows_b, accum, sa, sb):
    c = lax.axis_index("c")
    s = lax.axis_index("s")
    wid = s * NC + c
    _init_accum(zeros_hbm, accum, s)
    plsc.subcore_barrier()

    def src_slice(j):
        return src_hbm.at[pl.ds((j * NW + wid) * C, C)]

    def dst_slice(j):
        return dst_hbm.at[pl.ds((j * NW + wid) * C, C)]

    W = 10
    sbufs = (sbuf0, sbuf1)
    rows = (rows_a, rows_b)
    sems = (sa, sb)

    def gather(sl, buf, sem):
        return pltpu.async_copy(g_hbm.at[sl], buf, sem, priority=1)

    def window(w, carry):
        j0 = w * W
        pltpu.sync_copy(src_slice(j0), sbufs[0])
        g0 = gather(sbufs[0], rows[0], sems[0])
        pltpu.sync_copy(src_slice(j0 + 1), sbufs[1])
        g1 = gather(sbufs[1], rows[1], sems[1])
        gs = [g0, g1]
        for t in range(W):
            b = t % 2
            gs[b].wait()
            pltpu.sync_copy(dst_slice(j0 + t), dbuf)
            pltpu.sync_copy(rows[b], accum.at[dbuf], add=True)
            if t + 2 < W:
                pltpu.sync_copy(src_slice(j0 + t + 2), sbufs[b])
                gs[b] = gather(sbufs[b], rows[b], sems[b])
        return carry

    lax.fori_loop(0, CH_PER_TILE // W, window, 0)
    plsc.subcore_barrier()
    _writeback(accum, out_hbm, c, s)



NB = 1000
GRID = N // NB


def _first_body(p_ref, x_ref, w_ref, g_ref, u_ref):
    p = p_ref[...]
    deg = p[0, :, :1] + p[1, :, :1] + 1.0
    u = lax.rsqrt(deg)
    u_ref[...] = jnp.broadcast_to(u, (NB, 16))
    h = jnp.dot(x_ref[...], w_ref[...], preferred_element_type=jnp.float32,
                precision=lax.Precision.HIGHEST)
    g_ref[...] = h * u


def _mid_body(s_ref, g_ref, u_ref, b_ref, w_ref, o_ref):
    sv = s_ref[...]
    u = u_ref[...][:, :1]
    t = (sv[0] + sv[1] + g_ref[...]) * u + b_ref[...]
    z = jnp.maximum(t, 0.0)
    o_ref[...] = jnp.dot(z, w_ref[...], preferred_element_type=jnp.float32,
                         precision=lax.Precision.HIGHEST) * u


def _last_body(s_ref, g_ref, u_ref, b_ref, o_ref):
    sv = s_ref[...]
    u = u_ref[...][:, :1]
    o_ref[...] = (sv[0] + sv[1] + g_ref[...]) * u + b_ref[...]


_spec_p = pl.BlockSpec((2, NB, D), lambda i: (0, i, 0))
_spec_x = pl.BlockSpec((NB, D), lambda i: (i, 0))
_spec_w = pl.BlockSpec((D, D), lambda i: (0, 0))
_spec_s = pl.BlockSpec((2, NB, D), lambda i: (0, i, 0))
_spec_u = pl.BlockSpec((NB, 16), lambda i: (i, 0))
_spec_b = pl.BlockSpec((1, D), lambda i: (0, 0))

_first_tc = pl.pallas_call(
    _first_body,
    grid=(GRID,),
    in_specs=[_spec_p, _spec_x, _spec_w],
    out_specs=[_spec_x, _spec_u],
    out_shape=[jax.ShapeDtypeStruct((N, D), jnp.float32),
               jax.ShapeDtypeStruct((N, 16), jnp.float32)],
)

_mid_tc = pl.pallas_call(
    _mid_body,
    grid=(GRID,),
    in_specs=[_spec_s, _spec_x, _spec_u, _spec_b, _spec_w],
    out_specs=_spec_x,
    out_shape=jax.ShapeDtypeStruct((N, D), jnp.float32),
)

_last_tc = pl.pallas_call(
    _last_body,
    grid=(GRID,),
    in_specs=[_spec_s, _spec_x, _spec_u, _spec_b],
    out_specs=_spec_x,
    out_shape=jax.ShapeDtypeStruct((N, D), jnp.float32),
)



@jax.jit
def kernel(x, adj_t, W1, b1, W2, b2, W3, b3):
    adj = adj_t.astype(jnp.int32)
    pad_iota = jnp.arange(E_PAD - E, dtype=jnp.int32)
    src = jnp.concatenate([adj[0], pad_iota % N])
    dst = jnp.concatenate([adj[1], DUMMY + pad_iota % (NACC - N)])
    dst2d = dst.reshape(-1, C)
    onesCD = jnp.ones((C, D), jnp.float32)
    zerosAD = jnp.zeros((NACC, D), jnp.float32)

    p = _deg_kernel(dst2d, onesCD, zerosAD)
    g1, u16 = _first_tc(p, x, W1)
    s1 = _spmm_kernel(g1, src, dst, zerosAD)
    g2 = _mid_tc(s1, g1, u16, b1.reshape(1, D), W2)
    s2 = _spmm_kernel(g2, src, dst, zerosAD)
    g3 = _mid_tc(s2, g2, u16, b2.reshape(1, D), W3)
    s3 = _spmm_kernel(g3, src, dst, zerosAD)
    out = _last_tc(s3, g3, u16, b3.reshape(1, D))
    return out

# --- scband reference (transcript-rebuilt; emitter-appended) ---
"""Pipeline reference for scband-gcn-8134668058763 (READ-ONLY COPY).

The authoritative reference and input builder live on the scoring server;
editing this copy changes nothing except your own understanding.
"""

import jax, jax.numpy as jnp
import numpy as np

N_NODES = 10000
N_EDGES = 320000
D_IN = 128
D_HID = 128
D_OUT = 128


def gcn_conv(x, edge_index, W, b):
    # GCNConv: x' = D^{-1/2} (A + I) D^{-1/2} (x W) + b
    N = x.shape[0]
    loop = jnp.arange(N, dtype=edge_index.dtype)
    src = jnp.concatenate([edge_index[0], loop])
    dst = jnp.concatenate([edge_index[1], loop])
    h = x @ W
    ones = jnp.ones(src.shape[0], dtype=x.dtype)
    deg = jax.ops.segment_sum(ones, dst, num_segments=N)
    deg_inv_sqrt = jnp.where(deg > 0, jax.lax.rsqrt(jnp.maximum(deg, 1e-12)), 0.0)
    norm = deg_inv_sqrt[src] * deg_inv_sqrt[dst]
    msg = h[src] * norm[:, None]
    out = jax.ops.segment_sum(msg, dst, num_segments=N)
    return out + b


def setup_inputs(seed: int = 0) -> dict:
    key = jax.random.key(seed)
    ks = jax.random.split(key, 8)
    x = jax.random.normal(ks[0], (N_NODES, D_IN), dtype=jnp.float32)
    adj_t = jax.random.randint(ks[1], (2, N_EDGES), 0, N_NODES, dtype=jnp.int64)
    s1 = 1.0 / np.sqrt(D_IN)
    s2 = 1.0 / np.sqrt(D_HID)
    W1 = jax.random.uniform(ks[2], (D_IN, D_HID), jnp.float32, -s1, s1)
    b1 = jnp.zeros((D_HID,), jnp.float32)
    W2 = jax.random.uniform(ks[3], (D_HID, D_HID), jnp.float32, -s2, s2)
    b2 = jnp.zeros((D_HID,), jnp.float32)
    W3 = jax.random.uniform(ks[4], (D_HID, D_OUT), jnp.float32, -s2, s2)
    b3 = jnp.zeros((D_OUT,), jnp.float32)
    return {"x": x, "adj_t": adj_t, "W1": W1, "b1": b1, "W2": W2, "b2": b2, "W3": W3, "b3": b3}


def reference(x, adj_t, W1, b1, W2, b2, W3, b3):
    # eval mode: dropout is identity (training=False), cold_dropout=False
    h = gcn_conv(x, adj_t, W1, b1)
    h = jax.nn.relu(h)
    h = gcn_conv(h, adj_t, W2, b2)
    h = jax.nn.relu(h)
    out = gcn_conv(h, adj_t, W3, b3)
    return out

if __name__ == "__main__":
    import jax
    _d = setup_inputs()
    print(jax.jit(kernel)(*tuple(_d.values())))

</pallas_src>

<mosaic_0001>
#map = affine_map<(d0, d1) -> (0, 0)>
#map1 = affine_map<(d0, d1) -> (0)>
#map2 = affine_map<(d0, d1) -> (0, 0, 0)>
module attributes {stable_mosaic.version = 14 : i64} {
  func.func @_spmm_kernel(%arg0: i32, %arg1: i32, %arg2: memref<10000x128xf32, #tpu.memory_space<hbm>>, %arg3: memref<327680xi32, #tpu.memory_space<hbm>>, %arg4: memref<327680xi32, #tpu.memory_space<hbm>>, %arg5: memref<10240x128xf32, #tpu.memory_space<hbm>>, %arg6: memref<2x10000x128xf32, #tpu.memory_space<hbm>>, %arg7: memref<128xi32, #tpu.memory_space<vmem>>, %arg8: memref<128xi32, #tpu.memory_space<vmem>>, %arg9: memref<128xi32, #tpu.memory_space<vmem>>, %arg10: memref<128x128xf32, #tpu.memory_space<vmem>>, %arg11: memref<128x128xf32, #tpu.memory_space<vmem>>, %arg12: memref<10240x128xf32, #tpu.memory_space<vmem_shared>>, %arg13: memref<!tpu.dma_semaphore, #tpu.memory_space<semaphore_mem>>, %arg14: memref<!tpu.dma_semaphore, #tpu.memory_space<semaphore_mem>>) attributes {dimension_semantics = [#tpu.dimension_semantics<core_parallel>, #tpu.dimension_semantics<subcore_parallel>], iteration_bounds = array<i64: 2, 16>, scalar_prefetch = 0 : i64, scratch_operands = 8 : i64, tpu.core_type = #tpu.core_type<sc_vector_subcore>, window_params = [{transform_indices = #map}, {transform_indices = #map1}, {transform_indices = #map1}, {transform_indices = #map}, {transform_indices = #map2}]} {
    %mul3A = arith.constant 2 : i32
    %mul3A_0 = arith.muli %arg1, %mul3A : i32
    %add3A = arith.addi %mul3A_0, %arg0 : i32
    %mul3A_1 = arith.constant 640 : i32
    %mul3A_2 = arith.muli %arg1, %mul3A_1 : i32
    "tpu.region"() ({
      %run_scoped3A = tpu.sem_alloc : memref<!tpu.dma_semaphore, #tpu.memory_space<semaphore_mem>>
      %dma_start3A = arith.constant 0 : i32
      %dma_start3A_13 = tpu.memref_slice %arg12[%mul3A_2, %dma_start3A] : memref<10240x128xf32, #tpu.memory_space<vmem_shared>> -> memref<640x128xf32, #tpu.memory_space<vmem_shared>>
      %dma_start3A_14 = arith.constant 0 : i32
      %dma_start3A_15 = tpu.memref_slice %arg5[%mul3A_2, %dma_start3A_14] : memref<10240x128xf32, #tpu.memory_space<hbm>> -> memref<640x128xf32, #tpu.memory_space<hbm>>
      tpu.enqueue_dma source(%dma_start3A_15 : memref<640x128xf32, #tpu.memory_space<hbm>>) target(%dma_start3A_13 : memref<640x128xf32, #tpu.memory_space<vmem_shared>>) target_semaphore(%run_scoped3A : memref<!tpu.dma_semaphore, #tpu.memory_space<semaphore_mem>>)
      %dma_wait3A = arith.constant 0 : i32
      %dma_wait3A_16 = tpu.memref_slice %arg12[%mul3A_2, %dma_wait3A] : memref<10240x128xf32, #tpu.memory_space<vmem_shared>> -> memref<640x128xf32, #tpu.memory_space<vmem_shared>>
      %dma_wait3A_17 = arith.constant 0 : i32
      %dma_wait3A_18 = tpu.memref_slice %arg5[%mul3A_2, %dma_wait3A_17] : memref<10240x128xf32, #tpu.memory_space<hbm>> -> memref<640x128xf32, #tpu.memory_space<hbm>>
      tpu.wait_dma2 semaphore(%run_scoped3A : memref<!tpu.dma_semaphore, #tpu.memory_space<semaphore_mem>>) src(%dma_wait3A_18 : memref<640x128xf32, #tpu.memory_space<hbm>>) dst(%dma_wait3A_16 : memref<640x128xf32, #tpu.memory_space<vmem_shared>>)
      tpu.yield
    }) : () -> ()
    %barrier3A = arith.constant 0 : index
    tpu.barrier barrier_id(%barrier3A)
    %scan3A = arith.constant 0 : i32
    %scan3A_3 = arith.constant 0 : i32
    %scan3A_4 = arith.constant 8 : i32
    %scan3A_5 = arith.addi %scan3A_3, %scan3A_4 : i32
    %scan3A_6 = arith.constant 1 : i32
    scf.for %scan3A_13 = %scan3A_3 to %scan3A_5 step %scan3A_6  : i32 {
      %mul3A_14 = arith.constant 10 : i32
      %mul3A_15 = arith.muli %scan3A_13, %mul3A_14 : i32
      %mul3A_16 = arith.constant 32 : i32
      %mul3A_17 = arith.muli %mul3A_15, %mul3A_16 : i32
      %add3A_18 = arith.addi %mul3A_17, %add3A : i32
      %mul3A_19 = arith.constant 128 : i32
      %mul3A_20 = arith.muli %add3A_18, %mul3A_19 : i32
      "tpu.region"() ({
        %run_scoped3A = tpu.sem_alloc : memref<!tpu.dma_semaphore, #tpu.memory_space<semaphore_mem>>
        %dma_start3A_228 = tpu.memref_slice %arg3[%mul3A_20] : memref<327680xi32, #tpu.memory_space<hbm>> -> memref<128xi32, #tpu.memory_space<hbm>>
        %dma_start3A_229 = tpu.memref_slice %arg3[%mul3A_20] : memref<327680xi32, #tpu.memory_space<hbm>> -> memref<128xi32, #tpu.memory_space<hbm>>
        tpu.enqueue_dma source(%dma_start3A_229 : memref<128xi32, #tpu.memory_space<hbm>>) target(%arg8 : memref<128xi32, #tpu.memory_space<vmem>>) target_semaphore(%run_scoped3A : memref<!tpu.dma_semaphore, #tpu.memory_space<semaphore_mem>>)
        %dma_wait3A_230 = tpu.memref_slice %arg3[%mul3A_20] : memref<327680xi32, #tpu.memory_space<hbm>> -> memref<128xi32, #tpu.memory_space<hbm>>
        %dma_wait3A_231 = tpu.memref_slice %arg3[%mul3A_20] : memref<327680xi32, #tpu.memory_space<hbm>> -> memref<128xi32, #tpu.memory_space<hbm>>
        tpu.wait_dma2 semaphore(%run_scoped3A : memref<!tpu.dma_semaphore, #tpu.memory_space<semaphore_mem>>) src(%dma_wait3A_231 : memref<128xi32, #tpu.memory_space<hbm>>) dst(%arg8 : memref<128xi32, #tpu.memory_space<vmem>>)
        tpu.yield
      }) : () -> ()
      %dma_start3A = arith.constant 0 : i32
      %dma_start3A_21 = arith.constant 0 : i32
      %dma_start3A_22 = tpu.memref_slice %arg2[%dma_start3A, %dma_start3A_21] : memref<10000x128xf32, #tpu.memory_space<hbm>> -> memref<10000x128xf32, #tpu.memory_space<hbm>>
      tpu.enqueue_indirect_dma source(%dma_start3A_22 : memref<10000x128xf32, #tpu.memory_space<hbm>>) target(%arg10 : memref<128x128xf32, #tpu.memory_space<vmem>>) offsets(%arg8 : memref<128xi32, #tpu.memory_space<vmem>>) semaphore(%arg13 : memref<!tpu.dma_semaphore, #tpu.memory_space<semaphore_mem>>)
      %add3A_23 = arith.constant 1 : i32
      %add3A_24 = arith.addi %mul3A_15, %add3A_23 : i32
      %mul3A_25 = arith.constant 32 : i32
      %mul3A_26 = arith.muli %add3A_24, %mul3A_25 : i32
      %add3A_27 = arith.addi %mul3A_26, %add3A : i32
      %mul3A_28 = arith.constant 128 : i32
      %mul3A_29 = arith.muli %add3A_27, %mul3A_28 : i32
      "tpu.region"() ({
        %run_scoped3A = tpu.sem_alloc : memref<!tpu.dma_semaphore, #tpu.memory_space<semaphore_mem>>
        %dma_start3A_228 = tpu.memref_slice %arg3[%mul3A_29] : memref<327680xi32, #tpu.memory_space<hbm>> -> memref<128xi32, #tpu.memory_space<hbm>>
        %dma_start3A_229 = tpu.memref_slice %arg3[%mul3A_29] : memref<327680xi32, #tpu.memory_space<hbm>> -> memref<128xi32, #tpu.memory_space<hbm>>
        tpu.enqueue_dma source(%dma_start3A_229 : memref<128xi32, #tpu.memory_space<hbm>>) target(%arg9 : memref<128xi32, #tpu.memory_space<vmem>>) target_semaphore(%run_scoped3A : memref<!tpu.dma_semaphore, #tpu.memory_space<semaphore_mem>>)
        %dma_wait3A_230 = tpu.memref_slice %arg3[%mul3A_29] : memref<327680xi32, #tpu.memory_space<hbm>> -> memref<128xi32, #tpu.memory_space<hbm>>
        %dma_wait3A_231 = tpu.memref_slice %arg3[%mul3A_29] : memref<327680xi32, #tpu.memory_space<hbm>> -> memref<128xi32, #tpu.memory_space<hbm>>
        tpu.wait_dma2 semaphore(%run_scoped3A : memref<!tpu.dma_semaphore, #tpu.memory_space<semaphore_mem>>) src(%dma_wait3A_231 : memref<128xi32, #tpu.memory_space<hbm>>) dst(%arg9 : memref<128xi32, #tpu.memory_space<vmem>>)
        tpu.yield
      }) : () -> ()
      %dma_start3A_30 = arith.constant 0 : i32
      %dma_start3A_31 = arith.constant 0 : i32
      %dma_start3A_32 = tpu.memref_slice %arg2[%dma_start3A_30, %dma_start3A_31] : memref<10000x128xf32, #tpu.memory_space<hbm>> -> memref<10000x128xf32, #tpu.memory_space<hbm>>
      tpu.enqueue_indirect_dma source(%dma_start3A_32 : memref<10000x128xf32, #tpu.memory_space<hbm>>) target(%arg11 : memref<128x128xf32, #tpu.memory_space<vmem>>) offsets(%arg9 : memref<128xi32, #tpu.memory_space<vmem>>) semaphore(%arg14 : memref<!tpu.dma_semaphore, #tpu.memory_space<semaphore_mem>>)
      %dma_wait3A = arith.constant 0 : i32
      %dma_wait3A_33 = arith.constant 0 : i32
      %dma_wait3A_34 = tpu.memref_slice %arg2[%dma_wait3A, %dma_wait3A_33] : memref<10000x128xf32, #tpu.memory_space<hbm>> -> memref<10000x128xf32, #tpu.memory_space<hbm>>
      tpu.wait_indirect_dma semaphore(%arg13 : memref<!tpu.dma_semaphore, #tpu.memory_space<semaphore_mem>>) src(%dma_wait3A_34 : memref<10000x128xf32, #tpu.memory_space<hbm>>) dst(%arg10 : memref<128x128xf32, #tpu.memory_space<vmem>>)
      %add3A_35 = arith.constant 0 : i32
      %add3A_36 = arith.addi %mul3A_15, %add3A_35 : i32
      %mul3A_37 = arith.constant 32 : i32
      %mul3A_38 = arith.muli %add3A_36, %mul3A_37 : i32
      %add3A_39 = arith.addi %mul3A_38, %add3A : i32
      %mul3A_40 = arith.constant 128 : i32
      %mul3A_41 = arith.muli %add3A_39, %mul3A_40 : i32
      "tpu.region"() ({
        %run_scoped3A = tpu.sem_alloc : memref<!tpu.dma_semaphore, #tpu.memory_space<semaphore_mem>>
        %dma_start3A_228 = tpu.memref_slice %arg4[%mul3A_41] : memref<327680xi32, #tpu.memory_space<hbm>> -> memref<128xi32, #tpu.memory_space<hbm>>
        %dma_start3A_229 = tpu.memref_slice %arg4[%mul3A_41] : memref<327680xi32, #tpu.memory_space<hbm>> -> memref<128xi32, #tpu.memory_space<hbm>>
        tpu.enqueue_dma source(%dma_start3A_229 : memref<128xi32, #tpu.memory_space<hbm>>) target(%arg7 : memref<128xi32, #tpu.memory_space<vmem>>) target_semaphore(%run_scoped3A : memref<!tpu.dma_semaphore, #tpu.memory_space<semaphore_mem>>)
        %dma_wait3A_230 = tpu.memref_slice %arg4[%mul3A_41] : memref<327680xi32, #tpu.memory_space<hbm>> -> memref<128xi32, #tpu.memory_space<hbm>>
        %dma_wait3A_231 = tpu.memref_slice %arg4[%mul3A_41] : memref<327680xi32, #tpu.memory_space<hbm>> -> memref<128xi32, #tpu.memory_space<hbm>>
        tpu.wait_dma2 semaphore(%run_scoped3A : memref<!tpu.dma_semaphore, #tpu.memory_space<semaphore_mem>>) src(%dma_wait3A_231 : memref<128xi32, #tpu.memory_space<hbm>>) dst(%arg7 : memref<128xi32, #tpu.memory_space<vmem>>)
        tpu.yield
      }) : () -> ()
      "tpu.region"() ({
        %run_scoped3A = tpu.sem_alloc : memref<!tpu.dma_semaphore, #tpu.memory_space<semaphore_mem>>
        %dma_start3A_228 = arith.constant 0 : i32
        %dma_start3A_229 = arith.constant 0 : i32
        %dma_start3A_230 = tpu.memref_slice %arg12[%dma_start3A_228, %dma_start3A_229] : memref<10240x128xf32, #tpu.memory_space<vmem_shared>> -> memref<10240x128xf32, #tpu.memory_space<vmem_shared>>
        tpu.enqueue_indirect_dma source(%arg10 : memref<128x128xf32, #tpu.memory_space<vmem>>) target(%dma_start3A_230 : memref<10240x128xf32, #tpu.memory_space<vmem_shared>>) offsets(%arg7 : memref<128xi32, #tpu.memory_space<vmem>>) semaphore(%run_scoped3A : memref<!tpu.dma_semaphore, #tpu.memory_space<semaphore_mem>>) {add = true}
        %dma_wait3A_231 = arith.constant 0 : i32
        %dma_wait3A_232 = arith.constant 0 : i32
        %dma_wait3A_233 = tpu.memref_slice %arg12[%dma_wait3A_231, %dma_wait3A_232] : memref<10240x128xf32, #tpu.memory_space<vmem_shared>> -> memref<10240x128xf32, #tpu.memory_space<vmem_shared>>
        tpu.wait_indirect_dma semaphore(%run_scoped3A : memref<!tpu.dma_semaphore, #tpu.memory_space<semaphore_mem>>) src(%arg10 : memref<128x128xf32, #tpu.memory_space<vmem>>) dst(%dma_wait3A_233 : memref<10240x128xf32, #tpu.memory_space<vmem_shared>>)
        tpu.yield
      }) : () -> ()
      %add3A_42 = arith.constant 0 : i32
      %add3A_43 = arith.addi %mul3A_15, %add3A_42 : i32
      %add3A_44 = arith.constant 2 : i32
      %add3A_45 = arith.addi %add3A_43, %add3A_44 : i32
      %mul3A_46 = arith.constant 32 : i32
      %mul3A_47 = arith.muli %add3A_45, %mul3A_46 : i32
      %add3A_48 = arith.addi %mul3A_47, %add3A : i32
      %mul3A_49 = arith.constant 128 : i32
      %mul3A_50 = arith.muli %add3A_48, %mul3A_49 : i32
      "tpu.region"() ({
        %run_scoped3A = tpu.sem_alloc : memref<!tpu.dma_semaphore, #tpu.memory_space<semaphore_mem>>
        %dma_start3A_228 = tpu.memref_slice %arg3[%mul3A_50] : memref<327680xi32, #tpu.memory_space<hbm>> -> memref<128xi32, #tpu.memory_space<hbm>>
        %dma_start3A_229 = tpu.memref_slice %arg3[%mul3A_50] : memref<327680xi32, #tpu.memory_space<hbm>> -> memref<128xi32, #tpu.memory_space<hbm>>
        tpu.enqueue_dma source(%dma_start3A_229 : memref<128xi32, #tpu.memory_space<hbm>>) target(%arg8 : memref<128xi32, #tpu.memory_space<vmem>>) target_semaphore(%run_scoped3A : memref<!tpu.dma_semaphore, #tpu.memory_space<semaphore_mem>>)
        %dma_wait3A_230 = tpu.memref_slice %arg3[%mul3A_50] : memref<327680xi32, #tpu.memory_space<hbm>> -> memref<128xi32, #tpu.memory_space<hbm>>
        %dma_wait3A_231 = tpu.memref_slice %arg3[%mul3A_50] : memref<327680xi32, #tpu.memory_space<hbm>> -> memref<128xi32, #tpu.memory_space<hbm>>
        tpu.wait_dma2 semaphore(%run_scoped3A : memref<!tpu.dma_semaphore, #tpu.memory_space<semaphore_mem>>) src(%dma_wait3A_231 : memref<128xi32, #tpu.memory_space<hbm>>) dst(%arg8 : memref<128xi32, #tpu.memory_space<vmem>>)
        tpu.yield
      }) : () -> ()
      %dma_start3A_51 = arith.constant 0 : i32
      %dma_start3A_52 = arith.constant 0 : i32
      %dma_start3A_53 = tpu.memref_slice %arg2[%dma_start3A_51, %dma_start3A_52] : memref<10000x128xf32, #tpu.memory_space<hbm>> -> memref<10000x128xf32, #tpu.memory_space<hbm>>
      tpu.enqueue_indirect_dma source(%dma_start3A_53 : memref<10000x128xf32, #tpu.memory_space<hbm>>) target(%arg10 : memref<128x128xf32, #tpu.memory_space<vmem>>) offsets(%arg8 : memref<128xi32, #tpu.memory_space<vmem>>) semaphore(%arg13 : memref<!tpu.dma_semaphore, #tpu.memory_space<semaphore_mem>>)
      %dma_wait3A_54 = arith.constant 0 : i32
      %dma_wait3A_55 = arith.constant 0 : i32
      %dma_wait3A_56 = tpu.memref_slice %arg2[%dma_wait3A_54, %dma_wait3A_55] : memref<10000x128xf32, #tpu.memory_space<hbm>> -> memref<10000x128xf32, #tpu.memory_space<hbm>>
      tpu.wait_indirect_dma semaphore(%arg14 : memref<!tpu.dma_semaphore, #tpu.memory_space<semaphore_mem>>) src(%dma_wait3A_56 : memref<10000x128xf32, #tpu.memory_space<hbm>>) dst(%arg11 : memref<128x128xf32, #tpu.memory_space<vmem>>)
      %add3A_57 = arith.constant 1 : i32
      %add3A_58 = arith.addi %mul3A_15, %add3A_57 : i32
      %mul3A_59 = arith.constant 32 : i32
      %mul3A_60 = arith.muli %add3A_58, %mul3A_59 : i32
      %add3A_61 = arith.addi %mul3A_60, %add3A : i32
      %mul3A_62 = arith.constant 128 : i32
      %mul3A_63 = arith.muli %add3A_61, %mul3A_62 : i32
      "tpu.region"() ({
        %run_scoped3A = tpu.sem_alloc : memref<!tpu.dma_semaphore, #tpu.memory_space<semaphore_mem>>
        %dma_start3A_228 = tpu.memref_slice %arg4[%mul3A_63] : memref<327680xi32, #tpu.memory_space<hbm>> -> memref<128xi32, #tpu.memory_space<hbm>>
        %dma_start3A_229 = tpu.memref_slice %arg4[%mul3A_63] : memref<327680xi32, #tpu.memory_space<hbm>> -> memref<128xi32, #tpu.memory_space<hbm>>
        tpu.enqueue_dma source(%dma_start3A_229 : memref<128xi32, #tpu.memory_space<hbm>>) target(%arg7 : memref<128xi32, #tpu.memory_space<vmem>>) target_semaphore(%run_scoped3A : memref<!tpu.dma_semaphore, #tpu.memory_space<semaphore_mem>>)
        %dma_wait3A_230 = tpu.memref_slice %arg4[%mul3A_63] : memref<327680xi32, #tpu.memory_space<hbm>> -> memref<128xi32, #tpu.memory_space<hbm>>
        %dma_wait3A_231 = tpu.memref_slice %arg4[%mul3A_63] : memref<327680xi32, #tpu.memory_space<hbm>> -> memref<128xi32, #tpu.memory_space<hbm>>
        tpu.wait_dma2 semaphore(%run_scoped3A : memref<!tpu.dma_semaphore, #tpu.memory_space<semaphore_mem>>) src(%dma_wait3A_231 : memref<128xi32, #tpu.memory_space<hbm>>) dst(%arg7 : memref<128xi32, #tpu.memory_space<vmem>>)
        tpu.yield
      }) : () -> ()
      "tpu.region"() ({
        %run_scoped3A = tpu.sem_alloc : memref<!tpu.dma_semaphore, #tpu.memory_space<semaphore_mem>>
        %dma_start3A_228 = arith.constant 0 : i32
        %dma_start3A_229 = arith.constant 0 : i32
        %dma_start3A_230 = tpu.memref_slice %arg12[%dma_start3A_228, %dma_start3A_229] : memref<10240x128xf32, #tpu.memory_space<vmem_shared>> -> memref<10240x128xf32, #tpu.memory_space<vmem_shared>>
        tpu.enqueue_indirect_dma source(%arg11 : memref<128x128xf32, #tpu.memory_space<vmem>>) target(%dma_start3A_230 : memref<10240x128xf32, #tpu.memory_space<vmem_shared>>) offsets(%arg7 : memref<128xi32, #tpu.memory_space<vmem>>) semaphore(%run_scoped3A : memref<!tpu.dma_semaphore, #tpu.memory_space<semaphore_mem>>) {add = true}
        %dma_wait3A_231 = arith.constant 0 : i32
        %dma_wait3A_232 = arith.constant 0 : i32
        %dma_wait3A_233 = tpu.memref_slice %arg12[%dma_wait3A_231, %dma_wait3A_232] : memref<10240x128xf32, #tpu.memory_space<vmem_shared>> -> memref<10240x128xf32, #tpu.memory_space<vmem_shared>>
        tpu.wait_indirect_dma semaphore(%run_scoped3A : memref<!tpu.dma_semaphore, #tpu.memory_space<semaphore_mem>>) src(%arg11 : memref<128x128xf32, #tpu.memory_space<vmem>>) dst(%dma_wait3A_233 : memref<10240x128xf32, #tpu.memory_space<vmem_shared>>)
        tpu.yield
      }) : () -> ()
      %add3A_64 = arith.constant 1 : i32
      %add3A_65 = arith.addi %mul3A_15, %add3A_64 : i32
      %add3A_66 = arith.constant 2 : i32
      %add3A_67 = arith.addi %add3A_65, %add3A_66 : i32
      %mul3A_68 = arith.constant 32 : i32
      %mul3A_69 = arith.muli %add3A_67, %mul3A_68 : i32
      %add3A_70 = arith.addi %mul3A_69, %add3A : i32
      %mul3A_71 = arith.constant 128 : i32
      %mul3A_72 = arith.muli %add3A_70, %mul3A_71 : i32
      "tpu.region"() ({
        %run_scoped3A = tpu.sem_alloc : memref<!tpu.dma_semaphore, #tpu.memory_space<semaphore_mem>>
        %dma_start3A_228 = tpu.memref_slice %arg3[%mul3A_72] : memref<327680xi32, #tpu.memory_space<hbm>> -> memref<128xi32, #tpu.memory_space<hbm>>
        %dma_start3A_229 = tpu.memref_slice %arg3[%mul3A_72] : memref<327680xi32, #tpu.memory_space<hbm>> -> memref<128xi32, #tpu.memory_space<hbm>>
        tpu.enqueue_dma source(%dma_start3A_229 : memref<128xi32, #tpu.memory_space<hbm>>) target(%arg9 : memref<128xi32, #tpu.memory_space<vmem>>) target_semaphore(%run_scoped3A : memref<!tpu.dma_semaphore, #tpu.memory_space<semaphore_mem>>)
        %dma_wait3A_230 = tpu.memref_slice %arg3[%mul3A_72] : memref<327680xi32, #tpu.memory_space<hbm>> -> memref<128xi32, #tpu.memory_space<hbm>>
        %dma_wait3A_231 = tpu.memref_slice %arg3[%mul3A_72] : memref<327680xi32, #tpu.memory_space<hbm>> -> memref<128xi32, #tpu.memory_space<hbm>>
        tpu.wait_dma2 semaphore(%run_scoped3A : memref<!tpu.dma_semaphore, #tpu.memory_space<semaphore_mem>>) src(%dma_wait3A_231 : memref<128xi32, #tpu.memory_space<hbm>>) dst(%arg9 : memref<128xi32, #tpu.memory_space<vmem>>)
        tpu.yield
      }) : () -> ()
      %dma_start3A_73 = arith.constant 0 : i32
      %dma_start3A_74 = arith.constant 0 : i32
      %dma_start3A_75 = tpu.memref_slice %arg2[%dma_start3A_73, %dma_start3A_74] : memref<10000x128xf32, #tpu.memory_space<hbm>> -> memref<10000x128xf32, #tpu.memory_space<hbm>>
      tpu.enqueue_indirect_dma source(%dma_start3A_75 : memref<10000x128xf32, #tpu.memory_space<hbm>>) target(%arg11 : memref<128x128xf32, #tpu.memory_space<vmem>>) offsets(%arg9 : memref<128xi32, #tpu.memory_space<vmem>>) semaphore(%arg14 : memref<!tpu.dma_semaphore, #tpu.memory_space<semaphore_mem>>)
      %dma_wait3A_76 = arith.constant 0 : i32
      %dma_wait3A_77 = arith.constant 0 : i32
      %dma_wait3A_78 = tpu.memref_slice %arg2[%dma_wait3A_76, %dma_wait3A_77] : memref<10000x128xf32, #tpu.memory_space<hbm>> -> memref<10000x128xf32, #tpu.memory_space<hbm>>
      tpu.wait_indirect_dma semaphore(%arg13 : memref<!tpu.dma_semaphore, #tpu.memory_space<semaphore_mem>>) src(%dma_wait3A_78 : memref<10000x128xf32, #tpu.memory_space<hbm>>) dst(%arg10 : memref<128x128xf32, #tpu.memory_space<vmem>>)
      %add3A_79 = arith.constant 2 : i32
      %add3A_80 = arith.addi %mul3A_15, %add3A_79 : i32
      %mul3A_81 = arith.constant 32 : i32
      %mul3A_82 = arith.muli %add3A_80, %mul3A_81 : i32
      %add3A_83 = arith.addi %mul3A_82, %add3A : i32
      %mul3A_84 = arith.constant 128 : i32
      %mul3A_85 = arith.muli %add3A_83, %mul3A_84 : i32
      "tpu.region"() ({
        %run_scoped3A = tpu.sem_alloc : memref<!tpu.dma_semaphore, #tpu.memory_space<semaphore_mem>>
        %dma_start3A_228 = tpu.memref_slice %arg4[%mul3A_85] : memref<327680xi32, #tpu.memory_space<hbm>> -> memref<128xi32, #tpu.memory_space<hbm>>
        %dma_start3A_229 = tpu.memref_slice %arg4[%mul3A_85] : memref<327680xi32, #tpu.memory_space<hbm>> -> memref<128xi32, #tpu.memory_space<hbm>>
        tpu.enqueue_dma source(%dma_start3A_229 : memref<128xi32, #tpu.memory_space<hbm>>) target(%arg7 : memref<128xi32, #tpu.memory_space<vmem>>) target_semaphore(%run_scoped3A : memref<!tpu.dma_semaphore, #tpu.memory_space<semaphore_mem>>)
        %dma_wait3A_230 = tpu.memref_slice %arg4[%mul3A_85] : memref<327680xi32, #tpu.memory_space<hbm>> -> memref<128xi32, #tpu.memory_space<hbm>>
        %dma_wait3A_231 = tpu.memref_slice %arg4[%mul3A_85] : memref<327680xi32, #tpu.memory_space<hbm>> -> memref<128xi32, #tpu.memory_space<hbm>>
        tpu.wait_dma2 semaphore(%run_scoped3A : memref<!tpu.dma_semaphore, #tpu.memory_space<semaphore_mem>>) src(%dma_wait3A_231 : memref<128xi32, #tpu.memory_space<hbm>>) dst(%arg7 : memref<128xi32, #tpu.memory_space<vmem>>)
        tpu.yield
      }) : () -> ()
      "tpu.region"() ({
        %run_scoped3A = tpu.sem_alloc : memref<!tpu.dma_semaphore, #tpu.memory_space<semaphore_mem>>
        %dma_start3A_228 = arith.constant 0 : i32
        %dma_start3A_229 = arith.constant 0 : i32
        %dma_start3A_230 = tpu.memref_slice %arg12[%dma_start3A_228, %dma_start3A_229] : memref<10240x128xf32, #tpu.memory_space<vmem_shared>> -> memref<10240x128xf32, #tpu.memory_space<vmem_shared>>
        tpu.enqueue_indirect_dma source(%arg10 : memref<128x128xf32, #tpu.memory_space<vmem>>) target(%dma_start3A_230 : memref<10240x128xf32, #tpu.memory_space<vmem_shared>>) offsets(%arg7 : memref<128xi32, #tpu.memory_space<vmem>>) semaphore(%run_scoped3A : memref<!tpu.dma_semaphore, #tpu.memory_space<semaphore_mem>>) {add = true}
        %dma_wait3A_231 = arith.constant 0 : i32
        %dma_wait3A_232 = arith.constant 0 : i32
        %dma_wait3A_233 = tpu.memref_slice %arg12[%dma_wait3A_231, %dma_wait3A_232] : memref<10240x128xf32, #tpu.memory_space<vmem_shared>> -> memref<10240x128xf32, #tpu.memory_space<vmem_shared>>
        tpu.wait_indirect_dma semaphore(%run_scoped3A : memref<!tpu.dma_semaphore, #tpu.memory_space<semaphore_mem>>) src(%arg10 : memref<128x128xf32, #tpu.memory_space<vmem>>) dst(%dma_wait3A_233 : memref<10240x128xf32, #tpu.memory_space<vmem_shared>>)
        tpu.yield
      }) : () -> ()
      %add3A_86 = arith.constant 2 : i32
      %add3A_87 = arith.addi %mul3A_15, %add3A_86 : i32
      %add3A_88 = arith.constant 2 : i32
      %add3A_89 = arith.addi %add3A_87, %add3A_88 : i32
      %mul3A_90 = arith.constant 32 : i32
      %mul3A_91 = arith.muli %add3A_89, %mul3A_90 : i32
      %add3A_92 = arith.addi %mul3A_91, %add3A : i32
      %mul3A_93 = arith.constant 128 : i32
      %mul3A_94 = arith.muli %add3A_92, %mul3A_93 : i32
      "tpu.region"() ({
        %run_scoped3A = tpu.sem_alloc : memref<!tpu.dma_semaphore, #tpu.memory_space<semaphore_mem>>
        %dma_start3A_228 = tpu.memref_slice %arg3[%mul3A_94] : memref<327680xi32, #tpu.memory_space<hbm>> -> memref<128xi32, #tpu.memory_space<hbm>>
        %dma_start3A_229 = tpu.memref_slice %arg3[%mul3A_94] : memref<327680xi32, #tpu.memory_space<hbm>> -> memref<128xi32, #tpu.memory_space<hbm>>
        tpu.enqueue_dma source(%dma_start3A_229 : memref<128xi32, #tpu.memory_space<hbm>>) target(%arg8 : memref<128xi32, #tpu.memory_space<vmem>>) target_semaphore(%run_scoped3A : memref<!tpu.dma_semaphore, #tpu.memory_space<semaphore_mem>>)
        %dma_wait3A_230 = tpu.memref_slice %arg3[%mul3A_94] : memref<327680xi32, #tpu.memory_space<hbm>> -> memref<128xi32, #tpu.memory_space<hbm>>
        %dma_wait3A_231 = tpu.memref_slice %arg3[%mul3A_94] : memref<327680xi32, #tpu.memory_space<hbm>> -> memref<128xi32, #tpu.memory_space<hbm>>
        tpu.wait_dma2 semaphore(%run_scoped3A : memref<!tpu.dma_semaphore, #tpu.memory_space<semaphore_mem>>) src(%dma_wait3A_231 : memref<128xi32, #tpu.memory_space<hbm>>) dst(%arg8 : memref<128xi32, #tpu.memory_space<vmem>>)
        tpu.yield
      }) : () -> ()
      %dma_start3A_95 = arith.constant 0 : i32
      %dma_start3A_96 = arith.constant 0 : i32
      %dma_start3A_97 = tpu.memref_slice %arg2[%dma_start3A_95, %dma_start3A_96] : memref<10000x128xf32, #tpu.memory_space<hbm>> -> memref<10000x128xf32, #tpu.memory_space<hbm>>
      tpu.enqueue_indirect_dma source(%dma_start3A_97 : memref<10000x128xf32, #tpu.memory_space<hbm>>) target(%arg10 : memref<128x128xf32, #tpu.memory_space<vmem>>) offsets(%arg8 : memref<128xi32, #tpu.memory_space<vmem>>) semaphore(%arg13 : memref<!tpu.dma_semaphore, #tpu.memory_space<semaphore_mem>>)
      %dma_wait3A_98 = arith.constant 0 : i32
      %dma_wait3A_99 = arith.constant 0 : i32
      %dma_wait3A_100 = tpu.memref_slice %arg2[%dma_wait3A_98, %dma_wait3A_99] : memref<10000x128xf32, #tpu.memory_space<hbm>> -> memref<10000x128xf32, #tpu.memory_space<hbm>>
      tpu.wait_indirect_dma semaphore(%arg14 : memref<!tpu.dma_semaphore, #tpu.memory_space<semaphore_mem>>) src(%dma_wait3A_100 : memref<10000x128xf32, #tpu.memory_space<hbm>>) dst(%arg11 : memref<128x128xf32, #tpu.memory_space<vmem>>)
      %add3A_101 = arith.constant 3 : i32
      %add3A_102 = arith.addi %mul3A_15, %add3A_101 : i32
      %mul3A_103 = arith.constant 32 : i32
      %mul3A_104 = arith.muli %add3A_102, %mul3A_103 : i32
      %add3A_105 = arith.addi %mul3A_104, %add3A : i32
      %mul3A_106 = arith.constant 128 : i32
      %mul3A_107 = arith.muli %add3A_105, %mul3A_106 : i32
      "tpu.region"() ({
        %run_scoped3A = tpu.sem_alloc : memref<!tpu.dma_semaphore, #tpu.memory_space<semaphore_mem>>
        %dma_start3A_228 = tpu.memref_slice %arg4[%mul3A_107] : memref<327680xi32, #tpu.memory_space<hbm>> -> memref<128xi32, #tpu.memory_space<hbm>>
        %dma_start3A_229 = tpu.memref_slice %arg4[%mul3A_107] : memref<327680xi32, #tpu.memory_space<hbm>> -> memref<128xi32, #tpu.memory_space<hbm>>
        tpu.enqueue_dma source(%dma_start3A_229 : memref<128xi32, #tpu.memory_space<hbm>>) target(%arg7 : memref<128xi32, #tpu.memory_space<vmem>>) target_semaphore(%run_scoped3A : memref<!tpu.dma_semaphore, #tpu.memory_space<semaphore_mem>>)
        %dma_wait3A_230 = tpu.memref_slice %arg4[%mul3A_107] : memref<327680xi32, #tpu.memory_space<hbm>> -> memref<128xi32, #tpu.memory_space<hbm>>
        %dma_wait3A_231 = tpu.memref_slice %arg4[%mul3A_107] : memref<327680xi32, #tpu.memory_space<hbm>> -> memref<128xi32, #tpu.memory_space<hbm>>
        tpu.wait_dma2 semaphore(%run_scoped3A : memref<!tpu.dma_semaphore, #tpu.memory_space<semaphore_mem>>) src(%dma_wait3A_231 : memref<128xi32, #tpu.memory_space<hbm>>) dst(%arg7 : memref<128xi32, #tpu.memory_space<vmem>>)
        tpu.yield
      }) : () -> ()
      "tpu.region"() ({
        %run_scoped3A = tpu.sem_alloc : memref<!tpu.dma_semaphore, #tpu.memory_space<semaphore_mem>>
        %dma_start3A_228 = arith.constant 0 : i32
        %dma_start3A_229 = arith.constant 0 : i32
        %dma_start3A_230 = tpu.memref_slice %arg12[%dma_start3A_228, %dma_start3A_229] : memref<10240x128xf32, #tpu.memory_space<vmem_shared>> -> memref<10240x128xf32, #tpu.memory_space<vmem_shared>>
        tpu.enqueue_indirect_dma source(%arg11 : memref<128x128xf32, #tpu.memory_space<vmem>>) target(%dma_start3A_230 : memref<10240x128xf32, #tpu.memory_space<vmem_shared>>) offsets(%arg7 : memref<128xi32, #tpu.memory_space<vmem>>) semaphore(%run_scoped3A : memref<!tpu.dma_semaphore, #tpu.memory_space<semaphore_mem>>) {add = true}
        %dma_wait3A_231 = arith.constant 0 : i32
        %dma_wait3A_232 = arith.constant 0 : i32
        %dma_wait3A_233 = tpu.memref_slice %arg12[%dma_wait3A_231, %dma_wait3A_232] : memref<10240x128xf32, #tpu.memory_space<vmem_shared>> -> memref<10240x128xf32, #tpu.memory_space<vmem_shared>>
        tpu.wait_indirect_dma semaphore(%run_scoped3A : memref<!tpu.dma_semaphore, #tpu.memory_space<semaphore_mem>>) src(%arg11 : memref<128x128xf32, #tpu.memory_space<vmem>>) dst(%dma_wait3A_233 : memref<10240x128xf32, #tpu.memory_space<vmem_shared>>)
        tpu.yield
      }) : () -> ()
      %add3A_108 = arith.constant 3 : i32
      %add3A_109 = arith.addi %mul3A_15, %add3A_108 : i32
      %add3A_110 = arith.constant 2 : i32
      %add3A_111 = arith.addi %add3A_109, %add3A_110 : i32
      %mul3A_112 = arith.constant 32 : i32
      %mul3A_113 = arith.muli %add3A_111, %mul3A_112 : i32
      %add3A_114 = arith.addi %mul3A_113, %add3A : i32
      %mul3A_115 = arith.constant 128 : i32
      %mul3A_116 = arith.muli %add3A_114, %mul3A_115 : i32
      "tpu.region"() ({
        %run_scoped3A = tpu.sem_alloc : memref<!tpu.dma_semaphore, #tpu.memory_space<semaphore_mem>>
        %dma_start3A_228 = tpu.memref_slice %arg3[%mul3A_116] : memref<327680xi32, #tpu.memory_space<hbm>> -> memref<128xi32, #tpu.memory_space<hbm>>
        %dma_start3A_229 = tpu.memref_slice %arg3[%mul3A_116] : memref<327680xi32, #tpu.memory_space<hbm>> -> memref<128xi32, #tpu.memory_space<hbm>>
        tpu.enqueue_dma source(%dma_start3A_229 : memref<128xi32, #tpu.memory_space<hbm>>) target(%arg9 : memref<128xi32, #tpu.memory_space<vmem>>) target_semaphore(%run_scoped3A : memref<!tpu.dma_semaphore, #tpu.memory_space<semaphore_mem>>)
        %dma_wait3A_230 = tpu.memref_slice %arg3[%mul3A_116] : memref<327680xi32, #tpu.memory_space<hbm>> -> memref<128xi32, #tpu.memory_space<hbm>>
        %dma_wait3A_231 = tpu.memref_slice %arg3[%mul3A_116] : memref<327680xi32, #tpu.memory_space<hbm>> -> memref<128xi32, #tpu.memory_space<hbm>>
        tpu.wait_dma2 semaphore(%run_scoped3A : memref<!tpu.dma_semaphore, #tpu.memory_space<semaphore_mem>>) src(%dma_wait3A_231 : memref<128xi32, #tpu.memory_space<hbm>>) dst(%arg9 : memref<128xi32, #tpu.memory_space<vmem>>)
        tpu.yield
      }) : () -> ()
      %dma_start3A_117 = arith.constant 0 : i32
      %dma_start3A_118 = arith.constant 0 : i32
      %dma_start3A_119 = tpu.memref_slice %arg2[%dma_start3A_117, %dma_start3A_118] : memref<10000x128xf32, #tpu.memory_space<hbm>> -> memref<10000x128xf32, #tpu.memory_space<hbm>>
      tpu.enqueue_indirect_dma source(%dma_start3A_119 : memref<10000x128xf32, #tpu.memory_space<hbm>>) target(%arg11 : memref<128x128xf32, #tpu.memory_space<vmem>>) offsets(%arg9 : memref<128xi32, #tpu.memory_space<vmem>>) semaphore(%arg14 : memref<!tpu.dma_semaphore, #tpu.memory_space<semaphore_mem>>)
      %dma_wait3A_120 = arith.constant 0 : i32
      %dma_wait3A_121 = arith.constant 0 : i32
      %dma_wait3A_122 = tpu.memref_slice %arg2[%dma_wait3A_120, %dma_wait3A_121] : memref<10000x128xf32, #tpu.memory_space<hbm>> -> memref<10000x128xf32, #tpu.memory_space<hbm>>
      tpu.wait_indirect_dma semaphore(%arg13 : memref<!tpu.dma_semaphore, #tpu.memory_space<semaphore_mem>>) src(%dma_wait3A_122 : memref<10000x128xf32, #tpu.memory_space<hbm>>) dst(%arg10 : memref<128x128xf32, #tpu.memory_space<vmem>>)
      %add3A_123 = arith.constant 4 : i32
      %add3A_124 = arith.addi %mul3A_15, %add3A_123 : i32
      %mul3A_125 = arith.constant 32 : i32
      %mul3A_126 = arith.muli %add3A_124, %mul3A_125 : i32
      %add3A_127 = arith.addi %mul3A_126, %add3A : i32
      %mul3A_128 = arith.constant 128 : i32
      %mul3A_129 = arith.muli %add3A_127, %mul3A_128 : i32
      "tpu.region"() ({
        %run_scoped3A = tpu.sem_alloc : memref<!tpu.dma_semaphore, #tpu.memory_space<semaphore_mem>>
        %dma_start3A_228 = tpu.memref_slice %arg4[%mul3A_129] : memref<327680xi32, #tpu.memory_space<hbm>> -> memref<128xi32, #tpu.memory_space<hbm>>
        %dma_start3A_229 = tpu.memref_slice %arg4[%mul3A_129] : memref<327680xi32, #tpu.memory_space<hbm>> -> memref<128xi32, #tpu.memory_space<hbm>>
        tpu.enqueue_dma source(%dma_start3A_229 : memref<128xi32, #tpu.memory_space<hbm>>) target(%arg7 : memref<128xi32, #tpu.memory_space<vmem>>) target_semaphore(%run_scoped3A : memref<!tpu.dma_semaphore, #tpu.memory_space<semaphore_mem>>)
        %dma_wait3A_230 = tpu.memref_slice %arg4[%mul3A_129] : memref<327680xi32, #tpu.memory_space<hbm>> -> memref<128xi32, #tpu.memory_space<hbm>>
        %dma_wait3A_231 = tpu.memref_slice %arg4[%mul3A_129] : memref<327680xi32, #tpu.memory_space<hbm>> -> memref<128xi32, #tpu.memory_space<hbm>>
        tpu.wait_dma2 semaphore(%run_scoped3A : memref<!tpu.dma_semaphore, #tpu.memory_space<semaphore_mem>>) src(%dma_wait3A_231 : memref<128xi32, #tpu.memory_space<hbm>>) dst(%arg7 : memref<128xi32, #tpu.memory_space<vmem>>)
        tpu.yield
      }) : () -> ()
      "tpu.region"() ({
        %run_scoped3A = tpu.sem_alloc : memref<!tpu.dma_semaphore, #tpu.memory_space<semaphore_mem>>
        %dma_start3A_228 = arith.constant 0 : i32
        %dma_start3A_229 = arith.constant 0 : i32
        %dma_start3A_230 = tpu.memref_slice %arg12[%dma_start3A_228, %dma_start3A_229] : memref<10240x128xf32, #tpu.memory_space<vmem_shared>> -> memref<10240x128xf32, #tpu.memory_space<vmem_shared>>
        tpu.enqueue_indirect_dma source(%arg10 : memref<128x128xf32, #tpu.memory_space<vmem>>) target(%dma_start3A_230 : memref<10240x128xf32, #tpu.memory_space<vmem_shared>>) offsets(%arg7 : memref<128xi32, #tpu.memory_space<vmem>>) semaphore(%run_scoped3A : memref<!tpu.dma_semaphore, #tpu.memory_space<semaphore_mem>>) {add = true}
        %dma_wait3A_231 = arith.constant 0 : i32
        %dma_wait3A_232 = arith.constant 0 : i32
        %dma_wait3A_233 = tpu.memref_slice %arg12[%dma_wait3A_231, %dma_wait3A_232] : memref<10240x128xf32, #tpu.memory_space<vmem_shared>> -> memref<10240x128xf32, #tpu.memory_space<vmem_shared>>
        tpu.wait_indirect_dma semaphore(%run_scoped3A : memref<!tpu.dma_semaphore, #tpu.memory_space<semaphore_mem>>) src(%arg10 : memref<128x128xf32, #tpu.memory_space<vmem>>) dst(%dma_wait3A_233 : memref<10240x128xf32, #tpu.memory_space<vmem_shared>>)
        tpu.yield
      }) : () -> ()
      %add3A_130 = arith.constant 4 : i32
      %add3A_131 = arith.addi %mul3A_15, %add3A_130 : i32
      %add3A_132 = arith.constant 2 : i32
      %add3A_133 = arith.addi %add3A_131, %add3A_132 : i32
      %mul3A_134 = arith.constant 32 : i32
      %mul3A_135 = arith.muli %add3A_133, %mul3A_134 : i32
      %add3A_136 = arith.addi %mul3A_135, %add3A : i32
      %mul3A_137 = arith.constant 128 : i32
      %mul3A_138 = arith.muli %add3A_136, %mul3A_137 : i32
      "tpu.region"() ({
        %run_scoped3A = tpu.sem_alloc : memref<!tpu.dma_semaphore, #tpu.memory_space<semaphore_mem>>
        %dma_start3A_228 = tpu.memref_slice %arg3[%mul3A_138] : memref<327680xi32, #tpu.memory_space<hbm>> -> memref<128xi32, #tpu.memory_space<hbm>>
        %dma_start3A_229 = tpu.memref_slice %arg3[%mul3A_138] : memref<327680xi32, #tpu.memory_space<hbm>> -> memref<128xi32, #tpu.memory_space<hbm>>
        tpu.enqueue_dma source(%dma_start3A_229 : memref<128xi32, #tpu.memory_space<hbm>>) target(%arg8 : memref<128xi32, #tpu.memory_space<vmem>>) target_semaphore(%run_scoped3A : memref<!tpu.dma_semaphore, #tpu.memory_space<semaphore_mem>>)
        %dma_wait3A_230 = tpu.memref_slice %arg3[%mul3A_138] : memref<327680xi32, #tpu.memory_space<hbm>> -> memref<128xi32, #tpu.memory_space<hbm>>
        %dma_wait3A_231 = tpu.memref_slice %arg3[%mul3A_138] : memref<327680xi32, #tpu.memory_space<hbm>> -> memref<128xi32, #tpu.memory_space<hbm>>
        tpu.wait_dma2 semaphore(%run_scoped3A : memref<!tpu.dma_semaphore, #tpu.memory_space<semaphore_mem>>) src(%dma_wait3A_231 : memref<128xi32, #tpu.memory_space<hbm>>) dst(%arg8 : memref<128xi32, #tpu.memory_space<vmem>>)
        tpu.yield
      }) : () -> ()
      %dma_start3A_139 = arith.constant 0 : i32
      %dma_start3A_140 = arith.constant 0 : i32
      %dma_start3A_141 = tpu.memref_slice %arg2[%dma_start3A_139, %dma_start3A_140] : memref<10000x128xf32, #tpu.memory_space<hbm>> -> memref<10000x128xf32, #tpu.memory_space<hbm>>
      tpu.enqueue_indirect_dma source(%dma_start3A_141 : memref<10000x128xf32, #tpu.memory_space<hbm>>) target(%arg10 : memref<128x128xf32, #tpu.memory_space<vmem>>) offsets(%arg8 : memref<128xi32, #tpu.memory_space<vmem>>) semaphore(%arg13 : memref<!tpu.dma_semaphore, #tpu.memory_space<semaphore_mem>>)
      %dma_wait3A_142 = arith.constant 0 : i32
      %dma_wait3A_143 = arith.constant 0 : i32
      %dma_wait3A_144 = tpu.memref_slice %arg2[%dma_wait3A_142, %dma_wait3A_143] : memref<10000x128xf32, #tpu.memory_space<hbm>> -> memref<10000x128xf32, #tpu.memory_space<hbm>>
      tpu.wait_indirect_dma semaphore(%arg14 : memref<!tpu.dma_semaphore, #tpu.memory_space<semaphore_mem>>) src(%dma_wait3A_144 : memref<10000x128xf32, #tpu.memory_space<hbm>>) dst(%arg11 : memref<128x128xf32, #tpu.memory_space<vmem>>)
      %add3A_145 = arith.constant 5 : i32
      %add3A_146 = arith.addi %mul3A_15, %add3A_145 : i32
      %mul3A_147 = arith.constant 32 : i32
      %mul3A_148 = arith.muli %add3A_146, %mul3A_147 : i32
      %add3A_149 = arith.addi %mul3A_148, %add3A : i32
      %mul3A_150 = arith.constant 128 : i32
      %mul3A_151 = arith.muli %add3A_149, %mul3A_150 : i32
      "tpu.region"() ({
        %run_scoped3A = tpu.sem_alloc : memref<!tpu.dma_semaphore, #tpu.memory_space<semaphore_mem>>
        %dma_start3A_228 = tpu.memref_slice %arg4[%mul3A_151] : memref<327680xi32, #tpu.memory_space<hbm>> -> memref<128xi32, #tpu.memory_space<hbm>>
        %dma_start3A_229 = tpu.memref_slice %arg4[%mul3A_151] : memref<327680xi32, #tpu.memory_space<hbm>> -> memref<128xi32, #tpu.memory_space<hbm>>
        tpu.enqueue_dma source(%dma_start3A_229 : memref<128xi32, #tpu.memory_space<hbm>>) target(%arg7 : memref<128xi32, #tpu.memory_space<vmem>>) target_semaphore(%run_scoped3A : memref<!tpu.dma_semaphore, #tpu.memory_space<semaphore_mem>>)
        %dma_wait3A_230 = tpu.memref_slice %arg4[%mul3A_151] : memref<327680xi32, #tpu.memory_space<hbm>> -> memref<128xi32, #tpu.memory_space<hbm>>
        %dma_wait3A_231 = tpu.memref_slice %arg4[%mul3A_151] : memref<327680xi32, #tpu.memory_space<hbm>> -> memref<128xi32, #tpu.memory_space<hbm>>
        tpu.wait_dma2 semaphore(%run_scoped3A : memref<!tpu.dma_semaphore, #tpu.memory_space<semaphore_mem>>) src(%dma_wait3A_231 : memref<128xi32, #tpu.memory_space<hbm>>) dst(%arg7 : memref<128xi32, #tpu.memory_space<vmem>>)
        tpu.yield
      }) : () -> ()
      "tpu.region"() ({
        %run_scoped3A = tpu.sem_alloc : memref<!tpu.dma_semaphore, #tpu.memory_space<semaphore_mem>>
        %dma_start3A_228 = arith.constant 0 : i32
        %dma_start3A_229 = arith.constant 0 : i32
        %dma_start3A_230 = tpu.memref_slice %arg12[%dma_start3A_228, %dma_start3A_229] : memref<10240x128xf32, #tpu.memory_space<vmem_shared>> -> memref<10240x128xf32, #tpu.memory_space<vmem_shared>>
        tpu.enqueue_indirect_dma source(%arg11 : memref<128x128xf32, #tpu.memory_space<vmem>>) target(%dma_start3A_230 : memref<10240x128xf32, #tpu.memory_space<vmem_shared>>) offsets(%arg7 : memref<128xi32, #tpu.memory_space<vmem>>) semaphore(%run_scoped3A : memref<!tpu.dma_semaphore, #tpu.memory_space<semaphore_mem>>) {add = true}
        %dma_wait3A_231 = arith.constant 0 : i32
        %dma_wait3A_232 = arith.constant 0 : i32
        %dma_wait3A_233 = tpu.memref_slice %arg12[%dma_wait3A_231, %dma_wait3A_232] : memref<10240x128xf32, #tpu.memory_space<vmem_shared>> -> memref<10240x128xf32, #tpu.memory_space<vmem_shared>>
        tpu.wait_indirect_dma semaphore(%run_scoped3A : memref<!tpu.dma_semaphore, #tpu.memory_space<semaphore_mem>>) src(%arg11 : memref<128x128xf32, #tpu.memory_space<vmem>>) dst(%dma_wait3A_233 : memref<10240x128xf32, #tpu.memory_space<vmem_shared>>)
        tpu.yield
      }) : () -> ()
      %add3A_152 = arith.constant 5 : i32
      %add3A_153 = arith.addi %mul3A_15, %add3A_152 : i32
      %add3A_154 = arith.constant 2 : i32
      %add3A_155 = arith.addi %add3A_153, %add3A_154 : i32
      %mul3A_156 = arith.constant 32 : i32
      %mul3A_157 = arith.muli %add3A_155, %mul3A_156 : i32
      %add3A_158 = arith.addi %mul3A_157, %add3A : i32
      %mul3A_159 = arith.constant 128 : i32
      %mul3A_160 = arith.muli %add3A_158, %mul3A_159 : i32
      "tpu.region"() ({
        %run_scoped3A = tpu.sem_alloc : memref<!tpu.dma_semaphore, #tpu.memory_space<semaphore_mem>>
        %dma_start3A_228 = tpu.memref_slice %arg3[%mul3A_160] : memref<327680xi32, #tpu.memory_space<hbm>> -> memref<128xi32, #tpu.memory_space<hbm>>
        %dma_start3A_229 = tpu.memref_slice %arg3[%mul3A_160] : memref<327680xi32, #tpu.memory_space<hbm>> -> memref<128xi32, #tpu.memory_space<hbm>>
        tpu.enqueue_dma source(%dma_start3A_229 : memref<128xi32, #tpu.memory_space<hbm>>) target(%arg9 : memref<128xi32, #tpu.memory_space<vmem>>) target_semaphore(%run_scoped3A : memref<!tpu.dma_semaphore, #tpu.memory_space<semaphore_mem>>)
        %dma_wait3A_230 = tpu.memref_slice %arg3[%mul3A_160] : memref<327680xi32, #tpu.memory_space<hbm>> -> memref<128xi32, #tpu.memory_space<hbm>>
        %dma_wait3A_231 = tpu.memref_slice %arg3[%mul3A_160] : memref<327680xi32, #tpu.memory_space<hbm>> -> memref<128xi32, #tpu.memory_space<hbm>>
        tpu.wait_dma2 semaphore(%run_scoped3A : memref<!tpu.dma_semaphore, #tpu.memory_space<semaphore_mem>>) src(%dma_wait3A_231 : memref<128xi32, #tpu.memory_space<hbm>>) dst(%arg9 : memref<128xi32, #tpu.memory_space<vmem>>)
        tpu.yield
      }) : () -> ()
      %dma_start3A_161 = arith.constant 0 : i32
      %dma_start3A_162 = arith.constant 0 : i32
      %dma_start3A_163 = tpu.memref_slice %arg2[%dma_start3A_161, %dma_start3A_162] : memref<10000x128xf32, #tpu.memory_space<hbm>> -> memref<10000x128xf32, #tpu.memory_space<hbm>>
      tpu.enqueue_indirect_dma source(%dma_start3A_163 : memref<10000x128xf32, #tpu.memory_space<hbm>>) target(%arg11 : memref<128x128xf32, #tpu.memory_space<vmem>>) offsets(%arg9 : memref<128xi32, #tpu.memory_space<vmem>>) semaphore(%arg14 : memref<!tpu.dma_semaphore, #tpu.memory_space<semaphore_mem>>)
      %dma_wait3A_164 = arith.constant 0 : i32
      %dma_wait3A_165 = arith.constant 0 : i32
      %dma_wait3A_166 = tpu.memref_slice %arg2[%dma_wait3A_164, %dma_wait3A_165] : memref<10000x128xf32, #tpu.memory_space<hbm>> -> memref<10000x128xf32, #tpu.memory_space<hbm>>
      tpu.wait_indirect_dma semaphore(%arg13 : memref<!tpu.dma_semaphore, #tpu.memory_space<semaphore_mem>>) src(%dma_wait3A_166 : memref<10000x128xf32, #tpu.memory_space<hbm>>) dst(%arg10 : memref<128x128xf32, #tpu.memory_space<vmem>>)
      %add3A_167 = arith.constant 6 : i32
      %add3A_168 = arith.addi %mul3A_15, %add3A_167 : i32
      %mul3A_169 = arith.constant 32 : i32
      %mul3A_170 = arith.muli %add3A_168, %mul3A_169 : i32
      %add3A_171 = arith.addi %mul3A_170, %add3A : i32
      %mul3A_172 = arith.constant 128 : i32
      %mul3A_173 = arith.muli %add3A_171, %mul3A_172 : i32
      "tpu.region"() ({
        %run_scoped3A = tpu.sem_alloc : memref<!tpu.dma_semaphore, #tpu.memory_space<semaphore_mem>>
        %dma_start3A_228 = tpu.memref_slice %arg4[%mul3A_173] : memref<327680xi32, #tpu.memory_space<hbm>> -> memref<128xi32, #tpu.memory_space<hbm>>
        %dma_start3A_229 = tpu.memref_slice %arg4[%mul3A_173] : memref<327680xi32, #tpu.memory_space<hbm>> -> memref<128xi32, #tpu.memory_space<hbm>>
        tpu.enqueue_dma source(%dma_start3A_229 : memref<128xi32, #tpu.memory_space<hbm>>) target(%arg7 : memref<128xi32, #tpu.memory_space<vmem>>) target_semaphore(%run_scoped3A : memref<!tpu.dma_semaphore, #tpu.memory_space<semaphore_mem>>)
        %dma_wait3A_230 = tpu.memref_slice %arg4[%mul3A_173] : memref<327680xi32, #tpu.memory_space<hbm>> -> memref<128xi32, #tpu.memory_space<hbm>>
        %dma_wait3A_231 = tpu.memref_slice %arg4[%mul3A_173] : memref<327680xi32, #tpu.memory_space<hbm>> -> memref<128xi32, #tpu.memory_space<hbm>>
        tpu.wait_dma2 semaphore(%run_scoped3A : memref<!tpu.dma_semaphore, #tpu.memory_space<semaphore_mem>>) src(%dma_wait3A_231 : memref<128xi32, #tpu.memory_space<hbm>>) dst(%arg7 : memref<128xi32, #tpu.memory_space<vmem>>)
        tpu.yield
      }) : () -> ()
      "tpu.region"() ({
        %run_scoped3A = tpu.sem_alloc : memref<!tpu.dma_semaphore, #tpu.memory_space<semaphore_mem>>
        %dma_start3A_228 = arith.constant 0 : i32
        %dma_start3A_229 = arith.constant 0 : i32
        %dma_start3A_230 = tpu.memref_slice %arg12[%dma_start3A_228, %dma_start3A_229] : memref<10240x128xf32, #tpu.memory_space<vmem_shared>> -> memref<10240x128xf32, #tpu.memory_space<vmem_shared>>
        tpu.enqueue_indirect_dma source(%arg10 : memref<128x128xf32, #tpu.memory_space<vmem>>) target(%dma_start3A_230 : memref<10240x128xf32, #tpu.memory_space<vmem_shared>>) offsets(%arg7 : memref<128xi32, #tpu.memory_space<vmem>>) semaphore(%run_scoped3A : memref<!tpu.dma_semaphore, #tpu.memory_space<semaphore_mem>>) {add = true}
        %dma_wait3A_231 = arith.constant 0 : i32
        %dma_wait3A_232 = arith.constant 0 : i32
        %dma_wait3A_233 = tpu.memref_slice %arg12[%dma_wait3A_231, %dma_wait3A_232] : memref<10240x128xf32, #tpu.memory_space<vmem_shared>> -> memref<10240x128xf32, #tpu.memory_space<vmem_shared>>
        tpu.wait_indirect_dma semaphore(%run_scoped3A : memref<!tpu.dma_semaphore, #tpu.memory_space<semaphore_mem>>) src(%arg10 : memref<128x128xf32, #tpu.memory_space<vmem>>) dst(%dma_wait3A_233 : memref<10240x128xf32, #tpu.memory_space<vmem_shared>>)
        tpu.yield
      }) : () -> ()
      %add3A_174 = arith.constant 6 : i32
      %add3A_175 = arith.addi %mul3A_15, %add3A_174 : i32
      %add3A_176 = arith.constant 2 : i32
      %add3A_177 = arith.addi %add3A_175, %add3A_176 : i32
      %mul3A_178 = arith.constant 32 : i32
      %mul3A_179 = arith.muli %add3A_177, %mul3A_178 : i32
      %add3A_180 = arith.addi %mul3A_179, %add3A : i32
      %mul3A_181 = arith.constant 128 : i32
      %mul3A_182 = arith.muli %add3A_180, %mul3A_181 : i32
      "tpu.region"() ({
        %run_scoped3A = tpu.sem_alloc : memref<!tpu.dma_semaphore, #tpu.memory_space<semaphore_mem>>
        %dma_start3A_228 = tpu.memref_slice %arg3[%mul3A_182] : memref<327680xi32, #tpu.memory_space<hbm>> -> memref<128xi32, #tpu.memory_space<hbm>>
        %dma_start3A_229 = tpu.memref_slice %arg3[%mul3A_182] : memref<327680xi32, #tpu.memory_space<hbm>> -> memref<128xi32, #tpu.memory_space<hbm>>
        tpu.enqueue_dma source(%dma_start3A_229 : memref<128xi32, #tpu.memory_space<hbm>>) target(%arg8 : memref<128xi32, #tpu.memory_space<vmem>>) target_semaphore(%run_scoped3A : memref<!tpu.dma_semaphore, #tpu.memory_space<semaphore_mem>>)
        %dma_wait3A_230 = tpu.memref_slice %arg3[%mul3A_182] : memref<327680xi32, #tpu.memory_space<hbm>> -> memref<128xi32, #tpu.memory_space<hbm>>
        %dma_wait3A_231 = tpu.memref_slice %arg3[%mul3A_182] : memref<327680xi32, #tpu.memory_space<hbm>> -> memref<128xi32, #tpu.memory_space<hbm>>
        tpu.wait_dma2 semaphore(%run_scoped3A : memref<!tpu.dma_semaphore, #tpu.memory_space<semaphore_mem>>) src(%dma_wait3A_231 : memref<128xi32, #tpu.memory_space<hbm>>) dst(%arg8 : memref<128xi32, #tpu.memory_space<vmem>>)
        tpu.yield
      }) : () -> ()
      %dma_start3A_183 = arith.constant 0 : i32
      %dma_start3A_184 = arith.constant 0 : i32
      %dma_start3A_185 = tpu.memref_slice %arg2[%dma_start3A_183, %dma_start3A_184] : memref<10000x128xf32, #tpu.memory_space<hbm>> -> memref<10000x128xf32, #tpu.memory_space<hbm>>
      tpu.enqueue_indirect_dma source(%dma_start3A_185 : memref<10000x128xf32, #tpu.memory_space<hbm>>) target(%arg10 : memref<128x128xf32, #tpu.memory_space<vmem>>) offsets(%arg8 : memref<128xi32, #tpu.memory_space<vmem>>) semaphore(%arg13 : memref<!tpu.dma_semaphore, #tpu.memory_space<semaphore_mem>>)
      %dma_wait3A_186 = arith.constant 0 : i32
      %dma_wait3A_187 = arith.constant 0 : i32
      %dma_wait3A_188 = tpu.memref_slice %arg2[%dma_wait3A_186, %dma_wait3A_187] : memref<10000x128xf32, #tpu.memory_space<hbm>> -> memref<10000x128xf32, #tpu.memory_space<hbm>>
      tpu.wait_indirect_dma semaphore(%arg14 : memref<!tpu.dma_semaphore, #tpu.memory_space<semaphore_mem>>) src(%dma_wait3A_188 : memref<10000x128xf32, #tpu.memory_space<hbm>>) dst(%arg11 : memref<128x128xf32, #tpu.memory_space<vmem>>)
      %add3A_189 = arith.constant 7 : i32
      %add3A_190 = arith.addi %mul3A_15, %add3A_189 : i32
      %mul3A_191 = arith.constant 32 : i32
      %mul3A_192 = arith.muli %add3A_190, %mul3A_191 : i32
      %add3A_193 = arith.addi %mul3A_192, %add3A : i32
      %mul3A_194 = arith.constant 128 : i32
      %mul3A_195 = arith.muli %add3A_193, %mul3A_194 : i32
      "tpu.region"() ({
        %run_scoped3A = tpu.sem_alloc : memref<!tpu.dma_semaphore, #tpu.memory_space<semaphore_mem>>
        %dma_start3A_228 = tpu.memref_slice %arg4[%mul3A_195] : memref<327680xi32, #tpu.memory_space<hbm>> -> memref<128xi32, #tpu.memory_space<hbm>>
        %dma_start3A_229 = tpu.memref_slice %arg4[%mul3A_195] : memref<327680xi32, #tpu.memory_space<hbm>> -> memref<128xi32, #tpu.memory_space<hbm>>
        tpu.enqueue_dma source(%dma_start3A_229 : memref<128xi32, #tpu.memory_space<hbm>>) target(%arg7 : memref<128xi32, #tpu.memory_space<vmem>>) target_semaphore(%run_scoped3A : memref<!tpu.dma_semaphore, #tpu.memory_space<semaphore_mem>>)
        %dma_wait3A_230 = tpu.memref_slice %arg4[%mul3A_195] : memref<327680xi32, #tpu.memory_space<hbm>> -> memref<128xi32, #tpu.memory_space<hbm>>
        %dma_wait3A_231 = tpu.memref_slice %arg4[%mul3A_195] : memref<327680xi32, #tpu.memory_space<hbm>> -> memref<128xi32, #tpu.memory_space<hbm>>
        tpu.wait_dma2 semaphore(%run_scoped3A : memref<!tpu.dma_semaphore, #tpu.memory_space<semaphore_mem>>) src(%dma_wait3A_231 : memref<128xi32, #tpu.memory_space<hbm>>) dst(%arg7 : memref<128xi32, #tpu.memory_space<vmem>>)
        tpu.yield
      }) : () -> ()
      "tpu.region"() ({
        %run_scoped3A = tpu.sem_alloc : memref<!tpu.dma_semaphore, #tpu.memory_space<semaphore_mem>>
        %dma_start3A_228 = arith.constant 0 : i32
        %dma_start3A_229 = arith.constant 0 : i32
        %dma_start3A_230 = tpu.memref_slice %arg12[%dma_start3A_228, %dma_start3A_229] : memref<10240x128xf32, #tpu.memory_space<vmem_shared>> -> memref<10240x128xf32, #tpu.memory_space<vmem_shared>>
        tpu.enqueue_indirect_dma source(%arg11 : memref<128x128xf32, #tpu.memory_space<vmem>>) target(%dma_start3A_230 : memref<10240x128xf32, #tpu.memory_space<vmem_shared>>) offsets(%arg7 : memref<128xi32, #tpu.memory_space<vmem>>) semaphore(%run_scoped3A : memref<!tpu.dma_semaphore, #tpu.memory_space<semaphore_mem>>) {add = true}
        %dma_wait3A_231 = arith.constant 0 : i32
        %dma_wait3A_232 = arith.constant 0 : i32
        %dma_wait3A_233 = tpu.memref_slice %arg12[%dma_wait3A_231, %dma_wait3A_232] : memref<10240x128xf32, #tpu.memory_space<vmem_shared>> -> memref<10240x128xf32, #tpu.memory_space<vmem_shared>>
        tpu.wait_indirect_dma semaphore(%run_scoped3A : memref<!tpu.dma_semaphore, #tpu.memory_space<semaphore_mem>>) src(%arg11 : memref<128x128xf32, #tpu.memory_space<vmem>>) dst(%dma_wait3A_233 : memref<10240x128xf32, #tpu.memory_space<vmem_shared>>)
        tpu.yield
      }) : () -> ()
      %add3A_196 = arith.constant 7 : i32
      %add3A_197 = arith.addi %mul3A_15, %add3A_196 : i32
      %add3A_198 = arith.constant 2 : i32
      %add3A_199 = arith.addi %add3A_197, %add3A_198 : i32
      %mul3A_200 = arith.constant 32 : i32
      %mul3A_201 = arith.muli %add3A_199, %mul3A_200 : i32
      %add3A_202 = arith.addi %mul3A_201, %add3A : i32
      %mul3A_203 = arith.constant 128 : i32
      %mul3A_204 = arith.muli %add3A_202, %mul3A_203 : i32
      "tpu.region"() ({
        %run_scoped3A = tpu.sem_alloc : memref<!tpu.dma_semaphore, #tpu.memory_space<semaphore_mem>>
        %dma_start3A_228 = tpu.memref_slice %arg3[%mul3A_204] : memref<327680xi32, #tpu.memory_space<hbm>> -> memref<128xi32, #tpu.memory_space<hbm>>
        %dma_start3A_229 = tpu.memref_slice %arg3[%mul3A_204] : memref<327680xi32, #tpu.memory_space<hbm>> -> memref<128xi32, #tpu.memory_space<hbm>>
        tpu.enqueue_dma source(%dma_start3A_229 : memref<128xi32, #tpu.memory_space<hbm>>) target(%arg9 : memref<128xi32, #tpu.memory_space<vmem>>) target_semaphore(%run_scoped3A : memref<!tpu.dma_semaphore, #tpu.memory_space<semaphore_mem>>)
        %dma_wait3A_230 = tpu.memref_slice %arg3[%mul3A_204] : memref<327680xi32, #tpu.memory_space<hbm>> -> memref<128xi32, #tpu.memory_space<hbm>>
        %dma_wait3A_231 = tpu.memref_slice %arg3[%mul3A_204] : memref<327680xi32, #tpu.memory_space<hbm>> -> memref<128xi32, #tpu.memory_space<hbm>>
        tpu.wait_dma2 semaphore(%run_scoped3A : memref<!tpu.dma_semaphore, #tpu.memory_space<semaphore_mem>>) src(%dma_wait3A_231 : memref<128xi32, #tpu.memory_space<hbm>>) dst(%arg9 : memref<128xi32, #tpu.memory_space<vmem>>)
        tpu.yield
      }) : () -> ()
      %dma_start3A_205 = arith.constant 0 : i32
      %dma_start3A_206 = arith.constant 0 : i32
      %dma_start3A_207 = tpu.memref_slice %arg2[%dma_start3A_205, %dma_start3A_206] : memref<10000x128xf32, #tpu.memory_space<hbm>> -> memref<10000x128xf32, #tpu.memory_space<hbm>>
      tpu.enqueue_indirect_dma source(%dma_start3A_207 : memref<10000x128xf32, #tpu.memory_space<hbm>>) target(%arg11 : memref<128x128xf32, #tpu.memory_space<vmem>>) offsets(%arg9 : memref<128xi32, #tpu.memory_space<vmem>>) semaphore(%arg14 : memref<!tpu.dma_semaphore, #tpu.memory_space<semaphore_mem>>)
      %dma_wait3A_208 = arith.constant 0 : i32
      %dma_wait3A_209 = arith.constant 0 : i32
      %dma_wait3A_210 = tpu.memref_slice %arg2[%dma_wait3A_208, %dma_wait3A_209] : memref<10000x128xf32, #tpu.memory_space<hbm>> -> memref<10000x128xf32, #tpu.memory_space<hbm>>
      tpu.wait_indirect_dma semaphore(%arg13 : memref<!tpu.dma_semaphore, #tpu.memory_space<semaphore_mem>>) src(%dma_wait3A_210 : memref<10000x128xf32, #tpu.memory_space<hbm>>) dst(%arg10 : memref<128x128xf32, #tpu.memory_space<vmem>>)
      %add3A_211 = arith.constant 8 : i32
      %add3A_212 = arith.addi %mul3A_15, %add3A_211 : i32
      %mul3A_213 = arith.constant 32 : i32
      %mul3A_214 = arith.muli %add3A_212, %mul3A_213 : i32
      %add3A_215 = arith.addi %mul3A_214, %add3A : i32
      %mul3A_216 = arith.constant 128 : i32
      %mul3A_217 = arith.muli %add3A_215, %mul3A_216 : i32
      "tpu.region"() ({
        %run_scoped3A = tpu.sem_alloc : memref<!tpu.dma_semaphore, #tpu.memory_space<semaphore_mem>>
        %dma_start3A_228 = tpu.memref_slice %arg4[%mul3A_217] : memref<327680xi32, #tpu.memory_space<hbm>> -> memref<128xi32, #tpu.memory_space<hbm>>
        %dma_start3A_229 = tpu.memref_slice %arg4[%mul3A_217] : memref<327680xi32, #tpu.memory_space<hbm>> -> memref<128xi32, #tpu.memory_space<hbm>>
        tpu.enqueue_dma source(%dma_start3A_229 : memref<128xi32, #tpu.memory_space<hbm>>) target(%arg7 : memref<128xi32, #tpu.memory_space<vmem>>) target_semaphore(%run_scoped3A : memref<!tpu.dma_semaphore, #tpu.memory_space<semaphore_mem>>)
        %dma_wait3A_230 = tpu.memref_slice %arg4[%mul3A_217] : memref<327680xi32, #tpu.memory_space<hbm>> -> memref<128xi32, #tpu.memory_space<hbm>>
        %dma_wait3A_231 = tpu.memref_slice %arg4[%mul3A_217] : memref<327680xi32, #tpu.memory_space<hbm>> -> memref<128xi32, #tpu.memory_space<hbm>>
        tpu.wait_dma2 semaphore(%run_scoped3A : memref<!tpu.dma_semaphore, #tpu.memory_space<semaphore_mem>>) src(%dma_wait3A_231 : memref<128xi32, #tpu.memory_space<hbm>>) dst(%arg7 : memref<128xi32, #tpu.memory_space<vmem>>)
        tpu.yield
      }) : () -> ()
      "tpu.region"() ({
        %run_scoped3A = tpu.sem_alloc : memref<!tpu.dma_semaphore, #tpu.memory_space<semaphore_mem>>
        %dma_start3A_228 = arith.constant 0 : i32
        %dma_start3A_229 = arith.constant 0 : i32
        %dma_start3A_230 = tpu.memref_slice %arg12[%dma_start3A_228, %dma_start3A_229] : memref<10240x128xf32, #tpu.memory_space<vmem_shared>> -> memref<10240x128xf32, #tpu.memory_space<vmem_shared>>
        tpu.enqueue_indirect_dma source(%arg10 : memref<128x128xf32, #tpu.memory_space<vmem>>) target(%dma_start3A_230 : memref<10240x128xf32, #tpu.memory_space<vmem_shared>>) offsets(%arg7 : memref<128xi32, #tpu.memory_space<vmem>>) semaphore(%run_scoped3A : memref<!tpu.dma_semaphore, #tpu.memory_space<semaphore_mem>>) {add = true}
        %dma_wait3A_231 = arith.constant 0 : i32
        %dma_wait3A_232 = arith.constant 0 : i32
        %dma_wait3A_233 = tpu.memref_slice %arg12[%dma_wait3A_231, %dma_wait3A_232] : memref<10240x128xf32, #tpu.memory_space<vmem_shared>> -> memref<10240x128xf32, #tpu.memory_space<vmem_shared>>
        tpu.wait_indirect_dma semaphore(%run_scoped3A : memref<!tpu.dma_semaphore, #tpu.memory_space<semaphore_mem>>) src(%arg10 : memref<128x128xf32, #tpu.memory_space<vmem>>) dst(%dma_wait3A_233 : memref<10240x128xf32, #tpu.memory_space<vmem_shared>>)
        tpu.yield
      }) : () -> ()
      %dma_wait3A_218 = arith.constant 0 : i32
      %dma_wait3A_219 = arith.constant 0 : i32
      %dma_wait3A_220 = tpu.memref_slice %arg2[%dma_wait3A_218, %dma_wait3A_219] : memref<10000x128xf32, #tpu.memory_space<hbm>> -> memref<10000x128xf32, #tpu.memory_space<hbm>>
      tpu.wait_indirect_dma semaphore(%arg14 : memref<!tpu.dma_semaphore, #tpu.memory_space<semaphore_mem>>) src(%dma_wait3A_220 : memref<10000x128xf32, #tpu.memory_space<hbm>>) dst(%arg11 : memref<128x128xf32, #tpu.memory_space<vmem>>)
      %add3A_221 = arith.constant 9 : i32
      %add3A_222 = arith.addi %mul3A_15, %add3A_221 : i32
      %mul3A_223 = arith.constant 32 : i32
      %mul3A_224 = arith.muli %add3A_222, %mul3A_223 : i32
      %add3A_225 = arith.addi %mul3A_224, %add3A : i32
      %mul3A_226 = arith.constant 128 : i32
      %mul3A_227 = arith.muli %add3A_225, %mul3A_226 : i32
      "tpu.region"() ({
        %run_scoped3A = tpu.sem_alloc : memref<!tpu.dma_semaphore, #tpu.memory_space<semaphore_mem>>
        %dma_start3A_228 = tpu.memref_slice %arg4[%mul3A_227] : memref<327680xi32, #tpu.memory_space<hbm>> -> memref<128xi32, #tpu.memory_space<hbm>>
        %dma_start3A_229 = tpu.memref_slice %arg4[%mul3A_227] : memref<327680xi32, #tpu.memory_space<hbm>> -> memref<128xi32, #tpu.memory_space<hbm>>
        tpu.enqueue_dma source(%dma_start3A_229 : memref<128xi32, #tpu.memory_space<hbm>>) target(%arg7 : memref<128xi32, #tpu.memory_space<vmem>>) target_semaphore(%run_scoped3A : memref<!tpu.dma_semaphore, #tpu.memory_space<semaphore_mem>>)
        %dma_wait3A_230 = tpu.memref_slice %arg4[%mul3A_227] : memref<327680xi32, #tpu.memory_space<hbm>> -> memref<128xi32, #tpu.memory_space<hbm>>
        %dma_wait3A_231 = tpu.memref_slice %arg4[%mul3A_227] : memref<327680xi32, #tpu.memory_space<hbm>> -> memref<128xi32, #tpu.memory_space<hbm>>
        tpu.wait_dma2 semaphore(%run_scoped3A : memref<!tpu.dma_semaphore, #tpu.memory_space<semaphore_mem>>) src(%dma_wait3A_231 : memref<128xi32, #tpu.memory_space<hbm>>) dst(%arg7 : memref<128xi32, #tpu.memory_space<vmem>>)
        tpu.yield
      }) : () -> ()
      "tpu.region"() ({
        %run_scoped3A = tpu.sem_alloc : memref<!tpu.dma_semaphore, #tpu.memory_space<semaphore_mem>>
        %dma_start3A_228 = arith.constant 0 : i32
        %dma_start3A_229 = arith.constant 0 : i32
        %dma_start3A_230 = tpu.memref_slice %arg12[%dma_start3A_228, %dma_start3A_229] : memref<10240x128xf32, #tpu.memory_space<vmem_shared>> -> memref<10240x128xf32, #tpu.memory_space<vmem_shared>>
        tpu.enqueue_indirect_dma source(%arg11 : memref<128x128xf32, #tpu.memory_space<vmem>>) target(%dma_start3A_230 : memref<10240x128xf32, #tpu.memory_space<vmem_shared>>) offsets(%arg7 : memref<128xi32, #tpu.memory_space<vmem>>) semaphore(%run_scoped3A : memref<!tpu.dma_semaphore, #tpu.memory_space<semaphore_mem>>) {add = true}
        %dma_wait3A_231 = arith.constant 0 : i32
        %dma_wait3A_232 = arith.constant 0 : i32
        %dma_wait3A_233 = tpu.memref_slice %arg12[%dma_wait3A_231, %dma_wait3A_232] : memref<10240x128xf32, #tpu.memory_space<vmem_shared>> -> memref<10240x128xf32, #tpu.memory_space<vmem_shared>>
        tpu.wait_indirect_dma semaphore(%run_scoped3A : memref<!tpu.dma_semaphore, #tpu.memory_space<semaphore_mem>>) src(%arg11 : memref<128x128xf32, #tpu.memory_space<vmem>>) dst(%dma_wait3A_233 : memref<10240x128xf32, #tpu.memory_space<vmem_shared>>)
        tpu.yield
      }) : () -> ()
    }
    %scan3A_7 = arith.constant 8 : i32
    %barrier3A_8 = arith.constant 0 : index
    tpu.barrier barrier_id(%barrier3A_8)
    %mul3A_9 = arith.constant 624 : i32
    %mul3A_10 = arith.muli %arg1, %mul3A_9 : i32
    "tpu.region"() ({
      %run_scoped3A = tpu.sem_alloc : memref<!tpu.dma_semaphore, #tpu.memory_space<semaphore_mem>>
      %dma_start3A = arith.constant 0 : i32
      %dma_start3A_13 = tpu.memref_slice %arg6[%arg0, %mul3A_10, %dma_start3A] : memref<2x10000x128xf32, #tpu.memory_space<hbm>> -> memref<1x624x128xf32, #tpu.memory_space<hbm>>
      %dma_start3A_14 = tpu.memref_squeeze %dma_start3A_13 : memref<1x624x128xf32, #tpu.memory_space<hbm>> -> memref<624x128xf32, #tpu.memory_space<hbm>>
      %dma_start3A_15 = arith.constant 0 : i32
      %dma_start3A_16 = tpu.memref_slice %arg12[%mul3A_10, %dma_start3A_15] : memref<10240x128xf32, #tpu.memory_space<vmem_shared>> -> memref<624x128xf32, #tpu.memory_space<vmem_shared>>
      tpu.enqueue_dma source(%dma_start3A_16 : memref<624x128xf32, #tpu.memory_space<vmem_shared>>) target(%dma_start3A_14 : memref<624x128xf32, #tpu.memory_space<hbm>>) target_semaphore(%run_scoped3A : memref<!tpu.dma_semaphore, #tpu.memory_space<semaphore_mem>>)
      %dma_wait3A = arith.constant 0 : i32
      %dma_wait3A_17 = tpu.memref_slice %arg6[%arg0, %mul3A_10, %dma_wait3A] : memref<2x10000x128xf32, #tpu.memory_space<hbm>> -> memref<1x624x128xf32, #tpu.memory_space<hbm>>
      %dma_wait3A_18 = tpu.memref_squeeze %dma_wait3A_17 : memref<1x624x128xf32, #tpu.memory_space<hbm>> -> memref<624x128xf32, #tpu.memory_space<hbm>>
      %dma_wait3A_19 = arith.constant 0 : i32
      %dma_wait3A_20 = tpu.memref_slice %arg12[%mul3A_10, %dma_wait3A_19] : memref<10240x128xf32, #tpu.memory_space<vmem_shared>> -> memref<624x128xf32, #tpu.memory_space<vmem_shared>>
      tpu.wait_dma2 semaphore(%run_scoped3A : memref<!tpu.dma_semaphore, #tpu.memory_space<semaphore_mem>>) src(%dma_wait3A_20 : memref<624x128xf32, #tpu.memory_space<vmem_shared>>) dst(%dma_wait3A_18 : memref<624x128xf32, #tpu.memory_space<hbm>>)
      tpu.yield
    }) : () -> ()
    %eq3A = arith.constant 15 : i32
    %eq3A_11 = arith.cmpi eq, %arg1, %eq3A : i32
    %convert_element_type3A = arith.extui %eq3A_11 : i1 to i32
    %cond3A = arith.constant 0 : i32
    %cond3A_12 = arith.cmpi ne, %convert_element_type3A, %cond3A : i32
    scf.if %cond3A_12 {
      "tpu.region"() ({
        %run_scoped3A = tpu.sem_alloc : memref<!tpu.dma_semaphore, #tpu.memory_space<semaphore_mem>>
        %dma_start3A = arith.constant 9984 : i32
        %dma_start3A_13 = arith.constant 0 : i32
        %dma_start3A_14 = tpu.memref_slice %arg6[%arg0, %dma_start3A, %dma_start3A_13] : memref<2x10000x128xf32, #tpu.memory_space<hbm>> -> memref<1x16x128xf32, #tpu.memory_space<hbm>>
        %dma_start3A_15 = tpu.memref_squeeze %dma_start3A_14 : memref<1x16x128xf32, #tpu.memory_space<hbm>> -> memref<16x128xf32, #tpu.memory_space<hbm>>
        %dma_start3A_16 = arith.constant 9984 : i32
        %dma_start3A_17 = arith.constant 0 : i32
        %dma_start3A_18 = tpu.memref_slice %arg12[%dma_start3A_16, %dma_start3A_17] : memref<10240x128xf32, #tpu.memory_space<vmem_shared>> -> memref<16x128xf32, #tpu.memory_space<vmem_shared>>
        tpu.enqueue_dma source(%dma_start3A_18 : memref<16x128xf32, #tpu.memory_space<vmem_shared>>) target(%dma_start3A_15 : memref<16x128xf32, #tpu.memory_space<hbm>>) target_semaphore(%run_scoped3A : memref<!tpu.dma_semaphore, #tpu.memory_space<semaphore_mem>>)
        %dma_wait3A = arith.constant 9984 : i32
        %dma_wait3A_19 = arith.constant 0 : i32
        %dma_wait3A_20 = tpu.memref_slice %arg6[%arg0, %dma_wait3A, %dma_wait3A_19] : memref<2x10000x128xf32, #tpu.memory_space<hbm>> -> memref<1x16x128xf32, #tpu.memory_space<hbm>>
        %dma_wait3A_21 = tpu.memref_squeeze %dma_wait3A_20 : memref<1x16x128xf32, #tpu.memory_space<hbm>> -> memref<16x128xf32, #tpu.memory_space<hbm>>
        %dma_wait3A_22 = arith.constant 9984 : i32
        %dma_wait3A_23 = arith.constant 0 : i32
        %dma_wait3A_24 = tpu.memref_slice %arg12[%dma_wait3A_22, %dma_wait3A_23] : memref<10240x128xf32, #tpu.memory_space<vmem_shared>> -> memref<16x128xf32, #tpu.memory_space<vmem_shared>>
        tpu.wait_dma2 semaphore(%run_scoped3A : memref<!tpu.dma_semaphore, #tpu.memory_space<semaphore_mem>>) src(%dma_wait3A_24 : memref<16x128xf32, #tpu.memory_space<vmem_shared>>) dst(%dma_wait3A_21 : memref<16x128xf32, #tpu.memory_space<hbm>>)
        tpu.yield
      }) : () -> ()
    } else {
    }
    return
  }
}

#map = affine_map<(d0, d1) -> (0, 0)>
#map1 = affine_map<(d0, d1) -> (0, 0, 0)>
module attributes {stable_mosaic.version = 14 : i64} {
  func.func @_deg_kernel(%arg0: i32, %arg1: i32, %arg2: memref<2560x128xi32, #tpu.memory_space<hbm>>, %arg3: memref<128x128xf32, #tpu.memory_space<hbm>>, %arg4: memref<10240x128xf32, #tpu.memory_space<hbm>>, %arg5: memref<2x10000x128xf32, #tpu.memory_space<hbm>>, %arg6: memref<80x128xi32, #tpu.memory_space<vmem>>, %arg7: memref<128x128xf32, #tpu.memory_space<vmem>>, %arg8: memref<10240x128xf32, #tpu.memory_space<vmem_shared>>) attributes {dimension_semantics = [#tpu.dimension_semantics<core_parallel>, #tpu.dimension_semantics<subcore_parallel>], iteration_bounds = array<i64: 2, 16>, scalar_prefetch = 0 : i64, scratch_operands = 3 : i64, tpu.core_type = #tpu.core_type<sc_vector_subcore>, window_params = [{transform_indices = #map}, {transform_indices = #map}, {transform_indices = #map}, {transform_indices = #map1}]} {
    %mul3A = arith.constant 2 : i32
    %mul3A_0 = arith.muli %arg1, %mul3A : i32
    %add3A = arith.addi %mul3A_0, %arg0 : i32
    %mul3A_1 = arith.constant 640 : i32
    %mul3A_2 = arith.muli %arg1, %mul3A_1 : i32
    "tpu.region"() ({
      %run_scoped3A = tpu.sem_alloc : memref<!tpu.dma_semaphore, #tpu.memory_space<semaphore_mem>>
      %dma_start3A = arith.constant 0 : i32
      %dma_start3A_15 = tpu.memref_slice %arg8[%mul3A_2, %dma_start3A] : memref<10240x128xf32, #tpu.memory_space<vmem_shared>> -> memref<640x128xf32, #tpu.memory_space<vmem_shared>>
      %dma_start3A_16 = arith.constant 0 : i32
      %dma_start3A_17 = tpu.memref_slice %arg4[%mul3A_2, %dma_start3A_16] : memref<10240x128xf32, #tpu.memory_space<hbm>> -> memref<640x128xf32, #tpu.memory_space<hbm>>
      tpu.enqueue_dma source(%dma_start3A_17 : memref<640x128xf32, #tpu.memory_space<hbm>>) target(%dma_start3A_15 : memref<640x128xf32, #tpu.memory_space<vmem_shared>>) target_semaphore(%run_scoped3A : memref<!tpu.dma_semaphore, #tpu.memory_space<semaphore_mem>>)
      %dma_wait3A = arith.constant 0 : i32
      %dma_wait3A_18 = tpu.memref_slice %arg8[%mul3A_2, %dma_wait3A] : memref<10240x128xf32, #tpu.memory_space<vmem_shared>> -> memref<640x128xf32, #tpu.memory_space<vmem_shared>>
      %dma_wait3A_19 = arith.constant 0 : i32
      %dma_wait3A_20 = tpu.memref_slice %arg4[%mul3A_2, %dma_wait3A_19] : memref<10240x128xf32, #tpu.memory_space<hbm>> -> memref<640x128xf32, #tpu.memory_space<hbm>>
      tpu.wait_dma2 semaphore(%run_scoped3A : memref<!tpu.dma_semaphore, #tpu.memory_space<semaphore_mem>>) src(%dma_wait3A_20 : memref<640x128xf32, #tpu.memory_space<hbm>>) dst(%dma_wait3A_18 : memref<640x128xf32, #tpu.memory_space<vmem_shared>>)
      tpu.yield
    }) : () -> ()
    %mul3A_3 = arith.constant 80 : i32
    %mul3A_4 = arith.muli %add3A, %mul3A_3 : i32
    "tpu.region"() ({
      %run_scoped3A = tpu.sem_alloc : memref<!tpu.dma_semaphore, #tpu.memory_space<semaphore_mem>>
      %dma_start3A = arith.constant 0 : i32
      %dma_start3A_15 = tpu.memref_slice %arg2[%mul3A_4, %dma_start3A] : memref<2560x128xi32, #tpu.memory_space<hbm>> -> memref<80x128xi32, #tpu.memory_space<hbm>>
      %dma_start3A_16 = arith.constant 0 : i32
      %dma_start3A_17 = tpu.memref_slice %arg2[%mul3A_4, %dma_start3A_16] : memref<2560x128xi32, #tpu.memory_space<hbm>> -> memref<80x128xi32, #tpu.memory_space<hbm>>
      tpu.enqueue_dma source(%dma_start3A_17 : memref<80x128xi32, #tpu.memory_space<hbm>>) target(%arg6 : memref<80x128xi32, #tpu.memory_space<vmem>>) target_semaphore(%run_scoped3A : memref<!tpu.dma_semaphore, #tpu.memory_space<semaphore_mem>>)
      %dma_wait3A = arith.constant 0 : i32
      %dma_wait3A_18 = tpu.memref_slice %arg2[%mul3A_4, %dma_wait3A] : memref<2560x128xi32, #tpu.memory_space<hbm>> -> memref<80x128xi32, #tpu.memory_space<hbm>>
      %dma_wait3A_19 = arith.constant 0 : i32
      %dma_wait3A_20 = tpu.memref_slice %arg2[%mul3A_4, %dma_wait3A_19] : memref<2560x128xi32, #tpu.memory_space<hbm>> -> memref<80x128xi32, #tpu.memory_space<hbm>>
      tpu.wait_dma2 semaphore(%run_scoped3A : memref<!tpu.dma_semaphore, #tpu.memory_space<semaphore_mem>>) src(%dma_wait3A_20 : memref<80x128xi32, #tpu.memory_space<hbm>>) dst(%arg6 : memref<80x128xi32, #tpu.memory_space<vmem>>)
      tpu.yield
    }) : () -> ()
    "tpu.region"() ({
      %run_scoped3A = tpu.sem_alloc : memref<!tpu.dma_semaphore, #tpu.memory_space<semaphore_mem>>
      tpu.enqueue_dma source(%arg3 : memref<128x128xf32, #tpu.memory_space<hbm>>) target(%arg7 : memref<128x128xf32, #tpu.memory_space<vmem>>) target_semaphore(%run_scoped3A : memref<!tpu.dma_semaphore, #tpu.memory_space<semaphore_mem>>)
      tpu.wait_dma2 semaphore(%run_scoped3A : memref<!tpu.dma_semaphore, #tpu.memory_space<semaphore_mem>>) src(%arg3 : memref<128x128xf32, #tpu.memory_space<hbm>>) dst(%arg7 : memref<128x128xf32, #tpu.memory_space<vmem>>)
      tpu.yield
    }) : () -> ()
    %barrier3A = arith.constant 0 : index
    tpu.barrier barrier_id(%barrier3A)
    %scan3A = arith.constant 0 : i32
    %scan3A_5 = arith.constant 0 : i32
    %scan3A_6 = arith.constant 80 : i32
    %scan3A_7 = arith.addi %scan3A_5, %scan3A_6 : i32
    %scan3A_8 = arith.constant 1 : i32
    scf.for %scan3A_15 = %scan3A_5 to %scan3A_7 step %scan3A_8  : i32 {
      "tpu.region"() ({
        %run_scoped3A = tpu.sem_alloc : memref<!tpu.dma_semaphore, #tpu.memory_space<semaphore_mem>>
        %dma_start3A = arith.constant 0 : i32
        %dma_start3A_16 = tpu.memref_slice %arg6[%scan3A_15, %dma_start3A] : memref<80x128xi32, #tpu.memory_space<vmem>> -> memref<1x128xi32, #tpu.memory_space<vmem>>
        %dma_start3A_17 = tpu.memref_squeeze %dma_start3A_16 : memref<1x128xi32, #tpu.memory_space<vmem>> -> memref<128xi32, #tpu.memory_space<vmem>>
        %dma_start3A_18 = arith.constant 0 : i32
        %dma_start3A_19 = arith.constant 0 : i32
        %dma_start3A_20 = tpu.memref_slice %arg8[%dma_start3A_18, %dma_start3A_19] : memref<10240x128xf32, #tpu.memory_space<vmem_shared>> -> memref<10240x128xf32, #tpu.memory_space<vmem_shared>>
        tpu.enqueue_indirect_dma source(%arg7 : memref<128x128xf32, #tpu.memory_space<vmem>>) target(%dma_start3A_20 : memref<10240x128xf32, #tpu.memory_space<vmem_shared>>) offsets(%dma_start3A_17 : memref<128xi32, #tpu.memory_space<vmem>>) semaphore(%run_scoped3A : memref<!tpu.dma_semaphore, #tpu.memory_space<semaphore_mem>>) {add = true}
        %dma_wait3A = arith.constant 0 : i32
        %dma_wait3A_21 = tpu.memref_slice %arg6[%scan3A_15, %dma_wait3A] : memref<80x128xi32, #tpu.memory_space<vmem>> -> memref<1x128xi32, #tpu.memory_space<vmem>>
        %dma_wait3A_22 = tpu.memref_squeeze %dma_wait3A_21 : memref<1x128xi32, #tpu.memory_space<vmem>> -> memref<128xi32, #tpu.memory_space<vmem>>
        %dma_wait3A_23 = arith.constant 0 : i32
        %dma_wait3A_24 = arith.constant 0 : i32
        %dma_wait3A_25 = tpu.memref_slice %arg8[%dma_wait3A_23, %dma_wait3A_24] : memref<10240x128xf32, #tpu.memory_space<vmem_shared>> -> memref<10240x128xf32, #tpu.memory_space<vmem_shared>>
        tpu.wait_indirect_dma semaphore(%run_scoped3A : memref<!tpu.dma_semaphore, #tpu.memory_space<semaphore_mem>>) src(%arg7 : memref<128x128xf32, #tpu.memory_space<vmem>>) dst(%dma_wait3A_25 : memref<10240x128xf32, #tpu.memory_space<vmem_shared>>)
        tpu.yield
      }) : () -> ()
    }
    %scan3A_9 = arith.constant 80 : i32
    %barrier3A_10 = arith.constant 0 : index
    tpu.barrier barrier_id(%barrier3A_10)
    %mul3A_11 = arith.constant 624 : i32
    %mul3A_12 = arith.muli %arg1, %mul3A_11 : i32
    "tpu.region"() ({
      %run_scoped3A = tpu.sem_alloc : memref<!tpu.dma_semaphore, #tpu.memory_space<semaphore_mem>>
      %dma_start3A = arith.constant 0 : i32
      %dma_start3A_15 = tpu.memref_slice %arg5[%arg0, %mul3A_12, %dma_start3A] : memref<2x10000x128xf32, #tpu.memory_space<hbm>> -> memref<1x624x128xf32, #tpu.memory_space<hbm>>
      %dma_start3A_16 = tpu.memref_squeeze %dma_start3A_15 : memref<1x624x128xf32, #tpu.memory_space<hbm>> -> memref<624x128xf32, #tpu.memory_space<hbm>>
      %dma_start3A_17 = arith.constant 0 : i32
      %dma_start3A_18 = tpu.memref_slice %arg8[%mul3A_12, %dma_start3A_17] : memref<10240x128xf32, #tpu.memory_space<vmem_shared>> -> memref<624x128xf32, #tpu.memory_space<vmem_shared>>
      tpu.enqueue_dma source(%dma_start3A_18 : memref<624x128xf32, #tpu.memory_space<vmem_shared>>) target(%dma_start3A_16 : memref<624x128xf32, #tpu.memory_space<hbm>>) target_semaphore(%run_scoped3A : memref<!tpu.dma_semaphore, #tpu.memory_space<semaphore_mem>>)
      %dma_wait3A = arith.constant 0 : i32
      %dma_wait3A_19 = tpu.memref_slice %arg5[%arg0, %mul3A_12, %dma_wait3A] : memref<2x10000x128xf32, #tpu.memory_space<hbm>> -> memref<1x624x128xf32, #tpu.memory_space<hbm>>
      %dma_wait3A_20 = tpu.memref_squeeze %dma_wait3A_19 : memref<1x624x128xf32, #tpu.memory_space<hbm>> -> memref<624x128xf32, #tpu.memory_space<hbm>>
      %dma_wait3A_21 = arith.constant 0 : i32
      %dma_wait3A_22 = tpu.memref_slice %arg8[%mul3A_12, %dma_wait3A_21] : memref<10240x128xf32, #tpu.memory_space<vmem_shared>> -> memref<624x128xf32, #tpu.memory_space<vmem_shared>>
      tpu.wait_dma2 semaphore(%run_scoped3A : memref<!tpu.dma_semaphore, #tpu.memory_space<semaphore_mem>>) src(%dma_wait3A_22 : memref<624x128xf32, #tpu.memory_space<vmem_shared>>) dst(%dma_wait3A_20 : memref<624x128xf32, #tpu.memory_space<hbm>>)
      tpu.yield
    }) : () -> ()
    %eq3A = arith.constant 15 : i32
    %eq3A_13 = arith.cmpi eq, %arg1, %eq3A : i32
    %convert_element_type3A = arith.extui %eq3A_13 : i1 to i32
    %cond3A = arith.constant 0 : i32
    %cond3A_14 = arith.cmpi ne, %convert_element_type3A, %cond3A : i32
    scf.if %cond3A_14 {
      "tpu.region"() ({
        %run_scoped3A = tpu.sem_alloc : memref<!tpu.dma_semaphore, #tpu.memory_space<semaphore_mem>>
        %dma_start3A = arith.constant 9984 : i32
        %dma_start3A_15 = arith.constant 0 : i32
        %dma_start3A_16 = tpu.memref_slice %arg5[%arg0, %dma_start3A, %dma_start3A_15] : memref<2x10000x128xf32, #tpu.memory_space<hbm>> -> memref<1x16x128xf32, #tpu.memory_space<hbm>>
        %dma_start3A_17 = tpu.memref_squeeze %dma_start3A_16 : memref<1x16x128xf32, #tpu.memory_space<hbm>> -> memref<16x128xf32, #tpu.memory_space<hbm>>
        %dma_start3A_18 = arith.constant 9984 : i32
        %dma_start3A_19 = arith.constant 0 : i32
        %dma_start3A_20 = tpu.memref_slice %arg8[%dma_start3A_18, %dma_start3A_19] : memref<10240x128xf32, #tpu.memory_space<vmem_shared>> -> memref<16x128xf32, #tpu.memory_space<vmem_shared>>
        tpu.enqueue_dma source(%dma_start3A_20 : memref<16x128xf32, #tpu.memory_space<vmem_shared>>) target(%dma_start3A_17 : memref<16x128xf32, #tpu.memory_space<hbm>>) target_semaphore(%run_scoped3A : memref<!tpu.dma_semaphore, #tpu.memory_space<semaphore_mem>>)
        %dma_wait3A = arith.constant 9984 : i32
        %dma_wait3A_21 = arith.constant 0 : i32
        %dma_wait3A_22 = tpu.memref_slice %arg5[%arg0, %dma_wait3A, %dma_wait3A_21] : memref<2x10000x128xf32, #tpu.memory_space<hbm>> -> memref<1x16x128xf32, #tpu.memory_space<hbm>>
        %dma_wait3A_23 = tpu.memref_squeeze %dma_wait3A_22 : memref<1x16x128xf32, #tpu.memory_space<hbm>> -> memref<16x128xf32, #tpu.memory_space<hbm>>
        %dma_wait3A_24 = arith.constant 9984 : i32
        %dma_wait3A_25 = arith.constant 0 : i32
        %dma_wait3A_26 = tpu.memref_slice %arg8[%dma_wait3A_24, %dma_wait3A_25] : memref<10240x128xf32, #tpu.memory_space<vmem_shared>> -> memref<16x128xf32, #tpu.memory_space<vmem_shared>>
        tpu.wait_dma2 semaphore(%run_scoped3A : memref<!tpu.dma_semaphore, #tpu.memory_space<semaphore_mem>>) src(%dma_wait3A_26 : memref<16x128xf32, #tpu.memory_space<vmem_shared>>) dst(%dma_wait3A_23 : memref<16x128xf32, #tpu.memory_space<hbm>>)
        tpu.yield
      }) : () -> ()
    } else {
    }
    return
  }
}

#map = affine_map<(d0, d1) -> (0, 0)>
#map1 = affine_map<(d0, d1) -> (0)>
#map2 = affine_map<(d0, d1) -> (0, 0, 0)>
module attributes {stable_mosaic.version = 14 : i64} {
  func.func @_spmm_kernel(%arg0: i32, %arg1: i32, %arg2: memref<10000x128xf32, #tpu.memory_space<hbm>>, %arg3: memref<327680xi32, #tpu.memory_space<hbm>>, %arg4: memref<327680xi32, #tpu.memory_space<hbm>>, %arg5: memref<10240x128xf32, #tpu.memory_space<hbm>>, %arg6: memref<2x10000x128xf32, #tpu.memory_space<hbm>>, %arg7: memref<128xi32, #tpu.memory_space<vmem>>, %arg8: memref<128xi32, #tpu.memory_space<vmem>>, %arg9: memref<128xi32, #tpu.memory_space<vmem>>, %arg10: memref<128x128xf32, #tpu.memory_space<vmem>>, %arg11: memref<128x128xf32, #tpu.memory_space<vmem>>, %arg12: memref<10240x128xf32, #tpu.memory_space<vmem_shared>>, %arg13: memref<!tpu.dma_semaphore, #tpu.memory_space<semaphore_mem>>, %arg14: memref<!tpu.dma_semaphore, #tpu.memory_space<semaphore_mem>>) attributes {dimension_semantics = [#tpu.dimension_semantics<core_parallel>, #tpu.dimension_semantics<subcore_parallel>], iteration_bounds = array<i64: 2, 16>, scalar_prefetch = 0 : i64, scratch_operands = 8 : i64, tpu.core_type = #tpu.core_type<sc_vector_subcore>, window_params = [{transform_indices = #map}, {transform_indices = #map1}, {transform_indices = #map1}, {transform_indices = #map}, {transform_indices = #map2}]} {
    %mul3A = arith.constant 2 : i32
    %mul3A_0 = arith.muli %arg1, %mul3A : i32
    %add3A = arith.addi %mul3A_0, %arg0 : i32
    %mul3A_1 = arith.constant 640 : i32
    %mul3A_2 = arith.muli %arg1, %mul3A_1 : i32
    "tpu.region"() ({
      %run_scoped3A = tpu.sem_alloc : memref<!tpu.dma_semaphore, #tpu.memory_space<semaphore_mem>>
      %dma_start3A = arith.constant 0 : i32
      %dma_start3A_13 = tpu.memref_slice %arg12[%mul3A_2, %dma_start3A] : memref<10240x128xf32, #tpu.memory_space<vmem_shared>> -> memref<640x128xf32, #tpu.memory_space<vmem_shared>>
      %dma_start3A_14 = arith.constant 0 : i32
      %dma_start3A_15 = tpu.memref_slice %arg5[%mul3A_2, %dma_start3A_14] : memref<10240x128xf32, #tpu.memory_space<hbm>> -> memref<640x128xf32, #tpu.memory_space<hbm>>
      tpu.enqueue_dma source(%dma_start3A_15 : memref<640x128xf32, #tpu.memory_space<hbm>>) target(%dma_start3A_13 : memref<640x128xf32, #tpu.memory_space<vmem_shared>>) target_semaphore(%run_scoped3A : memref<!tpu.dma_semaphore, #tpu.memory_space<semaphore_mem>>)
      %dma_wait3A = arith.constant 0 : i32
      %dma_wait3A_16 = tpu.memref_slice %arg12[%mul3A_2, %dma_wait3A] : memref<10240x128xf32, #tpu.memory_space<vmem_shared>> -> memref<640x128xf32, #tpu.memory_space<vmem_shared>>
      %dma_wait3A_17 = arith.constant 0 : i32
      %dma_wait3A_18 = tpu.memref_slice %arg5[%mul3A_2, %dma_wait3A_17] : memref<10240x128xf32, #tpu.memory_space<hbm>> -> memref<640x128xf32, #tpu.memory_space<hbm>>
      tpu.wait_dma2 semaphore(%run_scoped3A : memref<!tpu.dma_semaphore, #tpu.memory_space<semaphore_mem>>) src(%dma_wait3A_18 : memref<640x128xf32, #tpu.memory_space<hbm>>) dst(%dma_wait3A_16 : memref<640x128xf32, #tpu.memory_space<vmem_shared>>)
      tpu.yield
    }) : () -> ()
    %barrier3A = arith.constant 0 : index
    tpu.barrier barrier_id(%barrier3A)
    %scan3A = arith.constant 0 : i32
    %scan3A_3 = arith.constant 0 : i32
    %scan3A_4 = arith.constant 8 : i32
    %scan3A_5 = arith.addi %scan3A_3, %scan3A_4 : i32
    %scan3A_6 = arith.constant 1 : i32
    scf.for %scan3A_13 = %scan3A_3 to %scan3A_5 step %scan3A_6  : i32 {
      %mul3A_14 = arith.constant 10 : i32
      %mul3A_15 = arith.muli %scan3A_13, %mul3A_14 : i32
      %mul3A_16 = arith.constant 32 : i32
      %mul3A_17 = arith.muli %mul3A_15, %mul3A_16 : i32
      %add3A_18 = arith.addi %mul3A_17, %add3A : i32
      %mul3A_19 = arith.constant 128 : i32
      %mul3A_20 = arith.muli %add3A_18, %mul3A_19 : i32
      "tpu.region"() ({
        %run_scoped3A = tpu.sem_alloc : memref<!tpu.dma_semaphore, #tpu.memory_space<semaphore_mem>>
        %dma_start3A_228 = tpu.memref_slice %arg3[%mul3A_20] : memref<327680xi32, #tpu.memory_space<hbm>> -> memref<128xi32, #tpu.memory_space<hbm>>
        %dma_start3A_229 = tpu.memref_slice %arg3[%mul3A_20] : memref<327680xi32, #tpu.memory_space<hbm>> -> memref<128xi32, #tpu.memory_space<hbm>>
        tpu.enqueue_dma source(%dma_start3A_229 : memref<128xi32, #tpu.memory_space<hbm>>) target(%arg8 : memref<128xi32, #tpu.memory_space<vmem>>) target_semaphore(%run_scoped3A : memref<!tpu.dma_semaphore, #tpu.memory_space<semaphore_mem>>)
        %dma_wait3A_230 = tpu.memref_slice %arg3[%mul3A_20] : memref<327680xi32, #tpu.memory_space<hbm>> -> memref<128xi32, #tpu.memory_space<hbm>>
        %dma_wait3A_231 = tpu.memref_slice %arg3[%mul3A_20] : memref<327680xi32, #tpu.memory_space<hbm>> -> memref<128xi32, #tpu.memory_space<hbm>>
        tpu.wait_dma2 semaphore(%run_scoped3A : memref<!tpu.dma_semaphore, #tpu.memory_space<semaphore_mem>>) src(%dma_wait3A_231 : memref<128xi32, #tpu.memory_space<hbm>>) dst(%arg8 : memref<128xi32, #tpu.memory_space<vmem>>)
        tpu.yield
      }) : () -> ()
      %dma_start3A = arith.constant 0 : i32
      %dma_start3A_21 = arith.constant 0 : i32
      %dma_start3A_22 = tpu.memref_slice %arg2[%dma_start3A, %dma_start3A_21] : memref<10000x128xf32, #tpu.memory_space<hbm>> -> memref<10000x128xf32, #tpu.memory_space<hbm>>
      tpu.enqueue_indirect_dma source(%dma_start3A_22 : memref<10000x128xf32, #tpu.memory_space<hbm>>) target(%arg10 : memref<128x128xf32, #tpu.memory_space<vmem>>) offsets(%arg8 : memref<128xi32, #tpu.memory_space<vmem>>) semaphore(%arg13 : memref<!tpu.dma_semaphore, #tpu.memory_space<semaphore_mem>>)
      %add3A_23 = arith.constant 1 : i32
      %add3A_24 = arith.addi %mul3A_15, %add3A_23 : i32
      %mul3A_25 = arith.constant 32 : i32
      %mul3A_26 = arith.muli %add3A_24, %mul3A_25 : i32
      %add3A_27 = arith.addi %mul3A_26, %add3A : i32
      %mul3A_28 = arith.constant 128 : i32
      %mul3A_29 = arith.muli %add3A_27, %mul3A_28 : i32
      "tpu.region"() ({
        %run_scoped3A = tpu.sem_alloc : memref<!tpu.dma_semaphore, #tpu.memory_space<semaphore_mem>>
        %dma_start3A_228 = tpu.memref_slice %arg3[%mul3A_29] : memref<327680xi32, #tpu.memory_space<hbm>> -> memref<128xi32, #tpu.memory_space<hbm>>
        %dma_start3A_229 = tpu.memref_slice %arg3[%mul3A_29] : memref<327680xi32, #tpu.memory_space<hbm>> -> memref<128xi32, #tpu.memory_space<hbm>>
        tpu.enqueue_dma source(%dma_start3A_229 : memref<128xi32, #tpu.memory_space<hbm>>) target(%arg9 : memref<128xi32, #tpu.memory_space<vmem>>) target_semaphore(%run_scoped3A : memref<!tpu.dma_semaphore, #tpu.memory_space<semaphore_mem>>)
        %dma_wait3A_230 = tpu.memref_slice %arg3[%mul3A_29] : memref<327680xi32, #tpu.memory_space<hbm>> -> memref<128xi32, #tpu.memory_space<hbm>>
        %dma_wait3A_231 = tpu.memref_slice %arg3[%mul3A_29] : memref<327680xi32, #tpu.memory_space<hbm>> -> memref<128xi32, #tpu.memory_space<hbm>>
        tpu.wait_dma2 semaphore(%run_scoped3A : memref<!tpu.dma_semaphore, #tpu.memory_space<semaphore_mem>>) src(%dma_wait3A_231 : memref<128xi32, #tpu.memory_space<hbm>>) dst(%arg9 : memref<128xi32, #tpu.memory_space<vmem>>)
        tpu.yield
      }) : () -> ()
      %dma_start3A_30 = arith.constant 0 : i32
      %dma_start3A_31 = arith.constant 0 : i32
      %dma_start3A_32 = tpu.memref_slice %arg2[%dma_start3A_30, %dma_start3A_31] : memref<10000x128xf32, #tpu.memory_space<hbm>> -> memref<10000x128xf32, #tpu.memory_space<hbm>>
      tpu.enqueue_indirect_dma source(%dma_start3A_32 : memref<10000x128xf32, #tpu.memory_space<hbm>>) target(%arg11 : memref<128x128xf32, #tpu.memory_space<vmem>>) offsets(%arg9 : memref<128xi32, #tpu.memory_space<vmem>>) semaphore(%arg14 : memref<!tpu.dma_semaphore, #tpu.memory_space<semaphore_mem>>)
      %dma_wait3A = arith.constant 0 : i32
      %dma_wait3A_33 = arith.constant 0 : i32
      %dma_wait3A_34 = tpu.memref_slice %arg2[%dma_wait3A, %dma_wait3A_33] : memref<10000x128xf32, #tpu.memory_space<hbm>> -> memref<10000x128xf32, #tpu.memory_space<hbm>>
      tpu.wait_indirect_dma semaphore(%arg13 : memref<!tpu.dma_semaphore, #tpu.memory_space<semaphore_mem>>) src(%dma_wait3A_34 : memref<10000x128xf32, #tpu.memory_space<hbm>>) dst(%arg10 : memref<128x128xf32, #tpu.memory_space<vmem>>)
      %add3A_35 = arith.constant 0 : i32
      %add3A_36 = arith.addi %mul3A_15, %add3A_35 : i32
      %mul3A_37 = arith.constant 32 : i32
      %mul3A_38 = arith.muli %add3A_36, %mul3A_37 : i32
      %add3A_39 = arith.addi %mul3A_38, %add3A : i32
      %mul3A_40 = arith.constant 128 : i32
      %mul3A_41 = arith.muli %add3A_39, %mul3A_40 : i32
      "tpu.region"() ({
        %run_scoped3A = tpu.sem_alloc : memref<!tpu.dma_semaphore, #tpu.memory_space<semaphore_mem>>
        %dma_start3A_228 = tpu.memref_slice %arg4[%mul3A_41] : memref<327680xi32, #tpu.memory_space<hbm>> -> memref<128xi32, #tpu.memory_space<hbm>>
        %dma_start3A_229 = tpu.memref_slice %arg4[%mul3A_41] : memref<327680xi32, #tpu.memory_space<hbm>> -> memref<128xi32, #tpu.memory_space<hbm>>
        tpu.enqueue_dma source(%dma_start3A_229 : memref<128xi32, #tpu.memory_space<hbm>>) target(%arg7 : memref<128xi32, #tpu.memory_space<vmem>>) target_semaphore(%run_scoped3A : memref<!tpu.dma_semaphore, #tpu.memory_space<semaphore_mem>>)
        %dma_wait3A_230 = tpu.memref_slice %arg4[%mul3A_41] : memref<327680xi32, #tpu.memory_space<hbm>> -> memref<128xi32, #tpu.memory_space<hbm>>
        %dma_wait3A_231 = tpu.memref_slice %arg4[%mul3A_41] : memref<327680xi32, #tpu.memory_space<hbm>> -> memref<128xi32, #tpu.memory_space<hbm>>
        tpu.wait_dma2 semaphore(%run_scoped3A : memref<!tpu.dma_semaphore, #tpu.memory_space<semaphore_mem>>) src(%dma_wait3A_231 : memref<128xi32, #tpu.memory_space<hbm>>) dst(%arg7 : memref<128xi32, #tpu.memory_space<vmem>>)
        tpu.yield
      }) : () -> ()
      "tpu.region"() ({
        %run_scoped3A = tpu.sem_alloc : memref<!tpu.dma_semaphore, #tpu.memory_space<semaphore_mem>>
        %dma_start3A_228 = arith.constant 0 : i32
        %dma_start3A_229 = arith.constant 0 : i32
        %dma_start3A_230 = tpu.memref_slice %arg12[%dma_start3A_228, %dma_start3A_229] : memref<10240x128xf32, #tpu.memory_space<vmem_shared>> -> memref<10240x128xf32, #tpu.memory_space<vmem_shared>>
        tpu.enqueue_indirect_dma source(%arg10 : memref<128x128xf32, #tpu.memory_space<vmem>>) target(%dma_start3A_230 : memref<10240x128xf32, #tpu.memory_space<vmem_shared>>) offsets(%arg7 : memref<128xi32, #tpu.memory_space<vmem>>) semaphore(%run_scoped3A : memref<!tpu.dma_semaphore, #tpu.memory_space<semaphore_mem>>) {add = true}
        %dma_wait3A_231 = arith.constant 0 : i32
        %dma_wait3A_232 = arith.constant 0 : i32
        %dma_wait3A_233 = tpu.memref_slice %arg12[%dma_wait3A_231, %dma_wait3A_232] : memref<10240x128xf32, #tpu.memory_space<vmem_shared>> -> memref<10240x128xf32, #tpu.memory_space<vmem_shared>>
        tpu.wait_indirect_dma semaphore(%run_scoped3A : memref<!tpu.dma_semaphore, #tpu.memory_space<semaphore_mem>>) src(%arg10 : memref<128x128xf32, #tpu.memory_space<vmem>>) dst(%dma_wait3A_233 : memref<10240x128xf32, #tpu.memory_space<vmem_shared>>)
        tpu.yield
      }) : () -> ()
      %add3A_42 = arith.constant 0 : i32
      %add3A_43 = arith.addi %mul3A_15, %add3A_42 : i32
      %add3A_44 = arith.constant 2 : i32
      %add3A_45 = arith.addi %add3A_43, %add3A_44 : i32
      %mul3A_46 = arith.constant 32 : i32
      %mul3A_47 = arith.muli %add3A_45, %mul3A_46 : i32
      %add3A_48 = arith.addi %mul3A_47, %add3A : i32
      %mul3A_49 = arith.constant 128 : i32
      %mul3A_50 = arith.muli %add3A_48, %mul3A_49 : i32
      "tpu.region"() ({
        %run_scoped3A = tpu.sem_alloc : memref<!tpu.dma_semaphore, #tpu.memory_space<semaphore_mem>>
        %dma_start3A_228 = tpu.memref_slice %arg3[%mul3A_50] : memref<327680xi32, #tpu.memory_space<hbm>> -> memref<128xi32, #tpu.memory_space<hbm>>
        %dma_start3A_229 = tpu.memref_slice %arg3[%mul3A_50] : memref<327680xi32, #tpu.memory_space<hbm>> -> memref<128xi32, #tpu.memory_space<hbm>>
        tpu.enqueue_dma source(%dma_start3A_229 : memref<128xi32, #tpu.memory_space<hbm>>) target(%arg8 : memref<128xi32, #tpu.memory_space<vmem>>) target_semaphore(%run_scoped3A : memref<!tpu.dma_semaphore, #tpu.memory_space<semaphore_mem>>)
        %dma_wait3A_230 = tpu.memref_slice %arg3[%mul3A_50] : memref<327680xi32, #tpu.memory_space<hbm>> -> memref<128xi32, #tpu.memory_space<hbm>>
        %dma_wait3A_231 = tpu.memref_slice %arg3[%mul3A_50] : memref<327680xi32, #tpu.memory_space<hbm>> -> memref<128xi32, #tpu.memory_space<hbm>>
        tpu.wait_dma2 semaphore(%run_scoped3A : memref<!tpu.dma_semaphore, #tpu.memory_space<semaphore_mem>>) src(%dma_wait3A_231 : memref<128xi32, #tpu.memory_space<hbm>>) dst(%arg8 : memref<128xi32, #tpu.memory_space<vmem>>)
        tpu.yield
      }) : () -> ()
      %dma_start3A_51 = arith.constant 0 : i32
      %dma_start3A_52 = arith.constant 0 : i32
      %dma_start3A_53 = tpu.memref_slice %arg2[%dma_start3A_51, %dma_start3A_52] : memref<10000x128xf32, #tpu.memory_space<hbm>> -> memref<10000x128xf32, #tpu.memory_space<hbm>>
      tpu.enqueue_indirect_dma source(%dma_start3A_53 : memref<10000x128xf32, #tpu.memory_space<hbm>>) target(%arg10 : memref<128x128xf32, #tpu.memory_space<vmem>>) offsets(%arg8 : memref<128xi32, #tpu.memory_space<vmem>>) semaphore(%arg13 : memref<!tpu.dma_semaphore, #tpu.memory_space<semaphore_mem>>)
      %dma_wait3A_54 = arith.constant 0 : i32
      %dma_wait3A_55 = arith.constant 0 : i32
      %dma_wait3A_56 = tpu.memref_slice %arg2[%dma_wait3A_54, %dma_wait3A_55] : memref<10000x128xf32, #tpu.memory_space<hbm>> -> memref<10000x128xf32, #tpu.memory_space<hbm>>
      tpu.wait_indirect_dma semaphore(%arg14 : memref<!tpu.dma_semaphore, #tpu.memory_space<semaphore_mem>>) src(%dma_wait3A_56 : memref<10000x128xf32, #tpu.memory_space<hbm>>) dst(%arg11 : memref<128x128xf32, #tpu.memory_space<vmem>>)
      %add3A_57 = arith.constant 1 : i32
      %add3A_58 = arith.addi %mul3A_15, %add3A_57 : i32
      %mul3A_59 = arith.constant 32 : i32
      %mul3A_60 = arith.muli %add3A_58, %mul3A_59 : i32
      %add3A_61 = arith.addi %mul3A_60, %add3A : i32
      %mul3A_62 = arith.constant 128 : i32
      %mul3A_63 = arith.muli %add3A_61, %mul3A_62 : i32
      "tpu.region"() ({
        %run_scoped3A = tpu.sem_alloc : memref<!tpu.dma_semaphore, #tpu.memory_space<semaphore_mem>>
        %dma_start3A_228 = tpu.memref_slice %arg4[%mul3A_63] : memref<327680xi32, #tpu.memory_space<hbm>> -> memref<128xi32, #tpu.memory_space<hbm>>
        %dma_start3A_229 = tpu.memref_slice %arg4[%mul3A_63] : memref<327680xi32, #tpu.memory_space<hbm>> -> memref<128xi32, #tpu.memory_space<hbm>>
        tpu.enqueue_dma source(%dma_start3A_229 : memref<128xi32, #tpu.memory_space<hbm>>) target(%arg7 : memref<128xi32, #tpu.memory_space<vmem>>) target_semaphore(%run_scoped3A : memref<!tpu.dma_semaphore, #tpu.memory_space<semaphore_mem>>)
        %dma_wait3A_230 = tpu.memref_slice %arg4[%mul3A_63] : memref<327680xi32, #tpu.memory_space<hbm>> -> memref<128xi32, #tpu.memory_space<hbm>>
        %dma_wait3A_231 = tpu.memref_slice %arg4[%mul3A_63] : memref<327680xi32, #tpu.memory_space<hbm>> -> memref<128xi32, #tpu.memory_space<hbm>>
        tpu.wait_dma2 semaphore(%run_scoped3A : memref<!tpu.dma_semaphore, #tpu.memory_space<semaphore_mem>>) src(%dma_wait3A_231 : memref<128xi32, #tpu.memory_space<hbm>>) dst(%arg7 : memref<128xi32, #tpu.memory_space<vmem>>)
        tpu.yield
      }) : () -> ()
      "tpu.region"() ({
        %run_scoped3A = tpu.sem_alloc : memref<!tpu.dma_semaphore, #tpu.memory_space<semaphore_mem>>
        %dma_start3A_228 = arith.constant 0 : i32
        %dma_start3A_229 = arith.constant 0 : i32
        %dma_start3A_230 = tpu.memref_slice %arg12[%dma_start3A_228, %dma_start3A_229] : memref<10240x128xf32, #tpu.memory_space<vmem_shared>> -> memref<10240x128xf32, #tpu.memory_space<vmem_shared>>
        tpu.enqueue_indirect_dma source(%arg11 : memref<128x128xf32, #tpu.memory_space<vmem>>) target(%dma_start3A_230 : memref<10240x128xf32, #tpu.memory_space<vmem_shared>>) offsets(%arg7 : memref<128xi32, #tpu.memory_space<vmem>>) semaphore(%run_scoped3A : memref<!tpu.dma_semaphore, #tpu.memory_space<semaphore_mem>>) {add = true}
        %dma_wait3A_231 = arith.constant 0 : i32
        %dma_wait3A_232 = arith.constant 0 : i32
        %dma_wait3A_233 = tpu.memref_slice %arg12[%dma_wait3A_231, %dma_wait3A_232] : memref<10240x128xf32, #tpu.memory_space<vmem_shared>> -> memref<10240x128xf32, #tpu.memory_space<vmem_shared>>
        tpu.wait_indirect_dma semaphore(%run_scoped3A : memref<!tpu.dma_semaphore, #tpu.memory_space<semaphore_mem>>) src(%arg11 : memref<128x128xf32, #tpu.memory_space<vmem>>) dst(%dma_wait3A_233 : memref<10240x128xf32, #tpu.memory_space<vmem_shared>>)
        tpu.yield
      }) : () -> ()
      %add3A_64 = arith.constant 1 : i32
      %add3A_65 = arith.addi %mul3A_15, %add3A_64 : i32
      %add3A_66 = arith.constant 2 : i32
      %add3A_67 = arith.addi %add3A_65, %add3A_66 : i32
      %mul3A_68 = arith.constant 32 : i32
      %mul3A_69 = arith.muli %add3A_67, %mul3A_68 : i32
      %add3A_70 = arith.addi %mul3A_69, %add3A : i32
      %mul3A_71 = arith.constant 128 : i32
      %mul3A_72 = arith.muli %add3A_70, %mul3A_71 : i32
      "tpu.region"() ({
        %run_scoped3A = tpu.sem_alloc : memref<!tpu.dma_semaphore, #tpu.memory_space<semaphore_mem>>
        %dma_start3A_228 = tpu.memref_slice %arg3[%mul3A_72] : memref<327680xi32, #tpu.memory_space<hbm>> -> memref<128xi32, #tpu.memory_space<hbm>>
        %dma_start3A_229 = tpu.memref_slice %arg3[%mul3A_72] : memref<327680xi32, #tpu.memory_space<hbm>> -> memref<128xi32, #tpu.memory_space<hbm>>
        tpu.enqueue_dma source(%dma_start3A_229 : memref<128xi32, #tpu.memory_space<hbm>>) target(%arg9 : memref<128xi32, #tpu.memory_space<vmem>>) target_semaphore(%run_scoped3A : memref<!tpu.dma_semaphore, #tpu.memory_space<semaphore_mem>>)
        %dma_wait3A_230 = tpu.memref_slice %arg3[%mul3A_72] : memref<327680xi32, #tpu.memory_space<hbm>> -> memref<128xi32, #tpu.memory_space<hbm>>
        %dma_wait3A_231 = tpu.memref_slice %arg3[%mul3A_72] : memref<327680xi32, #tpu.memory_space<hbm>> -> memref<128xi32, #tpu.memory_space<hbm>>
        tpu.wait_dma2 semaphore(%run_scoped3A : memref<!tpu.dma_semaphore, #tpu.memory_space<semaphore_mem>>) src(%dma_wait3A_231 : memref<128xi32, #tpu.memory_space<hbm>>) dst(%arg9 : memref<128xi32, #tpu.memory_space<vmem>>)
        tpu.yield
      }) : () -> ()
      %dma_start3A_73 = arith.constant 0 : i32
      %dma_start3A_74 = arith.constant 0 : i32
      %dma_start3A_75 = tpu.memref_slice %arg2[%dma_start3A_73, %dma_start3A_74] : memref<10000x128xf32, #tpu.memory_space<hbm>> -> memref<10000x128xf32, #tpu.memory_space<hbm>>
      tpu.enqueue_indirect_dma source(%dma_start3A_75 : memref<10000x128xf32, #tpu.memory_space<hbm>>) target(%arg11 : memref<128x128xf32, #tpu.memory_space<vmem>>) offsets(%arg9 : memref<128xi32, #tpu.memory_space<vmem>>) semaphore(%arg14 : memref<!tpu.dma_semaphore, #tpu.memory_space<semaphore_mem>>)
      %dma_wait3A_76 = arith.constant 0 : i32
      %dma_wait3A_77 = arith.constant 0 : i32
      %dma_wait3A_78 = tpu.memref_slice %arg2[%dma_wait3A_76, %dma_wait3A_77] : memref<10000x128xf32, #tpu.memory_space<hbm>> -> memref<10000x128xf32, #tpu.memory_space<hbm>>
      tpu.wait_indirect_dma semaphore(%arg13 : memref<!tpu.dma_semaphore, #tpu.memory_space<semaphore_mem>>) src(%dma_wait3A_78 : memref<10000x128xf32, #tpu.memory_space<hbm>>) dst(%arg10 : memref<128x128xf32, #tpu.memory_space<vmem>>)
      %add3A_79 = arith.constant 2 : i32
      %add3A_80 = arith.addi %mul3A_15, %add3A_79 : i32
      %mul3A_81 = arith.constant 32 : i32
      %mul3A_82 = arith.muli %add3A_80, %mul3A_81 : i32
      %add3A_83 = arith.addi %mul3A_82, %add3A : i32
      %mul3A_84 = arith.constant 128 : i32
      %mul3A_85 = arith.muli %add3A_83, %mul3A_84 : i32
      "tpu.region"() ({
        %run_scoped3A = tpu.sem_alloc : memref<!tpu.dma_semaphore, #tpu.memory_space<semaphore_mem>>
        %dma_start3A_228 = tpu.memref_slice %arg4[%mul3A_85] : memref<327680xi32, #tpu.memory_space<hbm>> -> memref<128xi32, #tpu.memory_space<hbm>>
        %dma_start3A_229 = tpu.memref_slice %arg4[%mul3A_85] : memref<327680xi32, #tpu.memory_space<hbm>> -> memref<128xi32, #tpu.memory_space<hbm>>
        tpu.enqueue_dma source(%dma_start3A_229 : memref<128xi32, #tpu.memory_space<hbm>>) target(%arg7 : memref<128xi32, #tpu.memory_space<vmem>>) target_semaphore(%run_scoped3A : memref<!tpu.dma_semaphore, #tpu.memory_space<semaphore_mem>>)
        %dma_wait3A_230 = tpu.memref_slice %arg4[%mul3A_85] : memref<327680xi32, #tpu.memory_space<hbm>> -> memref<128xi32, #tpu.memory_space<hbm>>
        %dma_wait3A_231 = tpu.memref_slice %arg4[%mul3A_85] : memref<327680xi32, #tpu.memory_space<hbm>> -> memref<128xi32, #tpu.memory_space<hbm>>
        tpu.wait_dma2 semaphore(%run_scoped3A : memref<!tpu.dma_semaphore, #tpu.memory_space<semaphore_mem>>) src(%dma_wait3A_231 : memref<128xi32, #tpu.memory_space<hbm>>) dst(%arg7 : memref<128xi32, #tpu.memory_space<vmem>>)
        tpu.yield
      }) : () -> ()
      "tpu.region"() ({
        %run_scoped3A = tpu.sem_alloc : memref<!tpu.dma_semaphore, #tpu.memory_space<semaphore_mem>>
        %dma_start3A_228 = arith.constant 0 : i32
        %dma_start3A_229 = arith.constant 0 : i32
        %dma_start3A_230 = tpu.memref_slice %arg12[%dma_start3A_228, %dma_start3A_229] : memref<10240x128xf32, #tpu.memory_space<vmem_shared>> -> memref<10240x128xf32, #tpu.memory_space<vmem_shared>>
        tpu.enqueue_indirect_dma source(%arg10 : memref<128x128xf32, #tpu.memory_space<vmem>>) target(%dma_start3A_230 : memref<10240x128xf32, #tpu.memory_space<vmem_shared>>) offsets(%arg7 : memref<128xi32, #tpu.memory_space<vmem>>) semaphore(%run_scoped3A : memref<!tpu.dma_semaphore, #tpu.memory_space<semaphore_mem>>) {add = true}
        %dma_wait3A_231 = arith.constant 0 : i32
        %dma_wait3A_232 = arith.constant 0 : i32
        %dma_wait3A_233 = tpu.memref_slice %arg12[%dma_wait3A_231, %dma_wait3A_232] : memref<10240x128xf32, #tpu.memory_space<vmem_shared>> -> memref<10240x128xf32, #tpu.memory_space<vmem_shared>>
        tpu.wait_indirect_dma semaphore(%run_scoped3A : memref<!tpu.dma_semaphore, #tpu.memory_space<semaphore_mem>>) src(%arg10 : memref<128x128xf32, #tpu.memory_space<vmem>>) dst(%dma_wait3A_233 : memref<10240x128xf32, #tpu.memory_space<vmem_shared>>)
        tpu.yield
      }) : () -> ()
      %add3A_86 = arith.constant 2 : i32
      %add3A_87 = arith.addi %mul3A_15, %add3A_86 : i32
      %add3A_88 = arith.constant 2 : i32
      %add3A_89 = arith.addi %add3A_87, %add3A_88 : i32
      %mul3A_90 = arith.constant 32 : i32
      %mul3A_91 = arith.muli %add3A_89, %mul3A_90 : i32
      %add3A_92 = arith.addi %mul3A_91, %add3A : i32
      %mul3A_93 = arith.constant 128 : i32
      %mul3A_94 = arith.muli %add3A_92, %mul3A_93 : i32
      "tpu.region"() ({
        %run_scoped3A = tpu.sem_alloc : memref<!tpu.dma_semaphore, #tpu.memory_space<semaphore_mem>>
        %dma_start3A_228 = tpu.memref_slice %arg3[%mul3A_94] : memref<327680xi32, #tpu.memory_space<hbm>> -> memref<128xi32, #tpu.memory_space<hbm>>
        %dma_start3A_229 = tpu.memref_slice %arg3[%mul3A_94] : memref<327680xi32, #tpu.memory_space<hbm>> -> memref<128xi32, #tpu.memory_space<hbm>>
        tpu.enqueue_dma source(%dma_start3A_229 : memref<128xi32, #tpu.memory_space<hbm>>) target(%arg8 : memref<128xi32, #tpu.memory_space<vmem>>) target_semaphore(%run_scoped3A : memref<!tpu.dma_semaphore, #tpu.memory_space<semaphore_mem>>)
        %dma_wait3A_230 = tpu.memref_slice %arg3[%mul3A_94] : memref<327680xi32, #tpu.memory_space<hbm>> -> memref<128xi32, #tpu.memory_space<hbm>>
        %dma_wait3A_231 = tpu.memref_slice %arg3[%mul3A_94] : memref<327680xi32, #tpu.memory_space<hbm>> -> memref<128xi32, #tpu.memory_space<hbm>>
        tpu.wait_dma2 semaphore(%run_scoped3A : memref<!tpu.dma_semaphore, #tpu.memory_space<semaphore_mem>>) src(%dma_wait3A_231 : memref<128xi32, #tpu.memory_space<hbm>>) dst(%arg8 : memref<128xi32, #tpu.memory_space<vmem>>)
        tpu.yield
      }) : () -> ()
      %dma_start3A_95 = arith.constant 0 : i32
      %dma_start3A_96 = arith.constant 0 : i32
      %dma_start3A_97 = tpu.memref_slice %arg2[%dma_start3A_95, %dma_start3A_96] : memref<10000x128xf32, #tpu.memory_space<hbm>> -> memref<10000x128xf32, #tpu.memory_space<hbm>>
      tpu.enqueue_indirect_dma source(%dma_start3A_97 : memref<10000x128xf32, #tpu.memory_space<hbm>>) target(%arg10 : memref<128x128xf32, #tpu.memory_space<vmem>>) offsets(%arg8 : memref<128xi32, #tpu.memory_space<vmem>>) semaphore(%arg13 : memref<!tpu.dma_semaphore, #tpu.memory_space<semaphore_mem>>)
      %dma_wait3A_98 = arith.constant 0 : i32
      %dma_wait3A_99 = arith.constant 0 : i32
      %dma_wait3A_100 = tpu.memref_slice %arg2[%dma_wait3A_98, %dma_wait3A_99] : memref<10000x128xf32, #tpu.memory_space<hbm>> -> memref<10000x128xf32, #tpu.memory_space<hbm>>
      tpu.wait_indirect_dma semaphore(%arg14 : memref<!tpu.dma_semaphore, #tpu.memory_space<semaphore_mem>>) src(%dma_wait3A_100 : memref<10000x128xf32, #tpu.memory_space<hbm>>) dst(%arg11 : memref<128x128xf32, #tpu.memory_space<vmem>>)
      %add3A_101 = arith.constant 3 : i32
      %add3A_102 = arith.addi %mul3A_15, %add3A_101 : i32
      %mul3A_103 = arith.constant 32 : i32
      %mul3A_104 = arith.muli %add3A_102, %mul3A_103 : i32
      %add3A_105 = arith.addi %mul3A_104, %add3A : i32
      %mul3A_106 = arith.constant 128 : i32
      %mul3A_107 = arith.muli %add3A_105, %mul3A_106 : i32
      "tpu.region"() ({
        %run_scoped3A = tpu.sem_alloc : memref<!tpu.dma_semaphore, #tpu.memory_space<semaphore_mem>>
        %dma_start3A_228 = tpu.memref_slice %arg4[%mul3A_107] : memref<327680xi32, #tpu.memory_space<hbm>> -> memref<128xi32, #tpu.memory_space<hbm>>
        %dma_start3A_229 = tpu.memref_slice %arg4[%mul3A_107] : memref<327680xi32, #tpu.memory_space<hbm>> -> memref<128xi32, #tpu.memory_space<hbm>>
        tpu.enqueue_dma source(%dma_start3A_229 : memref<128xi32, #tpu.memory_space<hbm>>) target(%arg7 : memref<128xi32, #tpu.memory_space<vmem>>) target_semaphore(%run_scoped3A : memref<!tpu.dma_semaphore, #tpu.memory_space<semaphore_mem>>)
        %dma_wait3A_230 = tpu.memref_slice %arg4[%mul3A_107] : memref<327680xi32, #tpu.memory_space<hbm>> -> memref<128xi32, #tpu.memory_space<hbm>>
        %dma_wait3A_231 = tpu.memref_slice %arg4[%mul3A_107] : memref<327680xi32, #tpu.memory_space<hbm>> -> memref<128xi32, #tpu.memory_space<hbm>>
        tpu.wait_dma2 semaphore(%run_scoped3A : memref<!tpu.dma_semaphore, #tpu.memory_space<semaphore_mem>>) src(%dma_wait3A_231 : memref<128xi32, #tpu.memory_space<hbm>>) dst(%arg7 : memref<128xi32, #tpu.memory_space<vmem>>)
        tpu.yield
      }) : () -> ()
      "tpu.region"() ({
        %run_scoped3A = tpu.sem_alloc : memref<!tpu.dma_semaphore, #tpu.memory_space<semaphore_mem>>
        %dma_start3A_228 = arith.constant 0 : i32
        %dma_start3A_229 = arith.constant 0 : i32
        %dma_start3A_230 = tpu.memref_slice %arg12[%dma_start3A_228, %dma_start3A_229] : memref<10240x128xf32, #tpu.memory_space<vmem_shared>> -> memref<10240x128xf32, #tpu.memory_space<vmem_shared>>
        tpu.enqueue_indirect_dma source(%arg11 : memref<128x128xf32, #tpu.memory_space<vmem>>) target(%dma_start3A_230 : memref<10240x128xf32, #tpu.memory_space<vmem_shared>>) offsets(%arg7 : memref<128xi32, #tpu.memory_space<vmem>>) semaphore(%run_scoped3A : memref<!tpu.dma_semaphore, #tpu.memory_space<semaphore_mem>>) {add = true}
        %dma_wait3A_231 = arith.constant 0 : i32
        %dma_wait3A_232 = arith.constant 0 : i32
        %dma_wait3A_233 = tpu.memref_slice %arg12[%dma_wait3A_231, %dma_wait3A_232] : memref<10240x128xf32, #tpu.memory_space<vmem_shared>> -> memref<10240x128xf32, #tpu.memory_space<vmem_shared>>
        tpu.wait_indirect_dma semaphore(%run_scoped3A : memref<!tpu.dma_semaphore, #tpu.memory_space<semaphore_mem>>) src(%arg11 : memref<128x128xf32, #tpu.memory_space<vmem>>) dst(%dma_wait3A_233 : memref<10240x128xf32, #tpu.memory_space<vmem_shared>>)
        tpu.yield
      }) : () -> ()
      %add3A_108 = arith.constant 3 : i32
      %add3A_109 = arith.addi %mul3A_15, %add3A_108 : i32
      %add3A_110 = arith.constant 2 : i32
      %add3A_111 = arith.addi %add3A_109, %add3A_110 : i32
      %mul3A_112 = arith.constant 32 : i32
      %mul3A_113 = arith.muli %add3A_111, %mul3A_112 : i32
      %add3A_114 = arith.addi %mul3A_113, %add3A : i32
      %mul3A_115 = arith.constant 128 : i32
      %mul3A_116 = arith.muli %add3A_114, %mul3A_115 : i32
      "tpu.region"() ({
        %run_scoped3A = tpu.sem_alloc : memref<!tpu.dma_semaphore, #tpu.memory_space<semaphore_mem>>
        %dma_start3A_228 = tpu.memref_slice %arg3[%mul3A_116] : memref<327680xi32, #tpu.memory_space<hbm>> -> memref<128xi32, #tpu.memory_space<hbm>>
        %dma_start3A_229 = tpu.memref_slice %arg3[%mul3A_116] : memref<327680xi32, #tpu.memory_space<hbm>> -> memref<128xi32, #tpu.memory_space<hbm>>
        tpu.enqueue_dma source(%dma_start3A_229 : memref<128xi32, #tpu.memory_space<hbm>>) target(%arg9 : memref<128xi32, #tpu.memory_space<vmem>>) target_semaphore(%run_scoped3A : memref<!tpu.dma_semaphore, #tpu.memory_space<semaphore_mem>>)
        %dma_wait3A_230 = tpu.memref_slice %arg3[%mul3A_116] : memref<327680xi32, #tpu.memory_space<hbm>> -> memref<128xi32, #tpu.memory_space<hbm>>
        %dma_wait3A_231 = tpu.memref_slice %arg3[%mul3A_116] : memref<327680xi32, #tpu.memory_space<hbm>> -> memref<128xi32, #tpu.memory_space<hbm>>
        tpu.wait_dma2 semaphore(%run_scoped3A : memref<!tpu.dma_semaphore, #tpu.memory_space<semaphore_mem>>) src(%dma_wait3A_231 : memref<128xi32, #tpu.memory_space<hbm>>) dst(%arg9 : memref<128xi32, #tpu.memory_space<vmem>>)
        tpu.yield
      }) : () -> ()
      %dma_start3A_117 = arith.constant 0 : i32
      %dma_start3A_118 = arith.constant 0 : i32
      %dma_start3A_119 = tpu.memref_slice %arg2[%dma_start3A_117, %dma_start3A_118] : memref<10000x128xf32, #tpu.memory_space<hbm>> -> memref<10000x128xf32, #tpu.memory_space<hbm>>
      tpu.enqueue_indirect_dma source(%dma_start3A_119 : memref<10000x128xf32, #tpu.memory_space<hbm>>) target(%arg11 : memref<128x128xf32, #tpu.memory_space<vmem>>) offsets(%arg9 : memref<128xi32, #tpu.memory_space<vmem>>) semaphore(%arg14 : memref<!tpu.dma_semaphore, #tpu.memory_space<semaphore_mem>>)
      %dma_wait3A_120 = arith.constant 0 : i32
      %dma_wait3A_121 = arith.constant 0 : i32
      %dma_wait3A_122 = tpu.memref_slice %arg2[%dma_wait3A_120, %dma_wait3A_121] : memref<10000x128xf32, #tpu.memory_space<hbm>> -> memref<10000x128xf32, #tpu.memory_space<hbm>>
      tpu.wait_indirect_dma semaphore(%arg13 : memref<!tpu.dma_semaphore, #tpu.memory_space<semaphore_mem>>) src(%dma_wait3A_122 : memref<10000x128xf32, #tpu.memory_space<hbm>>) dst(%arg10 : memref<128x128xf32, #tpu.memory_space<vmem>>)
      %add3A_123 = arith.constant 4 : i32
      %add3A_124 = arith.addi %mul3A_15, %add3A_123 : i32
      %mul3A_125 = arith.constant 32 : i32
      %mul3A_126 = arith.muli %add3A_124, %mul3A_125 : i32
      %add3A_127 = arith.addi %mul3A_126, %add3A : i32
      %mul3A_128 = arith.constant 128 : i32
      %mul3A_129 = arith.muli %add3A_127, %mul3A_128 : i32
      "tpu.region"() ({
        %run_scoped3A = tpu.sem_alloc : memref<!tpu.dma_semaphore, #tpu.memory_space<semaphore_mem>>
        %dma_start3A_228 = tpu.memref_slice %arg4[%mul3A_129] : memref<327680xi32, #tpu.memory_space<hbm>> -> memref<128xi32, #tpu.memory_space<hbm>>
        %dma_start3A_229 = tpu.memref_slice %arg4[%mul3A_129] : memref<327680xi32, #tpu.memory_space<hbm>> -> memref<128xi32, #tpu.memory_space<hbm>>
        tpu.enqueue_dma source(%dma_start3A_229 : memref<128xi32, #tpu.memory_space<hbm>>) target(%arg7 : memref<128xi32, #tpu.memory_space<vmem>>) target_semaphore(%run_scoped3A : memref<!tpu.dma_semaphore, #tpu.memory_space<semaphore_mem>>)
        %dma_wait3A_230 = tpu.memref_slice %arg4[%mul3A_129] : memref<327680xi32, #tpu.memory_space<hbm>> -> memref<128xi32, #tpu.memory_space<hbm>>
        %dma_wait3A_231 = tpu.memref_slice %arg4[%mul3A_129] : memref<327680xi32, #tpu.memory_space<hbm>> -> memref<128xi32, #tpu.memory_space<hbm>>
        tpu.wait_dma2 semaphore(%run_scoped3A : memref<!tpu.dma_semaphore, #tpu.memory_space<semaphore_mem>>) src(%dma_wait3A_231 : memref<128xi32, #tpu.memory_space<hbm>>) dst(%arg7 : memref<128xi32, #tpu.memory_space<vmem>>)
        tpu.yield
      }) : () -> ()
      "tpu.region"() ({
        %run_scoped3A = tpu.sem_alloc : memref<!tpu.dma_semaphore, #tpu.memory_space<semaphore_mem>>
        %dma_start3A_228 = arith.constant 0 : i32
        %dma_start3A_229 = arith.constant 0 : i32
        %dma_start3A_230 = tpu.memref_slice %arg12[%dma_start3A_228, %dma_start3A_229] : memref<10240x128xf32, #tpu.memory_space<vmem_shared>> -> memref<10240x128xf32, #tpu.memory_space<vmem_shared>>
        tpu.enqueue_indirect_dma source(%arg10 : memref<128x128xf32, #tpu.memory_space<vmem>>) target(%dma_start3A_230 : memref<10240x128xf32, #tpu.memory_space<vmem_shared>>) offsets(%arg7 : memref<128xi32, #tpu.memory_space<vmem>>) semaphore(%run_scoped3A : memref<!tpu.dma_semaphore, #tpu.memory_space<semaphore_mem>>) {add = true}
        %dma_wait3A_231 = arith.constant 0 : i32
        %dma_wait3A_232 = arith.constant 0 : i32
        %dma_wait3A_233 = tpu.memref_slice %arg12[%dma_wait3A_231, %dma_wait3A_232] : memref<10240x128xf32, #tpu.memory_space<vmem_shared>> -> memref<10240x128xf32, #tpu.memory_space<vmem_shared>>
        tpu.wait_indirect_dma semaphore(%run_scoped3A : memref<!tpu.dma_semaphore, #tpu.memory_space<semaphore_mem>>) src(%arg10 : memref<128x128xf32, #tpu.memory_space<vmem>>) dst(%dma_wait3A_233 : memref<10240x128xf32, #tpu.memory_space<vmem_shared>>)
        tpu.yield
      }) : () -> ()
      %add3A_130 = arith.constant 4 : i32
      %add3A_131 = arith.addi %mul3A_15, %add3A_130 : i32
      %add3A_132 = arith.constant 2 : i32
      %add3A_133 = arith.addi %add3A_131, %add3A_132 : i32
      %mul3A_134 = arith.constant 32 : i32
      %mul3A_135 = arith.muli %add3A_133, %mul3A_134 : i32
      %add3A_136 = arith.addi %mul3A_135, %add3A : i32
      %mul3A_137 = arith.constant 128 : i32
      %mul3A_138 = arith.muli %add3A_136, %mul3A_137 : i32
      "tpu.region"() ({
        %run_scoped3A = tpu.sem_alloc : memref<!tpu.dma_semaphore, #tpu.memory_space<semaphore_mem>>
        %dma_start3A_228 = tpu.memref_slice %arg3[%mul3A_138] : memref<327680xi32, #tpu.memory_space<hbm>> -> memref<128xi32, #tpu.memory_space<hbm>>
        %dma_start3A_229 = tpu.memref_slice %arg3[%mul3A_138] : memref<327680xi32, #tpu.memory_space<hbm>> -> memref<128xi32, #tpu.memory_space<hbm>>
        tpu.enqueue_dma source(%dma_start3A_229 : memref<128xi32, #tpu.memory_space<hbm>>) target(%arg8 : memref<128xi32, #tpu.memory_space<vmem>>) target_semaphore(%run_scoped3A : memref<!tpu.dma_semaphore, #tpu.memory_space<semaphore_mem>>)
        %dma_wait3A_230 = tpu.memref_slice %arg3[%mul3A_138] : memref<327680xi32, #tpu.memory_space<hbm>> -> memref<128xi32, #tpu.memory_space<hbm>>
        %dma_wait3A_231 = tpu.memref_slice %arg3[%mul3A_138] : memref<327680xi32, #tpu.memory_space<hbm>> -> memref<128xi32, #tpu.memory_space<hbm>>
        tpu.wait_dma2 semaphore(%run_scoped3A : memref<!tpu.dma_semaphore, #tpu.memory_space<semaphore_mem>>) src(%dma_wait3A_231 : memref<128xi32, #tpu.memory_space<hbm>>) dst(%arg8 : memref<128xi32, #tpu.memory_space<vmem>>)
        tpu.yield
      }) : () -> ()
      %dma_start3A_139 = arith.constant 0 : i32
      %dma_start3A_140 = arith.constant 0 : i32
      %dma_start3A_141 = tpu.memref_slice %arg2[%dma_start3A_139, %dma_start3A_140] : memref<10000x128xf32, #tpu.memory_space<hbm>> -> memref<10000x128xf32, #tpu.memory_space<hbm>>
      tpu.enqueue_indirect_dma source(%dma_start3A_141 : memref<10000x128xf32, #tpu.memory_space<hbm>>) target(%arg10 : memref<128x128xf32, #tpu.memory_space<vmem>>) offsets(%arg8 : memref<128xi32, #tpu.memory_space<vmem>>) semaphore(%arg13 : memref<!tpu.dma_semaphore, #tpu.memory_space<semaphore_mem>>)
      %dma_wait3A_142 = arith.constant 0 : i32
      %dma_wait3A_143 = arith.constant 0 : i32
      %dma_wait3A_144 = tpu.memref_slice %arg2[%dma_wait3A_142, %dma_wait3A_143] : memref<10000x128xf32, #tpu.memory_space<hbm>> -> memref<10000x128xf32, #tpu.memory_space<hbm>>
      tpu.wait_indirect_dma semaphore(%arg14 : memref<!tpu.dma_semaphore, #tpu.memory_space<semaphore_mem>>) src(%dma_wait3A_144 : memref<10000x128xf32, #tpu.memory_space<hbm>>) dst(%arg11 : memref<128x128xf32, #tpu.memory_space<vmem>>)
      %add3A_145 = arith.constant 5 : i32
      %add3A_146 = arith.addi %mul3A_15, %add3A_145 : i32
      %mul3A_147 = arith.constant 32 : i32
      %mul3A_148 = arith.muli %add3A_146, %mul3A_147 : i32
      %add3A_149 = arith.addi %mul3A_148, %add3A : i32
      %mul3A_150 = arith.constant 128 : i32
      %mul3A_151 = arith.muli %add3A_149, %mul3A_150 : i32
      "tpu.region"() ({
        %run_scoped3A = tpu.sem_alloc : memref<!tpu.dma_semaphore, #tpu.memory_space<semaphore_mem>>
        %dma_start3A_228 = tpu.memref_slice %arg4[%mul3A_151] : memref<327680xi32, #tpu.memory_space<hbm>> -> memref<128xi32, #tpu.memory_space<hbm>>
        %dma_start3A_229 = tpu.memref_slice %arg4[%mul3A_151] : memref<327680xi32, #tpu.memory_space<hbm>> -> memref<128xi32, #tpu.memory_space<hbm>>
        tpu.enqueue_dma source(%dma_start3A_229 : memref<128xi32, #tpu.memory_space<hbm>>) target(%arg7 : memref<128xi32, #tpu.memory_space<vmem>>) target_semaphore(%run_scoped3A : memref<!tpu.dma_semaphore, #tpu.memory_space<semaphore_mem>>)
        %dma_wait3A_230 = tpu.memref_slice %arg4[%mul3A_151] : memref<327680xi32, #tpu.memory_space<hbm>> -> memref<128xi32, #tpu.memory_space<hbm>>
        %dma_wait3A_231 = tpu.memref_slice %arg4[%mul3A_151] : memref<327680xi32, #tpu.memory_space<hbm>> -> memref<128xi32, #tpu.memory_space<hbm>>
        tpu.wait_dma2 semaphore(%run_scoped3A : memref<!tpu.dma_semaphore, #tpu.memory_space<semaphore_mem>>) src(%dma_wait3A_231 : memref<128xi32, #tpu.memory_space<hbm>>) dst(%arg7 : memref<128xi32, #tpu.memory_space<vmem>>)
        tpu.yield
      }) : () -> ()
      "tpu.region"() ({
        %run_scoped3A = tpu.sem_alloc : memref<!tpu.dma_semaphore, #tpu.memory_space<semaphore_mem>>
        %dma_start3A_228 = arith.constant 0 : i32
        %dma_start3A_229 = arith.constant 0 : i32
        %dma_start3A_230 = tpu.memref_slice %arg12[%dma_start3A_228, %dma_start3A_229] : memref<10240x128xf32, #tpu.memory_space<vmem_shared>> -> memref<10240x128xf32, #tpu.memory_space<vmem_shared>>
        tpu.enqueue_indirect_dma source(%arg11 : memref<128x128xf32, #tpu.memory_space<vmem>>) target(%dma_start3A_230 : memref<10240x128xf32, #tpu.memory_space<vmem_shared>>) offsets(%arg7 : memref<128xi32, #tpu.memory_space<vmem>>) semaphore(%run_scoped3A : memref<!tpu.dma_semaphore, #tpu.memory_space<semaphore_mem>>) {add = true}
        %dma_wait3A_231 = arith.constant 0 : i32
        %dma_wait3A_232 = arith.constant 0 : i32
        %dma_wait3A_233 = tpu.memref_slice %arg12[%dma_wait3A_231, %dma_wait3A_232] : memref<10240x128xf32, #tpu.memory_space<vmem_shared>> -> memref<10240x128xf32, #tpu.memory_space<vmem_shared>>
        tpu.wait_indirect_dma semaphore(%run_scoped3A : memref<!tpu.dma_semaphore, #tpu.memory_space<semaphore_mem>>) src(%arg11 : memref<128x128xf32, #tpu.memory_space<vmem>>) dst(%dma_wait3A_233 : memref<10240x128xf32, #tpu.memory_space<vmem_shared>>)
        tpu.yield
      }) : () -> ()
      %add3A_152 = arith.constant 5 : i32
      %add3A_153 = arith.addi %mul3A_15, %add3A_152 : i32
      %add3A_154 = arith.constant 2 : i32
      %add3A_155 = arith.addi %add3A_153, %add3A_154 : i32
      %mul3A_156 = arith.constant 32 : i32
      %mul3A_157 = arith.muli %add3A_155, %mul3A_156 : i32
      %add3A_158 = arith.addi %mul3A_157, %add3A : i32
      %mul3A_159 = arith.constant 128 : i32
      %mul3A_160 = arith.muli %add3A_158, %mul3A_159 : i32
      "tpu.region"() ({
        %run_scoped3A = tpu.sem_alloc : memref<!tpu.dma_semaphore, #tpu.memory_space<semaphore_mem>>
        %dma_start3A_228 = tpu.memref_slice %arg3[%mul3A_160] : memref<327680xi32, #tpu.memory_space<hbm>> -> memref<128xi32, #tpu.memory_space<hbm>>
        %dma_start3A_229 = tpu.memref_slice %arg3[%mul3A_160] : memref<327680xi32, #tpu.memory_space<hbm>> -> memref<128xi32, #tpu.memory_space<hbm>>
        tpu.enqueue_dma source(%dma_start3A_229 : memref<128xi32, #tpu.memory_space<hbm>>) target(%arg9 : memref<128xi32, #tpu.memory_space<vmem>>) target_semaphore(%run_scoped3A : memref<!tpu.dma_semaphore, #tpu.memory_space<semaphore_mem>>)
        %dma_wait3A_230 = tpu.memref_slice %arg3[%mul3A_160] : memref<327680xi32, #tpu.memory_space<hbm>> -> memref<128xi32, #tpu.memory_space<hbm>>
        %dma_wait3A_231 = tpu.memref_slice %arg3[%mul3A_160] : memref<327680xi32, #tpu.memory_space<hbm>> -> memref<128xi32, #tpu.memory_space<hbm>>
        tpu.wait_dma2 semaphore(%run_scoped3A : memref<!tpu.dma_semaphore, #tpu.memory_space<semaphore_mem>>) src(%dma_wait3A_231 : memref<128xi32, #tpu.memory_space<hbm>>) dst(%arg9 : memref<128xi32, #tpu.memory_space<vmem>>)
        tpu.yield
      }) : () -> ()
      %dma_start3A_161 = arith.constant 0 : i32
      %dma_start3A_162 = arith.constant 0 : i32
      %dma_start3A_163 = tpu.memref_slice %arg2[%dma_start3A_161, %dma_start3A_162] : memref<10000x128xf32, #tpu.memory_space<hbm>> -> memref<10000x128xf32, #tpu.memory_space<hbm>>
      tpu.enqueue_indirect_dma source(%dma_start3A_163 : memref<10000x128xf32, #tpu.memory_space<hbm>>) target(%arg11 : memref<128x128xf32, #tpu.memory_space<vmem>>) offsets(%arg9 : memref<128xi32, #tpu.memory_space<vmem>>) semaphore(%arg14 : memref<!tpu.dma_semaphore, #tpu.memory_space<semaphore_mem>>)
      %dma_wait3A_164 = arith.constant 0 : i32
      %dma_wait3A_165 = arith.constant 0 : i32
      %dma_wait3A_166 = tpu.memref_slice %arg2[%dma_wait3A_164, %dma_wait3A_165] : memref<10000x128xf32, #tpu.memory_space<hbm>> -> memref<10000x128xf32, #tpu.memory_space<hbm>>
      tpu.wait_indirect_dma semaphore(%arg13 : memref<!tpu.dma_semaphore, #tpu.memory_space<semaphore_mem>>) src(%dma_wait3A_166 : memref<10000x128xf32, #tpu.memory_space<hbm>>) dst(%arg10 : memref<128x128xf32, #tpu.memory_space<vmem>>)
      %add3A_167 = arith.constant 6 : i32
      %add3A_168 = arith.addi %mul3A_15, %add3A_167 : i32
      %mul3A_169 = arith.constant 32 : i32
      %mul3A_170 = arith.muli %add3A_168, %mul3A_169 : i32
      %add3A_171 = arith.addi %mul3A_170, %add3A : i32
      %mul3A_172 = arith.constant 128 : i32
      %mul3A_173 = arith.muli %add3A_171, %mul3A_172 : i32
      "tpu.region"() ({
        %run_scoped3A = tpu.sem_alloc : memref<!tpu.dma_semaphore, #tpu.memory_space<semaphore_mem>>
        %dma_start3A_228 = tpu.memref_slice %arg4[%mul3A_173] : memref<327680xi32, #tpu.memory_space<hbm>> -> memref<128xi32, #tpu.memory_space<hbm>>
        %dma_start3A_229 = tpu.memref_slice %arg4[%mul3A_173] : memref<327680xi32, #tpu.memory_space<hbm>> -> memref<128xi32, #tpu.memory_space<hbm>>
        tpu.enqueue_dma source(%dma_start3A_229 : memref<128xi32, #tpu.memory_space<hbm>>) target(%arg7 : memref<128xi32, #tpu.memory_space<vmem>>) target_semaphore(%run_scoped3A : memref<!tpu.dma_semaphore, #tpu.memory_space<semaphore_mem>>)
        %dma_wait3A_230 = tpu.memref_slice %arg4[%mul3A_173] : memref<327680xi32, #tpu.memory_space<hbm>> -> memref<128xi32, #tpu.memory_space<hbm>>
        %dma_wait3A_231 = tpu.memref_slice %arg4[%mul3A_173] : memref<327680xi32, #tpu.memory_space<hbm>> -> memref<128xi32, #tpu.memory_space<hbm>>
        tpu.wait_dma2 semaphore(%run_scoped3A : memref<!tpu.dma_semaphore, #tpu.memory_space<semaphore_mem>>) src(%dma_wait3A_231 : memref<128xi32, #tpu.memory_space<hbm>>) dst(%arg7 : memref<128xi32, #tpu.memory_space<vmem>>)
        tpu.yield
      }) : () -> ()
      "tpu.region"() ({
        %run_scoped3A = tpu.sem_alloc : memref<!tpu.dma_semaphore, #tpu.memory_space<semaphore_mem>>
        %dma_start3A_228 = arith.constant 0 : i32
        %dma_start3A_229 = arith.constant 0 : i32
        %dma_start3A_230 = tpu.memref_slice %arg12[%dma_start3A_228, %dma_start3A_229] : memref<10240x128xf32, #tpu.memory_space<vmem_shared>> -> memref<10240x128xf32, #tpu.memory_space<vmem_shared>>
        tpu.enqueue_indirect_dma source(%arg10 : memref<128x128xf32, #tpu.memory_space<vmem>>) target(%dma_start3A_230 : memref<10240x128xf32, #tpu.memory_space<vmem_shared>>) offsets(%arg7 : memref<128xi32, #tpu.memory_space<vmem>>) semaphore(%run_scoped3A : memref<!tpu.dma_semaphore, #tpu.memory_space<semaphore_mem>>) {add = true}
        %dma_wait3A_231 = arith.constant 0 : i32
        %dma_wait3A_232 = arith.constant 0 : i32
        %dma_wait3A_233 = tpu.memref_slice %arg12[%dma_wait3A_231, %dma_wait3A_232] : memref<10240x128xf32, #tpu.memory_space<vmem_shared>> -> memref<10240x128xf32, #tpu.memory_space<vmem_shared>>
        tpu.wait_indirect_dma semaphore(%run_scoped3A : memref<!tpu.dma_semaphore, #tpu.memory_space<semaphore_mem>>) src(%arg10 : memref<128x128xf32, #tpu.memory_space<vmem>>) dst(%dma_wait3A_233 : memref<10240x128xf32, #tpu.memory_space<vmem_shared>>)
        tpu.yield
      }) : () -> ()
      %add3A_174 = arith.constant 6 : i32
      %add3A_175 = arith.addi %mul3A_15, %add3A_174 : i32
      %add3A_176 = arith.constant 2 : i32
      %add3A_177 = arith.addi %add3A_175, %add3A_176 : i32
      %mul3A_178 = arith.constant 32 : i32
      %mul3A_179 = arith.muli %add3A_177, %mul3A_178 : i32
      %add3A_180 = arith.addi %mul3A_179, %add3A : i32
      %mul3A_181 = arith.constant 128 : i32
      %mul3A_182 = arith.muli %add3A_180, %mul3A_181 : i32
      "tpu.region"() ({
        %run_scoped3A = tpu.sem_alloc : memref<!tpu.dma_semaphore, #tpu.memory_space<semaphore_mem>>
        %dma_start3A_228 = tpu.memref_slice %arg3[%mul3A_182] : memref<327680xi32, #tpu.memory_space<hbm>> -> memref<128xi32, #tpu.memory_space<hbm>>
        %dma_start3A_229 = tpu.memref_slice %arg3[%mul3A_182] : memref<327680xi32, #tpu.memory_space<hbm>> -> memref<128xi32, #tpu.memory_space<hbm>>
        tpu.enqueue_dma source(%dma_start3A_229 : memref<128xi32, #tpu.memory_space<hbm>>) target(%arg8 : memref<128xi32, #tpu.memory_space<vmem>>) target_semaphore(%run_scoped3A : memref<!tpu.dma_semaphore, #tpu.memory_space<semaphore_mem>>)
        %dma_wait3A_230 = tpu.memref_slice %arg3[%mul3A_182] : memref<327680xi32, #tpu.memory_space<hbm>> -> memref<128xi32, #tpu.memory_space<hbm>>
        %dma_wait3A_231 = tpu.memref_slice %arg3[%mul3A_182] : memref<327680xi32, #tpu.memory_space<hbm>> -> memref<128xi32, #tpu.memory_space<hbm>>
        tpu.wait_dma2 semaphore(%run_scoped3A : memref<!tpu.dma_semaphore, #tpu.memory_space<semaphore_mem>>) src(%dma_wait3A_231 : memref<128xi32, #tpu.memory_space<hbm>>) dst(%arg8 : memref<128xi32, #tpu.memory_space<vmem>>)
        tpu.yield
      }) : () -> ()
      %dma_start3A_183 = arith.constant 0 : i32
      %dma_start3A_184 = arith.constant 0 : i32
      %dma_start3A_185 = tpu.memref_slice %arg2[%dma_start3A_183, %dma_start3A_184] : memref<10000x128xf32, #tpu.memory_space<hbm>> -> memref<10000x128xf32, #tpu.memory_space<hbm>>
      tpu.enqueue_indirect_dma source(%dma_start3A_185 : memref<10000x128xf32, #tpu.memory_space<hbm>>) target(%arg10 : memref<128x128xf32, #tpu.memory_space<vmem>>) offsets(%arg8 : memref<128xi32, #tpu.memory_space<vmem>>) semaphore(%arg13 : memref<!tpu.dma_semaphore, #tpu.memory_space<semaphore_mem>>)
      %dma_wait3A_186 = arith.constant 0 : i32
      %dma_wait3A_187 = arith.constant 0 : i32
      %dma_wait3A_188 = tpu.memref_slice %arg2[%dma_wait3A_186, %dma_wait3A_187] : memref<10000x128xf32, #tpu.memory_space<hbm>> -> memref<10000x128xf32, #tpu.memory_space<hbm>>
      tpu.wait_indirect_dma semaphore(%arg14 : memref<!tpu.dma_semaphore, #tpu.memory_space<semaphore_mem>>) src(%dma_wait3A_188 : memref<10000x128xf32, #tpu.memory_space<hbm>>) dst(%arg11 : memref<128x128xf32, #tpu.memory_space<vmem>>)
      %add3A_189 = arith.constant 7 : i32
      %add3A_190 = arith.addi %mul3A_15, %add3A_189 : i32
      %mul3A_191 = arith.constant 32 : i32
      %mul3A_192 = arith.muli %add3A_190, %mul3A_191 : i32
      %add3A_193 = arith.addi %mul3A_192, %add3A : i32
      %mul3A_194 = arith.constant 128 : i32
      %mul3A_195 = arith.muli %add3A_193, %mul3A_194 : i32
      "tpu.region"() ({
        %run_scoped3A = tpu.sem_alloc : memref<!tpu.dma_semaphore, #tpu.memory_space<semaphore_mem>>
        %dma_start3A_228 = tpu.memref_slice %arg4[%mul3A_195] : memref<327680xi32, #tpu.memory_space<hbm>> -> memref<128xi32, #tpu.memory_space<hbm>>
        %dma_start3A_229 = tpu.memref_slice %arg4[%mul3A_195] : memref<327680xi32, #tpu.memory_space<hbm>> -> memref<128xi32, #tpu.memory_space<hbm>>
        tpu.enqueue_dma source(%dma_start3A_229 : memref<128xi32, #tpu.memory_space<hbm>>) target(%arg7 : memref<128xi32, #tpu.memory_space<vmem>>) target_semaphore(%run_scoped3A : memref<!tpu.dma_semaphore, #tpu.memory_space<semaphore_mem>>)
        %dma_wait3A_230 = tpu.memref_slice %arg4[%mul3A_195] : memref<327680xi32, #tpu.memory_space<hbm>> -> memref<128xi32, #tpu.memory_space<hbm>>
        %dma_wait3A_231 = tpu.memref_slice %arg4[%mul3A_195] : memref<327680xi32, #tpu.memory_space<hbm>> -> memref<128xi32, #tpu.memory_space<hbm>>
        tpu.wait_dma2 semaphore(%run_scoped3A : memref<!tpu.dma_semaphore, #tpu.memory_space<semaphore_mem>>) src(%dma_wait3A_231 : memref<128xi32, #tpu.memory_space<hbm>>) dst(%arg7 : memref<128xi32, #tpu.memory_space<vmem>>)
        tpu.yield
      }) : () -> ()
      "tpu.region"() ({
        %run_scoped3A = tpu.sem_alloc : memref<!tpu.dma_semaphore, #tpu.memory_space<semaphore_mem>>
        %dma_start3A_228 = arith.constant 0 : i32
        %dma_start3A_229 = arith.constant 0 : i32
        %dma_start3A_230 = tpu.memref_slice %arg12[%dma_start3A_228, %dma_start3A_229] : memref<10240x128xf32, #tpu.memory_space<vmem_shared>> -> memref<10240x128xf32, #tpu.memory_space<vmem_shared>>
        tpu.enqueue_indirect_dma source(%arg11 : memref<128x128xf32, #tpu.memory_space<vmem>>) target(%dma_start3A_230 : memref<10240x128xf32, #tpu.memory_space<vmem_shared>>) offsets(%arg7 : memref<128xi32, #tpu.memory_space<vmem>>) semaphore(%run_scoped3A : memref<!tpu.dma_semaphore, #tpu.memory_space<semaphore_mem>>) {add = true}
        %dma_wait3A_231 = arith.constant 0 : i32
        %dma_wait3A_232 = arith.constant 0 : i32
        %dma_wait3A_233 = tpu.memref_slice %arg12[%dma_wait3A_231, %dma_wait3A_232] : memref<10240x128xf32, #tpu.memory_space<vmem_shared>> -> memref<10240x128xf32, #tpu.memory_space<vmem_shared>>
        tpu.wait_indirect_dma semaphore(%run_scoped3A : memref<!tpu.dma_semaphore, #tpu.memory_space<semaphore_mem>>) src(%arg11 : memref<128x128xf32, #tpu.memory_space<vmem>>) dst(%dma_wait3A_233 : memref<10240x128xf32, #tpu.memory_space<vmem_shared>>)
        tpu.yield
      }) : () -> ()
      %add3A_196 = arith.constant 7 : i32
      %add3A_197 = arith.addi %mul3A_15, %add3A_196 : i32
      %add3A_198 = arith.constant 2 : i32
      %add3A_199 = arith.addi %add3A_197, %add3A_198 : i32
      %mul3A_200 = arith.constant 32 : i32
      %mul3A_201 = arith.muli %add3A_199, %mul3A_200 : i32
      %add3A_202 = arith.addi %mul3A_201, %add3A : i32
      %mul3A_203 = arith.constant 128 : i32
      %mul3A_204 = arith.muli %add3A_202, %mul3A_203 : i32
      "tpu.region"() ({
        %run_scoped3A = tpu.sem_alloc : memref<!tpu.dma_semaphore, #tpu.memory_space<semaphore_mem>>
        %dma_start3A_228 = tpu.memref_slice %arg3[%mul3A_204] : memref<327680xi32, #tpu.memory_space<hbm>> -> memref<128xi32, #tpu.memory_space<hbm>>
        %dma_start3A_229 = tpu.memref_slice %arg3[%mul3A_204] : memref<327680xi32, #tpu.memory_space<hbm>> -> memref<128xi32, #tpu.memory_space<hbm>>
        tpu.enqueue_dma source(%dma_start3A_229 : memref<128xi32, #tpu.memory_space<hbm>>) target(%arg9 : memref<128xi32, #tpu.memory_space<vmem>>) target_semaphore(%run_scoped3A : memref<!tpu.dma_semaphore, #tpu.memory_space<semaphore_mem>>)
        %dma_wait3A_230 = tpu.memref_slice %arg3[%mul3A_204] : memref<327680xi32, #tpu.memory_space<hbm>> -> memref<128xi32, #tpu.memory_space<hbm>>
        %dma_wait3A_231 = tpu.memref_slice %arg3[%mul3A_204] : memref<327680xi32, #tpu.memory_space<hbm>> -> memref<128xi32, #tpu.memory_space<hbm>>
        tpu.wait_dma2 semaphore(%run_scoped3A : memref<!tpu.dma_semaphore, #tpu.memory_space<semaphore_mem>>) src(%dma_wait3A_231 : memref<128xi32, #tpu.memory_space<hbm>>) dst(%arg9 : memref<128xi32, #tpu.memory_space<vmem>>)
        tpu.yield
      }) : () -> ()
      %dma_start3A_205 = arith.constant 0 : i32
      %dma_start3A_206 = arith.constant 0 : i32
      %dma_start3A_207 = tpu.memref_slice %arg2[%dma_start3A_205, %dma_start3A_206] : memref<10000x128xf32, #tpu.memory_space<hbm>> -> memref<10000x128xf32, #tpu.memory_space<hbm>>
      tpu.enqueue_indirect_dma source(%dma_start3A_207 : memref<10000x128xf32, #tpu.memory_space<hbm>>) target(%arg11 : memref<128x128xf32, #tpu.memory_space<vmem>>) offsets(%arg9 : memref<128xi32, #tpu.memory_space<vmem>>) semaphore(%arg14 : memref<!tpu.dma_semaphore, #tpu.memory_space<semaphore_mem>>)
      %dma_wait3A_208 = arith.constant 0 : i32
      %dma_wait3A_209 = arith.constant 0 : i32
      %dma_wait3A_210 = tpu.memref_slice %arg2[%dma_wait3A_208, %dma_wait3A_209] : memref<10000x128xf32, #tpu.memory_space<hbm>> -> memref<10000x128xf32, #tpu.memory_space<hbm>>
      tpu.wait_indirect_dma semaphore(%arg13 : memref<!tpu.dma_semaphore, #tpu.memory_space<semaphore_mem>>) src(%dma_wait3A_210 : memref<10000x128xf32, #tpu.memory_space<hbm>>) dst(%arg10 : memref<128x128xf32, #tpu.memory_space<vmem>>)
      %add3A_211 = arith.constant 8 : i32
      %add3A_212 = arith.addi %mul3A_15, %add3A_211 : i32
      %mul3A_213 = arith.constant 32 : i32
      %mul3A_214 = arith.muli %add3A_212, %mul3A_213 : i32
      %add3A_215 = arith.addi %mul3A_214, %add3A : i32
      %mul3A_216 = arith.constant 128 : i32
      %mul3A_217 = arith.muli %add3A_215, %mul3A_216 : i32
      "tpu.region"() ({
        %run_scoped3A = tpu.sem_alloc : memref<!tpu.dma_semaphore, #tpu.memory_space<semaphore_mem>>
        %dma_start3A_228 = tpu.memref_slice %arg4[%mul3A_217] : memref<327680xi32, #tpu.memory_space<hbm>> -> memref<128xi32, #tpu.memory_space<hbm>>
        %dma_start3A_229 = tpu.memref_slice %arg4[%mul3A_217] : memref<327680xi32, #tpu.memory_space<hbm>> -> memref<128xi32, #tpu.memory_space<hbm>>
        tpu.enqueue_dma source(%dma_start3A_229 : memref<128xi32, #tpu.memory_space<hbm>>) target(%arg7 : memref<128xi32, #tpu.memory_space<vmem>>) target_semaphore(%run_scoped3A : memref<!tpu.dma_semaphore, #tpu.memory_space<semaphore_mem>>)
        %dma_wait3A_230 = tpu.memref_slice %arg4[%mul3A_217] : memref<327680xi32, #tpu.memory_space<hbm>> -> memref<128xi32, #tpu.memory_space<hbm>>
        %dma_wait3A_231 = tpu.memref_slice %arg4[%mul3A_217] : memref<327680xi32, #tpu.memory_space<hbm>> -> memref<128xi32, #tpu.memory_space<hbm>>
        tpu.wait_dma2 semaphore(%run_scoped3A : memref<!tpu.dma_semaphore, #tpu.memory_space<semaphore_mem>>) src(%dma_wait3A_231 : memref<128xi32, #tpu.memory_space<hbm>>) dst(%arg7 : memref<128xi32, #tpu.memory_space<vmem>>)
        tpu.yield
      }) : () -> ()
      "tpu.region"() ({
        %run_scoped3A = tpu.sem_alloc : memref<!tpu.dma_semaphore, #tpu.memory_space<semaphore_mem>>
        %dma_start3A_228 = arith.constant 0 : i32
        %dma_start3A_229 = arith.constant 0 : i32
        %dma_start3A_230 = tpu.memref_slice %arg12[%dma_start3A_228, %dma_start3A_229] : memref<10240x128xf32, #tpu.memory_space<vmem_shared>> -> memref<10240x128xf32, #tpu.memory_space<vmem_shared>>
        tpu.enqueue_indirect_dma source(%arg10 : memref<128x128xf32, #tpu.memory_space<vmem>>) target(%dma_start3A_230 : memref<10240x128xf32, #tpu.memory_space<vmem_shared>>) offsets(%arg7 : memref<128xi32, #tpu.memory_space<vmem>>) semaphore(%run_scoped3A : memref<!tpu.dma_semaphore, #tpu.memory_space<semaphore_mem>>) {add = true}
        %dma_wait3A_231 = arith.constant 0 : i32
        %dma_wait3A_232 = arith.constant 0 : i32
        %dma_wait3A_233 = tpu.memref_slice %arg12[%dma_wait3A_231, %dma_wait3A_232] : memref<10240x128xf32, #tpu.memory_space<vmem_shared>> -> memref<10240x128xf32, #tpu.memory_space<vmem_shared>>
        tpu.wait_indirect_dma semaphore(%run_scoped3A : memref<!tpu.dma_semaphore, #tpu.memory_space<semaphore_mem>>) src(%arg10 : memref<128x128xf32, #tpu.memory_space<vmem>>) dst(%dma_wait3A_233 : memref<10240x128xf32, #tpu.memory_space<vmem_shared>>)
        tpu.yield
      }) : () -> ()
      %dma_wait3A_218 = arith.constant 0 : i32
      %dma_wait3A_219 = arith.constant 0 : i32
      %dma_wait3A_220 = tpu.memref_slice %arg2[%dma_wait3A_218, %dma_wait3A_219] : memref<10000x128xf32, #tpu.memory_space<hbm>> -> memref<10000x128xf32, #tpu.memory_space<hbm>>
      tpu.wait_indirect_dma semaphore(%arg14 : memref<!tpu.dma_semaphore, #tpu.memory_space<semaphore_mem>>) src(%dma_wait3A_220 : memref<10000x128xf32, #tpu.memory_space<hbm>>) dst(%arg11 : memref<128x128xf32, #tpu.memory_space<vmem>>)
      %add3A_221 = arith.constant 9 : i32
      %add3A_222 = arith.addi %mul3A_15, %add3A_221 : i32
      %mul3A_223 = arith.constant 32 : i32
      %mul3A_224 = arith.muli %add3A_222, %mul3A_223 : i32
      %add3A_225 = arith.addi %mul3A_224, %add3A : i32
      %mul3A_226 = arith.constant 128 : i32
      %mul3A_227 = arith.muli %add3A_225, %mul3A_226 : i32
      "tpu.region"() ({
        %run_scoped3A = tpu.sem_alloc : memref<!tpu.dma_semaphore, #tpu.memory_space<semaphore_mem>>
        %dma_start3A_228 = tpu.memref_slice %arg4[%mul3A_227] : memref<327680xi32, #tpu.memory_space<hbm>> -> memref<128xi32, #tpu.memory_space<hbm>>
        %dma_start3A_229 = tpu.memref_slice %arg4[%mul3A_227] : memref<327680xi32, #tpu.memory_space<hbm>> -> memref<128xi32, #tpu.memory_space<hbm>>
        tpu.enqueue_dma source(%dma_start3A_229 : memref<128xi32, #tpu.memory_space<hbm>>) target(%arg7 : memref<128xi32, #tpu.memory_space<vmem>>) target_semaphore(%run_scoped3A : memref<!tpu.dma_semaphore, #tpu.memory_space<semaphore_mem>>)
        %dma_wait3A_230 = tpu.memref_slice %arg4[%mul3A_227] : memref<327680xi32, #tpu.memory_space<hbm>> -> memref<128xi32, #tpu.memory_space<hbm>>
        %dma_wait3A_231 = tpu.memref_slice %arg4[%mul3A_227] : memref<327680xi32, #tpu.memory_space<hbm>> -> memref<128xi32, #tpu.memory_space<hbm>>
        tpu.wait_dma2 semaphore(%run_scoped3A : memref<!tpu.dma_semaphore, #tpu.memory_space<semaphore_mem>>) src(%dma_wait3A_231 : memref<128xi32, #tpu.memory_space<hbm>>) dst(%arg7 : memref<128xi32, #tpu.memory_space<vmem>>)
        tpu.yield
      }) : () -> ()
      "tpu.region"() ({
        %run_scoped3A = tpu.sem_alloc : memref<!tpu.dma_semaphore, #tpu.memory_space<semaphore_mem>>
        %dma_start3A_228 = arith.constant 0 : i32
        %dma_start3A_229 = arith.constant 0 : i32
        %dma_start3A_230 = tpu.memref_slice %arg12[%dma_start3A_228, %dma_start3A_229] : memref<10240x128xf32, #tpu.memory_space<vmem_shared>> -> memref<10240x128xf32, #tpu.memory_space<vmem_shared>>
        tpu.enqueue_indirect_dma source(%arg11 : memref<128x128xf32, #tpu.memory_space<vmem>>) target(%dma_start3A_230 : memref<10240x128xf32, #tpu.memory_space<vmem_shared>>) offsets(%arg7 : memref<128xi32, #tpu.memory_space<vmem>>) semaphore(%run_scoped3A : memref<!tpu.dma_semaphore, #tpu.memory_space<semaphore_mem>>) {add = true}
        %dma_wait3A_231 = arith.constant 0 : i32
        %dma_wait3A_232 = arith.constant 0 : i32
        %dma_wait3A_233 = tpu.memref_slice %arg12[%dma_wait3A_231, %dma_wait3A_232] : memref<10240x128xf32, #tpu.memory_space<vmem_shared>> -> memref<10240x128xf32, #tpu.memory_space<vmem_shared>>
        tpu.wait_indirect_dma semaphore(%run_scoped3A : memref<!tpu.dma_semaphore, #tpu.memory_space<semaphore_mem>>) src(%arg11 : memref<128x128xf32, #tpu.memory_space<vmem>>) dst(%dma_wait3A_233 : memref<10240x128xf32, #tpu.memory_space<vmem_shared>>)
        tpu.yield
      }) : () -> ()
    }
    %scan3A_7 = arith.constant 8 : i32
    %barrier3A_8 = arith.constant 0 : index
    tpu.barrier barrier_id(%barrier3A_8)
    %mul3A_9 = arith.constant 624 : i32
    %mul3A_10 = arith.muli %arg1, %mul3A_9 : i32
    "tpu.region"() ({
      %run_scoped3A = tpu.sem_alloc : memref<!tpu.dma_semaphore, #tpu.memory_space<semaphore_mem>>
      %dma_start3A = arith.constant 0 : i32
      %dma_start3A_13 = tpu.memref_slice %arg6[%arg0, %mul3A_10, %dma_start3A] : memref<2x10000x128xf32, #tpu.memory_space<hbm>> -> memref<1x624x128xf32, #tpu.memory_space<hbm>>
      %dma_start3A_14 = tpu.memref_squeeze %dma_start3A_13 : memref<1x624x128xf32, #tpu.memory_space<hbm>> -> memref<624x128xf32, #tpu.memory_space<hbm>>
      %dma_start3A_15 = arith.constant 0 : i32
      %dma_start3A_16 = tpu.memref_slice %arg12[%mul3A_10, %dma_start3A_15] : memref<10240x128xf32, #tpu.memory_space<vmem_shared>> -> memref<624x128xf32, #tpu.memory_space<vmem_shared>>
      tpu.enqueue_dma source(%dma_start3A_16 : memref<624x128xf32, #tpu.memory_space<vmem_shared>>) target(%dma_start3A_14 : memref<624x128xf32, #tpu.memory_space<hbm>>) target_semaphore(%run_scoped3A : memref<!tpu.dma_semaphore, #tpu.memory_space<semaphore_mem>>)
      %dma_wait3A = arith.constant 0 : i32
      %dma_wait3A_17 = tpu.memref_slice %arg6[%arg0, %mul3A_10, %dma_wait3A] : memref<2x10000x128xf32, #tpu.memory_space<hbm>> -> memref<1x624x128xf32, #tpu.memory_space<hbm>>
      %dma_wait3A_18 = tpu.memref_squeeze %dma_wait3A_17 : memref<1x624x128xf32, #tpu.memory_space<hbm>> -> memref<624x128xf32, #tpu.memory_space<hbm>>
      %dma_wait3A_19 = arith.constant 0 : i32
      %dma_wait3A_20 = tpu.memref_slice %arg12[%mul3A_10, %dma_wait3A_19] : memref<10240x128xf32, #tpu.memory_space<vmem_shared>> -> memref<624x128xf32, #tpu.memory_space<vmem_shared>>
      tpu.wait_dma2 semaphore(%run_scoped3A : memref<!tpu.dma_semaphore, #tpu.memory_space<semaphore_mem>>) src(%dma_wait3A_20 : memref<624x128xf32, #tpu.memory_space<vmem_shared>>) dst(%dma_wait3A_18 : memref<624x128xf32, #tpu.memory_space<hbm>>)
      tpu.yield
    }) : () -> ()
    %eq3A = arith.constant 15 : i32
    %eq3A_11 = arith.cmpi eq, %arg1, %eq3A : i32
    %convert_element_type3A = arith.extui %eq3A_11 : i1 to i32
    %cond3A = arith.constant 0 : i32
    %cond3A_12 = arith.cmpi ne, %convert_element_type3A, %cond3A : i32
    scf.if %cond3A_12 {
      "tpu.region"() ({
        %run_scoped3A = tpu.sem_alloc : memref<!tpu.dma_semaphore, #tpu.memory_space<semaphore_mem>>
        %dma_start3A = arith.constant 9984 : i32
        %dma_start3A_13 = arith.constant 0 : i32
        %dma_start3A_14 = tpu.memref_slice %arg6[%arg0, %dma_start3A, %dma_start3A_13] : memref<2x10000x128xf32, #tpu.memory_space<hbm>> -> memref<1x16x128xf32, #tpu.memory_space<hbm>>
        %dma_start3A_15 = tpu.memref_squeeze %dma_start3A_14 : memref<1x16x128xf32, #tpu.memory_space<hbm>> -> memref<16x128xf32, #tpu.memory_space<hbm>>
        %dma_start3A_16 = arith.constant 9984 : i32
        %dma_start3A_17 = arith.constant 0 : i32
        %dma_start3A_18 = tpu.memref_slice %arg12[%dma_start3A_16, %dma_start3A_17] : memref<10240x128xf32, #tpu.memory_space<vmem_shared>> -> memref<16x128xf32, #tpu.memory_space<vmem_shared>>
        tpu.enqueue_dma source(%dma_start3A_18 : memref<16x128xf32, #tpu.memory_space<vmem_shared>>) target(%dma_start3A_15 : memref<16x128xf32, #tpu.memory_space<hbm>>) target_semaphore(%run_scoped3A : memref<!tpu.dma_semaphore, #tpu.memory_space<semaphore_mem>>)
        %dma_wait3A = arith.constant 9984 : i32
        %dma_wait3A_19 = arith.constant 0 : i32
        %dma_wait3A_20 = tpu.memref_slice %arg6[%arg0, %dma_wait3A, %dma_wait3A_19] : memref<2x10000x128xf32, #tpu.memory_space<hbm>> -> memref<1x16x128xf32, #tpu.memory_space<hbm>>
        %dma_wait3A_21 = tpu.memref_squeeze %dma_wait3A_20 : memref<1x16x128xf32, #tpu.memory_space<hbm>> -> memref<16x128xf32, #tpu.memory_space<hbm>>
        %dma_wait3A_22 = arith.constant 9984 : i32
        %dma_wait3A_23 = arith.constant 0 : i32
        %dma_wait3A_24 = tpu.memref_slice %arg12[%dma_wait3A_22, %dma_wait3A_23] : memref<10240x128xf32, #tpu.memory_space<vmem_shared>> -> memref<16x128xf32, #tpu.memory_space<vmem_shared>>
        tpu.wait_dma2 semaphore(%run_scoped3A : memref<!tpu.dma_semaphore, #tpu.memory_space<semaphore_mem>>) src(%dma_wait3A_24 : memref<16x128xf32, #tpu.memory_space<vmem_shared>>) dst(%dma_wait3A_21 : memref<16x128xf32, #tpu.memory_space<hbm>>)
        tpu.yield
      }) : () -> ()
    } else {
    }
    return
  }
}

#map = affine_map<(d0, d1) -> (0, 0)>
#map1 = affine_map<(d0, d1) -> (0)>
#map2 = affine_map<(d0, d1) -> (0, 0, 0)>
module attributes {stable_mosaic.version = 14 : i64} {
  func.func @_spmm_kernel(%arg0: i32, %arg1: i32, %arg2: memref<10000x128xf32, #tpu.memory_space<hbm>>, %arg3: memref<327680xi32, #tpu.memory_space<hbm>>, %arg4: memref<327680xi32, #tpu.memory_space<hbm>>, %arg5: memref<10240x128xf32, #tpu.memory_space<hbm>>, %arg6: memref<2x10000x128xf32, #tpu.memory_space<hbm>>, %arg7: memref<128xi32, #tpu.memory_space<vmem>>, %arg8: memref<128xi32, #tpu.memory_space<vmem>>, %arg9: memref<128xi32, #tpu.memory_space<vmem>>, %arg10: memref<128x128xf32, #tpu.memory_space<vmem>>, %arg11: memref<128x128xf32, #tpu.memory_space<vmem>>, %arg12: memref<10240x128xf32, #tpu.memory_space<vmem_shared>>, %arg13: memref<!tpu.dma_semaphore, #tpu.memory_space<semaphore_mem>>, %arg14: memref<!tpu.dma_semaphore, #tpu.memory_space<semaphore_mem>>) attributes {dimension_semantics = [#tpu.dimension_semantics<core_parallel>, #tpu.dimension_semantics<subcore_parallel>], iteration_bounds = array<i64: 2, 16>, scalar_prefetch = 0 : i64, scratch_operands = 8 : i64, tpu.core_type = #tpu.core_type<sc_vector_subcore>, window_params = [{transform_indices = #map}, {transform_indices = #map1}, {transform_indices = #map1}, {transform_indices = #map}, {transform_indices = #map2}]} {
    %mul3A = arith.constant 2 : i32
    %mul3A_0 = arith.muli %arg1, %mul3A : i32
    %add3A = arith.addi %mul3A_0, %arg0 : i32
    %mul3A_1 = arith.constant 640 : i32
    %mul3A_2 = arith.muli %arg1, %mul3A_1 : i32
    "tpu.region"() ({
      %run_scoped3A = tpu.sem_alloc : memref<!tpu.dma_semaphore, #tpu.memory_space<semaphore_mem>>
      %dma_start3A = arith.constant 0 : i32
      %dma_start3A_13 = tpu.memref_slice %arg12[%mul3A_2, %dma_start3A] : memref<10240x128xf32, #tpu.memory_space<vmem_shared>> -> memref<640x128xf32, #tpu.memory_space<vmem_shared>>
      %dma_start3A_14 = arith.constant 0 : i32
      %dma_start3A_15 = tpu.memref_slice %arg5[%mul3A_2, %dma_start3A_14] : memref<10240x128xf32, #tpu.memory_space<hbm>> -> memref<640x128xf32, #tpu.memory_space<hbm>>
      tpu.enqueue_dma source(%dma_start3A_15 : memref<640x128xf32, #tpu.memory_space<hbm>>) target(%dma_start3A_13 : memref<640x128xf32, #tpu.memory_space<vmem_shared>>) target_semaphore(%run_scoped3A : memref<!tpu.dma_semaphore, #tpu.memory_space<semaphore_mem>>)
      %dma_wait3A = arith.constant 0 : i32
      %dma_wait3A_16 = tpu.memref_slice %arg12[%mul3A_2, %dma_wait3A] : memref<10240x128xf32, #tpu.memory_space<vmem_shared>> -> memref<640x128xf32, #tpu.memory_space<vmem_shared>>
      %dma_wait3A_17 = arith.constant 0 : i32
      %dma_wait3A_18 = tpu.memref_slice %arg5[%mul3A_2, %dma_wait3A_17] : memref<10240x128xf32, #tpu.memory_space<hbm>> -> memref<640x128xf32, #tpu.memory_space<hbm>>
      tpu.wait_dma2 semaphore(%run_scoped3A : memref<!tpu.dma_semaphore, #tpu.memory_space<semaphore_mem>>) src(%dma_wait3A_18 : memref<640x128xf32, #tpu.memory_space<hbm>>) dst(%dma_wait3A_16 : memref<640x128xf32, #tpu.memory_space<vmem_shared>>)
      tpu.yield
    }) : () -> ()
    %barrier3A = arith.constant 0 : index
    tpu.barrier barrier_id(%barrier3A)
    %scan3A = arith.constant 0 : i32
    %scan3A_3 = arith.constant 0 : i32
    %scan3A_4 = arith.constant 8 : i32
    %scan3A_5 = arith.addi %scan3A_3, %scan3A_4 : i32
    %scan3A_6 = arith.constant 1 : i32
    scf.for %scan3A_13 = %scan3A_3 to %scan3A_5 step %scan3A_6  : i32 {
      %mul3A_14 = arith.constant 10 : i32
      %mul3A_15 = arith.muli %scan3A_13, %mul3A_14 : i32
      %mul3A_16 = arith.constant 32 : i32
      %mul3A_17 = arith.muli %mul3A_15, %mul3A_16 : i32
      %add3A_18 = arith.addi %mul3A_17, %add3A : i32
      %mul3A_19 = arith.constant 128 : i32
      %mul3A_20 = arith.muli %add3A_18, %mul3A_19 : i32
      "tpu.region"() ({
        %run_scoped3A = tpu.sem_alloc : memref<!tpu.dma_semaphore, #tpu.memory_space<semaphore_mem>>
        %dma_start3A_228 = tpu.memref_slice %arg3[%mul3A_20] : memref<327680xi32, #tpu.memory_space<hbm>> -> memref<128xi32, #tpu.memory_space<hbm>>
        %dma_start3A_229 = tpu.memref_slice %arg3[%mul3A_20] : memref<327680xi32, #tpu.memory_space<hbm>> -> memref<128xi32, #tpu.memory_space<hbm>>
        tpu.enqueue_dma source(%dma_start3A_229 : memref<128xi32, #tpu.memory_space<hbm>>) target(%arg8 : memref<128xi32, #tpu.memory_space<vmem>>) target_semaphore(%run_scoped3A : memref<!tpu.dma_semaphore, #tpu.memory_space<semaphore_mem>>)
        %dma_wait3A_230 = tpu.memref_slice %arg3[%mul3A_20] : memref<327680xi32, #tpu.memory_space<hbm>> -> memref<128xi32, #tpu.memory_space<hbm>>
        %dma_wait3A_231 = tpu.memref_slice %arg3[%mul3A_20] : memref<327680xi32, #tpu.memory_space<hbm>> -> memref<128xi32, #tpu.memory_space<hbm>>
        tpu.wait_dma2 semaphore(%run_scoped3A : memref<!tpu.dma_semaphore, #tpu.memory_space<semaphore_mem>>) src(%dma_wait3A_231 : memref<128xi32, #tpu.memory_space<hbm>>) dst(%arg8 : memref<128xi32, #tpu.memory_space<vmem>>)
        tpu.yield
      }) : () -> ()
      %dma_start3A = arith.constant 0 : i32
      %dma_start3A_21 = arith.constant 0 : i32
      %dma_start3A_22 = tpu.memref_slice %arg2[%dma_start3A, %dma_start3A_21] : memref<10000x128xf32, #tpu.memory_space<hbm>> -> memref<10000x128xf32, #tpu.memory_space<hbm>>
      tpu.enqueue_indirect_dma source(%dma_start3A_22 : memref<10000x128xf32, #tpu.memory_space<hbm>>) target(%arg10 : memref<128x128xf32, #tpu.memory_space<vmem>>) offsets(%arg8 : memref<128xi32, #tpu.memory_space<vmem>>) semaphore(%arg13 : memref<!tpu.dma_semaphore, #tpu.memory_space<semaphore_mem>>)
      %add3A_23 = arith.constant 1 : i32
      %add3A_24 = arith.addi %mul3A_15, %add3A_23 : i32
      %mul3A_25 = arith.constant 32 : i32
      %mul3A_26 = arith.muli %add3A_24, %mul3A_25 : i32
      %add3A_27 = arith.addi %mul3A_26, %add3A : i32
      %mul3A_28 = arith.constant 128 : i32
      %mul3A_29 = arith.muli %add3A_27, %mul3A_28 : i32
      "tpu.region"() ({
        %run_scoped3A = tpu.sem_alloc : memref<!tpu.dma_semaphore, #tpu.memory_space<semaphore_mem>>
        %dma_start3A_228 = tpu.memref_slice %arg3[%mul3A_29] : memref<327680xi32, #tpu.memory_space<hbm>> -> memref<128xi32, #tpu.memory_space<hbm>>
        %dma_start3A_229 = tpu.memref_slice %arg3[%mul3A_29] : memref<327680xi32, #tpu.memory_space<hbm>> -> memref<128xi32, #tpu.memory_space<hbm>>
        tpu.enqueue_dma source(%dma_start3A_229 : memref<128xi32, #tpu.memory_space<hbm>>) target(%arg9 : memref<128xi32, #tpu.memory_space<vmem>>) target_semaphore(%run_scoped3A : memref<!tpu.dma_semaphore, #tpu.memory_space<semaphore_mem>>)
        %dma_wait3A_230 = tpu.memref_slice %arg3[%mul3A_29] : memref<327680xi32, #tpu.memory_space<hbm>> -> memref<128xi32, #tpu.memory_space<hbm>>
        %dma_wait3A_231 = tpu.memref_slice %arg3[%mul3A_29] : memref<327680xi32, #tpu.memory_space<hbm>> -> memref<128xi32, #tpu.memory_space<hbm>>
        tpu.wait_dma2 semaphore(%run_scoped3A : memref<!tpu.dma_semaphore, #tpu.memory_space<semaphore_mem>>) src(%dma_wait3A_231 : memref<128xi32, #tpu.memory_space<hbm>>) dst(%arg9 : memref<128xi32, #tpu.memory_space<vmem>>)
        tpu.yield
      }) : () -> ()
      %dma_start3A_30 = arith.constant 0 : i32
      %dma_start3A_31 = arith.constant 0 : i32
      %dma_start3A_32 = tpu.memref_slice %arg2[%dma_start3A_30, %dma_start3A_31] : memref<10000x128xf32, #tpu.memory_space<hbm>> -> memref<10000x128xf32, #tpu.memory_space<hbm>>
      tpu.enqueue_indirect_dma source(%dma_start3A_32 : memref<10000x128xf32, #tpu.memory_space<hbm>>) target(%arg11 : memref<128x128xf32, #tpu.memory_space<vmem>>) offsets(%arg9 : memref<128xi32, #tpu.memory_space<vmem>>) semaphore(%arg14 : memref<!tpu.dma_semaphore, #tpu.memory_space<semaphore_mem>>)
      %dma_wait3A = arith.constant 0 : i32
      %dma_wait3A_33 = arith.constant 0 : i32
      %dma_wait3A_34 = tpu.memref_slice %arg2[%dma_wait3A, %dma_wait3A_33] : memref<10000x128xf32, #tpu.memory_space<hbm>> -> memref<10000x128xf32, #tpu.memory_space<hbm>>
      tpu.wait_indirect_dma semaphore(%arg13 : memref<!tpu.dma_semaphore, #tpu.memory_space<semaphore_mem>>) src(%dma_wait3A_34 : memref<10000x128xf32, #tpu.memory_space<hbm>>) dst(%arg10 : memref<128x128xf32, #tpu.memory_space<vmem>>)
      %add3A_35 = arith.constant 0 : i32
      %add3A_36 = arith.addi %mul3A_15, %add3A_35 : i32
      %mul3A_37 = arith.constant 32 : i32
      %mul3A_38 = arith.muli %add3A_36, %mul3A_37 : i32
      %add3A_39 = arith.addi %mul3A_38, %add3A : i32
      %mul3A_40 = arith.constant 128 : i32
      %mul3A_41 = arith.muli %add3A_39, %mul3A_40 : i32
      "tpu.region"() ({
        %run_scoped3A = tpu.sem_alloc : memref<!tpu.dma_semaphore, #tpu.memory_space<semaphore_mem>>
        %dma_start3A_228 = tpu.memref_slice %arg4[%mul3A_41] : memref<327680xi32, #tpu.memory_space<hbm>> -> memref<128xi32, #tpu.memory_space<hbm>>
        %dma_start3A_229 = tpu.memref_slice %arg4[%mul3A_41] : memref<327680xi32, #tpu.memory_space<hbm>> -> memref<128xi32, #tpu.memory_space<hbm>>
        tpu.enqueue_dma source(%dma_start3A_229 : memref<128xi32, #tpu.memory_space<hbm>>) target(%arg7 : memref<128xi32, #tpu.memory_space<vmem>>) target_semaphore(%run_scoped3A : memref<!tpu.dma_semaphore, #tpu.memory_space<semaphore_mem>>)
        %dma_wait3A_230 = tpu.memref_slice %arg4[%mul3A_41] : memref<327680xi32, #tpu.memory_space<hbm>> -> memref<128xi32, #tpu.memory_space<hbm>>
        %dma_wait3A_231 = tpu.memref_slice %arg4[%mul3A_41] : memref<327680xi32, #tpu.memory_space<hbm>> -> memref<128xi32, #tpu.memory_space<hbm>>
        tpu.wait_dma2 semaphore(%run_scoped3A : memref<!tpu.dma_semaphore, #tpu.memory_space<semaphore_mem>>) src(%dma_wait3A_231 : memref<128xi32, #tpu.memory_space<hbm>>) dst(%arg7 : memref<128xi32, #tpu.memory_space<vmem>>)
        tpu.yield
      }) : () -> ()
      "tpu.region"() ({
        %run_scoped3A = tpu.sem_alloc : memref<!tpu.dma_semaphore, #tpu.memory_space<semaphore_mem>>
        %dma_start3A_228 = arith.constant 0 : i32
        %dma_start3A_229 = arith.constant 0 : i32
        %dma_start3A_230 = tpu.memref_slice %arg12[%dma_start3A_228, %dma_start3A_229] : memref<10240x128xf32, #tpu.memory_space<vmem_shared>> -> memref<10240x128xf32, #tpu.memory_space<vmem_shared>>
        tpu.enqueue_indirect_dma source(%arg10 : memref<128x128xf32, #tpu.memory_space<vmem>>) target(%dma_start3A_230 : memref<10240x128xf32, #tpu.memory_space<vmem_shared>>) offsets(%arg7 : memref<128xi32, #tpu.memory_space<vmem>>) semaphore(%run_scoped3A : memref<!tpu.dma_semaphore, #tpu.memory_space<semaphore_mem>>) {add = true}
        %dma_wait3A_231 = arith.constant 0 : i32
        %dma_wait3A_232 = arith.constant 0 : i32
        %dma_wait3A_233 = tpu.memref_slice %arg12[%dma_wait3A_231, %dma_wait3A_232] : memref<10240x128xf32, #tpu.memory_space<vmem_shared>> -> memref<10240x128xf32, #tpu.memory_space<vmem_shared>>
        tpu.wait_indirect_dma semaphore(%run_scoped3A : memref<!tpu.dma_semaphore, #tpu.memory_space<semaphore_mem>>) src(%arg10 : memref<128x128xf32, #tpu.memory_space<vmem>>) dst(%dma_wait3A_233 : memref<10240x128xf32, #tpu.memory_space<vmem_shared>>)
        tpu.yield
      }) : () -> ()
      %add3A_42 = arith.constant 0 : i32
      %add3A_43 = arith.addi %mul3A_15, %add3A_42 : i32
      %add3A_44 = arith.constant 2 : i32
      %add3A_45 = arith.addi %add3A_43, %add3A_44 : i32
      %mul3A_46 = arith.constant 32 : i32
      %mul3A_47 = arith.muli %add3A_45, %mul3A_46 : i32
      %add3A_48 = arith.addi %mul3A_47, %add3A : i32
      %mul3A_49 = arith.constant 128 : i32
      %mul3A_50 = arith.muli %add3A_48, %mul3A_49 : i32
      "tpu.region"() ({
        %run_scoped3A = tpu.sem_alloc : memref<!tpu.dma_semaphore, #tpu.memory_space<semaphore_mem>>
        %dma_start3A_228 = tpu.memref_slice %arg3[%mul3A_50] : memref<327680xi32, #tpu.memory_space<hbm>> -> memref<128xi32, #tpu.memory_space<hbm>>
        %dma_start3A_229 = tpu.memref_slice %arg3[%mul3A_50] : memref<327680xi32, #tpu.memory_space<hbm>> -> memref<128xi32, #tpu.memory_space<hbm>>
        tpu.enqueue_dma source(%dma_start3A_229 : memref<128xi32, #tpu.memory_space<hbm>>) target(%arg8 : memref<128xi32, #tpu.memory_space<vmem>>) target_semaphore(%run_scoped3A : memref<!tpu.dma_semaphore, #tpu.memory_space<semaphore_mem>>)
        %dma_wait3A_230 = tpu.memref_slice %arg3[%mul3A_50] : memref<327680xi32, #tpu.memory_space<hbm>> -> memref<128xi32, #tpu.memory_space<hbm>>
        %dma_wait3A_231 = tpu.memref_slice %arg3[%mul3A_50] : memref<327680xi32, #tpu.memory_space<hbm>> -> memref<128xi32, #tpu.memory_space<hbm>>
        tpu.wait_dma2 semaphore(%run_scoped3A : memref<!tpu.dma_semaphore, #tpu.memory_space<semaphore_mem>>) src(%dma_wait3A_231 : memref<128xi32, #tpu.memory_space<hbm>>) dst(%arg8 : memref<128xi32, #tpu.memory_space<vmem>>)
        tpu.yield
      }) : () -> ()
      %dma_start3A_51 = arith.constant 0 : i32
      %dma_start3A_52 = arith.constant 0 : i32
      %dma_start3A_53 = tpu.memref_slice %arg2[%dma_start3A_51, %dma_start3A_52] : memref<10000x128xf32, #tpu.memory_space<hbm>> -> memref<10000x128xf32, #tpu.memory_space<hbm>>
      tpu.enqueue_indirect_dma source(%dma_start3A_53 : memref<10000x128xf32, #tpu.memory_space<hbm>>) target(%arg10 : memref<128x128xf32, #tpu.memory_space<vmem>>) offsets(%arg8 : memref<128xi32, #tpu.memory_space<vmem>>) semaphore(%arg13 : memref<!tpu.dma_semaphore, #tpu.memory_space<semaphore_mem>>)
      %dma_wait3A_54 = arith.constant 0 : i32
      %dma_wait3A_55 = arith.constant 0 : i32
      %dma_wait3A_56 = tpu.memref_slice %arg2[%dma_wait3A_54, %dma_wait3A_55] : memref<10000x128xf32, #tpu.memory_space<hbm>> -> memref<10000x128xf32, #tpu.memory_space<hbm>>
      tpu.wait_indirect_dma semaphore(%arg14 : memref<!tpu.dma_semaphore, #tpu.memory_space<semaphore_mem>>) src(%dma_wait3A_56 : memref<10000x128xf32, #tpu.memory_space<hbm>>) dst(%arg11 : memref<128x128xf32, #tpu.memory_space<vmem>>)
      %add3A_57 = arith.constant 1 : i32
      %add3A_58 = arith.addi %mul3A_15, %add3A_57 : i32
      %mul3A_59 = arith.constant 32 : i32
      %mul3A_60 = arith.muli %add3A_58, %mul3A_59 : i32
      %add3A_61 = arith.addi %mul3A_60, %add3A : i32
      %mul3A_62 = arith.constant 128 : i32
      %mul3A_63 = arith.muli %add3A_61, %mul3A_62 : i32
      "tpu.region"() ({
        %run_scoped3A = tpu.sem_alloc : memref<!tpu.dma_semaphore, #tpu.memory_space<semaphore_mem>>
        %dma_start3A_228 = tpu.memref_slice %arg4[%mul3A_63] : memref<327680xi32, #tpu.memory_space<hbm>> -> memref<128xi32, #tpu.memory_space<hbm>>
        %dma_start3A_229 = tpu.memref_slice %arg4[%mul3A_63] : memref<327680xi32, #tpu.memory_space<hbm>> -> memref<128xi32, #tpu.memory_space<hbm>>
        tpu.enqueue_dma source(%dma_start3A_229 : memref<128xi32, #tpu.memory_space<hbm>>) target(%arg7 : memref<128xi32, #tpu.memory_space<vmem>>) target_semaphore(%run_scoped3A : memref<!tpu.dma_semaphore, #tpu.memory_space<semaphore_mem>>)
        %dma_wait3A_230 = tpu.memref_slice %arg4[%mul3A_63] : memref<327680xi32, #tpu.memory_space<hbm>> -> memref<128xi32, #tpu.memory_space<hbm>>
        %dma_wait3A_231 = tpu.memref_slice %arg4[%mul3A_63] : memref<327680xi32, #tpu.memory_space<hbm>> -> memref<128xi32, #tpu.memory_space<hbm>>
        tpu.wait_dma2 semaphore(%run_scoped3A : memref<!tpu.dma_semaphore, #tpu.memory_space<semaphore_mem>>) src(%dma_wait3A_231 : memref<128xi32, #tpu.memory_space<hbm>>) dst(%arg7 : memref<128xi32, #tpu.memory_space<vmem>>)
        tpu.yield
      }) : () -> ()
      "tpu.region"() ({
        %run_scoped3A = tpu.sem_alloc : memref<!tpu.dma_semaphore, #tpu.memory_space<semaphore_mem>>
        %dma_start3A_228 = arith.constant 0 : i32
        %dma_start3A_229 = arith.constant 0 : i32
        %dma_start3A_230 = tpu.memref_slice %arg12[%dma_start3A_228, %dma_start3A_229] : memref<10240x128xf32, #tpu.memory_space<vmem_shared>> -> memref<10240x128xf32, #tpu.memory_space<vmem_shared>>
        tpu.enqueue_indirect_dma source(%arg11 : memref<128x128xf32, #tpu.memory_space<vmem>>) target(%dma_start3A_230 : memref<10240x128xf32, #tpu.memory_space<vmem_shared>>) offsets(%arg7 : memref<128xi32, #tpu.memory_space<vmem>>) semaphore(%run_scoped3A : memref<!tpu.dma_semaphore, #tpu.memory_space<semaphore_mem>>) {add = true}
        %dma_wait3A_231 = arith.constant 0 : i32
        %dma_wait3A_232 = arith.constant 0 : i32
        %dma_wait3A_233 = tpu.memref_slice %arg12[%dma_wait3A_231, %dma_wait3A_232] : memref<10240x128xf32, #tpu.memory_space<vmem_shared>> -> memref<10240x128xf32, #tpu.memory_space<vmem_shared>>
        tpu.wait_indirect_dma semaphore(%run_scoped3A : memref<!tpu.dma_semaphore, #tpu.memory_space<semaphore_mem>>) src(%arg11 : memref<128x128xf32, #tpu.memory_space<vmem>>) dst(%dma_wait3A_233 : memref<10240x128xf32, #tpu.memory_space<vmem_shared>>)
        tpu.yield
      }) : () -> ()
      %add3A_64 = arith.constant 1 : i32
      %add3A_65 = arith.addi %mul3A_15, %add3A_64 : i32
      %add3A_66 = arith.constant 2 : i32
      %add3A_67 = arith.addi %add3A_65, %add3A_66 : i32
      %mul3A_68 = arith.constant 32 : i32
      %mul3A_69 = arith.muli %add3A_67, %mul3A_68 : i32
      %add3A_70 = arith.addi %mul3A_69, %add3A : i32
      %mul3A_71 = arith.constant 128 : i32
      %mul3A_72 = arith.muli %add3A_70, %mul3A_71 : i32
      "tpu.region"() ({
        %run_scoped3A = tpu.sem_alloc : memref<!tpu.dma_semaphore, #tpu.memory_space<semaphore_mem>>
        %dma_start3A_228 = tpu.memref_slice %arg3[%mul3A_72] : memref<327680xi32, #tpu.memory_space<hbm>> -> memref<128xi32, #tpu.memory_space<hbm>>
        %dma_start3A_229 = tpu.memref_slice %arg3[%mul3A_72] : memref<327680xi32, #tpu.memory_space<hbm>> -> memref<128xi32, #tpu.memory_space<hbm>>
        tpu.enqueue_dma source(%dma_start3A_229 : memref<128xi32, #tpu.memory_space<hbm>>) target(%arg9 : memref<128xi32, #tpu.memory_space<vmem>>) target_semaphore(%run_scoped3A : memref<!tpu.dma_semaphore, #tpu.memory_space<semaphore_mem>>)
        %dma_wait3A_230 = tpu.memref_slice %arg3[%mul3A_72] : memref<327680xi32, #tpu.memory_space<hbm>> -> memref<128xi32, #tpu.memory_space<hbm>>
        %dma_wait3A_231 = tpu.memref_slice %arg3[%mul3A_72] : memref<327680xi32, #tpu.memory_space<hbm>> -> memref<128xi32, #tpu.memory_space<hbm>>
        tpu.wait_dma2 semaphore(%run_scoped3A : memref<!tpu.dma_semaphore, #tpu.memory_space<semaphore_mem>>) src(%dma_wait3A_231 : memref<128xi32, #tpu.memory_space<hbm>>) dst(%arg9 : memref<128xi32, #tpu.memory_space<vmem>>)
        tpu.yield
      }) : () -> ()
      %dma_start3A_73 = arith.constant 0 : i32
      %dma_start3A_74 = arith.constant 0 : i32
      %dma_start3A_75 = tpu.memref_slice %arg2[%dma_start3A_73, %dma_start3A_74] : memref<10000x128xf32, #tpu.memory_space<hbm>> -> memref<10000x128xf32, #tpu.memory_space<hbm>>
      tpu.enqueue_indirect_dma source(%dma_start3A_75 : memref<10000x128xf32, #tpu.memory_space<hbm>>) target(%arg11 : memref<128x128xf32, #tpu.memory_space<vmem>>) offsets(%arg9 : memref<128xi32, #tpu.memory_space<vmem>>) semaphore(%arg14 : memref<!tpu.dma_semaphore, #tpu.memory_space<semaphore_mem>>)
      %dma_wait3A_76 = arith.constant 0 : i32
      %dma_wait3A_77 = arith.constant 0 : i32
      %dma_wait3A_78 = tpu.memref_slice %arg2[%dma_wait3A_76, %dma_wait3A_77] : memref<10000x128xf32, #tpu.memory_space<hbm>> -> memref<10000x128xf32, #tpu.memory_space<hbm>>
      tpu.wait_indirect_dma semaphore(%arg13 : memref<!tpu.dma_semaphore, #tpu.memory_space<semaphore_mem>>) src(%dma_wait3A_78 : memref<10000x128xf32, #tpu.memory_space<hbm>>) dst(%arg10 : memref<128x128xf32, #tpu.memory_space<vmem>>)
      %add3A_79 = arith.constant 2 : i32
      %add3A_80 = arith.addi %mul3A_15, %add3A_79 : i32
      %mul3A_81 = arith.constant 32 : i32
      %mul3A_82 = arith.muli %add3A_80, %mul3A_81 : i32
      %add3A_83 = arith.addi %mul3A_82, %add3A : i32
      %mul3A_84 = arith.constant 128 : i32
      %mul3A_85 = arith.muli %add3A_83, %mul3A_84 : i32
      "tpu.region"() ({
        %run_scoped3A = tpu.sem_alloc : memref<!tpu.dma_semaphore, #tpu.memory_space<semaphore_mem>>
        %dma_start3A_228 = tpu.memref_slice %arg4[%mul3A_85] : memref<327680xi32, #tpu.memory_space<hbm>> -> memref<128xi32, #tpu.memory_space<hbm>>
        %dma_start3A_229 = tpu.memref_slice %arg4[%mul3A_85] : memref<327680xi32, #tpu.memory_space<hbm>> -> memref<128xi32, #tpu.memory_space<hbm>>
        tpu.enqueue_dma source(%dma_start3A_229 : memref<128xi32, #tpu.memory_space<hbm>>) target(%arg7 : memref<128xi32, #tpu.memory_space<vmem>>) target_semaphore(%run_scoped3A : memref<!tpu.dma_semaphore, #tpu.memory_space<semaphore_mem>>)
        %dma_wait3A_230 = tpu.memref_slice %arg4[%mul3A_85] : memref<327680xi32, #tpu.memory_space<hbm>> -> memref<128xi32, #tpu.memory_space<hbm>>
        %dma_wait3A_231 = tpu.memref_slice %arg4[%mul3A_85] : memref<327680xi32, #tpu.memory_space<hbm>> -> memref<128xi32, #tpu.memory_space<hbm>>
        tpu.wait_dma2 semaphore(%run_scoped3A : memref<!tpu.dma_semaphore, #tpu.memory_space<semaphore_mem>>) src(%dma_wait3A_231 : memref<128xi32, #tpu.memory_space<hbm>>) dst(%arg7 : memref<128xi32, #tpu.memory_space<vmem>>)
        tpu.yield
      }) : () -> ()
      "tpu.region"() ({
        %run_scoped3A = tpu.sem_alloc : memref<!tpu.dma_semaphore, #tpu.memory_space<semaphore_mem>>
        %dma_start3A_228 = arith.constant 0 : i32
        %dma_start3A_229 = arith.constant 0 : i32
        %dma_start3A_230 = tpu.memref_slice %arg12[%dma_start3A_228, %dma_start3A_229] : memref<10240x128xf32, #tpu.memory_space<vmem_shared>> -> memref<10240x128xf32, #tpu.memory_space<vmem_shared>>
        tpu.enqueue_indirect_dma source(%arg10 : memref<128x128xf32, #tpu.memory_space<vmem>>) target(%dma_start3A_230 : memref<10240x128xf32, #tpu.memory_space<vmem_shared>>) offsets(%arg7 : memref<128xi32, #tpu.memory_space<vmem>>) semaphore(%run_scoped3A : memref<!tpu.dma_semaphore, #tpu.memory_space<semaphore_mem>>) {add = true}
        %dma_wait3A_231 = arith.constant 0 : i32
        %dma_wait3A_232 = arith.constant 0 : i32
        %dma_wait3A_233 = tpu.memref_slice %arg12[%dma_wait3A_231, %dma_wait3A_232] : memref<10240x128xf32, #tpu.memory_space<vmem_shared>> -> memref<10240x128xf32, #tpu.memory_space<vmem_shared>>
        tpu.wait_indirect_dma semaphore(%run_scoped3A : memref<!tpu.dma_semaphore, #tpu.memory_space<semaphore_mem>>) src(%arg10 : memref<128x128xf32, #tpu.memory_space<vmem>>) dst(%dma_wait3A_233 : memref<10240x128xf32, #tpu.memory_space<vmem_shared>>)
        tpu.yield
      }) : () -> ()
      %add3A_86 = arith.constant 2 : i32
      %add3A_87 = arith.addi %mul3A_15, %add3A_86 : i32
      %add3A_88 = arith.constant 2 : i32
      %add3A_89 = arith.addi %add3A_87, %add3A_88 : i32
      %mul3A_90 = arith.constant 32 : i32
      %mul3A_91 = arith.muli %add3A_89, %mul3A_90 : i32
      %add3A_92 = arith.addi %mul3A_91, %add3A : i32
      %mul3A_93 = arith.constant 128 : i32
      %mul3A_94 = arith.muli %add3A_92, %mul3A_93 : i32
      "tpu.region"() ({
        %run_scoped3A = tpu.sem_alloc : memref<!tpu.dma_semaphore, #tpu.memory_space<semaphore_mem>>
        %dma_start3A_228 = tpu.memref_slice %arg3[%mul3A_94] : memref<327680xi32, #tpu.memory_space<hbm>> -> memref<128xi32, #tpu.memory_space<hbm>>
        %dma_start3A_229 = tpu.memref_slice %arg3[%mul3A_94] : memref<327680xi32, #tpu.memory_space<hbm>> -> memref<128xi32, #tpu.memory_space<hbm>>
        tpu.enqueue_dma source(%dma_start3A_229 : memref<128xi32, #tpu.memory_space<hbm>>) target(%arg8 : memref<128xi32, #tpu.memory_space<vmem>>) target_semaphore(%run_scoped3A : memref<!tpu.dma_semaphore, #tpu.memory_space<semaphore_mem>>)
        %dma_wait3A_230 = tpu.memref_slice %arg3[%mul3A_94] : memref<327680xi32, #tpu.memory_space<hbm>> -> memref<128xi32, #tpu.memory_space<hbm>>
        %dma_wait3A_231 = tpu.memref_slice %arg3[%mul3A_94] : memref<327680xi32, #tpu.memory_space<hbm>> -> memref<128xi32, #tpu.memory_space<hbm>>
        tpu.wait_dma2 semaphore(%run_scoped3A : memref<!tpu.dma_semaphore, #tpu.memory_space<semaphore_mem>>) src(%dma_wait3A_231 : memref<128xi32, #tpu.memory_space<hbm>>) dst(%arg8 : memref<128xi32, #tpu.memory_space<vmem>>)
        tpu.yield
      }) : () -> ()
      %dma_start3A_95 = arith.constant 0 : i32
      %dma_start3A_96 = arith.constant 0 : i32
      %dma_start3A_97 = tpu.memref_slice %arg2[%dma_start3A_95, %dma_start3A_96] : memref<10000x128xf32, #tpu.memory_space<hbm>> -> memref<10000x128xf32, #tpu.memory_space<hbm>>
      tpu.enqueue_indirect_dma source(%dma_start3A_97 : memref<10000x128xf32, #tpu.memory_space<hbm>>) target(%arg10 : memref<128x128xf32, #tpu.memory_space<vmem>>) offsets(%arg8 : memref<128xi32, #tpu.memory_space<vmem>>) semaphore(%arg13 : memref<!tpu.dma_semaphore, #tpu.memory_space<semaphore_mem>>)
      %dma_wait3A_98 = arith.constant 0 : i32
      %dma_wait3A_99 = arith.constant 0 : i32
      %dma_wait3A_100 = tpu.memref_slice %arg2[%dma_wait3A_98, %dma_wait3A_99] : memref<10000x128xf32, #tpu.memory_space<hbm>> -> memref<10000x128xf32, #tpu.memory_space<hbm>>
      tpu.wait_indirect_dma semaphore(%arg14 : memref<!tpu.dma_semaphore, #tpu.memory_space<semaphore_mem>>) src(%dma_wait3A_100 : memref<10000x128xf32, #tpu.memory_space<hbm>>) dst(%arg11 : memref<128x128xf32, #tpu.memory_space<vmem>>)
      %add3A_101 = arith.constant 3 : i32
      %add3A_102 = arith.addi %mul3A_15, %add3A_101 : i32
      %mul3A_103 = arith.constant 32 : i32
      %mul3A_104 = arith.muli %add3A_102, %mul3A_103 : i32
      %add3A_105 = arith.addi %mul3A_104, %add3A : i32
      %mul3A_106 = arith.constant 128 : i32
      %mul3A_107 = arith.muli %add3A_105, %mul3A_106 : i32
      "tpu.region"() ({
        %run_scoped3A = tpu.sem_alloc : memref<!tpu.dma_semaphore, #tpu.memory_space<semaphore_mem>>
        %dma_start3A_228 = tpu.memref_slice %arg4[%mul3A_107] : memref<327680xi32, #tpu.memory_space<hbm>> -> memref<128xi32, #tpu.memory_space<hbm>>
        %dma_start3A_229 = tpu.memref_slice %arg4[%mul3A_107] : memref<327680xi32, #tpu.memory_space<hbm>> -> memref<128xi32, #tpu.memory_space<hbm>>
        tpu.enqueue_dma source(%dma_start3A_229 : memref<128xi32, #tpu.memory_space<hbm>>) target(%arg7 : memref<128xi32, #tpu.memory_space<vmem>>) target_semaphore(%run_scoped3A : memref<!tpu.dma_semaphore, #tpu.memory_space<semaphore_mem>>)
        %dma_wait3A_230 = tpu.memref_slice %arg4[%mul3A_107] : memref<327680xi32, #tpu.memory_space<hbm>> -> memref<128xi32, #tpu.memory_space<hbm>>
        %dma_wait3A_231 = tpu.memref_slice %arg4[%mul3A_107] : memref<327680xi32, #tpu.memory_space<hbm>> -> memref<128xi32, #tpu.memory_space<hbm>>
        tpu.wait_dma2 semaphore(%run_scoped3A : memref<!tpu.dma_semaphore, #tpu.memory_space<semaphore_mem>>) src(%dma_wait3A_231 : memref<128xi32, #tpu.memory_space<hbm>>) dst(%arg7 : memref<128xi32, #tpu.memory_space<vmem>>)
        tpu.yield
      }) : () -> ()
      "tpu.region"() ({
        %run_scoped3A = tpu.sem_alloc : memref<!tpu.dma_semaphore, #tpu.memory_space<semaphore_mem>>
        %dma_start3A_228 = arith.constant 0 : i32
        %dma_start3A_229 = arith.constant 0 : i32
        %dma_start3A_230 = tpu.memref_slice %arg12[%dma_start3A_228, %dma_start3A_229] : memref<10240x128xf32, #tpu.memory_space<vmem_shared>> -> memref<10240x128xf32, #tpu.memory_space<vmem_shared>>
        tpu.enqueue_indirect_dma source(%arg11 : memref<128x128xf32, #tpu.memory_space<vmem>>) target(%dma_start3A_230 : memref<10240x128xf32, #tpu.memory_space<vmem_shared>>) offsets(%arg7 : memref<128xi32, #tpu.memory_space<vmem>>) semaphore(%run_scoped3A : memref<!tpu.dma_semaphore, #tpu.memory_space<semaphore_mem>>) {add = true}
        %dma_wait3A_231 = arith.constant 0 : i32
        %dma_wait3A_232 = arith.constant 0 : i32
        %dma_wait3A_233 = tpu.memref_slice %arg12[%dma_wait3A_231, %dma_wait3A_232] : memref<10240x128xf32, #tpu.memory_space<vmem_shared>> -> memref<10240x128xf32, #tpu.memory_space<vmem_shared>>
        tpu.wait_indirect_dma semaphore(%run_scoped3A : memref<!tpu.dma_semaphore, #tpu.memory_space<semaphore_mem>>) src(%arg11 : memref<128x128xf32, #tpu.memory_space<vmem>>) dst(%dma_wait3A_233 : memref<10240x128xf32, #tpu.memory_space<vmem_shared>>)
        tpu.yield
      }) : () -> ()
      %add3A_108 = arith.constant 3 : i32
      %add3A_109 = arith.addi %mul3A_15, %add3A_108 : i32
      %add3A_110 = arith.constant 2 : i32
      %add3A_111 = arith.addi %add3A_109, %add3A_110 : i32
      %mul3A_112 = arith.constant 32 : i32
      %mul3A_113 = arith.muli %add3A_111, %mul3A_112 : i32
      %add3A_114 = arith.addi %mul3A_113, %add3A : i32
      %mul3A_115 = arith.constant 128 : i32
      %mul3A_116 = arith.muli %add3A_114, %mul3A_115 : i32
      "tpu.region"() ({
        %run_scoped3A = tpu.sem_alloc : memref<!tpu.dma_semaphore, #tpu.memory_space<semaphore_mem>>
        %dma_start3A_228 = tpu.memref_slice %arg3[%mul3A_116] : memref<327680xi32, #tpu.memory_space<hbm>> -> memref<128xi32, #tpu.memory_space<hbm>>
        %dma_start3A_229 = tpu.memref_slice %arg3[%mul3A_116] : memref<327680xi32, #tpu.memory_space<hbm>> -> memref<128xi32, #tpu.memory_space<hbm>>
        tpu.enqueue_dma source(%dma_start3A_229 : memref<128xi32, #tpu.memory_space<hbm>>) target(%arg9 : memref<128xi32, #tpu.memory_space<vmem>>) target_semaphore(%run_scoped3A : memref<!tpu.dma_semaphore, #tpu.memory_space<semaphore_mem>>)
        %dma_wait3A_230 = tpu.memref_slice %arg3[%mul3A_116] : memref<327680xi32, #tpu.memory_space<hbm>> -> memref<128xi32, #tpu.memory_space<hbm>>
        %dma_wait3A_231 = tpu.memref_slice %arg3[%mul3A_116] : memref<327680xi32, #tpu.memory_space<hbm>> -> memref<128xi32, #tpu.memory_space<hbm>>
        tpu.wait_dma2 semaphore(%run_scoped3A : memref<!tpu.dma_semaphore, #tpu.memory_space<semaphore_mem>>) src(%dma_wait3A_231 : memref<128xi32, #tpu.memory_space<hbm>>) dst(%arg9 : memref<128xi32, #tpu.memory_space<vmem>>)
        tpu.yield
      }) : () -> ()
      %dma_start3A_117 = arith.constant 0 : i32
      %dma_start3A_118 = arith.constant 0 : i32
      %dma_start3A_119 = tpu.memref_slice %arg2[%dma_start3A_117, %dma_start3A_118] : memref<10000x128xf32, #tpu.memory_space<hbm>> -> memref<10000x128xf32, #tpu.memory_space<hbm>>
      tpu.enqueue_indirect_dma source(%dma_start3A_119 : memref<10000x128xf32, #tpu.memory_space<hbm>>) target(%arg11 : memref<128x128xf32, #tpu.memory_space<vmem>>) offsets(%arg9 : memref<128xi32, #tpu.memory_space<vmem>>) semaphore(%arg14 : memref<!tpu.dma_semaphore, #tpu.memory_space<semaphore_mem>>)
      %dma_wait3A_120 = arith.constant 0 : i32
      %dma_wait3A_121 = arith.constant 0 : i32
      %dma_wait3A_122 = tpu.memref_slice %arg2[%dma_wait3A_120, %dma_wait3A_121] : memref<10000x128xf32, #tpu.memory_space<hbm>> -> memref<10000x128xf32, #tpu.memory_space<hbm>>
      tpu.wait_indirect_dma semaphore(%arg13 : memref<!tpu.dma_semaphore, #tpu.memory_space<semaphore_mem>>) src(%dma_wait3A_122 : memref<10000x128xf32, #tpu.memory_space<hbm>>) dst(%arg10 : memref<128x128xf32, #tpu.memory_space<vmem>>)
      %add3A_123 = arith.constant 4 : i32
      %add3A_124 = arith.addi %mul3A_15, %add3A_123 : i32
      %mul3A_125 = arith.constant 32 : i32
      %mul3A_126 = arith.muli %add3A_124, %mul3A_125 : i32
      %add3A_127 = arith.addi %mul3A_126, %add3A : i32
      %mul3A_128 = arith.constant 128 : i32
      %mul3A_129 = arith.muli %add3A_127, %mul3A_128 : i32
      "tpu.region"() ({
        %run_scoped3A = tpu.sem_alloc : memref<!tpu.dma_semaphore, #tpu.memory_space<semaphore_mem>>
        %dma_start3A_228 = tpu.memref_slice %arg4[%mul3A_129] : memref<327680xi32, #tpu.memory_space<hbm>> -> memref<128xi32, #tpu.memory_space<hbm>>
        %dma_start3A_229 = tpu.memref_slice %arg4[%mul3A_129] : memref<327680xi32, #tpu.memory_space<hbm>> -> memref<128xi32, #tpu.memory_space<hbm>>
        tpu.enqueue_dma source(%dma_start3A_229 : memref<128xi32, #tpu.memory_space<hbm>>) target(%arg7 : memref<128xi32, #tpu.memory_space<vmem>>) target_semaphore(%run_scoped3A : memref<!tpu.dma_semaphore, #tpu.memory_space<semaphore_mem>>)
        %dma_wait3A_230 = tpu.memref_slice %arg4[%mul3A_129] : memref<327680xi32, #tpu.memory_space<hbm>> -> memref<128xi32, #tpu.memory_space<hbm>>
        %dma_wait3A_231 = tpu.memref_slice %arg4[%mul3A_129] : memref<327680xi32, #tpu.memory_space<hbm>> -> memref<128xi32, #tpu.memory_space<hbm>>
        tpu.wait_dma2 semaphore(%run_scoped3A : memref<!tpu.dma_semaphore, #tpu.memory_space<semaphore_mem>>) src(%dma_wait3A_231 : memref<128xi32, #tpu.memory_space<hbm>>) dst(%arg7 : memref<128xi32, #tpu.memory_space<vmem>>)
        tpu.yield
      }) : () -> ()
      "tpu.region"() ({
        %run_scoped3A = tpu.sem_alloc : memref<!tpu.dma_semaphore, #tpu.memory_space<semaphore_mem>>
        %dma_start3A_228 = arith.constant 0 : i32
        %dma_start3A_229 = arith.constant 0 : i32
        %dma_start3A_230 = tpu.memref_slice %arg12[%dma_start3A_228, %dma_start3A_229] : memref<10240x128xf32, #tpu.memory_space<vmem_shared>> -> memref<10240x128xf32, #tpu.memory_space<vmem_shared>>
        tpu.enqueue_indirect_dma source(%arg10 : memref<128x128xf32, #tpu.memory_space<vmem>>) target(%dma_start3A_230 : memref<10240x128xf32, #tpu.memory_space<vmem_shared>>) offsets(%arg7 : memref<128xi32, #tpu.memory_space<vmem>>) semaphore(%run_scoped3A : memref<!tpu.dma_semaphore, #tpu.memory_space<semaphore_mem>>) {add = true}
        %dma_wait3A_231 = arith.constant 0 : i32
        %dma_wait3A_232 = arith.constant 0 : i32
        %dma_wait3A_233 = tpu.memref_slice %arg12[%dma_wait3A_231, %dma_wait3A_232] : memref<10240x128xf32, #tpu.memory_space<vmem_shared>> -> memref<10240x128xf32, #tpu.memory_space<vmem_shared>>
        tpu.wait_indirect_dma semaphore(%run_scoped3A : memref<!tpu.dma_semaphore, #tpu.memory_space<semaphore_mem>>) src(%arg10 : memref<128x128xf32, #tpu.memory_space<vmem>>) dst(%dma_wait3A_233 : memref<10240x128xf32, #tpu.memory_space<vmem_shared>>)
        tpu.yield
      }) : () -> ()
      %add3A_130 = arith.constant 4 : i32
      %add3A_131 = arith.addi %mul3A_15, %add3A_130 : i32
      %add3A_132 = arith.constant 2 : i32
      %add3A_133 = arith.addi %add3A_131, %add3A_132 : i32
      %mul3A_134 = arith.constant 32 : i32
      %mul3A_135 = arith.muli %add3A_133, %mul3A_134 : i32
      %add3A_136 = arith.addi %mul3A_135, %add3A : i32
      %mul3A_137 = arith.constant 128 : i32
      %mul3A_138 = arith.muli %add3A_136, %mul3A_137 : i32
      "tpu.region"() ({
        %run_scoped3A = tpu.sem_alloc : memref<!tpu.dma_semaphore, #tpu.memory_space<semaphore_mem>>
        %dma_start3A_228 = tpu.memref_slice %arg3[%mul3A_138] : memref<327680xi32, #tpu.memory_space<hbm>> -> memref<128xi32, #tpu.memory_space<hbm>>
        %dma_start3A_229 = tpu.memref_slice %arg3[%mul3A_138] : memref<327680xi32, #tpu.memory_space<hbm>> -> memref<128xi32, #tpu.memory_space<hbm>>
        tpu.enqueue_dma source(%dma_start3A_229 : memref<128xi32, #tpu.memory_space<hbm>>) target(%arg8 : memref<128xi32, #tpu.memory_space<vmem>>) target_semaphore(%run_scoped3A : memref<!tpu.dma_semaphore, #tpu.memory_space<semaphore_mem>>)
        %dma_wait3A_230 = tpu.memref_slice %arg3[%mul3A_138] : memref<327680xi32, #tpu.memory_space<hbm>> -> memref<128xi32, #tpu.memory_space<hbm>>
        %dma_wait3A_231 = tpu.memref_slice %arg3[%mul3A_138] : memref<327680xi32, #tpu.memory_space<hbm>> -> memref<128xi32, #tpu.memory_space<hbm>>
        tpu.wait_dma2 semaphore(%run_scoped3A : memref<!tpu.dma_semaphore, #tpu.memory_space<semaphore_mem>>) src(%dma_wait3A_231 : memref<128xi32, #tpu.memory_space<hbm>>) dst(%arg8 : memref<128xi32, #tpu.memory_space<vmem>>)
        tpu.yield
      }) : () -> ()
      %dma_start3A_139 = arith.constant 0 : i32
      %dma_start3A_140 = arith.constant 0 : i32
      %dma_start3A_141 = tpu.memref_slice %arg2[%dma_start3A_139, %dma_start3A_140] : memref<10000x128xf32, #tpu.memory_space<hbm>> -> memref<10000x128xf32, #tpu.memory_space<hbm>>
      tpu.enqueue_indirect_dma source(%dma_start3A_141 : memref<10000x128xf32, #tpu.memory_space<hbm>>) target(%arg10 : memref<128x128xf32, #tpu.memory_space<vmem>>) offsets(%arg8 : memref<128xi32, #tpu.memory_space<vmem>>) semaphore(%arg13 : memref<!tpu.dma_semaphore, #tpu.memory_space<semaphore_mem>>)
      %dma_wait3A_142 = arith.constant 0 : i32
      %dma_wait3A_143 = arith.constant 0 : i32
      %dma_wait3A_144 = tpu.memref_slice %arg2[%dma_wait3A_142, %dma_wait3A_143] : memref<10000x128xf32, #tpu.memory_space<hbm>> -> memref<10000x128xf32, #tpu.memory_space<hbm>>
      tpu.wait_indirect_dma semaphore(%arg14 : memref<!tpu.dma_semaphore, #tpu.memory_space<semaphore_mem>>) src(%dma_wait3A_144 : memref<10000x128xf32, #tpu.memory_space<hbm>>) dst(%arg11 : memref<128x128xf32, #tpu.memory_space<vmem>>)
      %add3A_145 = arith.constant 5 : i32
      %add3A_146 = arith.addi %mul3A_15, %add3A_145 : i32
      %mul3A_147 = arith.constant 32 : i32
      %mul3A_148 = arith.muli %add3A_146, %mul3A_147 : i32
      %add3A_149 = arith.addi %mul3A_148, %add3A : i32
      %mul3A_150 = arith.constant 128 : i32
      %mul3A_151 = arith.muli %add3A_149, %mul3A_150 : i32
      "tpu.region"() ({
        %run_scoped3A = tpu.sem_alloc : memref<!tpu.dma_semaphore, #tpu.memory_space<semaphore_mem>>
        %dma_start3A_228 = tpu.memref_slice %arg4[%mul3A_151] : memref<327680xi32, #tpu.memory_space<hbm>> -> memref<128xi32, #tpu.memory_space<hbm>>
        %dma_start3A_229 = tpu.memref_slice %arg4[%mul3A_151] : memref<327680xi32, #tpu.memory_space<hbm>> -> memref<128xi32, #tpu.memory_space<hbm>>
        tpu.enqueue_dma source(%dma_start3A_229 : memref<128xi32, #tpu.memory_space<hbm>>) target(%arg7 : memref<128xi32, #tpu.memory_space<vmem>>) target_semaphore(%run_scoped3A : memref<!tpu.dma_semaphore, #tpu.memory_space<semaphore_mem>>)
        %dma_wait3A_230 = tpu.memref_slice %arg4[%mul3A_151] : memref<327680xi32, #tpu.memory_space<hbm>> -> memref<128xi32, #tpu.memory_space<hbm>>
        %dma_wait3A_231 = tpu.memref_slice %arg4[%mul3A_151] : memref<327680xi32, #tpu.memory_space<hbm>> -> memref<128xi32, #tpu.memory_space<hbm>>
        tpu.wait_dma2 semaphore(%run_scoped3A : memref<!tpu.dma_semaphore, #tpu.memory_space<semaphore_mem>>) src(%dma_wait3A_231 : memref<128xi32, #tpu.memory_space<hbm>>) dst(%arg7 : memref<128xi32, #tpu.memory_space<vmem>>)
        tpu.yield
      }) : () -> ()
      "tpu.region"() ({
        %run_scoped3A = tpu.sem_alloc : memref<!tpu.dma_semaphore, #tpu.memory_space<semaphore_mem>>
        %dma_start3A_228 = arith.constant 0 : i32
        %dma_start3A_229 = arith.constant 0 : i32
        %dma_start3A_230 = tpu.memref_slice %arg12[%dma_start3A_228, %dma_start3A_229] : memref<10240x128xf32, #tpu.memory_space<vmem_shared>> -> memref<10240x128xf32, #tpu.memory_space<vmem_shared>>
        tpu.enqueue_indirect_dma source(%arg11 : memref<128x128xf32, #tpu.memory_space<vmem>>) target(%dma_start3A_230 : memref<10240x128xf32, #tpu.memory_space<vmem_shared>>) offsets(%arg7 : memref<128xi32, #tpu.memory_space<vmem>>) semaphore(%run_scoped3A : memref<!tpu.dma_semaphore, #tpu.memory_space<semaphore_mem>>) {add = true}
        %dma_wait3A_231 = arith.constant 0 : i32
        %dma_wait3A_232 = arith.constant 0 : i32
        %dma_wait3A_233 = tpu.memref_slice %arg12[%dma_wait3A_231, %dma_wait3A_232] : memref<10240x128xf32, #tpu.memory_space<vmem_shared>> -> memref<10240x128xf32, #tpu.memory_space<vmem_shared>>
        tpu.wait_indirect_dma semaphore(%run_scoped3A : memref<!tpu.dma_semaphore, #tpu.memory_space<semaphore_mem>>) src(%arg11 : memref<128x128xf32, #tpu.memory_space<vmem>>) dst(%dma_wait3A_233 : memref<10240x128xf32, #tpu.memory_space<vmem_shared>>)
        tpu.yield
      }) : () -> ()
      %add3A_152 = arith.constant 5 : i32
      %add3A_153 = arith.addi %mul3A_15, %add3A_152 : i32
      %add3A_154 = arith.constant 2 : i32
      %add3A_155 = arith.addi %add3A_153, %add3A_154 : i32
      %mul3A_156 = arith.constant 32 : i32
      %mul3A_157 = arith.muli %add3A_155, %mul3A_156 : i32
      %add3A_158 = arith.addi %mul3A_157, %add3A : i32
      %mul3A_159 = arith.constant 128 : i32
      %mul3A_160 = arith.muli %add3A_158, %mul3A_159 : i32
      "tpu.region"() ({
        %run_scoped3A = tpu.sem_alloc : memref<!tpu.dma_semaphore, #tpu.memory_space<semaphore_mem>>
        %dma_start3A_228 = tpu.memref_slice %arg3[%mul3A_160] : memref<327680xi32, #tpu.memory_space<hbm>> -> memref<128xi32, #tpu.memory_space<hbm>>
        %dma_start3A_229 = tpu.memref_slice %arg3[%mul3A_160] : memref<327680xi32, #tpu.memory_space<hbm>> -> memref<128xi32, #tpu.memory_space<hbm>>
        tpu.enqueue_dma source(%dma_start3A_229 : memref<128xi32, #tpu.memory_space<hbm>>) target(%arg9 : memref<128xi32, #tpu.memory_space<vmem>>) target_semaphore(%run_scoped3A : memref<!tpu.dma_semaphore, #tpu.memory_space<semaphore_mem>>)
        %dma_wait3A_230 = tpu.memref_slice %arg3[%mul3A_160] : memref<327680xi32, #tpu.memory_space<hbm>> -> memref<128xi32, #tpu.memory_space<hbm>>
        %dma_wait3A_231 = tpu.memref_slice %arg3[%mul3A_160] : memref<327680xi32, #tpu.memory_space<hbm>> -> memref<128xi32, #tpu.memory_space<hbm>>
        tpu.wait_dma2 semaphore(%run_scoped3A : memref<!tpu.dma_semaphore, #tpu.memory_space<semaphore_mem>>) src(%dma_wait3A_231 : memref<128xi32, #tpu.memory_space<hbm>>) dst(%arg9 : memref<128xi32, #tpu.memory_space<vmem>>)
        tpu.yield
      }) : () -> ()
      %dma_start3A_161 = arith.constant 0 : i32
      %dma_start3A_162 = arith.constant 0 : i32
      %dma_start3A_163 = tpu.memref_slice %arg2[%dma_start3A_161, %dma_start3A_162] : memref<10000x128xf32, #tpu.memory_space<hbm>> -> memref<10000x128xf32, #tpu.memory_space<hbm>>
      tpu.enqueue_indirect_dma source(%dma_start3A_163 : memref<10000x128xf32, #tpu.memory_space<hbm>>) target(%arg11 : memref<128x128xf32, #tpu.memory_space<vmem>>) offsets(%arg9 : memref<128xi32, #tpu.memory_space<vmem>>) semaphore(%arg14 : memref<!tpu.dma_semaphore, #tpu.memory_space<semaphore_mem>>)
      %dma_wait3A_164 = arith.constant 0 : i32
      %dma_wait3A_165 = arith.constant 0 : i32
      %dma_wait3A_166 = tpu.memref_slice %arg2[%dma_wait3A_164, %dma_wait3A_165] : memref<10000x128xf32, #tpu.memory_space<hbm>> -> memref<10000x128xf32, #tpu.memory_space<hbm>>
      tpu.wait_indirect_dma semaphore(%arg13 : memref<!tpu.dma_semaphore, #tpu.memory_space<semaphore_mem>>) src(%dma_wait3A_166 : memref<10000x128xf32, #tpu.memory_space<hbm>>) dst(%arg10 : memref<128x128xf32, #tpu.memory_space<vmem>>)
      %add3A_167 = arith.constant 6 : i32
      %add3A_168 = arith.addi %mul3A_15, %add3A_167 : i32
      %mul3A_169 = arith.constant 32 : i32
      %mul3A_170 = arith.muli %add3A_168, %mul3A_169 : i32
      %add3A_171 = arith.addi %mul3A_170, %add3A : i32
      %mul3A_172 = arith.constant 128 : i32
      %mul3A_173 = arith.muli %add3A_171, %mul3A_172 : i32
      "tpu.region"() ({
        %run_scoped3A = tpu.sem_alloc : memref<!tpu.dma_semaphore, #tpu.memory_space<semaphore_mem>>
        %dma_start3A_228 = tpu.memref_slice %arg4[%mul3A_173] : memref<327680xi32, #tpu.memory_space<hbm>> -> memref<128xi32, #tpu.memory_space<hbm>>
        %dma_start3A_229 = tpu.memref_slice %arg4[%mul3A_173] : memref<327680xi32, #tpu.memory_space<hbm>> -> memref<128xi32, #tpu.memory_space<hbm>>
        tpu.enqueue_dma source(%dma_start3A_229 : memref<128xi32, #tpu.memory_space<hbm>>) target(%arg7 : memref<128xi32, #tpu.memory_space<vmem>>) target_semaphore(%run_scoped3A : memref<!tpu.dma_semaphore, #tpu.memory_space<semaphore_mem>>)
        %dma_wait3A_230 = tpu.memref_slice %arg4[%mul3A_173] : memref<327680xi32, #tpu.memory_space<hbm>> -> memref<128xi32, #tpu.memory_space<hbm>>
        %dma_wait3A_231 = tpu.memref_slice %arg4[%mul3A_173] : memref<327680xi32, #tpu.memory_space<hbm>> -> memref<128xi32, #tpu.memory_space<hbm>>
        tpu.wait_dma2 semaphore(%run_scoped3A : memref<!tpu.dma_semaphore, #tpu.memory_space<semaphore_mem>>) src(%dma_wait3A_231 : memref<128xi32, #tpu.memory_space<hbm>>) dst(%arg7 : memref<128xi32, #tpu.memory_space<vmem>>)
        tpu.yield
      }) : () -> ()
      "tpu.region"() ({
        %run_scoped3A = tpu.sem_alloc : memref<!tpu.dma_semaphore, #tpu.memory_space<semaphore_mem>>
        %dma_start3A_228 = arith.constant 0 : i32
        %dma_start3A_229 = arith.constant 0 : i32
        %dma_start3A_230 = tpu.memref_slice %arg12[%dma_start3A_228, %dma_start3A_229] : memref<10240x128xf32, #tpu.memory_space<vmem_shared>> -> memref<10240x128xf32, #tpu.memory_space<vmem_shared>>
        tpu.enqueue_indirect_dma source(%arg10 : memref<128x128xf32, #tpu.memory_space<vmem>>) target(%dma_start3A_230 : memref<10240x128xf32, #tpu.memory_space<vmem_shared>>) offsets(%arg7 : memref<128xi32, #tpu.memory_space<vmem>>) semaphore(%run_scoped3A : memref<!tpu.dma_semaphore, #tpu.memory_space<semaphore_mem>>) {add = true}
        %dma_wait3A_231 = arith.constant 0 : i32
        %dma_wait3A_232 = arith.constant 0 : i32
        %dma_wait3A_233 = tpu.memref_slice %arg12[%dma_wait3A_231, %dma_wait3A_232] : memref<10240x128xf32, #tpu.memory_space<vmem_shared>> -> memref<10240x128xf32, #tpu.memory_space<vmem_shared>>
        tpu.wait_indirect_dma semaphore(%run_scoped3A : memref<!tpu.dma_semaphore, #tpu.memory_space<semaphore_mem>>) src(%arg10 : memref<128x128xf32, #tpu.memory_space<vmem>>) dst(%dma_wait3A_233 : memref<10240x128xf32, #tpu.memory_space<vmem_shared>>)
        tpu.yield
      }) : () -> ()
      %add3A_174 = arith.constant 6 : i32
      %add3A_175 = arith.addi %mul3A_15, %add3A_174 : i32
      %add3A_176 = arith.constant 2 : i32
      %add3A_177 = arith.addi %add3A_175, %add3A_176 : i32
      %mul3A_178 = arith.constant 32 : i32
      %mul3A_179 = arith.muli %add3A_177, %mul3A_178 : i32
      %add3A_180 = arith.addi %mul3A_179, %add3A : i32
      %mul3A_181 = arith.constant 128 : i32
      %mul3A_182 = arith.muli %add3A_180, %mul3A_181 : i32
      "tpu.region"() ({
        %run_scoped3A = tpu.sem_alloc : memref<!tpu.dma_semaphore, #tpu.memory_space<semaphore_mem>>
        %dma_start3A_228 = tpu.memref_slice %arg3[%mul3A_182] : memref<327680xi32, #tpu.memory_space<hbm>> -> memref<128xi32, #tpu.memory_space<hbm>>
        %dma_start3A_229 = tpu.memref_slice %arg3[%mul3A_182] : memref<327680xi32, #tpu.memory_space<hbm>> -> memref<128xi32, #tpu.memory_space<hbm>>
        tpu.enqueue_dma source(%dma_start3A_229 : memref<128xi32, #tpu.memory_space<hbm>>) target(%arg8 : memref<128xi32, #tpu.memory_space<vmem>>) target_semaphore(%run_scoped3A : memref<!tpu.dma_semaphore, #tpu.memory_space<semaphore_mem>>)
        %dma_wait3A_230 = tpu.memref_slice %arg3[%mul3A_182] : memref<327680xi32, #tpu.memory_space<hbm>> -> memref<128xi32, #tpu.memory_space<hbm>>
        %dma_wait3A_231 = tpu.memref_slice %arg3[%mul3A_182] : memref<327680xi32, #tpu.memory_space<hbm>> -> memref<128xi32, #tpu.memory_space<hbm>>
        tpu.wait_dma2 semaphore(%run_scoped3A : memref<!tpu.dma_semaphore, #tpu.memory_space<semaphore_mem>>) src(%dma_wait3A_231 : memref<128xi32, #tpu.memory_space<hbm>>) dst(%arg8 : memref<128xi32, #tpu.memory_space<vmem>>)
        tpu.yield
      }) : () -> ()
      %dma_start3A_183 = arith.constant 0 : i32
      %dma_start3A_184 = arith.constant 0 : i32
      %dma_start3A_185 = tpu.memref_slice %arg2[%dma_start3A_183, %dma_start3A_184] : memref<10000x128xf32, #tpu.memory_space<hbm>> -> memref<10000x128xf32, #tpu.memory_space<hbm>>
      tpu.enqueue_indirect_dma source(%dma_start3A_185 : memref<10000x128xf32, #tpu.memory_space<hbm>>) target(%arg10 : memref<128x128xf32, #tpu.memory_space<vmem>>) offsets(%arg8 : memref<128xi32, #tpu.memory_space<vmem>>) semaphore(%arg13 : memref<!tpu.dma_semaphore, #tpu.memory_space<semaphore_mem>>)
      %dma_wait3A_186 = arith.constant 0 : i32
      %dma_wait3A_187 = arith.constant 0 : i32
      %dma_wait3A_188 = tpu.memref_slice %arg2[%dma_wait3A_186, %dma_wait3A_187] : memref<10000x128xf32, #tpu.memory_space<hbm>> -> memref<10000x128xf32, #tpu.memory_space<hbm>>
      tpu.wait_indirect_dma semaphore(%arg14 : memref<!tpu.dma_semaphore, #tpu.memory_space<semaphore_mem>>) src(%dma_wait3A_188 : memref<10000x128xf32, #tpu.memory_space<hbm>>) dst(%arg11 : memref<128x128xf32, #tpu.memory_space<vmem>>)
      %add3A_189 = arith.constant 7 : i32
      %add3A_190 = arith.addi %mul3A_15, %add3A_189 : i32
      %mul3A_191 = arith.constant 32 : i32
      %mul3A_192 = arith.muli %add3A_190, %mul3A_191 : i32
      %add3A_193 = arith.addi %mul3A_192, %add3A : i32
      %mul3A_194 = arith.constant 128 : i32
      %mul3A_195 = arith.muli %add3A_193, %mul3A_194 : i32
      "tpu.region"() ({
        %run_scoped3A = tpu.sem_alloc : memref<!tpu.dma_semaphore, #tpu.memory_space<semaphore_mem>>
        %dma_start3A_228 = tpu.memref_slice %arg4[%mul3A_195] : memref<327680xi32, #tpu.memory_space<hbm>> -> memref<128xi32, #tpu.memory_space<hbm>>
        %dma_start3A_229 = tpu.memref_slice %arg4[%mul3A_195] : memref<327680xi32, #tpu.memory_space<hbm>> -> memref<128xi32, #tpu.memory_space<hbm>>
        tpu.enqueue_dma source(%dma_start3A_229 : memref<128xi32, #tpu.memory_space<hbm>>) target(%arg7 : memref<128xi32, #tpu.memory_space<vmem>>) target_semaphore(%run_scoped3A : memref<!tpu.dma_semaphore, #tpu.memory_space<semaphore_mem>>)
        %dma_wait3A_230 = tpu.memref_slice %arg4[%mul3A_195] : memref<327680xi32, #tpu.memory_space<hbm>> -> memref<128xi32, #tpu.memory_space<hbm>>
        %dma_wait3A_231 = tpu.memref_slice %arg4[%mul3A_195] : memref<327680xi32, #tpu.memory_space<hbm>> -> memref<128xi32, #tpu.memory_space<hbm>>
        tpu.wait_dma2 semaphore(%run_scoped3A : memref<!tpu.dma_semaphore, #tpu.memory_space<semaphore_mem>>) src(%dma_wait3A_231 : memref<128xi32, #tpu.memory_space<hbm>>) dst(%arg7 : memref<128xi32, #tpu.memory_space<vmem>>)
        tpu.yield
      }) : () -> ()
      "tpu.region"() ({
        %run_scoped3A = tpu.sem_alloc : memref<!tpu.dma_semaphore, #tpu.memory_space<semaphore_mem>>
        %dma_start3A_228 = arith.constant 0 : i32
        %dma_start3A_229 = arith.constant 0 : i32
        %dma_start3A_230 = tpu.memref_slice %arg12[%dma_start3A_228, %dma_start3A_229] : memref<10240x128xf32, #tpu.memory_space<vmem_shared>> -> memref<10240x128xf32, #tpu.memory_space<vmem_shared>>
        tpu.enqueue_indirect_dma source(%arg11 : memref<128x128xf32, #tpu.memory_space<vmem>>) target(%dma_start3A_230 : memref<10240x128xf32, #tpu.memory_space<vmem_shared>>) offsets(%arg7 : memref<128xi32, #tpu.memory_space<vmem>>) semaphore(%run_scoped3A : memref<!tpu.dma_semaphore, #tpu.memory_space<semaphore_mem>>) {add = true}
        %dma_wait3A_231 = arith.constant 0 : i32
        %dma_wait3A_232 = arith.constant 0 : i32
        %dma_wait3A_233 = tpu.memref_slice %arg12[%dma_wait3A_231, %dma_wait3A_232] : memref<10240x128xf32, #tpu.memory_space<vmem_shared>> -> memref<10240x128xf32, #tpu.memory_space<vmem_shared>>
        tpu.wait_indirect_dma semaphore(%run_scoped3A : memref<!tpu.dma_semaphore, #tpu.memory_space<semaphore_mem>>) src(%arg11 : memref<128x128xf32, #tpu.memory_space<vmem>>) dst(%dma_wait3A_233 : memref<10240x128xf32, #tpu.memory_space<vmem_shared>>)
        tpu.yield
      }) : () -> ()
      %add3A_196 = arith.constant 7 : i32
      %add3A_197 = arith.addi %mul3A_15, %add3A_196 : i32
      %add3A_198 = arith.constant 2 : i32
      %add3A_199 = arith.addi %add3A_197, %add3A_198 : i32
      %mul3A_200 = arith.constant 32 : i32
      %mul3A_201 = arith.muli %add3A_199, %mul3A_200 : i32
      %add3A_202 = arith.addi %mul3A_201, %add3A : i32
      %mul3A_203 = arith.constant 128 : i32
      %mul3A_204 = arith.muli %add3A_202, %mul3A_203 : i32
      "tpu.region"() ({
        %run_scoped3A = tpu.sem_alloc : memref<!tpu.dma_semaphore, #tpu.memory_space<semaphore_mem>>
        %dma_start3A_228 = tpu.memref_slice %arg3[%mul3A_204] : memref<327680xi32, #tpu.memory_space<hbm>> -> memref<128xi32, #tpu.memory_space<hbm>>
        %dma_start3A_229 = tpu.memref_slice %arg3[%mul3A_204] : memref<327680xi32, #tpu.memory_space<hbm>> -> memref<128xi32, #tpu.memory_space<hbm>>
        tpu.enqueue_dma source(%dma_start3A_229 : memref<128xi32, #tpu.memory_space<hbm>>) target(%arg9 : memref<128xi32, #tpu.memory_space<vmem>>) target_semaphore(%run_scoped3A : memref<!tpu.dma_semaphore, #tpu.memory_space<semaphore_mem>>)
        %dma_wait3A_230 = tpu.memref_slice %arg3[%mul3A_204] : memref<327680xi32, #tpu.memory_space<hbm>> -> memref<128xi32, #tpu.memory_space<hbm>>
        %dma_wait3A_231 = tpu.memref_slice %arg3[%mul3A_204] : memref<327680xi32, #tpu.memory_space<hbm>> -> memref<128xi32, #tpu.memory_space<hbm>>
        tpu.wait_dma2 semaphore(%run_scoped3A : memref<!tpu.dma_semaphore, #tpu.memory_space<semaphore_mem>>) src(%dma_wait3A_231 : memref<128xi32, #tpu.memory_space<hbm>>) dst(%arg9 : memref<128xi32, #tpu.memory_space<vmem>>)
        tpu.yield
      }) : () -> ()
      %dma_start3A_205 = arith.constant 0 : i32
      %dma_start3A_206 = arith.constant 0 : i32
      %dma_start3A_207 = tpu.memref_slice %arg2[%dma_start3A_205, %dma_start3A_206] : memref<10000x128xf32, #tpu.memory_space<hbm>> -> memref<10000x128xf32, #tpu.memory_space<hbm>>
      tpu.enqueue_indirect_dma source(%dma_start3A_207 : memref<10000x128xf32, #tpu.memory_space<hbm>>) target(%arg11 : memref<128x128xf32, #tpu.memory_space<vmem>>) offsets(%arg9 : memref<128xi32, #tpu.memory_space<vmem>>) semaphore(%arg14 : memref<!tpu.dma_semaphore, #tpu.memory_space<semaphore_mem>>)
      %dma_wait3A_208 = arith.constant 0 : i32
      %dma_wait3A_209 = arith.constant 0 : i32
      %dma_wait3A_210 = tpu.memref_slice %arg2[%dma_wait3A_208, %dma_wait3A_209] : memref<10000x128xf32, #tpu.memory_space<hbm>> -> memref<10000x128xf32, #tpu.memory_space<hbm>>
      tpu.wait_indirect_dma semaphore(%arg13 : memref<!tpu.dma_semaphore, #tpu.memory_space<semaphore_mem>>) src(%dma_wait3A_210 : memref<10000x128xf32, #tpu.memory_space<hbm>>) dst(%arg10 : memref<128x128xf32, #tpu.memory_space<vmem>>)
      %add3A_211 = arith.constant 8 : i32
      %add3A_212 = arith.addi %mul3A_15, %add3A_211 : i32
      %mul3A_213 = arith.constant 32 : i32
      %mul3A_214 = arith.muli %add3A_212, %mul3A_213 : i32
      %add3A_215 = arith.addi %mul3A_214, %add3A : i32
      %mul3A_216 = arith.constant 128 : i32
      %mul3A_217 = arith.muli %add3A_215, %mul3A_216 : i32
      "tpu.region"() ({
        %run_scoped3A = tpu.sem_alloc : memref<!tpu.dma_semaphore, #tpu.memory_space<semaphore_mem>>
        %dma_start3A_228 = tpu.memref_slice %arg4[%mul3A_217] : memref<327680xi32, #tpu.memory_space<hbm>> -> memref<128xi32, #tpu.memory_space<hbm>>
        %dma_start3A_229 = tpu.memref_slice %arg4[%mul3A_217] : memref<327680xi32, #tpu.memory_space<hbm>> -> memref<128xi32, #tpu.memory_space<hbm>>
        tpu.enqueue_dma source(%dma_start3A_229 : memref<128xi32, #tpu.memory_space<hbm>>) target(%arg7 : memref<128xi32, #tpu.memory_space<vmem>>) target_semaphore(%run_scoped3A : memref<!tpu.dma_semaphore, #tpu.memory_space<semaphore_mem>>)
        %dma_wait3A_230 = tpu.memref_slice %arg4[%mul3A_217] : memref<327680xi32, #tpu.memory_space<hbm>> -> memref<128xi32, #tpu.memory_space<hbm>>
        %dma_wait3A_231 = tpu.memref_slice %arg4[%mul3A_217] : memref<327680xi32, #tpu.memory_space<hbm>> -> memref<128xi32, #tpu.memory_space<hbm>>
        tpu.wait_dma2 semaphore(%run_scoped3A : memref<!tpu.dma_semaphore, #tpu.memory_space<semaphore_mem>>) src(%dma_wait3A_231 : memref<128xi32, #tpu.memory_space<hbm>>) dst(%arg7 : memref<128xi32, #tpu.memory_space<vmem>>)
        tpu.yield
      }) : () -> ()
      "tpu.region"() ({
        %run_scoped3A = tpu.sem_alloc : memref<!tpu.dma_semaphore, #tpu.memory_space<semaphore_mem>>
        %dma_start3A_228 = arith.constant 0 : i32
        %dma_start3A_229 = arith.constant 0 : i32
        %dma_start3A_230 = tpu.memref_slice %arg12[%dma_start3A_228, %dma_start3A_229] : memref<10240x128xf32, #tpu.memory_space<vmem_shared>> -> memref<10240x128xf32, #tpu.memory_space<vmem_shared>>
        tpu.enqueue_indirect_dma source(%arg10 : memref<128x128xf32, #tpu.memory_space<vmem>>) target(%dma_start3A_230 : memref<10240x128xf32, #tpu.memory_space<vmem_shared>>) offsets(%arg7 : memref<128xi32, #tpu.memory_space<vmem>>) semaphore(%run_scoped3A : memref<!tpu.dma_semaphore, #tpu.memory_space<semaphore_mem>>) {add = true}
        %dma_wait3A_231 = arith.constant 0 : i32
        %dma_wait3A_232 = arith.constant 0 : i32
        %dma_wait3A_233 = tpu.memref_slice %arg12[%dma_wait3A_231, %dma_wait3A_232] : memref<10240x128xf32, #tpu.memory_space<vmem_shared>> -> memref<10240x128xf32, #tpu.memory_space<vmem_shared>>
        tpu.wait_indirect_dma semaphore(%run_scoped3A : memref<!tpu.dma_semaphore, #tpu.memory_space<semaphore_mem>>) src(%arg10 : memref<128x128xf32, #tpu.memory_space<vmem>>) dst(%dma_wait3A_233 : memref<10240x128xf32, #tpu.memory_space<vmem_shared>>)
        tpu.yield
      }) : () -> ()
      %dma_wait3A_218 = arith.constant 0 : i32
      %dma_wait3A_219 = arith.constant 0 : i32
      %dma_wait3A_220 = tpu.memref_slice %arg2[%dma_wait3A_218, %dma_wait3A_219] : memref<10000x128xf32, #tpu.memory_space<hbm>> -> memref<10000x128xf32, #tpu.memory_space<hbm>>
      tpu.wait_indirect_dma semaphore(%arg14 : memref<!tpu.dma_semaphore, #tpu.memory_space<semaphore_mem>>) src(%dma_wait3A_220 : memref<10000x128xf32, #tpu.memory_space<hbm>>) dst(%arg11 : memref<128x128xf32, #tpu.memory_space<vmem>>)
      %add3A_221 = arith.constant 9 : i32
      %add3A_222 = arith.addi %mul3A_15, %add3A_221 : i32
      %mul3A_223 = arith.constant 32 : i32
      %mul3A_224 = arith.muli %add3A_222, %mul3A_223 : i32
      %add3A_225 = arith.addi %mul3A_224, %add3A : i32
      %mul3A_226 = arith.constant 128 : i32
      %mul3A_227 = arith.muli %add3A_225, %mul3A_226 : i32
      "tpu.region"() ({
        %run_scoped3A = tpu.sem_alloc : memref<!tpu.dma_semaphore, #tpu.memory_space<semaphore_mem>>
        %dma_start3A_228 = tpu.memref_slice %arg4[%mul3A_227] : memref<327680xi32, #tpu.memory_space<hbm>> -> memref<128xi32, #tpu.memory_space<hbm>>
        %dma_start3A_229 = tpu.memref_slice %arg4[%mul3A_227] : memref<327680xi32, #tpu.memory_space<hbm>> -> memref<128xi32, #tpu.memory_space<hbm>>
        tpu.enqueue_dma source(%dma_start3A_229 : memref<128xi32, #tpu.memory_space<hbm>>) target(%arg7 : memref<128xi32, #tpu.memory_space<vmem>>) target_semaphore(%run_scoped3A : memref<!tpu.dma_semaphore, #tpu.memory_space<semaphore_mem>>)
        %dma_wait3A_230 = tpu.memref_slice %arg4[%mul3A_227] : memref<327680xi32, #tpu.memory_space<hbm>> -> memref<128xi32, #tpu.memory_space<hbm>>
        %dma_wait3A_231 = tpu.memref_slice %arg4[%mul3A_227] : memref<327680xi32, #tpu.memory_space<hbm>> -> memref<128xi32, #tpu.memory_space<hbm>>
        tpu.wait_dma2 semaphore(%run_scoped3A : memref<!tpu.dma_semaphore, #tpu.memory_space<semaphore_mem>>) src(%dma_wait3A_231 : memref<128xi32, #tpu.memory_space<hbm>>) dst(%arg7 : memref<128xi32, #tpu.memory_space<vmem>>)
        tpu.yield
      }) : () -> ()
      "tpu.region"() ({
        %run_scoped3A = tpu.sem_alloc : memref<!tpu.dma_semaphore, #tpu.memory_space<semaphore_mem>>
        %dma_start3A_228 = arith.constant 0 : i32
        %dma_start3A_229 = arith.constant 0 : i32
        %dma_start3A_230 = tpu.memref_slice %arg12[%dma_start3A_228, %dma_start3A_229] : memref<10240x128xf32, #tpu.memory_space<vmem_shared>> -> memref<10240x128xf32, #tpu.memory_space<vmem_shared>>
        tpu.enqueue_indirect_dma source(%arg11 : memref<128x128xf32, #tpu.memory_space<vmem>>) target(%dma_start3A_230 : memref<10240x128xf32, #tpu.memory_space<vmem_shared>>) offsets(%arg7 : memref<128xi32, #tpu.memory_space<vmem>>) semaphore(%run_scoped3A : memref<!tpu.dma_semaphore, #tpu.memory_space<semaphore_mem>>) {add = true}
        %dma_wait3A_231 = arith.constant 0 : i32
        %dma_wait3A_232 = arith.constant 0 : i32
        %dma_wait3A_233 = tpu.memref_slice %arg12[%dma_wait3A_231, %dma_wait3A_232] : memref<10240x128xf32, #tpu.memory_space<vmem_shared>> -> memref<10240x128xf32, #tpu.memory_space<vmem_shared>>
        tpu.wait_indirect_dma semaphore(%run_scoped3A : memref<!tpu.dma_semaphore, #tpu.memory_space<semaphore_mem>>) src(%arg11 : memref<128x128xf32, #tpu.memory_space<vmem>>) dst(%dma_wait3A_233 : memref<10240x128xf32, #tpu.memory_space<vmem_shared>>)
        tpu.yield
      }) : () -> ()
    }
    %scan3A_7 = arith.constant 8 : i32
    %barrier3A_8 = arith.constant 0 : index
    tpu.barrier barrier_id(%barrier3A_8)
    %mul3A_9 = arith.constant 624 : i32
    %mul3A_10 = arith.muli %arg1, %mul3A_9 : i32
    "tpu.region"() ({
      %run_scoped3A = tpu.sem_alloc : memref<!tpu.dma_semaphore, #tpu.memory_space<semaphore_mem>>
      %dma_start3A = arith.constant 0 : i32
      %dma_start3A_13 = tpu.memref_slice %arg6[%arg0, %mul3A_10, %dma_start3A] : memref<2x10000x128xf32, #tpu.memory_space<hbm>> -> memref<1x624x128xf32, #tpu.memory_space<hbm>>
      %dma_start3A_14 = tpu.memref_squeeze %dma_start3A_13 : memref<1x624x128xf32, #tpu.memory_space<hbm>> -> memref<624x128xf32, #tpu.memory_space<hbm>>
      %dma_start3A_15 = arith.constant 0 : i32
      %dma_start3A_16 = tpu.memref_slice %arg12[%mul3A_10, %dma_start3A_15] : memref<10240x128xf32, #tpu.memory_space<vmem_shared>> -> memref<624x128xf32, #tpu.memory_space<vmem_shared>>
      tpu.enqueue_dma source(%dma_start3A_16 : memref<624x128xf32, #tpu.memory_space<vmem_shared>>) target(%dma_start3A_14 : memref<624x128xf32, #tpu.memory_space<hbm>>) target_semaphore(%run_scoped3A : memref<!tpu.dma_semaphore, #tpu.memory_space<semaphore_mem>>)
      %dma_wait3A = arith.constant 0 : i32
      %dma_wait3A_17 = tpu.memref_slice %arg6[%arg0, %mul3A_10, %dma_wait3A] : memref<2x10000x128xf32, #tpu.memory_space<hbm>> -> memref<1x624x128xf32, #tpu.memory_space<hbm>>
      %dma_wait3A_18 = tpu.memref_squeeze %dma_wait3A_17 : memref<1x624x128xf32, #tpu.memory_space<hbm>> -> memref<624x128xf32, #tpu.memory_space<hbm>>
      %dma_wait3A_19 = arith.constant 0 : i32
      %dma_wait3A_20 = tpu.memref_slice %arg12[%mul3A_10, %dma_wait3A_19] : memref<10240x128xf32, #tpu.memory_space<vmem_shared>> -> memref<624x128xf32, #tpu.memory_space<vmem_shared>>
      tpu.wait_dma2 semaphore(%run_scoped3A : memref<!tpu.dma_semaphore, #tpu.memory_space<semaphore_mem>>) src(%dma_wait3A_20 : memref<624x128xf32, #tpu.memory_space<vmem_shared>>) dst(%dma_wait3A_18 : memref<624x128xf32, #tpu.memory_space<hbm>>)
      tpu.yield
    }) : () -> ()
    %eq3A = arith.constant 15 : i32
    %eq3A_11 = arith.cmpi eq, %arg1, %eq3A : i32
    %convert_element_type3A = arith.extui %eq3A_11 : i1 to i32
    %cond3A = arith.constant 0 : i32
    %cond3A_12 = arith.cmpi ne, %convert_element_type3A, %cond3A : i32
    scf.if %cond3A_12 {
      "tpu.region"() ({
        %run_scoped3A = tpu.sem_alloc : memref<!tpu.dma_semaphore, #tpu.memory_space<semaphore_mem>>
        %dma_start3A = arith.constant 9984 : i32
        %dma_start3A_13 = arith.constant 0 : i32
        %dma_start3A_14 = tpu.memref_slice %arg6[%arg0, %dma_start3A, %dma_start3A_13] : memref<2x10000x128xf32, #tpu.memory_space<hbm>> -> memref<1x16x128xf32, #tpu.memory_space<hbm>>
        %dma_start3A_15 = tpu.memref_squeeze %dma_start3A_14 : memref<1x16x128xf32, #tpu.memory_space<hbm>> -> memref<16x128xf32, #tpu.memory_space<hbm>>
        %dma_start3A_16 = arith.constant 9984 : i32
        %dma_start3A_17 = arith.constant 0 : i32
        %dma_start3A_18 = tpu.memref_slice %arg12[%dma_start3A_16, %dma_start3A_17] : memref<10240x128xf32, #tpu.memory_space<vmem_shared>> -> memref<16x128xf32, #tpu.memory_space<vmem_shared>>
        tpu.enqueue_dma source(%dma_start3A_18 : memref<16x128xf32, #tpu.memory_space<vmem_shared>>) target(%dma_start3A_15 : memref<16x128xf32, #tpu.memory_space<hbm>>) target_semaphore(%run_scoped3A : memref<!tpu.dma_semaphore, #tpu.memory_space<semaphore_mem>>)
        %dma_wait3A = arith.constant 9984 : i32
        %dma_wait3A_19 = arith.constant 0 : i32
        %dma_wait3A_20 = tpu.memref_slice %arg6[%arg0, %dma_wait3A, %dma_wait3A_19] : memref<2x10000x128xf32, #tpu.memory_space<hbm>> -> memref<1x16x128xf32, #tpu.memory_space<hbm>>
        %dma_wait3A_21 = tpu.memref_squeeze %dma_wait3A_20 : memref<1x16x128xf32, #tpu.memory_space<hbm>> -> memref<16x128xf32, #tpu.memory_space<hbm>>
        %dma_wait3A_22 = arith.constant 9984 : i32
        %dma_wait3A_23 = arith.constant 0 : i32
        %dma_wait3A_24 = tpu.memref_slice %arg12[%dma_wait3A_22, %dma_wait3A_23] : memref<10240x128xf32, #tpu.memory_space<vmem_shared>> -> memref<16x128xf32, #tpu.memory_space<vmem_shared>>
        tpu.wait_dma2 semaphore(%run_scoped3A : memref<!tpu.dma_semaphore, #tpu.memory_space<semaphore_mem>>) src(%dma_wait3A_24 : memref<16x128xf32, #tpu.memory_space<vmem_shared>>) dst(%dma_wait3A_21 : memref<16x128xf32, #tpu.memory_space<hbm>>)
        tpu.yield
      }) : () -> ()
    } else {
    }
    return
  }
}

module attributes {stable_mosaic.version = 14 : i64} {
  func.func @_mid_body(%arg0: i32, %arg1: memref<2x1000x128xf32, #tpu.memory_space<vmem>>, %arg2: memref<1000x128xf32, #tpu.memory_space<vmem>>, %arg3: memref<1000x16xf32, #tpu.memory_space<vmem>>, %arg4: memref<1x128xf32, #tpu.memory_space<vmem>>, %arg5: memref<128x128xf32, #tpu.memory_space<vmem>>, %arg6: memref<1000x128xf32, #tpu.memory_space<vmem>>) attributes {dimension_semantics = [#tpu.dimension_semantics<arbitrary>], iteration_bounds = array<i64: 10>, scalar_prefetch = 0 : i64, scratch_operands = 0 : i64, tpu.core_type = #tpu.core_type<tc>, window_params = [{transform_indices = @transform_0, window_bounds = array<i64: 2, 1000, 128>}, {transform_indices = @transform_1, window_bounds = array<i64: 1000, 128>}, {transform_indices = @transform_2, window_bounds = array<i64: 1000, 16>}, {pipeline_mode = #tpu.pipeline_mode<synchronous>, transform_indices = @transform_3, window_bounds = array<i64: 1, 128>}, {pipeline_mode = #tpu.pipeline_mode<synchronous>, transform_indices = @transform_4, window_bounds = array<i64: 128, 128>}, {transform_indices = @transform_5, window_bounds = array<i64: 1000, 128>}]} {
    %get3A = arith.constant 0 : index
    %get3A_0 = arith.constant 0 : index
    %get3A_1 = arith.constant 0 : index
    %get3A_2 = vector.load %arg1[%get3A, %get3A_0, %get3A_1] : memref<2x1000x128xf32, #tpu.memory_space<vmem>>, vector<2x1000x128xf32>
    %get3A_3 = arith.constant 0 : index
    %get3A_4 = arith.constant 0 : index
    %get3A_5 = vector.load %arg3[%get3A_3, %get3A_4] : memref<1000x16xf32, #tpu.memory_space<vmem>>, vector<1000x16xf32>
    %slice3A = vector.extract_strided_slice %get3A_5 {offsets = [0, 0], sizes = [1000, 1], strides = [1, 1]} : vector<1000x16xf32> to vector<1000x1xf32>
    %slice3A_6 = vector.extract_strided_slice %get3A_2 {offsets = [0, 0, 0], sizes = [1, 1000, 128], strides = [1, 1, 1]} : vector<2x1000x128xf32> to vector<1x1000x128xf32>
    %squeeze3A = vector.shape_cast %slice3A_6 : vector<1x1000x128xf32> to vector<1000x128xf32>
    %slice3A_7 = vector.extract_strided_slice %get3A_2 {offsets = [1, 0, 0], sizes = [1, 1000, 128], strides = [1, 1, 1]} : vector<2x1000x128xf32> to vector<1x1000x128xf32>
    %squeeze3A_8 = vector.shape_cast %slice3A_7 : vector<1x1000x128xf32> to vector<1000x128xf32>
    %add3A = arith.addf %squeeze3A, %squeeze3A_8 : vector<1000x128xf32>
    %get3A_9 = arith.constant 0 : index
    %get3A_10 = arith.constant 0 : index
    %get3A_11 = vector.load %arg2[%get3A_9, %get3A_10] : memref<1000x128xf32, #tpu.memory_space<vmem>>, vector<1000x128xf32>
    %add3A_12 = arith.addf %add3A, %get3A_11 : vector<1000x128xf32>
    %mul3A = vector.broadcast %slice3A : vector<1000x1xf32> to vector<1000x128xf32>
    %mul3A_13 = arith.mulf %add3A_12, %mul3A : vector<1000x128xf32>
    %get3A_14 = arith.constant 0 : index
    %get3A_15 = arith.constant 0 : index
    %get3A_16 = vector.load %arg4[%get3A_14, %get3A_15] : memref<1x128xf32, #tpu.memory_space<vmem>>, vector<1x128xf32>
    %add3A_17 = vector.broadcast %get3A_16 : vector<1x128xf32> to vector<1000x128xf32>
    %add3A_18 = arith.addf %mul3A_13, %add3A_17 : vector<1000x128xf32>
    %max3A = arith.constant 0.000000e+00 : f32
    %max3A_19 = vector.broadcast %max3A : f32 to vector<1000x128xf32>
    %max3A_20 = arith.maximumf %add3A_18, %max3A_19 : vector<1000x128xf32>
    %get3A_21 = arith.constant 0 : index
    %get3A_22 = arith.constant 0 : index
    %get3A_23 = vector.load %arg5[%get3A_21, %get3A_22] : memref<128x128xf32, #tpu.memory_space<vmem>>, vector<128x128xf32>
    %dot_general3A = arith.constant dense<0.000000e+00> : vector<1000x128xf32>
    %dot_general3A_24 = tpu.matmul %max3A_20, %get3A_23, %dot_general3A {dimension_numbers = #tpu.dot_dimension_numbers<[1], [0], [0], [1], [0, 0, 1, 1], [], []>, precision = #tpu.contract_precision<fp32>, transpose_lhs_hint = false} : vector<1000x128xf32>, vector<128x128xf32>, vector<1000x128xf32> -> vector<1000x128xf32>
    %mul3A_25 = vector.broadcast %slice3A : vector<1000x1xf32> to vector<1000x128xf32>
    %mul3A_26 = arith.mulf %dot_general3A_24, %mul3A_25 : vector<1000x128xf32>
    %swap3A = arith.constant 0 : index
    %swap3A_27 = arith.constant 0 : index
    %swap3A_28 = vector.load %arg6[%swap3A, %swap3A_27] : memref<1000x128xf32, #tpu.memory_space<vmem>>, vector<1000x128xf32>
    tpu.vector_store %arg6[%swap3A, %swap3A_27], %mul3A_26 {strides = array<i32>} : memref<1000x128xf32, #tpu.memory_space<vmem>>, vector<1000x128xf32>,
    return
  }
  func.func @transform_0(%arg0: i32) -> (i32, i32, i32) {
    %c0_i32 = arith.constant 0 : i32
    %c0_i32_0 = arith.constant 0 : i32
    %c0_i32_1 = arith.constant 0 : i32
    return %c0_i32, %arg0, %c0_i32_0 : i32, i32, i32
  }
  func.func @transform_1(%arg0: i32) -> (i32, i32) {
    %c0_i32 = arith.constant 0 : i32
    %c0_i32_0 = arith.constant 0 : i32
    return %arg0, %c0_i32 : i32, i32
  }
  func.func @transform_2(%arg0: i32) -> (i32, i32) {
    %c0_i32 = arith.constant 0 : i32
    %c0_i32_0 = arith.constant 0 : i32
    return %arg0, %c0_i32 : i32, i32
  }
  func.func @transform_3(%arg0: i32) -> (i32, i32) {
    %c0_i32 = arith.constant 0 : i32
    %c0_i32_0 = arith.constant 0 : i32
    %c0_i32_1 = arith.constant 0 : i32
    return %c0_i32, %c0_i32_0 : i32, i32
  }
  func.func @transform_4(%arg0: i32) -> (i32, i32) {
    %c0_i32 = arith.constant 0 : i32
    %c0_i32_0 = arith.constant 0 : i32
    %c0_i32_1 = arith.constant 0 : i32
    return %c0_i32, %c0_i32_0 : i32, i32
  }
  func.func @transform_5(%arg0: i32) -> (i32, i32) {
    %c0_i32 = arith.constant 0 : i32
    %c0_i32_0 = arith.constant 0 : i32
    return %arg0, %c0_i32 : i32, i32
  }
}

module attributes {stable_mosaic.version = 14 : i64} {
  func.func @_first_body(%arg0: i32, %arg1: memref<2x1000x128xf32, #tpu.memory_space<vmem>>, %arg2: memref<1000x128xf32, #tpu.memory_space<vmem>>, %arg3: memref<128x128xf32, #tpu.memory_space<vmem>>, %arg4: memref<1000x128xf32, #tpu.memory_space<vmem>>, %arg5: memref<1000x16xf32, #tpu.memory_space<vmem>>) attributes {dimension_semantics = [#tpu.dimension_semantics<arbitrary>], iteration_bounds = array<i64: 10>, scalar_prefetch = 0 : i64, scratch_operands = 0 : i64, tpu.core_type = #tpu.core_type<tc>, window_params = [{transform_indices = @transform_0, window_bounds = array<i64: 2, 1000, 128>}, {transform_indices = @transform_1, window_bounds = array<i64: 1000, 128>}, {pipeline_mode = #tpu.pipeline_mode<synchronous>, transform_indices = @transform_2, window_bounds = array<i64: 128, 128>}, {transform_indices = @transform_3, window_bounds = array<i64: 1000, 128>}, {transform_indices = @transform_4, window_bounds = array<i64: 1000, 16>}]} {
    %get3A = arith.constant 0 : index
    %get3A_0 = arith.constant 0 : index
    %get3A_1 = arith.constant 0 : index
    %get3A_2 = vector.load %arg1[%get3A, %get3A_0, %get3A_1] : memref<2x1000x128xf32, #tpu.memory_space<vmem>>, vector<2x1000x128xf32>
    %slice3A = vector.extract_strided_slice %get3A_2 {offsets = [0, 0, 0], sizes = [1, 1000, 1], strides = [1, 1, 1]} : vector<2x1000x128xf32> to vector<1x1000x1xf32>
    %squeeze3A = vector.shape_cast %slice3A : vector<1x1000x1xf32> to vector<1000x1xf32>
    %slice3A_3 = vector.extract_strided_slice %get3A_2 {offsets = [1, 0, 0], sizes = [1, 1000, 1], strides = [1, 1, 1]} : vector<2x1000x128xf32> to vector<1x1000x1xf32>
    %squeeze3A_4 = vector.shape_cast %slice3A_3 : vector<1x1000x1xf32> to vector<1000x1xf32>
    %add3A = arith.addf %squeeze3A, %squeeze3A_4 : vector<1000x1xf32>
    %add3A_5 = arith.constant 1.000000e+00 : f32
    %add3A_6 = vector.broadcast %add3A_5 : f32 to vector<1000x1xf32>
    %add3A_7 = arith.addf %add3A, %add3A_6 : vector<1000x1xf32>
    %rsqrt3A = math.rsqrt %add3A_7 : vector<1000x1xf32>
    %broadcast_in_dim3A = vector.shape_cast %rsqrt3A : vector<1000x1xf32> to vector<1000x1xf32>
    %broadcast_in_dim3A_8 = vector.broadcast %broadcast_in_dim3A : vector<1000x1xf32> to vector<1000x16xf32>
    %swap3A = arith.constant 0 : index
    %swap3A_9 = arith.constant 0 : index
    %swap3A_10 = vector.load %arg5[%swap3A, %swap3A_9] : memref<1000x16xf32, #tpu.memory_space<vmem>>, vector<1000x16xf32>
    tpu.vector_store %arg5[%swap3A, %swap3A_9], %broadcast_in_dim3A_8 {strides = array<i32>} : memref<1000x16xf32, #tpu.memory_space<vmem>>, vector<1000x16xf32>,
    %get3A_11 = arith.constant 0 : index
    %get3A_12 = arith.constant 0 : index
    %get3A_13 = vector.load %arg2[%get3A_11, %get3A_12] : memref<1000x128xf32, #tpu.memory_space<vmem>>, vector<1000x128xf32>
    %get3A_14 = arith.constant 0 : index
    %get3A_15 = arith.constant 0 : index
    %get3A_16 = vector.load %arg3[%get3A_14, %get3A_15] : memref<128x128xf32, #tpu.memory_space<vmem>>, vector<128x128xf32>
    %dot_general3A = arith.constant dense<0.000000e+00> : vector<1000x128xf32>
    %dot_general3A_17 = tpu.matmul %get3A_13, %get3A_16, %dot_general3A {dimension_numbers = #tpu.dot_dimension_numbers<[1], [0], [0], [1], [0, 0, 1, 1], [], []>, precision = #tpu.contract_precision<fp32>, transpose_lhs_hint = false} : vector<1000x128xf32>, vector<128x128xf32>, vector<1000x128xf32> -> vector<1000x128xf32>
    %mul3A = vector.broadcast %rsqrt3A : vector<1000x1xf32> to vector<1000x128xf32>
    %mul3A_18 = arith.mulf %dot_general3A_17, %mul3A : vector<1000x128xf32>
    %swap3A_19 = arith.constant 0 : index
    %swap3A_20 = arith.constant 0 : index
    %swap3A_21 = vector.load %arg4[%swap3A_19, %swap3A_20] : memref<1000x128xf32, #tpu.memory_space<vmem>>, vector<1000x128xf32>
    tpu.vector_store %arg4[%swap3A_19, %swap3A_20], %mul3A_18 {strides = array<i32>} : memref<1000x128xf32, #tpu.memory_space<vmem>>, vector<1000x128xf32>,
    return
  }
  func.func @transform_0(%arg0: i32) -> (i32, i32, i32) {
    %c0_i32 = arith.constant 0 : i32
    %c0_i32_0 = arith.constant 0 : i32
    %c0_i32_1 = arith.constant 0 : i32
    return %c0_i32, %arg0, %c0_i32_0 : i32, i32, i32
  }
  func.func @transform_1(%arg0: i32) -> (i32, i32) {
    %c0_i32 = arith.constant 0 : i32
    %c0_i32_0 = arith.constant 0 : i32
    return %arg0, %c0_i32 : i32, i32
  }
  func.func @transform_2(%arg0: i32) -> (i32, i32) {
    %c0_i32 = arith.constant 0 : i32
    %c0_i32_0 = arith.constant 0 : i32
    %c0_i32_1 = arith.constant 0 : i32
    return %c0_i32, %c0_i32_0 : i32, i32
  }
  func.func @transform_3(%arg0: i32) -> (i32, i32) {
    %c0_i32 = arith.constant 0 : i32
    %c0_i32_0 = arith.constant 0 : i32
    return %arg0, %c0_i32 : i32, i32
  }
  func.func @transform_4(%arg0: i32) -> (i32, i32) {
    %c0_i32 = arith.constant 0 : i32
    %c0_i32_0 = arith.constant 0 : i32
    return %arg0, %c0_i32 : i32, i32
  }
}

module attributes {stable_mosaic.version = 14 : i64} {
  func.func @_last_body(%arg0: i32, %arg1: memref<2x1000x128xf32, #tpu.memory_space<vmem>>, %arg2: memref<1000x128xf32, #tpu.memory_space<vmem>>, %arg3: memref<1000x16xf32, #tpu.memory_space<vmem>>, %arg4: memref<1x128xf32, #tpu.memory_space<vmem>>, %arg5: memref<1000x128xf32, #tpu.memory_space<vmem>>) attributes {dimension_semantics = [#tpu.dimension_semantics<arbitrary>], iteration_bounds = array<i64: 10>, scalar_prefetch = 0 : i64, scratch_operands = 0 : i64, tpu.core_type = #tpu.core_type<tc>, window_params = [{transform_indices = @transform_0, window_bounds = array<i64: 2, 1000, 128>}, {transform_indices = @transform_1, window_bounds = array<i64: 1000, 128>}, {transform_indices = @transform_2, window_bounds = array<i64: 1000, 16>}, {pipeline_mode = #tpu.pipeline_mode<synchronous>, transform_indices = @transform_3, window_bounds = array<i64: 1, 128>}, {transform_indices = @transform_4, window_bounds = array<i64: 1000, 128>}]} {
    %get3A = arith.constant 0 : index
    %get3A_0 = arith.constant 0 : index
    %get3A_1 = arith.constant 0 : index
    %get3A_2 = vector.load %arg1[%get3A, %get3A_0, %get3A_1] : memref<2x1000x128xf32, #tpu.memory_space<vmem>>, vector<2x1000x128xf32>
    %get3A_3 = arith.constant 0 : index
    %get3A_4 = arith.constant 0 : index
    %get3A_5 = vector.load %arg3[%get3A_3, %get3A_4] : memref<1000x16xf32, #tpu.memory_space<vmem>>, vector<1000x16xf32>
    %slice3A = vector.extract_strided_slice %get3A_5 {offsets = [0, 0], sizes = [1000, 1], strides = [1, 1]} : vector<1000x16xf32> to vector<1000x1xf32>
    %slice3A_6 = vector.extract_strided_slice %get3A_2 {offsets = [0, 0, 0], sizes = [1, 1000, 128], strides = [1, 1, 1]} : vector<2x1000x128xf32> to vector<1x1000x128xf32>
    %squeeze3A = vector.shape_cast %slice3A_6 : vector<1x1000x128xf32> to vector<1000x128xf32>
    %slice3A_7 = vector.extract_strided_slice %get3A_2 {offsets = [1, 0, 0], sizes = [1, 1000, 128], strides = [1, 1, 1]} : vector<2x1000x128xf32> to vector<1x1000x128xf32>
    %squeeze3A_8 = vector.shape_cast %slice3A_7 : vector<1x1000x128xf32> to vector<1000x128xf32>
    %add3A = arith.addf %squeeze3A, %squeeze3A_8 : vector<1000x128xf32>
    %get3A_9 = arith.constant 0 : index
    %get3A_10 = arith.constant 0 : index
    %get3A_11 = vector.load %arg2[%get3A_9, %get3A_10] : memref<1000x128xf32, #tpu.memory_space<vmem>>, vector<1000x128xf32>
    %add3A_12 = arith.addf %add3A, %get3A_11 : vector<1000x128xf32>
    %mul3A = vector.broadcast %slice3A : vector<1000x1xf32> to vector<1000x128xf32>
    %mul3A_13 = arith.mulf %add3A_12, %mul3A : vector<1000x128xf32>
    %get3A_14 = arith.constant 0 : index
    %get3A_15 = arith.constant 0 : index
    %get3A_16 = vector.load %arg4[%get3A_14, %get3A_15] : memref<1x128xf32, #tpu.memory_space<vmem>>, vector<1x128xf32>
    %add3A_17 = vector.broadcast %get3A_16 : vector<1x128xf32> to vector<1000x128xf32>
    %add3A_18 = arith.addf %mul3A_13, %add3A_17 : vector<1000x128xf32>
    %swap3A = arith.constant 0 : index
    %swap3A_19 = arith.constant 0 : index
    %swap3A_20 = vector.load %arg5[%swap3A, %swap3A_19] : memref<1000x128xf32, #tpu.memory_space<vmem>>, vector<1000x128xf32>
    tpu.vector_store %arg5[%swap3A, %swap3A_19], %add3A_18 {strides = array<i32>} : memref<1000x128xf32, #tpu.memory_space<vmem>>, vector<1000x128xf32>,
    return
  }
  func.func @transform_0(%arg0: i32) -> (i32, i32, i32) {
    %c0_i32 = arith.constant 0 : i32
    %c0_i32_0 = arith.constant 0 : i32
    %c0_i32_1 = arith.constant 0 : i32
    return %c0_i32, %arg0, %c0_i32_0 : i32, i32, i32
  }
  func.func @transform_1(%arg0: i32) -> (i32, i32) {
    %c0_i32 = arith.constant 0 : i32
    %c0_i32_0 = arith.constant 0 : i32
    return %arg0, %c0_i32 : i32, i32
  }
  func.func @transform_2(%arg0: i32) -> (i32, i32) {
    %c0_i32 = arith.constant 0 : i32
    %c0_i32_0 = arith.constant 0 : i32
    return %arg0, %c0_i32 : i32, i32
  }
  func.func @transform_3(%arg0: i32) -> (i32, i32) {
    %c0_i32 = arith.constant 0 : i32
    %c0_i32_0 = arith.constant 0 : i32
    %c0_i32_1 = arith.constant 0 : i32
    return %c0_i32, %c0_i32_0 : i32, i32
  }
  func.func @transform_4(%arg0: i32) -> (i32, i32) {
    %c0_i32 = arith.constant 0 : i32
    %c0_i32_0 = arith.constant 0 : i32
    return %arg0, %c0_i32 : i32, i32
  }
}

</mosaic_0001>

<sc_bundles>
// kernel: kernel.10.cloned.1.call-start
scs
__scs_entry_jumppad:
0x0: {  	(pc) =	sbr.rel $0x88, $3  }
0x1: {  	(tag) =	ssettag $0x0;
	lr =	simm.s32 $0x1  }
0x2: {  	[smem:$0x3F99] =	sst lr;
	_ =	strace $0xD0000000  }
0x3: {  	_ = 	snop  }
0x4: {  	_ = 	snop  }
0x5: {  	_ = 	snop  }
0x6: {  	_ = 	snop  }
0x7: {  	_ = 	snop  }
__scs_overlays_trampoline_lowered:
0x8: {  	[smem:$0x3FA8] =	sst s0  }
0x9: {  	[smem:$0x3FA9] =	sst s1  }
0xa: {  	[smem:$0x3FAA] =	sst s2  }
0xb: {  	[smem:$0x3FAB] =	sst s3  }
0xc: {  	[smem:$0x3FAC] =	sst s4  }
0xd: {  	[smem:$0x3FAD] =	sst s5  }
0xe: {  	[smem:$0x3FAE] =	sst s6  }
0xf: {  	[smem:$0x3FAF] =	sst s7  }
0x10: {  	[smem:$0x3FB0] =	sst s8  }
0x11: {  	[smem:$0x3FB1] =	sst s9;
	s0 =	simm.s32 @!p0 $0x0  }
0x12: {  	s1 =	sld [smem:$0x3F97];
	s0 =	simm.s32 @p0 $0x1  }
0x13: {  	[smem:$0x3FB2] =	sst s0;
	s0 =	simm.s32 @!p1 $0x0  }
0x14: {  	s2 =	sld [smem:$0x3F96];
	s0 =	simm.s32 @p1 $0x1  }
0x15: {  	[smem:$0x3FB3] =	sst s0;
	s0 =	simm.s32 @!p2 $0x0  }
0x16: {  	s3 =	sld [smem:$0x3FDB];
	s0 =	simm.s32 @p2 $0x1  }
0x17: {  	s4 =	simm.s32 $0x1BF5;
	[smem:$0x3FB5] =	sst s0  }
0x18: {  	s0 =	sld [smem:$0x3F98];
	_ =	swait.ge [sflag:s4], $0x0  }
0x19: {  	s7 =	sld [smem:$0x3F99]  }
0x1a: {  	s8 =	sadd.s32 $0xFFFFE003, lr  }
0x1b: {  	s9 =	sadd.s32 $0xFFFFFEF7, lr;
	s5 =	simm.s32 $0xFFFFFFFF;
	p2 =	slt.u32 s8, $0xFFFFF086  }
0x1c: {  	p1 =	slt.u32 s9, $0xF7A;
	s5 =	simm.s32 @!p2 $0x0  }
0x1d: {  	s5 =	simm.s32 @p1 $0x1;
	p0 =	seq.s32 s7, s2  }
0x1e: {  	s7 =	smul.u32 @!p0 $0xF7A, s2;
	p2 =	seq.s32 @!p0 s5, $0x0  }
0x1f: {  	s9 =	smul.u32 $0xF7A, s1;
	s8 =	simm.s32 @!p0 $0x1BF5;
	p2 =	por !p2, p0  }
0x20: {  	[sflag:s8] =	ssyncset.s32 @!p0 $0xFFFFF086;
	s6 =	sadd.s32 @!p0 s3, s7;
	s7 =	simm.s32 @!p0 $0x108  }
0x21: {  	s3 =	sadd.s32 s3, s9;
	s6 =	sadd.s32 @!p0 $0x88, s6;
	s7 =	simm.s32 @p2 $0x1082  }
0x22: {  	[simem:s7], [sflag:s8] =	dma.local @!p0 [hbm:s6], $0xF7A  }
0x23: {  	s9 =	sor.u32 $0xD0000000, s2;
	s6 =	simm.s32 $0x108;
	_ =	swait.ge @!p0 [sflag:s8], $0x0  }
0x24: {  	s3 =	sadd.s32 $0x88, s3;
	s6 =	simm.s32 @!p1 $0x1082;
	[sflag:s4] =	ssyncset.s32 $0xFFFFF086  }
0x25: {  	[simem:s6], [sflag:s4] =	dma.local [hbm:s3], $0xF7A  }
0x26: {  	[smem:$0x3F99] =	sst s1;
	(tag) =	ssettag s2;
	_ =	strace s9  }
0x27: {  	s1 =	sld [smem:$0x3FA9]  }
0x28: {  	s2 =	sld [smem:$0x3FAA]  }
0x29: {  	s4 =	sld [smem:$0x3FAC]  }
0x2a: {  	p0 =	seq.s32 s5, $0x0;
	s5 =	sld [smem:$0x3FAD]  }
0x2b: {  	s6 =	sld [smem:$0x3FAE]  }
0x2c: {  	s7 =	sld [smem:$0x3FAF]  }
0x2d: {  	s3 =	simm.s32 $0x108;
	s8 =	sld [smem:$0x3FB0]  }
0x2e: {  	s3 =	simm.s32 @!p0 $0x1082;
	s9 =	sld [smem:$0x3FB1]  }
0x2f: {  	lr =	sadd.s32 s0, s3;
	s0 =	sld [smem:$0x3FA8]  }
0x30: {  	s3 =	sld [smem:$0x3FAB]  }
0x31: {  	[smem:$0x3FB4] =	sst s10  }
0x32: {  	s10 =	sld [smem:$0x3FB2];
	_ =	sdelay $0x3  }
0x33: {  	p0 =	seq.s32 s10, $0x1;
	s10 =	sld [smem:$0x3FB4];
	_ =	sdelay $0x3  }
0x34: {  	[smem:$0x3FB4] =	sst s10  }
0x35: {  	s10 =	sld [smem:$0x3FB3];
	_ =	sdelay $0x3  }
0x36: {  	p1 =	seq.s32 s10, $0x1;
	s10 =	sld [smem:$0x3FB4];
	_ =	sdelay $0x3  }
0x37: {  	[smem:$0x3FB4] =	sst s10  }
0x38: {  	s10 =	sld [smem:$0x3FB5]  }
0x39: {  	_ = 	snop;
	(pc) =	sbr.ind lr, $3  }
0x3a: {  	_ = 	snop  }
0x3b: {  	_ = 	snop  }
0x3c: {  	p2 =	seq.s32 s10, $0x1;
	s10 =	sld [smem:$0x3FB4]  }
0x3d: {  	_ =	shalt  }
0x3e: {  	_ =	shalt  }
0x3f: {  	_ =	shalt  }
0x40: {  	_ =	shalt  }
0x41: {  	_ =	shalt  }
0x42: {  	_ =	shalt  }
0x43: {  	_ =	shalt  }
0x44: {  	_ =	shalt  }
0x45: {  	_ =	shalt  }
0x46: {  	_ =	shalt  }
0x47: {  	_ =	shalt  }
0x48: {  	_ =	shalt  }
0x49: {  	_ =	shalt  }
0x4a: {  	_ =	shalt  }
0x4b: {  	_ =	shalt  }
0x4c: {  	_ =	shalt  }
0x4d: {  	_ =	shalt  }
0x4e: {  	_ =	shalt  }
0x4f: {  	_ =	shalt  }
0x50: {  	_ =	shalt  }
0x51: {  	_ =	shalt  }
0x52: {  	_ =	shalt  }
0x53: {  	_ =	shalt  }
0x54: {  	_ =	shalt  }
0x55: {  	_ =	shalt  }
0x56: {  	_ =	shalt  }
0x57: {  	_ =	shalt  }
0x58: {  	_ =	shalt  }
0x59: {  	_ =	shalt  }
0x5a: {  	_ =	shalt  }
0x5b: {  	_ =	shalt  }
0x5c: {  	_ =	shalt  }
0x5d: {  	_ =	shalt  }
0x5e: {  	_ =	shalt  }
0x5f: {  	_ =	shalt  }
0x60: {  	_ =	shalt  }
0x61: {  	_ =	shalt  }
0x62: {  	_ =	shalt  }
0x63: {  	_ =	shalt  }
0x64: {  	_ =	shalt  }
0x65: {  	_ =	shalt  }
0x66: {  	_ =	shalt  }
0x67: {  	_ =	shalt  }
0x68: {  	_ =	shalt  }
0x69: {  	_ =	shalt  }
0x6a: {  	_ =	shalt  }
0x6b: {  	_ =	shalt  }
0x6c: {  	_ =	shalt  }
0x6d: {  	_ =	shalt  }
0x6e: {  	_ =	shalt  }
0x6f: {  	_ =	shalt  }
0x70: {  	_ =	shalt  }
0x71: {  	_ =	shalt  }
0x72: {  	_ =	shalt  }
0x73: {  	_ =	shalt  }
0x74: {  	_ =	shalt  }
0x75: {  	_ =	shalt  }
0x76: {  	_ =	shalt  }
0x77: {  	_ =	shalt  }
0x78: {  	_ =	shalt  }
0x79: {  	_ =	shalt  }
0x7a: {  	_ =	shalt  }
0x7b: {  	_ =	shalt  }
0x7c: {  	_ =	shalt  }
0x7d: {  	_ =	shalt  }
0x7e: {  	_ =	shalt  }
0x7f: {  	_ =	shalt  }
0x80: {  	_ =	shalt  }
0x81: {  	_ =	shalt  }
0x82: {  	_ =	shalt  }
0x83: {  	_ =	shalt  }
0x84: {  	_ =	shalt  }
0x85: {  	_ =	shalt  }
0x86: {  	_ =	shalt  }
0x87: {  	_ =	shalt  }
.Lfunc_end0:
.L_simem_size_0:
called_computation_lowered:
.L_overlay_start_0:
0x88: {  	s2 =	sld [smem:$0x3FD9]  }
0x89: {  	s3 =	sld [smem:$0x3FFE];
	_ =	sdelay $0x1  }
0x8a: {  	s1 =	srdreg.scid  }
0x8b: {  	s0 =	sand.u32 $0x1, s1  }
0x8c: {  	s17 =	sshll.u32 s0, $0xA;
	s2 =	sadd.s32 s3, s2  }
0x8d: {  	s2 =	sadd.s32 s2, s17  }
0x8e: {  	[smem:$0x3FC0] =	sst s2  }
0x8f: {  	_ = 	snop  }
0x90: {  	s2 =	sld [smem:$0x3FD0];
	(tm) =	ssettm $0x1  }
0x91: {  	s18 =	sld [smem:$0x3FFB];
	_ =	sdelay $0x3  }
0x92: {  	_ =	strace s18  }
0x93: {  	s3 =	sld [smem:$0x3FFC];
	_ =	sdelay $0x3  }
0x94: {  	_ =	strace s3  }
0x95: {  	s3 =	sld [smem:$0x3FFD];
	_ =	sdelay $0x3  }
0x96: {  	_ =	strace s3  }
0x97: {  	_ =	strace $0x8FFFFFFF  }
0x98: {  	s19 =	sld [smem:$0x3FDB];
	_ =	sdelay $0x1  }
0x99: {  	s4 =	simm.s32 $_scs_section_size  }
0x9a: {  	s5 =	simm.s32 $_size__tile_overlayer_lowered;
	s6 =	simm.s32 $_tile_overlayer_lowered  }
0x9b: {  	s22 =	simm.s32 $0x1BFF;
	s21 =	sshll.u32 s6, $0x1;
	s3 =	sadd.s32 s4, s19  }
0x9c: {  	s7 =	simm.s32 $0x0;
	s20 =	sshll.u32 s5, $0x1;
	s5 =	sadd.s32 s21, s3  }
0x9d: {  	[timem:s7], [sflag:s22] =	dma.local [hbm:s5], s20  }
0x9e: {  	_ =	swait.ge [sflag:s22], s20  }
0x9f: {  	s4 =	ssub.s32 $0x0, s20;
	[sflag:s22] =	ssyncset.done $0x0  }
0xa0: {  	[sflag:s22] =	ssyncadd.s32 s4;
	_ =	sdelay $0x1  }
0xa1: {  	s23 =	simm.s32 $0x1B8B  }
0xa2: {  	_ =	swait.ge [sflag:s23], $0x1  }
0xa3: {  	[sflag:s23] =	ssyncset.done $0x0  }
0xa4: {  	s25 =	simm.s32 $0x1B8E;
	s24 =	sld [smem:$0x3FFE];
	[sflag:s23] =	ssyncadd.s32 $0xFFFFFFFF  }
0xa5: {  	s26 =	simm.s32 $execute0_lowered;
	[smem:$0x3FD2] =	sst s25  }
0xa6: {  	s5 =	sshll.u32 s26, $0x1;
	_ =	strace $0x80000046;
	[dreg:$0x1] =	wrdreg $0xFFFFFFFF  }
0xa7: {  	s28 =	simm.s32 $_size_execute0_lowered;
	s3 =	sadd.s32 s3, s5;
	[dreg:$0x0] =	wrdreg $0x0  }
0xa8: {  	s5 =	sshll.u32 s28, $0x1;
	[dreg:$0x2] =	wrdreg s3  }
0xa9: {  	[dreg:$0x3] =	wrdreg s5  }
0xaa: {  	[dreg:$0x4] =	wrdreg $0xC0  }
0xab: {  	_ =	task [dreg:s7], $0x5FFFF  }
0xac: {  	[dreg:$0x1] =	wrdreg $0xFFFFFFFF  }
0xad: {  	[dreg:$0x0] =	wrdreg $0x60  }
0xae: {  	[dreg:$0x2] =	wrdreg s24  }
0xaf: {  	[dreg:$0x3] =	wrdreg s2  }
0xb0: {  	[dreg:$0x4] =	wrdreg $0x68000  }
0xb1: {  	[dreg:$0x5] =	wrdreg $0x9  }
0xb2: {  	_ =	task.clear_ibuf [dreg:s7], $0x6FFFF;
	_ =	strace $0x90000046  }
0xb3: {  	s29 =	simm.s32 $0x9;
	_ =	strace $0x80000048  }
0xb4: {  	_ =	swait.ge [sflag:s29], $0x1  }
0xb5: {  	[sflag:s29] =	ssyncadd.s32 $0xFFFFFFFF  }
0xb6: {  	_ =	strace $0x90000048  }
0xb7: {  	_ =	sfence  }
0xb8: {  	s30 =	sld [smem:$0x0];
	_ =	sdelay $0x2  }
0xb9: {  	s31 =	sshll.u32 s1, $0xD;
	s1 =	sshrl.u32 s1, $0x2  }
0xba: {  	s3 =	sand.u32 $0x4000, s31;
	s1 =	sadd.s32 s1, s30  }
0xbb: {  	s0 =	sor.u32 s3, s0;
	s1 =	sshll.u32 s1, $0x11  }
0xbc: {  	s0 =	sor.u32 s1, s0  }
0xbd: {  	s0 =	sadd.s32 $0x8F2B, s0  }
0xbe: {  	[sflag:s0] =	ssyncadd.remote.s32 $0x1  }
0xbf: {  	_ =	sfence.sel $0xFFFF  }
0xc0: {  	[dreg:$0x0] =	wrdreg $0xFFFFFFFF;
	(pc) =	sbr.abs _section_cstart, $3  }
0xc1: {  	[dreg:$0x1] =	wrdreg $0xFFFFFFFF  }
0xc2: {  	_ =	task.clear_ibuf [dreg:s7], $0x2FFFF;
	_ =	strace $0x9FFFFFFF  }
0xc3: {  	(tm) =	ssettm $0x7FFFFFFF  }
tec
execute0_lowered:
.L_overlay_start_1:
0x0: {  	(tag) =	ssettag $0x1  }
0x1: {  	s5 =	rddreg [dreg:$0x0]  }
0x2: {  	s1 =	srdreg.scid;
	s2 =	rddreg [dreg:$0x1]  }
0x3: {  	s0 =	stileid.u32;
	s3 =	rddreg [dreg:$0x2];
	s4 =	simm.s32 $0x0  }
0x4: {  	s17 =	simm.s32 $0x0;
	s6 =	sand.u32 $0x1, s1;
	s8 =	smul.u32 $0x2800, s0  }
0x5: {  	s23 =	sshll.u32 s0, $0x1;
	s1 =	rddreg [dreg:$0x3];
	s10 =	smul.u32 $0x50000, s0  }
0x6: {  	[smem:$0x7FF] =	sst s4;
	s11 =	sadd.s32 $0x3F400, s5;
	s26 =	smul.u32 $0x13800, s0  }
0x7: {  	s28 =	sshll.u32 s0, $0x6;
	s30 =	smul.u32 $0x4E000, s0;
	s16 =	sadd.s32 $0x138000, s3  }
0x8: {  	p0 =	sne.s32 s0, $0xF;
	s7 =	sor.u32 s6, s23;
	_ =	strace $0x80000047  }
0x9: {  	s9 =	ssub.s32 $0x2, s6;
	s12 =	smul.u32 $0x138800, s6;
	s6 =	sor.u32 $0x1C01, s28  }
0xa: {  	s16 =	sshrl.u32 @!p0 s16, $0x3;
	s7 =	smul.u32 $0x500, s7;
	s24 =	sshrl.u32 s9, $0x1  }
0xb: {  	s8 =	sadd.s32 s8, s5;
	s25 =	sshrl.u32 s10, $0x2;
	s13 =	ssub.s32 s9, s24  }
0xc: {  	s14 =	sadd.s32 s25, s3;
	s29 =	sadd.s32 s26, s12;
	s31 =	sshrl.u32 s12, $0x3  }
0xd: {  	s9 =	sshrl.u32 s30, $0x2;
	s12 =	simm.s32 $0x1;
	s7 =	sadd.s32 s7, s5  }
0xe: {  	s5 =	sadd.s32 $0x17400, s8;
	s8 =	sshrl.u32 s29, $0x3;
	s10 =	sadd.s32 s11, s31  }
0xf: {  	s15 =	sadd.s32 s9, s3;
	s7 =	sadd.s32 $0x3400, s7;
	s8 =	sadd.s32 s11, s8  }
0x10: {  	s9 =	sadd.s32 $0x27000, s10;
	s10 =	smax.u32 s13, $0x1;
	s11 =	sshrl.u32 s14, $0x3  }
0x11: {  	s13 =	simm.s32 $0x2800;
	s14 =	simm.s32 $0x80;
	s15 =	sshrl.u32 s15, $0x3  }
.LBB2_1:
0x12: {  	[spmem:s11], [sflag:s6] =	dma.local [hbm:s5], $0x2800  }
0x13: {  	_ =	swait.ge [sflag:s12], $0x2800  }
0x14: {  	[sflag:s12] =	ssyncset.done $0x0  }
0x15: {  	[sflag:s12] =	ssyncadd.s32 $0xFFFFD800  }
0x16: {  	[tilespmem:s4], [sflag:$0x1] =	stream.linear.gather [hbm4b:s7+s4], $0x2800, $0x38;
	[tilespmem:$0x1A800] =	vst v63  }
0x17: {  	_ =	swait.ge [sflag:s12], $0x2800  }
0x18: {  	[sflag:s12] =	ssyncset.done $0x0  }
0x19: {  	[sflag:s12] =	ssyncadd.s32 $0xFFFFD800  }
0x1a: {  	[tilespmem:s13], [sflag:$0x1] =	stream.linear.gather [hbm4b:s2+s4], $0x4000, $0x38;
	[tilespmem:$0x1A800] =	vst v63  }
0x1b: {  	_ =	swait.ge [sflag:s12], $0x4000  }
0x1c: {  	[sflag:s12] =	ssyncset.done $0x0  }
0x1d: {  	[sflag:s12] =	ssyncadd.s32 $0xFFFFC000  }
0x1e: {  	s18 =	simm.s32 $0x0;
	[bflag:$0x0] =	sbarrier.arrive $0xFFFF  }
0x1f: {  	[spmem:s3] =	stream.indirect.scatter.add.f32 [tilespmem:s13], [sflag:$0x1], $0x80, s18, s14, $0xb8;
	[tilespmem:$0x1A800] =	vst v63  }
0x20: {  	_ =	swait.ge [sflag:s12], $0x4000  }
0x21: {  	s18 =	simm.s32 $0x200;
	[sflag:s12] =	ssyncset.done $0x0  }
.LBB2_2:
0x22: {  	s19 =	sshra.s32 s18, $0x2;
	[sflag:s12] =	ssyncadd.s32 $0xFFFFC000;
	p1 =	sne.s32 s18, $0x9E00  }
0x23: {  	[spmem:s3] =	stream.indirect.scatter.add.f32 [tilespmem:s13], [sflag:$0x1], $0x80, s19, s14, $0xb8;
	[tilespmem:$0x1A800] =	vst v63  }
.Ltmp0:
0x24: {  	_ = 	snop;
	(pc) =	sbr.rel @p1 .LBB2_2-.Ltmp0, $4  }
0x25: {  	_ = 	snop  }
0x26: {  	s18 =	sadd.s32 $0x200, s18  }
0x27: {  	_ =	swait.ge [sflag:s12], $0x4000  }
0x28: {  	[sflag:s12] =	ssyncset.done $0x0  }
0x29: {  	[sflag:s12] =	ssyncadd.s32 $0xFFFFC000  }
0x2a: {  	[bflag:$0x0] =	sbarrier.arrive $0xFFFF  }
0x2b: {  	[hbm:s8], [sflag:s6] =	dma.local [spmem:s15], $0x2700  }
0x2c: {  	s17 =	sadd.s32 $0x1, s17;
	_ =	swait.ge [sflag:s12], $0x2700  }
0x2d: {  	p1 =	sne.s32 s17, s10;
	[sflag:s12] =	ssyncset.done $0x0  }
.Ltmp1:
0x2e: {  	s18 =	simm.s32 @!p0 $0x1;
	[sflag:s12] =	ssyncadd.s32 $0xFFFFD900;
	(pc) =	sbr.rel @p1 .LBB2_1-.Ltmp1, $4  }
0x2f: {  	[hbm:s9], [sflag:s6] =	dma.local @!p0 [spmem:s16], $0x100  }
0x30: {  	_ =	swait.ge @!p0 [sflag:s18], $0x100  }
0x31: {  	[sflag:s18] =	ssyncset.done @!p0 $0x0  }
0x32: {  	[sflag:s18] =	ssyncadd.s32 @!p0 $0xFFFFFF00  }
0x33: {  	_ =	sfence.sel $0x180000  }
0x34: {  	[bflag:$0x0] =	sbarrier.arrive $0xFFFF  }
0x35: {  	p0 =	sne.s32 s0, $0x0;
	_ =	strace $0x90000047  }
0x36: {  	s0 =	sadd.s32 @!p0 $0x100000, s1;
	[bflag:$0x2] =	sbarrier.arrive $0xFFFF  }
0x37: {  	[sflag:s0] =	ssyncadd.tile.s32 @!p0 $0x1;
	_ =	shalt  }
.Lfunc_end2:
_tile_overlayer_lowered:
.L_overlay_start_2:
0x38: {  	(tag) =	ssettag $0x2  }
0x39: {  	s0 =	rddreg [dreg:$0x0];
	s2 =	stileid.u32  }
0x3a: {  	s1 =	rddreg [dreg:$0x1];
	p0 =	sne.s32 s2, $0x0  }
0x3b: {  	s3 =	rddreg [dreg:$0x2];
	[bflag:$0x3] =	sbarrier.arrive $0xFFFF;
	s2 =	simm.s32 @!p0 $0x1C01  }
0x3c: {  	[timem:s3], [sflag:s2] =	dma.local @!p0 [hbm:s0], s1  }
0x3d: {  	s0 =	simm.s32 @!p0 $0x1  }
0x3e: {  	_ =	swait.ge @!p0 [sflag:s0], s1  }
0x3f: {  	s1 =	ssub.s32 @!p0 $0x0, s1;
	[sflag:s0] =	ssyncset.done @!p0 $0x0  }
0x40: {  	[sflag:s0] =	ssyncadd.s32 @!p0 s1  }
0x41: {  	[bflag:$0x3] =	sbarrier.arrive $0xFFFF  }
0x42: {  	_ =	shalt  }

// kernel: kernel.13.cloned.1.call-start
scs
__scs_entry_jumppad:
0x0: {  	(pc) =	sbr.rel $0x88, $3  }
0x1: {  	(tag) =	ssettag $0x0;
	lr =	simm.s32 $0x1  }
0x2: {  	[smem:$0x3F99] =	sst lr;
	_ =	strace $0xD0000000  }
0x3: {  	_ = 	snop  }
0x4: {  	_ = 	snop  }
0x5: {  	_ = 	snop  }
0x6: {  	_ = 	snop  }
0x7: {  	_ = 	snop  }
__scs_overlays_trampoline_lowered:
0x8: {  	[smem:$0x3FA8] =	sst s0  }
0x9: {  	[smem:$0x3FA9] =	sst s1  }
0xa: {  	[smem:$0x3FAA] =	sst s2  }
0xb: {  	[smem:$0x3FAB] =	sst s3  }
0xc: {  	[smem:$0x3FAC] =	sst s4  }
0xd: {  	[smem:$0x3FAD] =	sst s5  }
0xe: {  	[smem:$0x3FAE] =	sst s6  }
0xf: {  	[smem:$0x3FAF] =	sst s7  }
0x10: {  	[smem:$0x3FB0] =	sst s8  }
0x11: {  	[smem:$0x3FB1] =	sst s9;
	s0 =	simm.s32 @!p0 $0x0  }
0x12: {  	s1 =	sld [smem:$0x3F97];
	s0 =	simm.s32 @p0 $0x1  }
0x13: {  	[smem:$0x3FB2] =	sst s0;
	s0 =	simm.s32 @!p1 $0x0  }
0x14: {  	s2 =	sld [smem:$0x3F96];
	s0 =	simm.s32 @p1 $0x1  }
0x15: {  	[smem:$0x3FB3] =	sst s0;
	s0 =	simm.s32 @!p2 $0x0  }
0x16: {  	s3 =	sld [smem:$0x3FDB];
	s0 =	simm.s32 @p2 $0x1  }
0x17: {  	s4 =	simm.s32 $0x1BF5;
	[smem:$0x3FB5] =	sst s0  }
0x18: {  	s0 =	sld [smem:$0x3F98];
	_ =	swait.ge [sflag:s4], $0x0  }
0x19: {  	s7 =	sld [smem:$0x3F99]  }
0x1a: {  	s8 =	sadd.s32 $0xFFFFE003, lr  }
0x1b: {  	s9 =	sadd.s32 $0xFFFFFEF7, lr;
	s5 =	simm.s32 $0xFFFFFFFF;
	p2 =	slt.u32 s8, $0xFFFFF086  }
0x1c: {  	p1 =	slt.u32 s9, $0xF7A;
	s5 =	simm.s32 @!p2 $0x0  }
0x1d: {  	s5 =	simm.s32 @p1 $0x1;
	p0 =	seq.s32 s7, s2  }
0x1e: {  	s7 =	smul.u32 @!p0 $0xF7A, s2;
	p2 =	seq.s32 @!p0 s5, $0x0  }
0x1f: {  	s9 =	smul.u32 $0xF7A, s1;
	s8 =	simm.s32 @!p0 $0x1BF5;
	p2 =	por !p2, p0  }
0x20: {  	[sflag:s8] =	ssyncset.s32 @!p0 $0xFFFFF086;
	s6 =	sadd.s32 @!p0 s3, s7;
	s7 =	simm.s32 @!p0 $0x108  }
0x21: {  	s3 =	sadd.s32 s3, s9;
	s6 =	sadd.s32 @!p0 $0x88, s6;
	s7 =	simm.s32 @p2 $0x1082  }
0x22: {  	[simem:s7], [sflag:s8] =	dma.local @!p0 [hbm:s6], $0xF7A  }
0x23: {  	s9 =	sor.u32 $0xD0000000, s2;
	s6 =	simm.s32 $0x108;
	_ =	swait.ge @!p0 [sflag:s8], $0x0  }
0x24: {  	s3 =	sadd.s32 $0x88, s3;
	s6 =	simm.s32 @!p1 $0x1082;
	[sflag:s4] =	ssyncset.s32 $0xFFFFF086  }
0x25: {  	[simem:s6], [sflag:s4] =	dma.local [hbm:s3], $0xF7A  }
0x26: {  	[smem:$0x3F99] =	sst s1;
	(tag) =	ssettag s2;
	_ =	strace s9  }
0x27: {  	s1 =	sld [smem:$0x3FA9]  }
0x28: {  	s2 =	sld [smem:$0x3FAA]  }
0x29: {  	s4 =	sld [smem:$0x3FAC]  }
0x2a: {  	p0 =	seq.s32 s5, $0x0;
	s5 =	sld [smem:$0x3FAD]  }
0x2b: {  	s6 =	sld [smem:$0x3FAE]  }
0x2c: {  	s7 =	sld [smem:$0x3FAF]  }
0x2d: {  	s3 =	simm.s32 $0x108;
	s8 =	sld [smem:$0x3FB0]  }
0x2e: {  	s3 =	simm.s32 @!p0 $0x1082;
	s9 =	sld [smem:$0x3FB1]  }
0x2f: {  	lr =	sadd.s32 s0, s3;
	s0 =	sld [smem:$0x3FA8]  }
0x30: {  	s3 =	sld [smem:$0x3FAB]  }
0x31: {  	[smem:$0x3FB4] =	sst s10  }
0x32: {  	s10 =	sld [smem:$0x3FB2];
	_ =	sdelay $0x3  }
0x33: {  	p0 =	seq.s32 s10, $0x1;
	s10 =	sld [smem:$0x3FB4];
	_ =	sdelay $0x3  }
0x34: {  	[smem:$0x3FB4] =	sst s10  }
0x35: {  	s10 =	sld [smem:$0x3FB3];
	_ =	sdelay $0x3  }
0x36: {  	p1 =	seq.s32 s10, $0x1;
	s10 =	sld [smem:$0x3FB4];
	_ =	sdelay $0x3  }
0x37: {  	[smem:$0x3FB4] =	sst s10  }
0x38: {  	s10 =	sld [smem:$0x3FB5]  }
0x39: {  	_ = 	snop;
	(pc) =	sbr.ind lr, $3  }
0x3a: {  	_ = 	snop  }
0x3b: {  	_ = 	snop  }
0x3c: {  	p2 =	seq.s32 s10, $0x1;
	s10 =	sld [smem:$0x3FB4]  }
0x3d: {  	_ =	shalt  }
0x3e: {  	_ =	shalt  }
0x3f: {  	_ =	shalt  }
0x40: {  	_ =	shalt  }
0x41: {  	_ =	shalt  }
0x42: {  	_ =	shalt  }
0x43: {  	_ =	shalt  }
0x44: {  	_ =	shalt  }
0x45: {  	_ =	shalt  }
0x46: {  	_ =	shalt  }
0x47: {  	_ =	shalt  }
0x48: {  	_ =	shalt  }
0x49: {  	_ =	shalt  }
0x4a: {  	_ =	shalt  }
0x4b: {  	_ =	shalt  }
0x4c: {  	_ =	shalt  }
0x4d: {  	_ =	shalt  }
0x4e: {  	_ =	shalt  }
0x4f: {  	_ =	shalt  }
0x50: {  	_ =	shalt  }
0x51: {  	_ =	shalt  }
0x52: {  	_ =	shalt  }
0x53: {  	_ =	shalt  }
0x54: {  	_ =	shalt  }
0x55: {  	_ =	shalt  }
0x56: {  	_ =	shalt  }
0x57: {  	_ =	shalt  }
0x58: {  	_ =	shalt  }
0x59: {  	_ =	shalt  }
0x5a: {  	_ =	shalt  }
0x5b: {  	_ =	shalt  }
0x5c: {  	_ =	shalt  }
0x5d: {  	_ =	shalt  }
0x5e: {  	_ =	shalt  }
0x5f: {  	_ =	shalt  }
0x60: {  	_ =	shalt  }
0x61: {  	_ =	shalt  }
0x62: {  	_ =	shalt  }
0x63: {  	_ =	shalt  }
0x64: {  	_ =	shalt  }
0x65: {  	_ =	shalt  }
0x66: {  	_ =	shalt  }
0x67: {  	_ =	shalt  }
0x68: {  	_ =	shalt  }
0x69: {  	_ =	shalt  }
0x6a: {  	_ =	shalt  }
0x6b: {  	_ =	shalt  }
0x6c: {  	_ =	shalt  }
0x6d: {  	_ =	shalt  }
0x6e: {  	_ =	shalt  }
0x6f: {  	_ =	shalt  }
0x70: {  	_ =	shalt  }
0x71: {  	_ =	shalt  }
0x72: {  	_ =	shalt  }
0x73: {  	_ =	shalt  }
0x74: {  	_ =	shalt  }
0x75: {  	_ =	shalt  }
0x76: {  	_ =	shalt  }
0x77: {  	_ =	shalt  }
0x78: {  	_ =	shalt  }
0x79: {  	_ =	shalt  }
0x7a: {  	_ =	shalt  }
0x7b: {  	_ =	shalt  }
0x7c: {  	_ =	shalt  }
0x7d: {  	_ =	shalt  }
0x7e: {  	_ =	shalt  }
0x7f: {  	_ =	shalt  }
0x80: {  	_ =	shalt  }
0x81: {  	_ =	shalt  }
0x82: {  	_ =	shalt  }
0x83: {  	_ =	shalt  }
0x84: {  	_ =	shalt  }
0x85: {  	_ =	shalt  }
0x86: {  	_ =	shalt  }
0x87: {  	_ =	shalt  }
.Lfunc_end0:
.L_simem_size_0:
called_computation.1_lowered:
.L_overlay_start_0:
0x88: {  	s2 =	sld [smem:$0x3FD9]  }
0x89: {  	s3 =	sld [smem:$0x3FFE];
	_ =	sdelay $0x1  }
0x8a: {  	s1 =	srdreg.scid  }
0x8b: {  	s0 =	sand.u32 $0x1, s1  }
0x8c: {  	s17 =	sshll.u32 s0, $0xA;
	s2 =	sadd.s32 s3, s2  }
0x8d: {  	s2 =	sadd.s32 s2, s17  }
0x8e: {  	[smem:$0x3FC0] =	sst s2  }
0x8f: {  	_ = 	snop  }
0x90: {  	s2 =	sld [smem:$0x3FD0];
	(tm) =	ssettm $0x1  }
0x91: {  	s18 =	sld [smem:$0x3FFB];
	_ =	sdelay $0x3  }
0x92: {  	_ =	strace s18  }
0x93: {  	s3 =	sld [smem:$0x3FFC];
	_ =	sdelay $0x3  }
0x94: {  	_ =	strace s3  }
0x95: {  	s3 =	sld [smem:$0x3FFD];
	_ =	sdelay $0x3  }
0x96: {  	_ =	strace s3  }
0x97: {  	_ =	strace $0x8FFFFFFF  }
0x98: {  	s19 =	sld [smem:$0x3FDB];
	_ =	sdelay $0x1  }
0x99: {  	s4 =	simm.s32 $_scs_section_size  }
0x9a: {  	s5 =	simm.s32 $_size__tile_overlayer_lowered;
	s6 =	simm.s32 $_tile_overlayer_lowered  }
0x9b: {  	s22 =	simm.s32 $0x1BFF;
	s21 =	sshll.u32 s6, $0x1;
	s3 =	sadd.s32 s4, s19  }
0x9c: {  	s7 =	simm.s32 $0x0;
	s20 =	sshll.u32 s5, $0x1;
	s5 =	sadd.s32 s21, s3  }
0x9d: {  	[timem:s7], [sflag:s22] =	dma.local [hbm:s5], s20  }
0x9e: {  	_ =	swait.ge [sflag:s22], s20  }
0x9f: {  	s4 =	ssub.s32 $0x0, s20;
	[sflag:s22] =	ssyncset.done $0x0  }
0xa0: {  	[sflag:s22] =	ssyncadd.s32 s4;
	_ =	sdelay $0x1  }
0xa1: {  	s23 =	simm.s32 $0x1B8B  }
0xa2: {  	_ =	swait.ge [sflag:s23], $0x1  }
0xa3: {  	[sflag:s23] =	ssyncset.done $0x0  }
0xa4: {  	s25 =	simm.s32 $0x1B8E;
	s24 =	sld [smem:$0x3FFE];
	[sflag:s23] =	ssyncadd.s32 $0xFFFFFFFF  }
0xa5: {  	s26 =	simm.s32 $execute0_lowered;
	[smem:$0x3FD2] =	sst s25  }
0xa6: {  	s5 =	sshll.u32 s26, $0x1;
	_ =	strace $0x80000049;
	[dreg:$0x1] =	wrdreg $0xFFFFFFFF  }
0xa7: {  	s28 =	simm.s32 $_size_execute0_lowered;
	s3 =	sadd.s32 s3, s5;
	[dreg:$0x0] =	wrdreg $0x0  }
0xa8: {  	s5 =	sshll.u32 s28, $0x1;
	[dreg:$0x2] =	wrdreg s3  }
0xa9: {  	[dreg:$0x3] =	wrdreg s5  }
0xaa: {  	[dreg:$0x4] =	wrdreg $0xC0  }
0xab: {  	_ =	task [dreg:s7], $0x5FFFF  }
0xac: {  	[dreg:$0x1] =	wrdreg $0xFFFFFFFF  }
0xad: {  	[dreg:$0x0] =	wrdreg $0x60  }
0xae: {  	[dreg:$0x2] =	wrdreg s2  }
0xaf: {  	[dreg:$0x3] =	wrdreg s24  }
0xb0: {  	[dreg:$0x4] =	wrdreg $0x81800  }
0xb1: {  	[dreg:$0x5] =	wrdreg $0x9  }
0xb2: {  	_ =	task.clear_ibuf [dreg:s7], $0x6FFFF;
	_ =	strace $0x90000049  }
0xb3: {  	s29 =	simm.s32 $0x9;
	_ =	strace $0x8000004B  }
0xb4: {  	_ =	swait.ge [sflag:s29], $0x1  }
0xb5: {  	[sflag:s29] =	ssyncadd.s32 $0xFFFFFFFF  }
0xb6: {  	_ =	strace $0x9000004B  }
0xb7: {  	_ =	sfence  }
0xb8: {  	s30 =	sld [smem:$0x0];
	_ =	sdelay $0x2  }
0xb9: {  	s31 =	sshll.u32 s1, $0xD;
	s1 =	sshrl.u32 s1, $0x2  }
0xba: {  	s3 =	sand.u32 $0x4000, s31;
	s1 =	sadd.s32 s1, s30  }
0xbb: {  	s0 =	sor.u32 s3, s0;
	s1 =	sshll.u32 s1, $0x11  }
0xbc: {  	s0 =	sor.u32 s1, s0  }
0xbd: {  	s0 =	sadd.s32 $0x8F2B, s0  }
0xbe: {  	[sflag:s0] =	ssyncadd.remote.s32 $0x1  }
0xbf: {  	_ =	sfence.sel $0xFFFF  }
0xc0: {  	[dreg:$0x0] =	wrdreg $0xFFFFFFFF;
	(pc) =	sbr.abs _section_cstart, $3  }
0xc1: {  	[dreg:$0x1] =	wrdreg $0xFFFFFFFF  }
0xc2: {  	_ =	task.clear_ibuf [dreg:s7], $0x2FFFF;
	_ =	strace $0x9FFFFFFF  }
0xc3: {  	(tm) =	ssettm $0x7FFFFFFF  }
tec
execute0_lowered:
.L_overlay_start_1:
0x0: {  	(tag) =	ssettag $0x1  }
0x1: {  	s1 =	rddreg [dreg:$0x0]  }
0x2: {  	s5 =	rddreg [dreg:$0x1]  }
0x3: {  	s2 =	rddreg [dreg:$0x2]  }
0x4: {  	s0 =	rddreg [dreg:$0x3];
	s4 =	simm.s32 $0x0  }
0x5: {  	s3 =	stileid.u32;
	s8 =	srdreg.scid;
	s16 =	simm.s32 $0x100  }
0x6: {  	s17 =	simm.s32 $0x4180;
	s18 =	simm.s32 $0x1;
	s19 =	simm.s32 $0x2  }
0x7: {  	s22 =	simm.s32 $0x0;
	[smem:$0x7FF] =	sst s4;
	s7 =	smul.u32 $0x2800, s3  }
0x8: {  	s6 =	sshll.u32 s3, $0x5;
	s8 =	sand.u32 $0x1, s8;
	s24 =	smul.u32 $0x50000, s3  }
0x9: {  	s13 =	smul.u32 $0x13800, s3;
	s14 =	sadd.s32 $0x3F400, s5;
	s26 =	sshll.u32 s3, $0x6  }
0xa: {  	s15 =	smul.u32 $0x4E000, s3;
	s21 =	sadd.s32 $0x138000, s2;
	p0 =	sne.s32 s3, $0xF  }
0xb: {  	_ =	strace $0x8000004A;
	s9 =	sadd.s32 s6, s5;
	s10 =	ssub.s32 $0x2, s8  }
0xc: {  	s11 =	smul.u32 $0x138800, s8;
	s30 =	sshll.u32 s8, $0x4;
	s21 =	sshrl.u32 @!p0 s21, $0x3  }
0xd: {  	s7 =	sadd.s32 s7, s5;
	s12 =	sshrl.u32 s10, $0x1;
	s6 =	sshrl.u32 s24, $0x2  }
0xe: {  	s29 =	sshrl.u32 s15, $0x2;
	s31 =	sadd.s32 s30, s9;
	s15 =	simm.s32 $0x180  }
0xf: {  	s10 =	ssub.s32 s10, s12;
	s25 =	sadd.s32 s6, s2;
	s13 =	sadd.s32 s13, s11  }
0x10: {  	s5 =	sadd.s32 $0x17400, s7;
	s6 =	sor.u32 $0x1C03, s26;
	s11 =	sshrl.u32 s11, $0x3  }
0x11: {  	s20 =	sadd.s32 s29, s2;
	s28 =	sshrl.u32 s13, $0x3;
	s11 =	sadd.s32 s14, s11  }
0x12: {  	s9 =	smax.u32 s10, $0x1;
	s10 =	sadd.s32 $0x3400, s31;
	s12 =	sshrl.u32 s25, $0x3  }
0x13: {  	s13 =	simm.s32 $0x3;
	s20 =	sshrl.u32 s20, $0x3;
	s7 =	sadd.s32 s14, s28  }
0x14: {  	s8 =	sadd.s32 $0x27000, s11;
	s11 =	sadd.s32 $0xD400, s31;
	s14 =	simm.s32 $0x80  }
.LBB2_1:
0x15: {  	[spmem:s12], [sflag:s6] =	dma.local [hbm:s5], $0x2800  }
0x16: {  	_ =	swait.ge [sflag:s13], $0x2800  }
0x17: {  	[sflag:s13] =	ssyncset.done $0x0  }
0x18: {  	[sflag:s13] =	ssyncadd.s32 $0xFFFFD800  }
0x19: {  	s24 =	sadd.s32 $0x0, s11;
	[bflag:$0x0] =	sbarrier.arrive $0xFFFF  }
0x1a: {  	[tilespmem:s14], [sflag:$0x3] =	stream.linear.gather [hbm4b:s24+s4], $0x80, $0x38;
	[tilespmem:$0x1C180] =	vst v63  }
0x1b: {  	_ =	swait.ge [sflag:s13], $0x80  }
0x1c: {  	[sflag:s13] =	ssyncset.done $0x0  }
0x1d: {  	[sflag:s13] =	ssyncadd.s32 $0xFFFFFF80  }
0x1e: {  	[tilespmem:s15], [sflag:$0x1] =	stream.indirect.gather [hbm4b:s1+s14], $0x80, s14, s14, $0xb8;
	[tilespmem:$0x1C180] =	vst v63  }
0x1f: {  	s23 =	sadd.s32 $0x200, s24  }
0x20: {  	[tilespmem:s16], [sflag:$0x3] =	stream.linear.gather [hbm4b:s23+s4], $0x80, $0x38;
	[tilespmem:$0x1C180] =	vst v63  }
0x21: {  	_ =	swait.ge [sflag:s13], $0x80  }
0x22: {  	[sflag:s13] =	ssyncset.done $0x0  }
0x23: {  	[sflag:s13] =	ssyncadd.s32 $0xFFFFFF80  }
0x24: {  	[tilespmem:s17], [sflag:$0x2] =	stream.indirect.gather [hbm4b:s1+s14], $0x80, s16, s14, $0xb8;
	[tilespmem:$0x1C180] =	vst v63  }
0x25: {  	_ =	swait.ge [sflag:s18], $0x4000  }
0x26: {  	[sflag:s18] =	ssyncset.done $0x0  }
0x27: {  	s23 =	sadd.s32 $0x0, s10;
	[sflag:s18] =	ssyncadd.s32 $0xFFFFC000  }
0x28: {  	[tilespmem:s4], [sflag:$0x3] =	stream.linear.gather [hbm4b:s23+s4], $0x80, $0x38;
	[tilespmem:$0x1C180] =	vst v63  }
0x29: {  	_ =	swait.ge [sflag:s13], $0x80  }
0x2a: {  	[sflag:s13] =	ssyncset.done $0x0  }
0x2b: {  	[sflag:s13] =	ssyncadd.s32 $0xFFFFFF80  }
0x2c: {  	[spmem:s2] =	stream.indirect.scatter.add.f32 [tilespmem:s15], [sflag:$0x3], $0x80, s4, s14, $0xb8;
	[tilespmem:$0x1C180] =	vst v63  }
0x2d: {  	_ =	swait.ge [sflag:s13], $0x4000  }
0x2e: {  	[sflag:s13] =	ssyncset.done $0x0  }
0x2f: {  	s25 =	sadd.s32 $0x400, s24;
	[sflag:s13] =	ssyncadd.s32 $0xFFFFC000  }
0x30: {  	[tilespmem:s14], [sflag:$0x3] =	stream.linear.gather [hbm4b:s25+s4], $0x80, $0x38;
	[tilespmem:$0x1C180] =	vst v63  }
0x31: {  	_ =	swait.ge [sflag:s13], $0x80  }
0x32: {  	[sflag:s13] =	ssyncset.done $0x0  }
0x33: {  	[sflag:s13] =	ssyncadd.s32 $0xFFFFFF80  }
0x34: {  	[tilespmem:s15], [sflag:$0x1] =	stream.indirect.gather [hbm4b:s1+s14], $0x80, s14, s14, $0xb8;
	[tilespmem:$0x1C180] =	vst v63  }
0x35: {  	_ =	swait.ge [sflag:s19], $0x4000  }
0x36: {  	[sflag:s19] =	ssyncset.done $0x0  }
0x37: {  	s28 =	sadd.s32 $0x200, s23;
	[sflag:s19] =	ssyncadd.s32 $0xFFFFC000  }
0x38: {  	[tilespmem:s4], [sflag:$0x3] =	stream.linear.gather [hbm4b:s28+s4], $0x80, $0x38;
	[tilespmem:$0x1C180] =	vst v63  }
0x39: {  	_ =	swait.ge [sflag:s13], $0x80  }
0x3a: {  	[sflag:s13] =	ssyncset.done $0x0  }
0x3b: {  	[sflag:s13] =	ssyncadd.s32 $0xFFFFFF80  }
0x3c: {  	[spmem:s2] =	stream.indirect.scatter.add.f32 [tilespmem:s17], [sflag:$0x3], $0x80, s4, s14, $0xb8;
	[tilespmem:$0x1C180] =	vst v63  }
0x3d: {  	_ =	swait.ge [sflag:s13], $0x4000  }
0x3e: {  	[sflag:s13] =	ssyncset.done $0x0  }
0x3f: {  	s29 =	sadd.s32 $0x600, s24;
	[sflag:s13] =	ssyncadd.s32 $0xFFFFC000  }
0x40: {  	[tilespmem:s16], [sflag:$0x3] =	stream.linear.gather [hbm4b:s29+s4], $0x80, $0x38;
	[tilespmem:$0x1C180] =	vst v63  }
0x41: {  	_ =	swait.ge [sflag:s13], $0x80  }
0x42: {  	[sflag:s13] =	ssyncset.done $0x0  }
0x43: {  	[sflag:s13] =	ssyncadd.s32 $0xFFFFFF80  }
0x44: {  	[tilespmem:s17], [sflag:$0x2] =	stream.indirect.gather [hbm4b:s1+s14], $0x80, s16, s14, $0xb8;
	[tilespmem:$0x1C180] =	vst v63  }
0x45: {  	_ =	swait.ge [sflag:s18], $0x4000  }
0x46: {  	[sflag:s18] =	ssyncset.done $0x0  }
0x47: {  	s30 =	sadd.s32 $0x400, s23;
	[sflag:s18] =	ssyncadd.s32 $0xFFFFC000  }
0x48: {  	[tilespmem:s4], [sflag:$0x3] =	stream.linear.gather [hbm4b:s30+s4], $0x80, $0x38;
	[tilespmem:$0x1C180] =	vst v63  }
0x49: {  	_ =	swait.ge [sflag:s13], $0x80  }
0x4a: {  	[sflag:s13] =	ssyncset.done $0x0  }
0x4b: {  	[sflag:s13] =	ssyncadd.s32 $0xFFFFFF80  }
0x4c: {  	[spmem:s2] =	stream.indirect.scatter.add.f32 [tilespmem:s15], [sflag:$0x3], $0x80, s4, s14, $0xb8;
	[tilespmem:$0x1C180] =	vst v63  }
0x4d: {  	_ =	swait.ge [sflag:s13], $0x4000  }
0x4e: {  	[sflag:s13] =	ssyncset.done $0x0  }
0x4f: {  	s31 =	sadd.s32 $0x800, s24;
	[sflag:s13] =	ssyncadd.s32 $0xFFFFC000  }
0x50: {  	[tilespmem:s14], [sflag:$0x3] =	stream.linear.gather [hbm4b:s31+s4], $0x80, $0x38;
	[tilespmem:$0x1C180] =	vst v63  }
0x51: {  	_ =	swait.ge [sflag:s13], $0x80  }
0x52: {  	[sflag:s13] =	ssyncset.done $0x0  }
0x53: {  	[sflag:s13] =	ssyncadd.s32 $0xFFFFFF80  }
0x54: {  	[tilespmem:s15], [sflag:$0x1] =	stream.indirect.gather [hbm4b:s1+s14], $0x80, s14, s14, $0xb8;
	[tilespmem:$0x1C180] =	vst v63  }
0x55: {  	_ =	swait.ge [sflag:s19], $0x4000  }
0x56: {  	[sflag:s19] =	ssyncset.done $0x0  }
0x57: {  	s26 =	sadd.s32 $0x600, s23;
	[sflag:s19] =	ssyncadd.s32 $0xFFFFC000  }
0x58: {  	[tilespmem:s4], [sflag:$0x3] =	stream.linear.gather [hbm4b:s26+s4], $0x80, $0x38;
	[tilespmem:$0x1C180] =	vst v63  }
0x59: {  	_ =	swait.ge [sflag:s13], $0x80  }
0x5a: {  	[sflag:s13] =	ssyncset.done $0x0  }
0x5b: {  	[sflag:s13] =	ssyncadd.s32 $0xFFFFFF80  }
0x5c: {  	[spmem:s2] =	stream.indirect.scatter.add.f32 [tilespmem:s17], [sflag:$0x3], $0x80, s4, s14, $0xb8;
	[tilespmem:$0x1C180] =	vst v63  }
0x5d: {  	_ =	swait.ge [sflag:s13], $0x4000  }
0x5e: {  	[sflag:s13] =	ssyncset.done $0x0  }
0x5f: {  	s28 =	sadd.s32 $0xA00, s24;
	[sflag:s13] =	ssyncadd.s32 $0xFFFFC000  }
0x60: {  	[tilespmem:s16], [sflag:$0x3] =	stream.linear.gather [hbm4b:s28+s4], $0x80, $0x38;
	[tilespmem:$0x1C180] =	vst v63  }
0x61: {  	_ =	swait.ge [sflag:s13], $0x80  }
0x62: {  	[sflag:s13] =	ssyncset.done $0x0  }
0x63: {  	[sflag:s13] =	ssyncadd.s32 $0xFFFFFF80  }
0x64: {  	[tilespmem:s17], [sflag:$0x2] =	stream.indirect.gather [hbm4b:s1+s14], $0x80, s16, s14, $0xb8;
	[tilespmem:$0x1C180] =	vst v63  }
0x65: {  	_ =	swait.ge [sflag:s18], $0x4000  }
0x66: {  	[sflag:s18] =	ssyncset.done $0x0  }
0x67: {  	s29 =	sadd.s32 $0x800, s23;
	[sflag:s18] =	ssyncadd.s32 $0xFFFFC000  }
0x68: {  	[tilespmem:s4], [sflag:$0x3] =	stream.linear.gather [hbm4b:s29+s4], $0x80, $0x38;
	[tilespmem:$0x1C180] =	vst v63  }
0x69: {  	_ =	swait.ge [sflag:s13], $0x80  }
0x6a: {  	[sflag:s13] =	ssyncset.done $0x0  }
0x6b: {  	[sflag:s13] =	ssyncadd.s32 $0xFFFFFF80  }
0x6c: {  	[spmem:s2] =	stream.indirect.scatter.add.f32 [tilespmem:s15], [sflag:$0x3], $0x80, s4, s14, $0xb8;
	[tilespmem:$0x1C180] =	vst v63  }
0x6d: {  	_ =	swait.ge [sflag:s13], $0x4000  }
0x6e: {  	[sflag:s13] =	ssyncset.done $0x0  }
0x6f: {  	s30 =	sadd.s32 $0xC00, s24;
	[sflag:s13] =	ssyncadd.s32 $0xFFFFC000  }
0x70: {  	[tilespmem:s14], [sflag:$0x3] =	stream.linear.gather [hbm4b:s30+s4], $0x80, $0x38;
	[tilespmem:$0x1C180] =	vst v63  }
0x71: {  	_ =	swait.ge [sflag:s13], $0x80  }
0x72: {  	[sflag:s13] =	ssyncset.done $0x0  }
0x73: {  	[sflag:s13] =	ssyncadd.s32 $0xFFFFFF80  }
0x74: {  	[tilespmem:s15], [sflag:$0x1] =	stream.indirect.gather [hbm4b:s1+s14], $0x80, s14, s14, $0xb8;
	[tilespmem:$0x1C180] =	vst v63  }
0x75: {  	_ =	swait.ge [sflag:s19], $0x4000  }
0x76: {  	[sflag:s19] =	ssyncset.done $0x0  }
0x77: {  	s31 =	sadd.s32 $0xA00, s23;
	[sflag:s19] =	ssyncadd.s32 $0xFFFFC000  }
0x78: {  	[tilespmem:s4], [sflag:$0x3] =	stream.linear.gather [hbm4b:s31+s4], $0x80, $0x38;
	[tilespmem:$0x1C180] =	vst v63  }
0x79: {  	_ =	swait.ge [sflag:s13], $0x80  }
0x7a: {  	[sflag:s13] =	ssyncset.done $0x0  }
0x7b: {  	[sflag:s13] =	ssyncadd.s32 $0xFFFFFF80  }
0x7c: {  	[spmem:s2] =	stream.indirect.scatter.add.f32 [tilespmem:s17], [sflag:$0x3], $0x80, s4, s14, $0xb8;
	[tilespmem:$0x1C180] =	vst v63  }
0x7d: {  	_ =	swait.ge [sflag:s13], $0x4000  }
0x7e: {  	[sflag:s13] =	ssyncset.done $0x0  }
0x7f: {  	s26 =	sadd.s32 $0xE00, s24;
	[sflag:s13] =	ssyncadd.s32 $0xFFFFC000  }
0x80: {  	[tilespmem:s16], [sflag:$0x3] =	stream.linear.gather [hbm4b:s26+s4], $0x80, $0x38;
	[tilespmem:$0x1C180] =	vst v63  }
0x81: {  	_ =	swait.ge [sflag:s13], $0x80  }
0x82: {  	[sflag:s13] =	ssyncset.done $0x0  }
0x83: {  	[sflag:s13] =	ssyncadd.s32 $0xFFFFFF80  }
0x84: {  	[tilespmem:s17], [sflag:$0x2] =	stream.indirect.gather [hbm4b:s1+s14], $0x80, s16, s14, $0xb8;
	[tilespmem:$0x1C180] =	vst v63  }
0x85: {  	_ =	swait.ge [sflag:s18], $0x4000  }
0x86: {  	[sflag:s18] =	ssyncset.done $0x0  }
0x87: {  	s28 =	sadd.s32 $0xC00, s23;
	[sflag:s18] =	ssyncadd.s32 $0xFFFFC000  }
0x88: {  	[tilespmem:s4], [sflag:$0x3] =	stream.linear.gather [hbm4b:s28+s4], $0x80, $0x38;
	[tilespmem:$0x1C180] =	vst v63  }
0x89: {  	_ =	swait.ge [sflag:s13], $0x80  }
0x8a: {  	[sflag:s13] =	ssyncset.done $0x0  }
0x8b: {  	[sflag:s13] =	ssyncadd.s32 $0xFFFFFF80  }
0x8c: {  	[spmem:s2] =	stream.indirect.scatter.add.f32 [tilespmem:s15], [sflag:$0x3], $0x80, s4, s14, $0xb8;
	[tilespmem:$0x1C180] =	vst v63  }
0x8d: {  	_ =	swait.ge [sflag:s13], $0x4000  }
0x8e: {  	[sflag:s13] =	ssyncset.done $0x0  }
0x8f: {  	s29 =	sadd.s32 $0x1000, s24;
	[sflag:s13] =	ssyncadd.s32 $0xFFFFC000  }
0x90: {  	[tilespmem:s14], [sflag:$0x3] =	stream.linear.gather [hbm4b:s29+s4], $0x80, $0x38;
	[tilespmem:$0x1C180] =	vst v63  }
0x91: {  	_ =	swait.ge [sflag:s13], $0x80  }
0x92: {  	[sflag:s13] =	ssyncset.done $0x0  }
0x93: {  	[sflag:s13] =	ssyncadd.s32 $0xFFFFFF80  }
0x94: {  	[tilespmem:s15], [sflag:$0x1] =	stream.indirect.gather [hbm4b:s1+s14], $0x80, s14, s14, $0xb8;
	[tilespmem:$0x1C180] =	vst v63  }
0x95: {  	_ =	swait.ge [sflag:s19], $0x4000  }
0x96: {  	[sflag:s19] =	ssyncset.done $0x0  }
0x97: {  	s30 =	sadd.s32 $0xE00, s23;
	[sflag:s19] =	ssyncadd.s32 $0xFFFFC000  }
0x98: {  	[tilespmem:s4], [sflag:$0x3] =	stream.linear.gather [hbm4b:s30+s4], $0x80, $0x38;
	[tilespmem:$0x1C180] =	vst v63  }
0x99: {  	_ =	swait.ge [sflag:s13], $0x80  }
0x9a: {  	[sflag:s13] =	ssyncset.done $0x0  }
0x9b: {  	[sflag:s13] =	ssyncadd.s32 $0xFFFFFF80  }
0x9c: {  	[spmem:s2] =	stream.indirect.scatter.add.f32 [tilespmem:s17], [sflag:$0x3], $0x80, s4, s14, $0xb8;
	[tilespmem:$0x1C180] =	vst v63  }
0x9d: {  	_ =	swait.ge [sflag:s13], $0x4000  }
0x9e: {  	[sflag:s13] =	ssyncset.done $0x0  }
0x9f: {  	s24 =	sadd.s32 $0x1200, s24;
	[sflag:s13] =	ssyncadd.s32 $0xFFFFC000  }
0xa0: {  	[tilespmem:s16], [sflag:$0x3] =	stream.linear.gather [hbm4b:s24+s4], $0x80, $0x38;
	[tilespmem:$0x1C180] =	vst v63  }
0xa1: {  	_ =	swait.ge [sflag:s13], $0x80  }
0xa2: {  	[sflag:s13] =	ssyncset.done $0x0  }
0xa3: {  	[sflag:s13] =	ssyncadd.s32 $0xFFFFFF80  }
0xa4: {  	[tilespmem:s17], [sflag:$0x2] =	stream.indirect.gather [hbm4b:s1+s14], $0x80, s16, s14, $0xb8;
	[tilespmem:$0x1C180] =	vst v63  }
0xa5: {  	_ =	swait.ge [sflag:s18], $0x4000  }
0xa6: {  	[sflag:s18] =	ssyncset.done $0x0  }
0xa7: {  	s31 =	sadd.s32 $0x1000, s23;
	[sflag:s18] =	ssyncadd.s32 $0xFFFFC000  }
0xa8: {  	[tilespmem:s4], [sflag:$0x3] =	stream.linear.gather [hbm4b:s31+s4], $0x80, $0x38;
	[tilespmem:$0x1C180] =	vst v63  }
0xa9: {  	_ =	swait.ge [sflag:s13], $0x80  }
0xaa: {  	[sflag:s13] =	ssyncset.done $0x0  }
0xab: {  	[sflag:s13] =	ssyncadd.s32 $0xFFFFFF80  }
0xac: {  	[spmem:s2] =	stream.indirect.scatter.add.f32 [tilespmem:s15], [sflag:$0x3], $0x80, s4, s14, $0xb8;
	[tilespmem:$0x1C180] =	vst v63  }
0xad: {  	_ =	swait.ge [sflag:s13], $0x4000  }
0xae: {  	[sflag:s13] =	ssyncset.done $0x0  }
0xaf: {  	[sflag:s13] =	ssyncadd.s32 $0xFFFFC000  }
0xb0: {  	_ =	swait.ge [sflag:s19], $0x4000  }
0xb1: {  	[sflag:s19] =	ssyncset.done $0x0  }
0xb2: {  	s23 =	sadd.s32 $0x1200, s23;
	[sflag:s19] =	ssyncadd.s32 $0xFFFFC000  }
0xb3: {  	[tilespmem:s4], [sflag:$0x3] =	stream.linear.gather [hbm4b:s23+s4], $0x80, $0x38;
	[tilespmem:$0x1C180] =	vst v63  }
0xb4: {  	_ =	swait.ge [sflag:s13], $0x80  }
0xb5: {  	[sflag:s13] =	ssyncset.done $0x0  }
0xb6: {  	[sflag:s13] =	ssyncadd.s32 $0xFFFFFF80  }
0xb7: {  	[spmem:s2] =	stream.indirect.scatter.add.f32 [tilespmem:s17], [sflag:$0x3], $0x80, s4, s14, $0xb8;
	[tilespmem:$0x1C180] =	vst v63  }
0xb8: {  	_ =	swait.ge [sflag:s13], $0x4000  }
0xb9: {  	s25 =	simm.s32 $0x2800;
	s23 =	simm.s32 $0x1400;
	[sflag:s13] =	ssyncset.done $0x0  }
.LBB2_2:
0xba: {  	s26 =	sadd.s32 s23, s11  }
0xbb: {  	[sflag:s13] =	ssyncadd.s32 $0xFFFFC000;
	s28 =	smov.u32 s25;
	s24 =	sadd.s32 $0x1400, s25  }
0xbc: {  	[tilespmem:s14], [sflag:$0x3] =	stream.linear.gather [hbm4b:s26+s4], $0x80, $0x38;
	[tilespmem:$0x1C180] =	vst v63  }
0xbd: {  	p1 =	sne.s32 s25, $0x8C00;
	_ =	swait.ge [sflag:s13], $0x80  }
0xbe: {  	[sflag:s13] =	ssyncset.done $0x0  }
0xbf: {  	[sflag:s13] =	ssyncadd.s32 $0xFFFFFF80  }
0xc0: {  	[tilespmem:s15], [sflag:$0x1] =	stream.indirect.gather [hbm4b:s1+s14], $0x80, s14, s14, $0xb8;
	[tilespmem:$0x1C180] =	vst v63  }
0xc1: {  	s25 =	sadd.s32 $0x200, s26  }
0xc2: {  	[tilespmem:s16], [sflag:$0x3] =	stream.linear.gather [hbm4b:s25+s4], $0x80, $0x38;
	[tilespmem:$0x1C180] =	vst v63  }
0xc3: {  	_ =	swait.ge [sflag:s13], $0x80  }
0xc4: {  	[sflag:s13] =	ssyncset.done $0x0  }
0xc5: {  	[sflag:s13] =	ssyncadd.s32 $0xFFFFFF80  }
0xc6: {  	[tilespmem:s17], [sflag:$0x2] =	stream.indirect.gather [hbm4b:s1+s14], $0x80, s16, s14, $0xb8;
	[tilespmem:$0x1C180] =	vst v63  }
0xc7: {  	_ =	swait.ge [sflag:s18], $0x4000  }
0xc8: {  	[sflag:s18] =	ssyncset.done $0x0  }
0xc9: {  	s25 =	sadd.s32 s23, s10;
	s23 =	smov.u32 s28;
	[sflag:s18] =	ssyncadd.s32 $0xFFFFC000  }
0xca: {  	[tilespmem:s4], [sflag:$0x3] =	stream.linear.gather [hbm4b:s25+s4], $0x80, $0x38;
	[tilespmem:$0x1C180] =	vst v63  }
0xcb: {  	_ =	swait.ge [sflag:s13], $0x80  }
0xcc: {  	[sflag:s13] =	ssyncset.done $0x0  }
0xcd: {  	[sflag:s13] =	ssyncadd.s32 $0xFFFFFF80  }
0xce: {  	[spmem:s2] =	stream.indirect.scatter.add.f32 [tilespmem:s15], [sflag:$0x3], $0x80, s4, s14, $0xb8;
	[tilespmem:$0x1C180] =	vst v63  }
0xcf: {  	_ =	swait.ge [sflag:s13], $0x4000  }
0xd0: {  	[sflag:s13] =	ssyncset.done $0x0  }
0xd1: {  	s28 =	sadd.s32 $0x400, s26;
	[sflag:s13] =	ssyncadd.s32 $0xFFFFC000  }
0xd2: {  	[tilespmem:s14], [sflag:$0x3] =	stream.linear.gather [hbm4b:s28+s4], $0x80, $0x38;
	[tilespmem:$0x1C180] =	vst v63  }
0xd3: {  	_ =	swait.ge [sflag:s13], $0x80  }
0xd4: {  	[sflag:s13] =	ssyncset.done $0x0  }
0xd5: {  	[sflag:s13] =	ssyncadd.s32 $0xFFFFFF80  }
0xd6: {  	[tilespmem:s15], [sflag:$0x1] =	stream.indirect.gather [hbm4b:s1+s14], $0x80, s14, s14, $0xb8;
	[tilespmem:$0x1C180] =	vst v63  }
0xd7: {  	_ =	swait.ge [sflag:s19], $0x4000  }
0xd8: {  	[sflag:s19] =	ssyncset.done $0x0  }
0xd9: {  	s28 =	sadd.s32 $0x200, s25;
	[sflag:s19] =	ssyncadd.s32 $0xFFFFC000  }
0xda: {  	[tilespmem:s4], [sflag:$0x3] =	stream.linear.gather [hbm4b:s28+s4], $0x80, $0x38;
	[tilespmem:$0x1C180] =	vst v63  }
0xdb: {  	_ =	swait.ge [sflag:s13], $0x80  }
0xdc: {  	[sflag:s13] =	ssyncset.done $0x0  }
0xdd: {  	[sflag:s13] =	ssyncadd.s32 $0xFFFFFF80  }
0xde: {  	[spmem:s2] =	stream.indirect.scatter.add.f32 [tilespmem:s17], [sflag:$0x3], $0x80, s4, s14, $0xb8;
	[tilespmem:$0x1C180] =	vst v63  }
0xdf: {  	_ =	swait.ge [sflag:s13], $0x4000  }
0xe0: {  	[sflag:s13] =	ssyncset.done $0x0  }
0xe1: {  	s28 =	sadd.s32 $0x600, s26;
	[sflag:s13] =	ssyncadd.s32 $0xFFFFC000  }
0xe2: {  	[tilespmem:s16], [sflag:$0x3] =	stream.linear.gather [hbm4b:s28+s4], $0x80, $0x38;
	[tilespmem:$0x1C180] =	vst v63  }
0xe3: {  	_ =	swait.ge [sflag:s13], $0x80  }
0xe4: {  	[sflag:s13] =	ssyncset.done $0x0  }
0xe5: {  	[sflag:s13] =	ssyncadd.s32 $0xFFFFFF80  }
0xe6: {  	[tilespmem:s17], [sflag:$0x2] =	stream.indirect.gather [hbm4b:s1+s14], $0x80, s16, s14, $0xb8;
	[tilespmem:$0x1C180] =	vst v63  }
0xe7: {  	_ =	swait.ge [sflag:s18], $0x4000  }
0xe8: {  	[sflag:s18] =	ssyncset.done $0x0  }
0xe9: {  	s28 =	sadd.s32 $0x400, s25;
	[sflag:s18] =	ssyncadd.s32 $0xFFFFC000  }
0xea: {  	[tilespmem:s4], [sflag:$0x3] =	stream.linear.gather [hbm4b:s28+s4], $0x80, $0x38;
	[tilespmem:$0x1C180] =	vst v63  }
0xeb: {  	_ =	swait.ge [sflag:s13], $0x80  }
0xec: {  	[sflag:s13] =	ssyncset.done $0x0  }
0xed: {  	[sflag:s13] =	ssyncadd.s32 $0xFFFFFF80  }
0xee: {  	[spmem:s2] =	stream.indirect.scatter.add.f32 [tilespmem:s15], [sflag:$0x3], $0x80, s4, s14, $0xb8;
	[tilespmem:$0x1C180] =	vst v63  }
0xef: {  	_ =	swait.ge [sflag:s13], $0x4000  }
0xf0: {  	[sflag:s13] =	ssyncset.done $0x0  }
0xf1: {  	s28 =	sadd.s32 $0x800, s26;
	[sflag:s13] =	ssyncadd.s32 $0xFFFFC000  }
0xf2: {  	[tilespmem:s14], [sflag:$0x3] =	stream.linear.gather [hbm4b:s28+s4], $0x80, $0x38;
	[tilespmem:$0x1C180] =	vst v63  }
0xf3: {  	_ =	swait.ge [sflag:s13], $0x80  }
0xf4: {  	[sflag:s13] =	ssyncset.done $0x0  }
0xf5: {  	[sflag:s13] =	ssyncadd.s32 $0xFFFFFF80  }
0xf6: {  	[tilespmem:s15], [sflag:$0x1] =	stream.indirect.gather [hbm4b:s1+s14], $0x80, s14, s14, $0xb8;
	[tilespmem:$0x1C180] =	vst v63  }
0xf7: {  	_ =	swait.ge [sflag:s19], $0x4000  }
0xf8: {  	[sflag:s19] =	ssyncset.done $0x0  }
0xf9: {  	s28 =	sadd.s32 $0x600, s25;
	[sflag:s19] =	ssyncadd.s32 $0xFFFFC000  }
0xfa: {  	[tilespmem:s4], [sflag:$0x3] =	stream.linear.gather [hbm4b:s28+s4], $0x80, $0x38;
	[tilespmem:$0x1C180] =	vst v63  }
0xfb: {  	_ =	swait.ge [sflag:s13], $0x80  }
0xfc: {  	[sflag:s13] =	ssyncset.done $0x0  }
0xfd: {  	[sflag:s13] =	ssyncadd.s32 $0xFFFFFF80  }
0xfe: {  	[spmem:s2] =	stream.indirect.scatter.add.f32 [tilespmem:s17], [sflag:$0x3], $0x80, s4, s14, $0xb8;
	[tilespmem:$0x1C180] =	vst v63  }
0xff: {  	_ =	swait.ge [sflag:s13], $0x4000  }
0x100: {  	[sflag:s13] =	ssyncset.done $0x0  }
0x101: {  	s28 =	sadd.s32 $0xA00, s26;
	[sflag:s13] =	ssyncadd.s32 $0xFFFFC000  }
0x102: {  	[tilespmem:s16], [sflag:$0x3] =	stream.linear.gather [hbm4b:s28+s4], $0x80, $0x38;
	[tilespmem:$0x1C180] =	vst v63  }
0x103: {  	_ =	swait.ge [sflag:s13], $0x80  }
0x104: {  	[sflag:s13] =	ssyncset.done $0x0  }
0x105: {  	[sflag:s13] =	ssyncadd.s32 $0xFFFFFF80  }
0x106: {  	[tilespmem:s17], [sflag:$0x2] =	stream.indirect.gather [hbm4b:s1+s14], $0x80, s16, s14, $0xb8;
	[tilespmem:$0x1C180] =	vst v63  }
0x107: {  	_ =	swait.ge [sflag:s18], $0x4000  }
0x108: {  	[sflag:s18] =	ssyncset.done $0x0  }
0x109: {  	s28 =	sadd.s32 $0x800, s25;
	[sflag:s18] =	ssyncadd.s32 $0xFFFFC000  }
0x10a: {  	[tilespmem:s4], [sflag:$0x3] =	stream.linear.gather [hbm4b:s28+s4], $0x80, $0x38;
	[tilespmem:$0x1C180] =	vst v63  }
0x10b: {  	_ =	swait.ge [sflag:s13], $0x80  }
0x10c: {  	[sflag:s13] =	ssyncset.done $0x0  }
0x10d: {  	[sflag:s13] =	ssyncadd.s32 $0xFFFFFF80  }
0x10e: {  	[spmem:s2] =	stream.indirect.scatter.add.f32 [tilespmem:s15], [sflag:$0x3], $0x80, s4, s14, $0xb8;
	[tilespmem:$0x1C180] =	vst v63  }
0x10f: {  	_ =	swait.ge [sflag:s13], $0x4000  }
0x110: {  	[sflag:s13] =	ssyncset.done $0x0  }
0x111: {  	s28 =	sadd.s32 $0xC00, s26;
	[sflag:s13] =	ssyncadd.s32 $0xFFFFC000  }
0x112: {  	[tilespmem:s14], [sflag:$0x3] =	stream.linear.gather [hbm4b:s28+s4], $0x80, $0x38;
	[tilespmem:$0x1C180] =	vst v63  }
0x113: {  	_ =	swait.ge [sflag:s13], $0x80  }
0x114: {  	[sflag:s13] =	ssyncset.done $0x0  }
0x115: {  	[sflag:s13] =	ssyncadd.s32 $0xFFFFFF80  }
0x116: {  	[tilespmem:s15], [sflag:$0x1] =	stream.indirect.gather [hbm4b:s1+s14], $0x80, s14, s14, $0xb8;
	[tilespmem:$0x1C180] =	vst v63  }
0x117: {  	_ =	swait.ge [sflag:s19], $0x4000  }
0x118: {  	[sflag:s19] =	ssyncset.done $0x0  }
0x119: {  	s28 =	sadd.s32 $0xA00, s25;
	[sflag:s19] =	ssyncadd.s32 $0xFFFFC000  }
0x11a: {  	[tilespmem:s4], [sflag:$0x3] =	stream.linear.gather [hbm4b:s28+s4], $0x80, $0x38;
	[tilespmem:$0x1C180] =	vst v63  }
0x11b: {  	_ =	swait.ge [sflag:s13], $0x80  }
0x11c: {  	[sflag:s13] =	ssyncset.done $0x0  }
0x11d: {  	[sflag:s13] =	ssyncadd.s32 $0xFFFFFF80  }
0x11e: {  	[spmem:s2] =	stream.indirect.scatter.add.f32 [tilespmem:s17], [sflag:$0x3], $0x80, s4, s14, $0xb8;
	[tilespmem:$0x1C180] =	vst v63  }
0x11f: {  	_ =	swait.ge [sflag:s13], $0x4000  }
0x120: {  	[sflag:s13] =	ssyncset.done $0x0  }
0x121: {  	s28 =	sadd.s32 $0xE00, s26;
	[sflag:s13] =	ssyncadd.s32 $0xFFFFC000  }
0x122: {  	[tilespmem:s16], [sflag:$0x3] =	stream.linear.gather [hbm4b:s28+s4], $0x80, $0x38;
	[tilespmem:$0x1C180] =	vst v63  }
0x123: {  	_ =	swait.ge [sflag:s13], $0x80  }
0x124: {  	[sflag:s13] =	ssyncset.done $0x0  }
0x125: {  	[sflag:s13] =	ssyncadd.s32 $0xFFFFFF80  }
0x126: {  	[tilespmem:s17], [sflag:$0x2] =	stream.indirect.gather [hbm4b:s1+s14], $0x80, s16, s14, $0xb8;
	[tilespmem:$0x1C180] =	vst v63  }
0x127: {  	_ =	swait.ge [sflag:s18], $0x4000  }
0x128: {  	[sflag:s18] =	ssyncset.done $0x0  }
0x129: {  	s28 =	sadd.s32 $0xC00, s25;
	[sflag:s18] =	ssyncadd.s32 $0xFFFFC000  }
0x12a: {  	[tilespmem:s4], [sflag:$0x3] =	stream.linear.gather [hbm4b:s28+s4], $0x80, $0x38;
	[tilespmem:$0x1C180] =	vst v63  }
0x12b: {  	_ =	swait.ge [sflag:s13], $0x80  }
0x12c: {  	[sflag:s13] =	ssyncset.done $0x0  }
0x12d: {  	[sflag:s13] =	ssyncadd.s32 $0xFFFFFF80  }
0x12e: {  	[spmem:s2] =	stream.indirect.scatter.add.f32 [tilespmem:s15], [sflag:$0x3], $0x80, s4, s14, $0xb8;
	[tilespmem:$0x1C180] =	vst v63  }
0x12f: {  	_ =	swait.ge [sflag:s13], $0x4000  }
0x130: {  	[sflag:s13] =	ssyncset.done $0x0  }
0x131: {  	s28 =	sadd.s32 $0x1000, s26;
	[sflag:s13] =	ssyncadd.s32 $0xFFFFC000  }
0x132: {  	[tilespmem:s14], [sflag:$0x3] =	stream.linear.gather [hbm4b:s28+s4], $0x80, $0x38;
	[tilespmem:$0x1C180] =	vst v63  }
0x133: {  	_ =	swait.ge [sflag:s13], $0x80  }
0x134: {  	[sflag:s13] =	ssyncset.done $0x0  }
0x135: {  	[sflag:s13] =	ssyncadd.s32 $0xFFFFFF80  }
0x136: {  	[tilespmem:s15], [sflag:$0x1] =	stream.indirect.gather [hbm4b:s1+s14], $0x80, s14, s14, $0xb8;
	[tilespmem:$0x1C180] =	vst v63  }
0x137: {  	_ =	swait.ge [sflag:s19], $0x4000  }
0x138: {  	[sflag:s19] =	ssyncset.done $0x0  }
0x139: {  	s28 =	sadd.s32 $0xE00, s25;
	[sflag:s19] =	ssyncadd.s32 $0xFFFFC000  }
0x13a: {  	[tilespmem:s4], [sflag:$0x3] =	stream.linear.gather [hbm4b:s28+s4], $0x80, $0x38;
	[tilespmem:$0x1C180] =	vst v63  }
0x13b: {  	_ =	swait.ge [sflag:s13], $0x80  }
0x13c: {  	[sflag:s13] =	ssyncset.done $0x0  }
0x13d: {  	[sflag:s13] =	ssyncadd.s32 $0xFFFFFF80  }
0x13e: {  	[spmem:s2] =	stream.indirect.scatter.add.f32 [tilespmem:s17], [sflag:$0x3], $0x80, s4, s14, $0xb8;
	[tilespmem:$0x1C180] =	vst v63  }
0x13f: {  	_ =	swait.ge [sflag:s13], $0x4000  }
0x140: {  	[sflag:s13] =	ssyncset.done $0x0  }
0x141: {  	s26 =	sadd.s32 $0x1200, s26;
	[sflag:s13] =	ssyncadd.s32 $0xFFFFC000  }
0x142: {  	[tilespmem:s16], [sflag:$0x3] =	stream.linear.gather [hbm4b:s26+s4], $0x80, $0x38;
	[tilespmem:$0x1C180] =	vst v63  }
0x143: {  	_ =	swait.ge [sflag:s13], $0x80  }
0x144: {  	[sflag:s13] =	ssyncset.done $0x0  }
0x145: {  	[sflag:s13] =	ssyncadd.s32 $0xFFFFFF80  }
0x146: {  	[tilespmem:s17], [sflag:$0x2] =	stream.indirect.gather [hbm4b:s1+s14], $0x80, s16, s14, $0xb8;
	[tilespmem:$0x1C180] =	vst v63  }
0x147: {  	_ =	swait.ge [sflag:s18], $0x4000  }
0x148: {  	[sflag:s18] =	ssyncset.done $0x0  }
0x149: {  	s26 =	sadd.s32 $0x1000, s25;
	[sflag:s18] =	ssyncadd.s32 $0xFFFFC000  }
0x14a: {  	[tilespmem:s4], [sflag:$0x3] =	stream.linear.gather [hbm4b:s26+s4], $0x80, $0x38;
	[tilespmem:$0x1C180] =	vst v63  }
0x14b: {  	_ =	swait.ge [sflag:s13], $0x80  }
0x14c: {  	[sflag:s13] =	ssyncset.done $0x0  }
0x14d: {  	[sflag:s13] =	ssyncadd.s32 $0xFFFFFF80  }
0x14e: {  	[spmem:s2] =	stream.indirect.scatter.add.f32 [tilespmem:s15], [sflag:$0x3], $0x80, s4, s14, $0xb8;
	[tilespmem:$0x1C180] =	vst v63  }
0x14f: {  	_ =	swait.ge [sflag:s13], $0x4000  }
0x150: {  	[sflag:s13] =	ssyncset.done $0x0  }
0x151: {  	[sflag:s13] =	ssyncadd.s32 $0xFFFFC000  }
0x152: {  	_ =	swait.ge [sflag:s19], $0x4000  }
0x153: {  	[sflag:s19] =	ssyncset.done $0x0  }
0x154: {  	s25 =	sadd.s32 $0x1200, s25;
	[sflag:s19] =	ssyncadd.s32 $0xFFFFC000  }
0x155: {  	[tilespmem:s4], [sflag:$0x3] =	stream.linear.gather [hbm4b:s25+s4], $0x80, $0x38;
	[tilespmem:$0x1C180] =	vst v63  }
0x156: {  	_ =	swait.ge [sflag:s13], $0x80  }
.Ltmp0:
0x157: {  	[sflag:s13] =	ssyncset.done $0x0;
	(pc) =	sbr.rel @p1 .LBB2_2-.Ltmp0, $4  }
0x158: {  	[sflag:s13] =	ssyncadd.s32 $0xFFFFFF80  }
0x159: {  	[spmem:s2] =	stream.indirect.scatter.add.f32 [tilespmem:s17], [sflag:$0x3], $0x80, s4, s14, $0xb8;
	[tilespmem:$0x1C180] =	vst v63  }
0x15a: {  	_ =	swait.ge [sflag:s13], $0x4000  }
0x15b: {  	s25 =	smov.u32 s24;
	[sflag:s13] =	ssyncset.done $0x0  }
0x15c: {  	s24 =	sadd.s32 s23, s11;
	[sflag:s13] =	ssyncadd.s32 $0xFFFFC000  }
0x15d: {  	[tilespmem:s14], [sflag:$0x3] =	stream.linear.gather [hbm4b:s24+s4], $0x80, $0x38;
	[tilespmem:$0x1C180] =	vst v63  }
0x15e: {  	_ =	swait.ge [sflag:s13], $0x80  }
0x15f: {  	[sflag:s13] =	ssyncset.done $0x0  }
0x160: {  	[sflag:s13] =	ssyncadd.s32 $0xFFFFFF80  }
0x161: {  	[tilespmem:s15], [sflag:$0x1] =	stream.indirect.gather [hbm4b:s1+s14], $0x80, s14, s14, $0xb8;
	[tilespmem:$0x1C180] =	vst v63  }
0x162: {  	s25 =	sadd.s32 $0x200, s24  }
0x163: {  	[tilespmem:s16], [sflag:$0x3] =	stream.linear.gather [hbm4b:s25+s4], $0x80, $0x38;
	[tilespmem:$0x1C180] =	vst v63  }
0x164: {  	_ =	swait.ge [sflag:s13], $0x80  }
0x165: {  	[sflag:s13] =	ssyncset.done $0x0  }
0x166: {  	[sflag:s13] =	ssyncadd.s32 $0xFFFFFF80  }
0x167: {  	[tilespmem:s17], [sflag:$0x2] =	stream.indirect.gather [hbm4b:s1+s14], $0x80, s16, s14, $0xb8;
	[tilespmem:$0x1C180] =	vst v63  }
0x168: {  	_ =	swait.ge [sflag:s18], $0x4000  }
0x169: {  	[sflag:s18] =	ssyncset.done $0x0  }
0x16a: {  	s23 =	sadd.s32 s23, s10;
	[sflag:s18] =	ssyncadd.s32 $0xFFFFC000  }
0x16b: {  	[tilespmem:s4], [sflag:$0x3] =	stream.linear.gather [hbm4b:s23+s4], $0x80, $0x38;
	[tilespmem:$0x1C180] =	vst v63  }
0x16c: {  	_ =	swait.ge [sflag:s13], $0x80  }
0x16d: {  	[sflag:s13] =	ssyncset.done $0x0  }
0x16e: {  	[sflag:s13] =	ssyncadd.s32 $0xFFFFFF80  }
0x16f: {  	[spmem:s2] =	stream.indirect.scatter.add.f32 [tilespmem:s15], [sflag:$0x3], $0x80, s4, s14, $0xb8;
	[tilespmem:$0x1C180] =	vst v63  }
0x170: {  	_ =	swait.ge [sflag:s13], $0x4000  }
0x171: {  	[sflag:s13] =	ssyncset.done $0x0  }
0x172: {  	s26 =	sadd.s32 $0x400, s24;
	[sflag:s13] =	ssyncadd.s32 $0xFFFFC000  }
0x173: {  	[tilespmem:s14], [sflag:$0x3] =	stream.linear.gather [hbm4b:s26+s4], $0x80, $0x38;
	[tilespmem:$0x1C180] =	vst v63  }
0x174: {  	_ =	swait.ge [sflag:s13], $0x80  }
0x175: {  	[sflag:s13] =	ssyncset.done $0x0  }
0x176: {  	[sflag:s13] =	ssyncadd.s32 $0xFFFFFF80  }
0x177: {  	[tilespmem:s15], [sflag:$0x1] =	stream.indirect.gather [hbm4b:s1+s14], $0x80, s14, s14, $0xb8;
	[tilespmem:$0x1C180] =	vst v63  }
0x178: {  	_ =	swait.ge [sflag:s19], $0x4000  }
0x179: {  	[sflag:s19] =	ssyncset.done $0x0  }
0x17a: {  	s28 =	sadd.s32 $0x200, s23;
	[sflag:s19] =	ssyncadd.s32 $0xFFFFC000  }
0x17b: {  	[tilespmem:s4], [sflag:$0x3] =	stream.linear.gather [hbm4b:s28+s4], $0x80, $0x38;
	[tilespmem:$0x1C180] =	vst v63  }
0x17c: {  	_ =	swait.ge [sflag:s13], $0x80  }
0x17d: {  	[sflag:s13] =	ssyncset.done $0x0  }
0x17e: {  	[sflag:s13] =	ssyncadd.s32 $0xFFFFFF80  }
0x17f: {  	[spmem:s2] =	stream.indirect.scatter.add.f32 [tilespmem:s17], [sflag:$0x3], $0x80, s4, s14, $0xb8;
	[tilespmem:$0x1C180] =	vst v63  }
0x180: {  	_ =	swait.ge [sflag:s13], $0x4000  }
0x181: {  	[sflag:s13] =	ssyncset.done $0x0  }
0x182: {  	s29 =	sadd.s32 $0x600, s24;
	[sflag:s13] =	ssyncadd.s32 $0xFFFFC000  }
0x183: {  	[tilespmem:s16], [sflag:$0x3] =	stream.linear.gather [hbm4b:s29+s4], $0x80, $0x38;
	[tilespmem:$0x1C180] =	vst v63  }
0x184: {  	_ =	swait.ge [sflag:s13], $0x80  }
0x185: {  	[sflag:s13] =	ssyncset.done $0x0  }
0x186: {  	[sflag:s13] =	ssyncadd.s32 $0xFFFFFF80  }
0x187: {  	[tilespmem:s17], [sflag:$0x2] =	stream.indirect.gather [hbm4b:s1+s14], $0x80, s16, s14, $0xb8;
	[tilespmem:$0x1C180] =	vst v63  }
0x188: {  	_ =	swait.ge [sflag:s18], $0x4000  }
0x189: {  	[sflag:s18] =	ssyncset.done $0x0  }
0x18a: {  	s30 =	sadd.s32 $0x400, s23;
	[sflag:s18] =	ssyncadd.s32 $0xFFFFC000  }
0x18b: {  	[tilespmem:s4], [sflag:$0x3] =	stream.linear.gather [hbm4b:s30+s4], $0x80, $0x38;
	[tilespmem:$0x1C180] =	vst v63  }
0x18c: {  	_ =	swait.ge [sflag:s13], $0x80  }
0x18d: {  	[sflag:s13] =	ssyncset.done $0x0  }
0x18e: {  	[sflag:s13] =	ssyncadd.s32 $0xFFFFFF80  }
0x18f: {  	[spmem:s2] =	stream.indirect.scatter.add.f32 [tilespmem:s15], [sflag:$0x3], $0x80, s4, s14, $0xb8;
	[tilespmem:$0x1C180] =	vst v63  }
0x190: {  	_ =	swait.ge [sflag:s13], $0x4000  }
0x191: {  	[sflag:s13] =	ssyncset.done $0x0  }
0x192: {  	s31 =	sadd.s32 $0x800, s24;
	[sflag:s13] =	ssyncadd.s32 $0xFFFFC000  }
0x193: {  	[tilespmem:s14], [sflag:$0x3] =	stream.linear.gather [hbm4b:s31+s4], $0x80, $0x38;
	[tilespmem:$0x1C180] =	vst v63  }
0x194: {  	_ =	swait.ge [sflag:s13], $0x80  }
0x195: {  	[sflag:s13] =	ssyncset.done $0x0  }
0x196: {  	[sflag:s13] =	ssyncadd.s32 $0xFFFFFF80  }
0x197: {  	[tilespmem:s15], [sflag:$0x1] =	stream.indirect.gather [hbm4b:s1+s14], $0x80, s14, s14, $0xb8;
	[tilespmem:$0x1C180] =	vst v63  }
0x198: {  	_ =	swait.ge [sflag:s19], $0x4000  }
0x199: {  	[sflag:s19] =	ssyncset.done $0x0  }
0x19a: {  	s26 =	sadd.s32 $0x600, s23;
	[sflag:s19] =	ssyncadd.s32 $0xFFFFC000  }
0x19b: {  	[tilespmem:s4], [sflag:$0x3] =	stream.linear.gather [hbm4b:s26+s4], $0x80, $0x38;
	[tilespmem:$0x1C180] =	vst v63  }
0x19c: {  	_ =	swait.ge [sflag:s13], $0x80  }
0x19d: {  	[sflag:s13] =	ssyncset.done $0x0  }
0x19e: {  	[sflag:s13] =	ssyncadd.s32 $0xFFFFFF80  }
0x19f: {  	[spmem:s2] =	stream.indirect.scatter.add.f32 [tilespmem:s17], [sflag:$0x3], $0x80, s4, s14, $0xb8;
	[tilespmem:$0x1C180] =	vst v63  }
0x1a0: {  	_ =	swait.ge [sflag:s13], $0x4000  }
0x1a1: {  	[sflag:s13] =	ssyncset.done $0x0  }
0x1a2: {  	s28 =	sadd.s32 $0xA00, s24;
	[sflag:s13] =	ssyncadd.s32 $0xFFFFC000  }
0x1a3: {  	[tilespmem:s16], [sflag:$0x3] =	stream.linear.gather [hbm4b:s28+s4], $0x80, $0x38;
	[tilespmem:$0x1C180] =	vst v63  }
0x1a4: {  	_ =	swait.ge [sflag:s13], $0x80  }
0x1a5: {  	[sflag:s13] =	ssyncset.done $0x0  }
0x1a6: {  	[sflag:s13] =	ssyncadd.s32 $0xFFFFFF80  }
0x1a7: {  	[tilespmem:s17], [sflag:$0x2] =	stream.indirect.gather [hbm4b:s1+s14], $0x80, s16, s14, $0xb8;
	[tilespmem:$0x1C180] =	vst v63  }
0x1a8: {  	_ =	swait.ge [sflag:s18], $0x4000  }
0x1a9: {  	[sflag:s18] =	ssyncset.done $0x0  }
0x1aa: {  	s29 =	sadd.s32 $0x800, s23;
	[sflag:s18] =	ssyncadd.s32 $0xFFFFC000  }
0x1ab: {  	[tilespmem:s4], [sflag:$0x3] =	stream.linear.gather [hbm4b:s29+s4], $0x80, $0x38;
	[tilespmem:$0x1C180] =	vst v63  }
0x1ac: {  	_ =	swait.ge [sflag:s13], $0x80  }
0x1ad: {  	[sflag:s13] =	ssyncset.done $0x0  }
0x1ae: {  	[sflag:s13] =	ssyncadd.s32 $0xFFFFFF80  }
0x1af: {  	[spmem:s2] =	stream.indirect.scatter.add.f32 [tilespmem:s15], [sflag:$0x3], $0x80, s4, s14, $0xb8;
	[tilespmem:$0x1C180] =	vst v63  }
0x1b0: {  	_ =	swait.ge [sflag:s13], $0x4000  }
0x1b1: {  	[sflag:s13] =	ssyncset.done $0x0  }
0x1b2: {  	s30 =	sadd.s32 $0xC00, s24;
	[sflag:s13] =	ssyncadd.s32 $0xFFFFC000  }
0x1b3: {  	[tilespmem:s14], [sflag:$0x3] =	stream.linear.gather [hbm4b:s30+s4], $0x80, $0x38;
	[tilespmem:$0x1C180] =	vst v63  }
0x1b4: {  	_ =	swait.ge [sflag:s13], $0x80  }
0x1b5: {  	[sflag:s13] =	ssyncset.done $0x0  }
0x1b6: {  	[sflag:s13] =	ssyncadd.s32 $0xFFFFFF80  }
0x1b7: {  	[tilespmem:s15], [sflag:$0x1] =	stream.indirect.gather [hbm4b:s1+s14], $0x80, s14, s14, $0xb8;
	[tilespmem:$0x1C180] =	vst v63  }
0x1b8: {  	_ =	swait.ge [sflag:s19], $0x4000  }
0x1b9: {  	[sflag:s19] =	ssyncset.done $0x0  }
0x1ba: {  	s31 =	sadd.s32 $0xA00, s23;
	[sflag:s19] =	ssyncadd.s32 $0xFFFFC000  }
0x1bb: {  	[tilespmem:s4], [sflag:$0x3] =	stream.linear.gather [hbm4b:s31+s4], $0x80, $0x38;
	[tilespmem:$0x1C180] =	vst v63  }
0x1bc: {  	_ =	swait.ge [sflag:s13], $0x80  }
0x1bd: {  	[sflag:s13] =	ssyncset.done $0x0  }
0x1be: {  	[sflag:s13] =	ssyncadd.s32 $0xFFFFFF80  }
0x1bf: {  	[spmem:s2] =	stream.indirect.scatter.add.f32 [tilespmem:s17], [sflag:$0x3], $0x80, s4, s14, $0xb8;
	[tilespmem:$0x1C180] =	vst v63  }
0x1c0: {  	_ =	swait.ge [sflag:s13], $0x4000  }
0x1c1: {  	[sflag:s13] =	ssyncset.done $0x0  }
0x1c2: {  	s26 =	sadd.s32 $0xE00, s24;
	[sflag:s13] =	ssyncadd.s32 $0xFFFFC000  }
0x1c3: {  	[tilespmem:s16], [sflag:$0x3] =	stream.linear.gather [hbm4b:s26+s4], $0x80, $0x38;
	[tilespmem:$0x1C180] =	vst v63  }
0x1c4: {  	_ =	swait.ge [sflag:s13], $0x80  }
0x1c5: {  	[sflag:s13] =	ssyncset.done $0x0  }
0x1c6: {  	[sflag:s13] =	ssyncadd.s32 $0xFFFFFF80  }
0x1c7: {  	[tilespmem:s17], [sflag:$0x2] =	stream.indirect.gather [hbm4b:s1+s14], $0x80, s16, s14, $0xb8;
	[tilespmem:$0x1C180] =	vst v63  }
0x1c8: {  	_ =	swait.ge [sflag:s18], $0x4000  }
0x1c9: {  	[sflag:s18] =	ssyncset.done $0x0  }
0x1ca: {  	s28 =	sadd.s32 $0xC00, s23;
	[sflag:s18] =	ssyncadd.s32 $0xFFFFC000  }
0x1cb: {  	[tilespmem:s4], [sflag:$0x3] =	stream.linear.gather [hbm4b:s28+s4], $0x80, $0x38;
	[tilespmem:$0x1C180] =	vst v63  }
0x1cc: {  	_ =	swait.ge [sflag:s13], $0x80  }
0x1cd: {  	[sflag:s13] =	ssyncset.done $0x0  }
0x1ce: {  	[sflag:s13] =	ssyncadd.s32 $0xFFFFFF80  }
0x1cf: {  	[spmem:s2] =	stream.indirect.scatter.add.f32 [tilespmem:s15], [sflag:$0x3], $0x80, s4, s14, $0xb8;
	[tilespmem:$0x1C180] =	vst v63  }
0x1d0: {  	_ =	swait.ge [sflag:s13], $0x4000  }
0x1d1: {  	[sflag:s13] =	ssyncset.done $0x0  }
0x1d2: {  	s29 =	sadd.s32 $0x1000, s24;
	[sflag:s13] =	ssyncadd.s32 $0xFFFFC000  }
0x1d3: {  	[tilespmem:s14], [sflag:$0x3] =	stream.linear.gather [hbm4b:s29+s4], $0x80, $0x38;
	[tilespmem:$0x1C180] =	vst v63  }
0x1d4: {  	_ =	swait.ge [sflag:s13], $0x80  }
0x1d5: {  	[sflag:s13] =	ssyncset.done $0x0  }
0x1d6: {  	[sflag:s13] =	ssyncadd.s32 $0xFFFFFF80  }
0x1d7: {  	[tilespmem:s15], [sflag:$0x1] =	stream.indirect.gather [hbm4b:s1+s14], $0x80, s14, s14, $0xb8;
	[tilespmem:$0x1C180] =	vst v63  }
0x1d8: {  	_ =	swait.ge [sflag:s19], $0x4000  }
0x1d9: {  	[sflag:s19] =	ssyncset.done $0x0  }
0x1da: {  	s30 =	sadd.s32 $0xE00, s23;
	[sflag:s19] =	ssyncadd.s32 $0xFFFFC000  }
0x1db: {  	[tilespmem:s4], [sflag:$0x3] =	stream.linear.gather [hbm4b:s30+s4], $0x80, $0x38;
	[tilespmem:$0x1C180] =	vst v63  }
0x1dc: {  	_ =	swait.ge [sflag:s13], $0x80  }
0x1dd: {  	[sflag:s13] =	ssyncset.done $0x0  }
0x1de: {  	[sflag:s13] =	ssyncadd.s32 $0xFFFFFF80  }
0x1df: {  	[spmem:s2] =	stream.indirect.scatter.add.f32 [tilespmem:s17], [sflag:$0x3], $0x80, s4, s14, $0xb8;
	[tilespmem:$0x1C180] =	vst v63  }
0x1e0: {  	_ =	swait.ge [sflag:s13], $0x4000  }
0x1e1: {  	[sflag:s13] =	ssyncset.done $0x0  }
0x1e2: {  	s24 =	sadd.s32 $0x1200, s24;
	[sflag:s13] =	ssyncadd.s32 $0xFFFFC000  }
0x1e3: {  	[tilespmem:s16], [sflag:$0x3] =	stream.linear.gather [hbm4b:s24+s4], $0x80, $0x38;
	[tilespmem:$0x1C180] =	vst v63  }
0x1e4: {  	_ =	swait.ge [sflag:s13], $0x80  }
0x1e5: {  	[sflag:s13] =	ssyncset.done $0x0  }
0x1e6: {  	[sflag:s13] =	ssyncadd.s32 $0xFFFFFF80  }
0x1e7: {  	[tilespmem:s17], [sflag:$0x2] =	stream.indirect.gather [hbm4b:s1+s14], $0x80, s16, s14, $0xb8;
	[tilespmem:$0x1C180] =	vst v63  }
0x1e8: {  	_ =	swait.ge [sflag:s18], $0x4000  }
0x1e9: {  	[sflag:s18] =	ssyncset.done $0x0  }
0x1ea: {  	s31 =	sadd.s32 $0x1000, s23;
	[sflag:s18] =	ssyncadd.s32 $0xFFFFC000  }
0x1eb: {  	[tilespmem:s4], [sflag:$0x3] =	stream.linear.gather [hbm4b:s31+s4], $0x80, $0x38;
	[tilespmem:$0x1C180] =	vst v63  }
0x1ec: {  	_ =	swait.ge [sflag:s13], $0x80  }
0x1ed: {  	[sflag:s13] =	ssyncset.done $0x0  }
0x1ee: {  	[sflag:s13] =	ssyncadd.s32 $0xFFFFFF80  }
0x1ef: {  	[spmem:s2] =	stream.indirect.scatter.add.f32 [tilespmem:s15], [sflag:$0x3], $0x80, s4, s14, $0xb8;
	[tilespmem:$0x1C180] =	vst v63  }
0x1f0: {  	_ =	swait.ge [sflag:s13], $0x4000  }
0x1f1: {  	[sflag:s13] =	ssyncset.done $0x0  }
0x1f2: {  	[sflag:s13] =	ssyncadd.s32 $0xFFFFC000  }
0x1f3: {  	_ =	swait.ge [sflag:s19], $0x4000  }
0x1f4: {  	[sflag:s19] =	ssyncset.done $0x0  }
0x1f5: {  	s23 =	sadd.s32 $0x1200, s23;
	[sflag:s19] =	ssyncadd.s32 $0xFFFFC000  }
0x1f6: {  	[tilespmem:s4], [sflag:$0x3] =	stream.linear.gather [hbm4b:s23+s4], $0x80, $0x38;
	[tilespmem:$0x1C180] =	vst v63  }
0x1f7: {  	_ =	swait.ge [sflag:s13], $0x80  }
0x1f8: {  	[sflag:s13] =	ssyncset.done $0x0  }
0x1f9: {  	[sflag:s13] =	ssyncadd.s32 $0xFFFFFF80  }
0x1fa: {  	[spmem:s2] =	stream.indirect.scatter.add.f32 [tilespmem:s17], [sflag:$0x3], $0x80, s4, s14, $0xb8;
	[tilespmem:$0x1C180] =	vst v63  }
0x1fb: {  	_ =	swait.ge [sflag:s13], $0x4000  }
0x1fc: {  	[sflag:s13] =	ssyncset.done $0x0  }
0x1fd: {  	[sflag:s13] =	ssyncadd.s32 $0xFFFFC000  }
0x1fe: {  	[bflag:$0x0] =	sbarrier.arrive $0xFFFF  }
0x1ff: {  	[hbm:s7], [sflag:s6] =	dma.local [spmem:s20], $0x2700  }
0x200: {  	s22 =	sadd.s32 $0x1, s22;
	_ =	swait.ge [sflag:s13], $0x2700  }
0x201: {  	p1 =	sne.s32 s22, s9;
	[sflag:s13] =	ssyncset.done $0x0  }
.Ltmp1:
0x202: {  	s23 =	simm.s32 @!p0 $0x3;
	[sflag:s13] =	ssyncadd.s32 $0xFFFFD900;
	(pc) =	sbr.rel @p1 .LBB2_1-.Ltmp1, $4  }
0x203: {  	[hbm:s8], [sflag:s6] =	dma.local @!p0 [spmem:s21], $0x100  }
0x204: {  	_ =	swait.ge @!p0 [sflag:s23], $0x100  }
0x205: {  	[sflag:s23] =	ssyncset.done @!p0 $0x0  }
0x206: {  	[sflag:s23] =	ssyncadd.s32 @!p0 $0xFFFFFF00  }
0x207: {  	_ =	sfence.sel $0x180000  }
0x208: {  	[bflag:$0x0] =	sbarrier.arrive $0xFFFF  }
0x209: {  	p0 =	sne.s32 s3, $0x0;
	_ =	strace $0x9000004A  }
0x20a: {  	s0 =	sadd.s32 @!p0 $0x100000, s0;
	[bflag:$0x2] =	sbarrier.arrive $0xFFFF  }
0x20b: {  	[sflag:s0] =	ssyncadd.tile.s32 @!p0 $0x1;
	_ =	shalt  }
.Lfunc_end2:
_tile_overlayer_lowered:
.L_overlay_start_2:
0x20c: {  	(tag) =	ssettag $0x2  }
0x20d: {  	s0 =	rddreg [dreg:$0x0];
	s2 =	stileid.u32  }
0x20e: {  	s1 =	rddreg [dreg:$0x1];
	p0 =	sne.s32 s2, $0x0  }
0x20f: {  	s3 =	rddreg [dreg:$0x2];
	[bflag:$0x3] =	sbarrier.arrive $0xFFFF;
	s2 =	simm.s32 @!p0 $0x1C03  }
0x210: {  	[timem:s3], [sflag:s2] =	dma.local @!p0 [hbm:s0], s1  }
0x211: {  	s0 =	simm.s32 @!p0 $0x3  }
0x212: {  	_ =	swait.ge @!p0 [sflag:s0], s1  }
0x213: {  	s1 =	ssub.s32 @!p0 $0x0, s1;
	[sflag:s0] =	ssyncset.done @!p0 $0x0  }
0x214: {  	[sflag:s0] =	ssyncadd.s32 @!p0 s1  }
0x215: {  	[bflag:$0x3] =	sbarrier.arrive $0xFFFF  }
0x216: {  	_ =	shalt  }

// kernel: kernel.16.cloned.1.call-start
scs
__scs_entry_jumppad:
0x0: {  	(pc) =	sbr.rel $0x88, $3  }
0x1: {  	(tag) =	ssettag $0x0;
	lr =	simm.s32 $0x1  }
0x2: {  	[smem:$0x3F99] =	sst lr;
	_ =	strace $0xD0000000  }
0x3: {  	_ = 	snop  }
0x4: {  	_ = 	snop  }
0x5: {  	_ = 	snop  }
0x6: {  	_ = 	snop  }
0x7: {  	_ = 	snop  }
__scs_overlays_trampoline_lowered:
0x8: {  	[smem:$0x3FA8] =	sst s0  }
0x9: {  	[smem:$0x3FA9] =	sst s1  }
0xa: {  	[smem:$0x3FAA] =	sst s2  }
0xb: {  	[smem:$0x3FAB] =	sst s3  }
0xc: {  	[smem:$0x3FAC] =	sst s4  }
0xd: {  	[smem:$0x3FAD] =	sst s5  }
0xe: {  	[smem:$0x3FAE] =	sst s6  }
0xf: {  	[smem:$0x3FAF] =	sst s7  }
0x10: {  	[smem:$0x3FB0] =	sst s8  }
0x11: {  	[smem:$0x3FB1] =	sst s9;
	s0 =	simm.s32 @!p0 $0x0  }
0x12: {  	s1 =	sld [smem:$0x3F97];
	s0 =	simm.s32 @p0 $0x1  }
0x13: {  	[smem:$0x3FB2] =	sst s0;
	s0 =	simm.s32 @!p1 $0x0  }
0x14: {  	s2 =	sld [smem:$0x3F96];
	s0 =	simm.s32 @p1 $0x1  }
0x15: {  	[smem:$0x3FB3] =	sst s0;
	s0 =	simm.s32 @!p2 $0x0  }
0x16: {  	s3 =	sld [smem:$0x3FDB];
	s0 =	simm.s32 @p2 $0x1  }
0x17: {  	s4 =	simm.s32 $0x1BF5;
	[smem:$0x3FB5] =	sst s0  }
0x18: {  	s0 =	sld [smem:$0x3F98];
	_ =	swait.ge [sflag:s4], $0x0  }
0x19: {  	s7 =	sld [smem:$0x3F99]  }
0x1a: {  	s8 =	sadd.s32 $0xFFFFE003, lr  }
0x1b: {  	s9 =	sadd.s32 $0xFFFFFEF7, lr;
	s5 =	simm.s32 $0xFFFFFFFF;
	p2 =	slt.u32 s8, $0xFFFFF086  }
0x1c: {  	p1 =	slt.u32 s9, $0xF7A;
	s5 =	simm.s32 @!p2 $0x0  }
0x1d: {  	s5 =	simm.s32 @p1 $0x1;
	p0 =	seq.s32 s7, s2  }
0x1e: {  	s7 =	smul.u32 @!p0 $0xF7A, s2;
	p2 =	seq.s32 @!p0 s5, $0x0  }
0x1f: {  	s9 =	smul.u32 $0xF7A, s1;
	s8 =	simm.s32 @!p0 $0x1BF5;
	p2 =	por !p2, p0  }
0x20: {  	[sflag:s8] =	ssyncset.s32 @!p0 $0xFFFFF086;
	s6 =	sadd.s32 @!p0 s3, s7;
	s7 =	simm.s32 @!p0 $0x108  }
0x21: {  	s3 =	sadd.s32 s3, s9;
	s6 =	sadd.s32 @!p0 $0x88, s6;
	s7 =	simm.s32 @p2 $0x1082  }
0x22: {  	[simem:s7], [sflag:s8] =	dma.local @!p0 [hbm:s6], $0xF7A  }
0x23: {  	s9 =	sor.u32 $0xD0000000, s2;
	s6 =	simm.s32 $0x108;
	_ =	swait.ge @!p0 [sflag:s8], $0x0  }
0x24: {  	s3 =	sadd.s32 $0x88, s3;
	s6 =	simm.s32 @!p1 $0x1082;
	[sflag:s4] =	ssyncset.s32 $0xFFFFF086  }
0x25: {  	[simem:s6], [sflag:s4] =	dma.local [hbm:s3], $0xF7A  }
0x26: {  	[smem:$0x3F99] =	sst s1;
	(tag) =	ssettag s2;
	_ =	strace s9  }
0x27: {  	s1 =	sld [smem:$0x3FA9]  }
0x28: {  	s2 =	sld [smem:$0x3FAA]  }
0x29: {  	s4 =	sld [smem:$0x3FAC]  }
0x2a: {  	p0 =	seq.s32 s5, $0x0;
	s5 =	sld [smem:$0x3FAD]  }
0x2b: {  	s6 =	sld [smem:$0x3FAE]  }
0x2c: {  	s7 =	sld [smem:$0x3FAF]  }
0x2d: {  	s3 =	simm.s32 $0x108;
	s8 =	sld [smem:$0x3FB0]  }
0x2e: {  	s3 =	simm.s32 @!p0 $0x1082;
	s9 =	sld [smem:$0x3FB1]  }
0x2f: {  	lr =	sadd.s32 s0, s3;
	s0 =	sld [smem:$0x3FA8]  }
0x30: {  	s3 =	sld [smem:$0x3FAB]  }
0x31: {  	[smem:$0x3FB4] =	sst s10  }
0x32: {  	s10 =	sld [smem:$0x3FB2];
	_ =	sdelay $0x3  }
0x33: {  	p0 =	seq.s32 s10, $0x1;
	s10 =	sld [smem:$0x3FB4];
	_ =	sdelay $0x3  }
0x34: {  	[smem:$0x3FB4] =	sst s10  }
0x35: {  	s10 =	sld [smem:$0x3FB3];
	_ =	sdelay $0x3  }
0x36: {  	p1 =	seq.s32 s10, $0x1;
	s10 =	sld [smem:$0x3FB4];
	_ =	sdelay $0x3  }
0x37: {  	[smem:$0x3FB4] =	sst s10  }
0x38: {  	s10 =	sld [smem:$0x3FB5]  }
0x39: {  	_ = 	snop;
	(pc) =	sbr.ind lr, $3  }
0x3a: {  	_ = 	snop  }
0x3b: {  	_ = 	snop  }
0x3c: {  	p2 =	seq.s32 s10, $0x1;
	s10 =	sld [smem:$0x3FB4]  }
0x3d: {  	_ =	shalt  }
0x3e: {  	_ =	shalt  }
0x3f: {  	_ =	shalt  }
0x40: {  	_ =	shalt  }
0x41: {  	_ =	shalt  }
0x42: {  	_ =	shalt  }
0x43: {  	_ =	shalt  }
0x44: {  	_ =	shalt  }
0x45: {  	_ =	shalt  }
0x46: {  	_ =	shalt  }
0x47: {  	_ =	shalt  }
0x48: {  	_ =	shalt  }
0x49: {  	_ =	shalt  }
0x4a: {  	_ =	shalt  }
0x4b: {  	_ =	shalt  }
0x4c: {  	_ =	shalt  }
0x4d: {  	_ =	shalt  }
0x4e: {  	_ =	shalt  }
0x4f: {  	_ =	shalt  }
0x50: {  	_ =	shalt  }
0x51: {  	_ =	shalt  }
0x52: {  	_ =	shalt  }
0x53: {  	_ =	shalt  }
0x54: {  	_ =	shalt  }
0x55: {  	_ =	shalt  }
0x56: {  	_ =	shalt  }
0x57: {  	_ =	shalt  }
0x58: {  	_ =	shalt  }
0x59: {  	_ =	shalt  }
0x5a: {  	_ =	shalt  }
0x5b: {  	_ =	shalt  }
0x5c: {  	_ =	shalt  }
0x5d: {  	_ =	shalt  }
0x5e: {  	_ =	shalt  }
0x5f: {  	_ =	shalt  }
0x60: {  	_ =	shalt  }
0x61: {  	_ =	shalt  }
0x62: {  	_ =	shalt  }
0x63: {  	_ =	shalt  }
0x64: {  	_ =	shalt  }
0x65: {  	_ =	shalt  }
0x66: {  	_ =	shalt  }
0x67: {  	_ =	shalt  }
0x68: {  	_ =	shalt  }
0x69: {  	_ =	shalt  }
0x6a: {  	_ =	shalt  }
0x6b: {  	_ =	shalt  }
0x6c: {  	_ =	shalt  }
0x6d: {  	_ =	shalt  }
0x6e: {  	_ =	shalt  }
0x6f: {  	_ =	shalt  }
0x70: {  	_ =	shalt  }
0x71: {  	_ =	shalt  }
0x72: {  	_ =	shalt  }
0x73: {  	_ =	shalt  }
0x74: {  	_ =	shalt  }
0x75: {  	_ =	shalt  }
0x76: {  	_ =	shalt  }
0x77: {  	_ =	shalt  }
0x78: {  	_ =	shalt  }
0x79: {  	_ =	shalt  }
0x7a: {  	_ =	shalt  }
0x7b: {  	_ =	shalt  }
0x7c: {  	_ =	shalt  }
0x7d: {  	_ =	shalt  }
0x7e: {  	_ =	shalt  }
0x7f: {  	_ =	shalt  }
0x80: {  	_ =	shalt  }
0x81: {  	_ =	shalt  }
0x82: {  	_ =	shalt  }
0x83: {  	_ =	shalt  }
0x84: {  	_ =	shalt  }
0x85: {  	_ =	shalt  }
0x86: {  	_ =	shalt  }
0x87: {  	_ =	shalt  }
.Lfunc_end0:
.L_simem_size_0:
called_computation.2_lowered:
.L_overlay_start_0:
0x88: {  	s2 =	sld [smem:$0x3FD9]  }
0x89: {  	s3 =	sld [smem:$0x3FFE];
	_ =	sdelay $0x1  }
0x8a: {  	s1 =	srdreg.scid  }
0x8b: {  	s0 =	sand.u32 $0x1, s1  }
0x8c: {  	s17 =	sshll.u32 s0, $0xA;
	s2 =	sadd.s32 s3, s2  }
0x8d: {  	s2 =	sadd.s32 s2, s17  }
0x8e: {  	[smem:$0x3FC0] =	sst s2  }
0x8f: {  	_ = 	snop  }
0x90: {  	s2 =	sld [smem:$0x3FD0];
	(tm) =	ssettm $0x1  }
0x91: {  	s18 =	sld [smem:$0x3FFB];
	_ =	sdelay $0x3  }
0x92: {  	_ =	strace s18  }
0x93: {  	s3 =	sld [smem:$0x3FFC];
	_ =	sdelay $0x3  }
0x94: {  	_ =	strace s3  }
0x95: {  	s3 =	sld [smem:$0x3FFD];
	_ =	sdelay $0x3  }
0x96: {  	_ =	strace s3  }
0x97: {  	_ =	strace $0x8FFFFFFF  }
0x98: {  	s19 =	sld [smem:$0x3FDB];
	_ =	sdelay $0x1  }
0x99: {  	s4 =	simm.s32 $_scs_section_size  }
0x9a: {  	s5 =	simm.s32 $_size__tile_overlayer_lowered;
	s6 =	simm.s32 $_tile_overlayer_lowered  }
0x9b: {  	s22 =	simm.s32 $0x1BFF;
	s21 =	sshll.u32 s6, $0x1;
	s3 =	sadd.s32 s4, s19  }
0x9c: {  	s7 =	simm.s32 $0x0;
	s20 =	sshll.u32 s5, $0x1;
	s5 =	sadd.s32 s21, s3  }
0x9d: {  	[timem:s7], [sflag:s22] =	dma.local [hbm:s5], s20  }
0x9e: {  	_ =	swait.ge [sflag:s22], s20  }
0x9f: {  	s4 =	ssub.s32 $0x0, s20;
	[sflag:s22] =	ssyncset.done $0x0  }
0xa0: {  	[sflag:s22] =	ssyncadd.s32 s4;
	_ =	sdelay $0x1  }
0xa1: {  	s23 =	simm.s32 $0x1B8B  }
0xa2: {  	_ =	swait.ge [sflag:s23], $0x1  }
0xa3: {  	[sflag:s23] =	ssyncset.done $0x0  }
0xa4: {  	s25 =	simm.s32 $0x1B8E;
	s24 =	sld [smem:$0x3FFE];
	[sflag:s23] =	ssyncadd.s32 $0xFFFFFFFF  }
0xa5: {  	s26 =	simm.s32 $execute0_lowered;
	[smem:$0x3FD2] =	sst s25  }
0xa6: {  	s5 =	sshll.u32 s26, $0x1;
	_ =	strace $0x8000004C;
	[dreg:$0x1] =	wrdreg $0xFFFFFFFF  }
0xa7: {  	s28 =	simm.s32 $_size_execute0_lowered;
	s3 =	sadd.s32 s3, s5;
	[dreg:$0x0] =	wrdreg $0x0  }
0xa8: {  	s5 =	sshll.u32 s28, $0x1;
	[dreg:$0x2] =	wrdreg s3  }
0xa9: {  	[dreg:$0x3] =	wrdreg s5  }
0xaa: {  	[dreg:$0x4] =	wrdreg $0xC0  }
0xab: {  	_ =	task [dreg:s7], $0x5FFFF  }
0xac: {  	[dreg:$0x1] =	wrdreg $0xFFFFFFFF  }
0xad: {  	[dreg:$0x0] =	wrdreg $0x60  }
0xae: {  	[dreg:$0x2] =	wrdreg s2  }
0xaf: {  	[dreg:$0x3] =	wrdreg s24  }
0xb0: {  	[dreg:$0x4] =	wrdreg $0x81800  }
0xb1: {  	[dreg:$0x5] =	wrdreg $0x9  }
0xb2: {  	_ =	task.clear_ibuf [dreg:s7], $0x6FFFF;
	_ =	strace $0x9000004C  }
0xb3: {  	s29 =	simm.s32 $0x9;
	_ =	strace $0x8000004E  }
0xb4: {  	_ =	swait.ge [sflag:s29], $0x1  }
0xb5: {  	[sflag:s29] =	ssyncadd.s32 $0xFFFFFFFF  }
0xb6: {  	_ =	strace $0x9000004E  }
0xb7: {  	_ =	sfence  }
0xb8: {  	s30 =	sld [smem:$0x0];
	_ =	sdelay $0x2  }
0xb9: {  	s31 =	sshll.u32 s1, $0xD;
	s1 =	sshrl.u32 s1, $0x2  }
0xba: {  	s3 =	sand.u32 $0x4000, s31;
	s1 =	sadd.s32 s1, s30  }
0xbb: {  	s0 =	sor.u32 s3, s0;
	s1 =	sshll.u32 s1, $0x11  }
0xbc: {  	s0 =	sor.u32 s1, s0  }
0xbd: {  	s0 =	sadd.s32 $0x8F2B, s0  }
0xbe: {  	[sflag:s0] =	ssyncadd.remote.s32 $0x1  }
0xbf: {  	_ =	sfence.sel $0xFFFF  }
0xc0: {  	[dreg:$0x0] =	wrdreg $0xFFFFFFFF;
	(pc) =	sbr.abs _section_cstart, $3  }
0xc1: {  	[dreg:$0x1] =	wrdreg $0xFFFFFFFF  }
0xc2: {  	_ =	task.clear_ibuf [dreg:s7], $0x2FFFF;
	_ =	strace $0x9FFFFFFF  }
0xc3: {  	(tm) =	ssettm $0x7FFFFFFF  }
tec
execute0_lowered:
.L_overlay_start_1:
0x0: {  	(tag) =	ssettag $0x1  }
0x1: {  	s1 =	rddreg [dreg:$0x0]  }
0x2: {  	s5 =	rddreg [dreg:$0x1]  }
0x3: {  	s2 =	rddreg [dreg:$0x2]  }
0x4: {  	s0 =	rddreg [dreg:$0x3];
	s4 =	simm.s32 $0x0  }
0x5: {  	s3 =	stileid.u32;
	s8 =	srdreg.scid;
	s16 =	simm.s32 $0x100  }
0x6: {  	s17 =	simm.s32 $0x4180;
	s18 =	simm.s32 $0x1;
	s19 =	simm.s32 $0x2  }
0x7: {  	s22 =	simm.s32 $0x0;
	[smem:$0x7FF] =	sst s4;
	s7 =	smul.u32 $0x2800, s3  }
0x8: {  	s6 =	sshll.u32 s3, $0x5;
	s8 =	sand.u32 $0x1, s8;
	s24 =	smul.u32 $0x50000, s3  }
0x9: {  	s13 =	smul.u32 $0x13800, s3;
	s14 =	sadd.s32 $0x3F400, s5;
	s26 =	sshll.u32 s3, $0x6  }
0xa: {  	s15 =	smul.u32 $0x4E000, s3;
	s21 =	sadd.s32 $0x138000, s2;
	p0 =	sne.s32 s3, $0xF  }
0xb: {  	_ =	strace $0x8000004D;
	s9 =	sadd.s32 s6, s5;
	s10 =	ssub.s32 $0x2, s8  }
0xc: {  	s11 =	smul.u32 $0x138800, s8;
	s30 =	sshll.u32 s8, $0x4;
	s21 =	sshrl.u32 @!p0 s21, $0x3  }
0xd: {  	s7 =	sadd.s32 s7, s5;
	s12 =	sshrl.u32 s10, $0x1;
	s6 =	sshrl.u32 s24, $0x2  }
0xe: {  	s29 =	sshrl.u32 s15, $0x2;
	s31 =	sadd.s32 s30, s9;
	s15 =	simm.s32 $0x180  }
0xf: {  	s10 =	ssub.s32 s10, s12;
	s25 =	sadd.s32 s6, s2;
	s13 =	sadd.s32 s13, s11  }
0x10: {  	s5 =	sadd.s32 $0x17400, s7;
	s6 =	sor.u32 $0x1C03, s26;
	s11 =	sshrl.u32 s11, $0x3  }
0x11: {  	s20 =	sadd.s32 s29, s2;
	s28 =	sshrl.u32 s13, $0x3;
	s11 =	sadd.s32 s14, s11  }
0x12: {  	s9 =	smax.u32 s10, $0x1;
	s10 =	sadd.s32 $0x3400, s31;
	s12 =	sshrl.u32 s25, $0x3  }
0x13: {  	s13 =	simm.s32 $0x3;
	s20 =	sshrl.u32 s20, $0x3;
	s7 =	sadd.s32 s14, s28  }
0x14: {  	s8 =	sadd.s32 $0x27000, s11;
	s11 =	sadd.s32 $0xD400, s31;
	s14 =	simm.s32 $0x80  }
.LBB2_1:
0x15: {  	[spmem:s12], [sflag:s6] =	dma.local [hbm:s5], $0x2800  }
0x16: {  	_ =	swait.ge [sflag:s13], $0x2800  }
0x17: {  	[sflag:s13] =	ssyncset.done $0x0  }
0x18: {  	[sflag:s13] =	ssyncadd.s32 $0xFFFFD800  }
0x19: {  	s24 =	sadd.s32 $0x0, s11;
	[bflag:$0x0] =	sbarrier.arrive $0xFFFF  }
0x1a: {  	[tilespmem:s14], [sflag:$0x3] =	stream.linear.gather [hbm4b:s24+s4], $0x80, $0x38;
	[tilespmem:$0x1C180] =	vst v63  }
0x1b: {  	_ =	swait.ge [sflag:s13], $0x80  }
0x1c: {  	[sflag:s13] =	ssyncset.done $0x0  }
0x1d: {  	[sflag:s13] =	ssyncadd.s32 $0xFFFFFF80  }
0x1e: {  	[tilespmem:s15], [sflag:$0x1] =	stream.indirect.gather [hbm4b:s1+s14], $0x80, s14, s14, $0xb8;
	[tilespmem:$0x1C180] =	vst v63  }
0x1f: {  	s23 =	sadd.s32 $0x200, s24  }
0x20: {  	[tilespmem:s16], [sflag:$0x3] =	stream.linear.gather [hbm4b:s23+s4], $0x80, $0x38;
	[tilespmem:$0x1C180] =	vst v63  }
0x21: {  	_ =	swait.ge [sflag:s13], $0x80  }
0x22: {  	[sflag:s13] =	ssyncset.done $0x0  }
0x23: {  	[sflag:s13] =	ssyncadd.s32 $0xFFFFFF80  }
0x24: {  	[tilespmem:s17], [sflag:$0x2] =	stream.indirect.gather [hbm4b:s1+s14], $0x80, s16, s14, $0xb8;
	[tilespmem:$0x1C180] =	vst v63  }
0x25: {  	_ =	swait.ge [sflag:s18], $0x4000  }
0x26: {  	[sflag:s18] =	ssyncset.done $0x0  }
0x27: {  	s23 =	sadd.s32 $0x0, s10;
	[sflag:s18] =	ssyncadd.s32 $0xFFFFC000  }
0x28: {  	[tilespmem:s4], [sflag:$0x3] =	stream.linear.gather [hbm4b:s23+s4], $0x80, $0x38;
	[tilespmem:$0x1C180] =	vst v63  }
0x29: {  	_ =	swait.ge [sflag:s13], $0x80  }
0x2a: {  	[sflag:s13] =	ssyncset.done $0x0  }
0x2b: {  	[sflag:s13] =	ssyncadd.s32 $0xFFFFFF80  }
0x2c: {  	[spmem:s2] =	stream.indirect.scatter.add.f32 [tilespmem:s15], [sflag:$0x3], $0x80, s4, s14, $0xb8;
	[tilespmem:$0x1C180] =	vst v63  }
0x2d: {  	_ =	swait.ge [sflag:s13], $0x4000  }
0x2e: {  	[sflag:s13] =	ssyncset.done $0x0  }
0x2f: {  	s25 =	sadd.s32 $0x400, s24;
	[sflag:s13] =	ssyncadd.s32 $0xFFFFC000  }
0x30: {  	[tilespmem:s14], [sflag:$0x3] =	stream.linear.gather [hbm4b:s25+s4], $0x80, $0x38;
	[tilespmem:$0x1C180] =	vst v63  }
0x31: {  	_ =	swait.ge [sflag:s13], $0x80  }
0x32: {  	[sflag:s13] =	ssyncset.done $0x0  }
0x33: {  	[sflag:s13] =	ssyncadd.s32 $0xFFFFFF80  }
0x34: {  	[tilespmem:s15], [sflag:$0x1] =	stream.indirect.gather [hbm4b:s1+s14], $0x80, s14, s14, $0xb8;
	[tilespmem:$0x1C180] =	vst v63  }
0x35: {  	_ =	swait.ge [sflag:s19], $0x4000  }
0x36: {  	[sflag:s19] =	ssyncset.done $0x0  }
0x37: {  	s28 =	sadd.s32 $0x200, s23;
	[sflag:s19] =	ssyncadd.s32 $0xFFFFC000  }
0x38: {  	[tilespmem:s4], [sflag:$0x3] =	stream.linear.gather [hbm4b:s28+s4], $0x80, $0x38;
	[tilespmem:$0x1C180] =	vst v63  }
0x39: {  	_ =	swait.ge [sflag:s13], $0x80  }
0x3a: {  	[sflag:s13] =	ssyncset.done $0x0  }
0x3b: {  	[sflag:s13] =	ssyncadd.s32 $0xFFFFFF80  }
0x3c: {  	[spmem:s2] =	stream.indirect.scatter.add.f32 [tilespmem:s17], [sflag:$0x3], $0x80, s4, s14, $0xb8;
	[tilespmem:$0x1C180] =	vst v63  }
0x3d: {  	_ =	swait.ge [sflag:s13], $0x4000  }
0x3e: {  	[sflag:s13] =	ssyncset.done $0x0  }
0x3f: {  	s29 =	sadd.s32 $0x600, s24;
	[sflag:s13] =	ssyncadd.s32 $0xFFFFC000  }
0x40: {  	[tilespmem:s16], [sflag:$0x3] =	stream.linear.gather [hbm4b:s29+s4], $0x80, $0x38;
	[tilespmem:$0x1C180] =	vst v63  }
0x41: {  	_ =	swait.ge [sflag:s13], $0x80  }
0x42: {  	[sflag:s13] =	ssyncset.done $0x0  }
0x43: {  	[sflag:s13] =	ssyncadd.s32 $0xFFFFFF80  }
0x44: {  	[tilespmem:s17], [sflag:$0x2] =	stream.indirect.gather [hbm4b:s1+s14], $0x80, s16, s14, $0xb8;
	[tilespmem:$0x1C180] =	vst v63  }
0x45: {  	_ =	swait.ge [sflag:s18], $0x4000  }
0x46: {  	[sflag:s18] =	ssyncset.done $0x0  }
0x47: {  	s30 =	sadd.s32 $0x400, s23;
	[sflag:s18] =	ssyncadd.s32 $0xFFFFC000  }
0x48: {  	[tilespmem:s4], [sflag:$0x3] =	stream.linear.gather [hbm4b:s30+s4], $0x80, $0x38;
	[tilespmem:$0x1C180] =	vst v63  }
0x49: {  	_ =	swait.ge [sflag:s13], $0x80  }
0x4a: {  	[sflag:s13] =	ssyncset.done $0x0  }
0x4b: {  	[sflag:s13] =	ssyncadd.s32 $0xFFFFFF80  }
0x4c: {  	[spmem:s2] =	stream.indirect.scatter.add.f32 [tilespmem:s15], [sflag:$0x3], $0x80, s4, s14, $0xb8;
	[tilespmem:$0x1C180] =	vst v63  }
0x4d: {  	_ =	swait.ge [sflag:s13], $0x4000  }
0x4e: {  	[sflag:s13] =	ssyncset.done $0x0  }
0x4f: {  	s31 =	sadd.s32 $0x800, s24;
	[sflag:s13] =	ssyncadd.s32 $0xFFFFC000  }
0x50: {  	[tilespmem:s14], [sflag:$0x3] =	stream.linear.gather [hbm4b:s31+s4], $0x80, $0x38;
	[tilespmem:$0x1C180] =	vst v63  }
0x51: {  	_ =	swait.ge [sflag:s13], $0x80  }
0x52: {  	[sflag:s13] =	ssyncset.done $0x0  }
0x53: {  	[sflag:s13] =	ssyncadd.s32 $0xFFFFFF80  }
0x54: {  	[tilespmem:s15], [sflag:$0x1] =	stream.indirect.gather [hbm4b:s1+s14], $0x80, s14, s14, $0xb8;
	[tilespmem:$0x1C180] =	vst v63  }
0x55: {  	_ =	swait.ge [sflag:s19], $0x4000  }
0x56: {  	[sflag:s19] =	ssyncset.done $0x0  }
0x57: {  	s26 =	sadd.s32 $0x600, s23;
	[sflag:s19] =	ssyncadd.s32 $0xFFFFC000  }
0x58: {  	[tilespmem:s4], [sflag:$0x3] =	stream.linear.gather [hbm4b:s26+s4], $0x80, $0x38;
	[tilespmem:$0x1C180] =	vst v63  }
0x59: {  	_ =	swait.ge [sflag:s13], $0x80  }
0x5a: {  	[sflag:s13] =	ssyncset.done $0x0  }
0x5b: {  	[sflag:s13] =	ssyncadd.s32 $0xFFFFFF80  }
0x5c: {  	[spmem:s2] =	stream.indirect.scatter.add.f32 [tilespmem:s17], [sflag:$0x3], $0x80, s4, s14, $0xb8;
	[tilespmem:$0x1C180] =	vst v63  }
0x5d: {  	_ =	swait.ge [sflag:s13], $0x4000  }
0x5e: {  	[sflag:s13] =	ssyncset.done $0x0  }
0x5f: {  	s28 =	sadd.s32 $0xA00, s24;
	[sflag:s13] =	ssyncadd.s32 $0xFFFFC000  }
0x60: {  	[tilespmem:s16], [sflag:$0x3] =	stream.linear.gather [hbm4b:s28+s4], $0x80, $0x38;
	[tilespmem:$0x1C180] =	vst v63  }
0x61: {  	_ =	swait.ge [sflag:s13], $0x80  }
0x62: {  	[sflag:s13] =	ssyncset.done $0x0  }
0x63: {  	[sflag:s13] =	ssyncadd.s32 $0xFFFFFF80  }
0x64: {  	[tilespmem:s17], [sflag:$0x2] =	stream.indirect.gather [hbm4b:s1+s14], $0x80, s16, s14, $0xb8;
	[tilespmem:$0x1C180] =	vst v63  }
0x65: {  	_ =	swait.ge [sflag:s18], $0x4000  }
0x66: {  	[sflag:s18] =	ssyncset.done $0x0  }
0x67: {  	s29 =	sadd.s32 $0x800, s23;
	[sflag:s18] =	ssyncadd.s32 $0xFFFFC000  }
0x68: {  	[tilespmem:s4], [sflag:$0x3] =	stream.linear.gather [hbm4b:s29+s4], $0x80, $0x38;
	[tilespmem:$0x1C180] =	vst v63  }
0x69: {  	_ =	swait.ge [sflag:s13], $0x80  }
0x6a: {  	[sflag:s13] =	ssyncset.done $0x0  }
0x6b: {  	[sflag:s13] =	ssyncadd.s32 $0xFFFFFF80  }
0x6c: {  	[spmem:s2] =	stream.indirect.scatter.add.f32 [tilespmem:s15], [sflag:$0x3], $0x80, s4, s14, $0xb8;
	[tilespmem:$0x1C180] =	vst v63  }
0x6d: {  	_ =	swait.ge [sflag:s13], $0x4000  }
0x6e: {  	[sflag:s13] =	ssyncset.done $0x0  }
0x6f: {  	s30 =	sadd.s32 $0xC00, s24;
	[sflag:s13] =	ssyncadd.s32 $0xFFFFC000  }
0x70: {  	[tilespmem:s14], [sflag:$0x3] =	stream.linear.gather [hbm4b:s30+s4], $0x80, $0x38;
	[tilespmem:$0x1C180] =	vst v63  }
0x71: {  	_ =	swait.ge [sflag:s13], $0x80  }
0x72: {  	[sflag:s13] =	ssyncset.done $0x0  }
0x73: {  	[sflag:s13] =	ssyncadd.s32 $0xFFFFFF80  }
0x74: {  	[tilespmem:s15], [sflag:$0x1] =	stream.indirect.gather [hbm4b:s1+s14], $0x80, s14, s14, $0xb8;
	[tilespmem:$0x1C180] =	vst v63  }
0x75: {  	_ =	swait.ge [sflag:s19], $0x4000  }
0x76: {  	[sflag:s19] =	ssyncset.done $0x0  }
0x77: {  	s31 =	sadd.s32 $0xA00, s23;
	[sflag:s19] =	ssyncadd.s32 $0xFFFFC000  }
0x78: {  	[tilespmem:s4], [sflag:$0x3] =	stream.linear.gather [hbm4b:s31+s4], $0x80, $0x38;
	[tilespmem:$0x1C180] =	vst v63  }
0x79: {  	_ =	swait.ge [sflag:s13], $0x80  }
0x7a: {  	[sflag:s13] =	ssyncset.done $0x0  }
0x7b: {  	[sflag:s13] =	ssyncadd.s32 $0xFFFFFF80  }
0x7c: {  	[spmem:s2] =	stream.indirect.scatter.add.f32 [tilespmem:s17], [sflag:$0x3], $0x80, s4, s14, $0xb8;
	[tilespmem:$0x1C180] =	vst v63  }
0x7d: {  	_ =	swait.ge [sflag:s13], $0x4000  }
0x7e: {  	[sflag:s13] =	ssyncset.done $0x0  }
0x7f: {  	s26 =	sadd.s32 $0xE00, s24;
	[sflag:s13] =	ssyncadd.s32 $0xFFFFC000  }
0x80: {  	[tilespmem:s16], [sflag:$0x3] =	stream.linear.gather [hbm4b:s26+s4], $0x80, $0x38;
	[tilespmem:$0x1C180] =	vst v63  }
0x81: {  	_ =	swait.ge [sflag:s13], $0x80  }
0x82: {  	[sflag:s13] =	ssyncset.done $0x0  }
0x83: {  	[sflag:s13] =	ssyncadd.s32 $0xFFFFFF80  }
0x84: {  	[tilespmem:s17], [sflag:$0x2] =	stream.indirect.gather [hbm4b:s1+s14], $0x80, s16, s14, $0xb8;
	[tilespmem:$0x1C180] =	vst v63  }
0x85: {  	_ =	swait.ge [sflag:s18], $0x4000  }
0x86: {  	[sflag:s18] =	ssyncset.done $0x0  }
0x87: {  	s28 =	sadd.s32 $0xC00, s23;
	[sflag:s18] =	ssyncadd.s32 $0xFFFFC000  }
0x88: {  	[tilespmem:s4], [sflag:$0x3] =	stream.linear.gather [hbm4b:s28+s4], $0x80, $0x38;
	[tilespmem:$0x1C180] =	vst v63  }
0x89: {  	_ =	swait.ge [sflag:s13], $0x80  }
0x8a: {  	[sflag:s13] =	ssyncset.done $0x0  }
0x8b: {  	[sflag:s13] =	ssyncadd.s32 $0xFFFFFF80  }
0x8c: {  	[spmem:s2] =	stream.indirect.scatter.add.f32 [tilespmem:s15], [sflag:$0x3], $0x80, s4, s14, $0xb8;
	[tilespmem:$0x1C180] =	vst v63  }
0x8d: {  	_ =	swait.ge [sflag:s13], $0x4000  }
0x8e: {  	[sflag:s13] =	ssyncset.done $0x0  }
0x8f: {  	s29 =	sadd.s32 $0x1000, s24;
	[sflag:s13] =	ssyncadd.s32 $0xFFFFC000  }
0x90: {  	[tilespmem:s14], [sflag:$0x3] =	stream.linear.gather [hbm4b:s29+s4], $0x80, $0x38;
	[tilespmem:$0x1C180] =	vst v63  }
0x91: {  	_ =	swait.ge [sflag:s13], $0x80  }
0x92: {  	[sflag:s13] =	ssyncset.done $0x0  }
0x93: {  	[sflag:s13] =	ssyncadd.s32 $0xFFFFFF80  }
0x94: {  	[tilespmem:s15], [sflag:$0x1] =	stream.indirect.gather [hbm4b:s1+s14], $0x80, s14, s14, $0xb8;
	[tilespmem:$0x1C180] =	vst v63  }
0x95: {  	_ =	swait.ge [sflag:s19], $0x4000  }
0x96: {  	[sflag:s19] =	ssyncset.done $0x0  }
0x97: {  	s30 =	sadd.s32 $0xE00, s23;
	[sflag:s19] =	ssyncadd.s32 $0xFFFFC000  }
0x98: {  	[tilespmem:s4], [sflag:$0x3] =	stream.linear.gather [hbm4b:s30+s4], $0x80, $0x38;
	[tilespmem:$0x1C180] =	vst v63  }
0x99: {  	_ =	swait.ge [sflag:s13], $0x80  }
0x9a: {  	[sflag:s13] =	ssyncset.done $0x0  }
0x9b: {  	[sflag:s13] =	ssyncadd.s32 $0xFFFFFF80  }
0x9c: {  	[spmem:s2] =	stream.indirect.scatter.add.f32 [tilespmem:s17], [sflag:$0x3], $0x80, s4, s14, $0xb8;
	[tilespmem:$0x1C180] =	vst v63  }
0x9d: {  	_ =	swait.ge [sflag:s13], $0x4000  }
0x9e: {  	[sflag:s13] =	ssyncset.done $0x0  }
0x9f: {  	s24 =	sadd.s32 $0x1200, s24;
	[sflag:s13] =	ssyncadd.s32 $0xFFFFC000  }
0xa0: {  	[tilespmem:s16], [sflag:$0x3] =	stream.linear.gather [hbm4b:s24+s4], $0x80, $0x38;
	[tilespmem:$0x1C180] =	vst v63  }
0xa1: {  	_ =	swait.ge [sflag:s13], $0x80  }
0xa2: {  	[sflag:s13] =	ssyncset.done $0x0  }
0xa3: {  	[sflag:s13] =	ssyncadd.s32 $0xFFFFFF80  }
0xa4: {  	[tilespmem:s17], [sflag:$0x2] =	stream.indirect.gather [hbm4b:s1+s14], $0x80, s16, s14, $0xb8;
	[tilespmem:$0x1C180] =	vst v63  }
0xa5: {  	_ =	swait.ge [sflag:s18], $0x4000  }
0xa6: {  	[sflag:s18] =	ssyncset.done $0x0  }
0xa7: {  	s31 =	sadd.s32 $0x1000, s23;
	[sflag:s18] =	ssyncadd.s32 $0xFFFFC000  }
0xa8: {  	[tilespmem:s4], [sflag:$0x3] =	stream.linear.gather [hbm4b:s31+s4], $0x80, $0x38;
	[tilespmem:$0x1C180] =	vst v63  }
0xa9: {  	_ =	swait.ge [sflag:s13], $0x80  }
0xaa: {  	[sflag:s13] =	ssyncset.done $0x0  }
0xab: {  	[sflag:s13] =	ssyncadd.s32 $0xFFFFFF80  }
0xac: {  	[spmem:s2] =	stream.indirect.scatter.add.f32 [tilespmem:s15], [sflag:$0x3], $0x80, s4, s14, $0xb8;
	[tilespmem:$0x1C180] =	vst v63  }
0xad: {  	_ =	swait.ge [sflag:s13], $0x4000  }
0xae: {  	[sflag:s13] =	ssyncset.done $0x0  }
0xaf: {  	[sflag:s13] =	ssyncadd.s32 $0xFFFFC000  }
0xb0: {  	_ =	swait.ge [sflag:s19], $0x4000  }
0xb1: {  	[sflag:s19] =	ssyncset.done $0x0  }
0xb2: {  	s23 =	sadd.s32 $0x1200, s23;
	[sflag:s19] =	ssyncadd.s32 $0xFFFFC000  }
0xb3: {  	[tilespmem:s4], [sflag:$0x3] =	stream.linear.gather [hbm4b:s23+s4], $0x80, $0x38;
	[tilespmem:$0x1C180] =	vst v63  }
0xb4: {  	_ =	swait.ge [sflag:s13], $0x80  }
0xb5: {  	[sflag:s13] =	ssyncset.done $0x0  }
0xb6: {  	[sflag:s13] =	ssyncadd.s32 $0xFFFFFF80  }
0xb7: {  	[spmem:s2] =	stream.indirect.scatter.add.f32 [tilespmem:s17], [sflag:$0x3], $0x80, s4, s14, $0xb8;
	[tilespmem:$0x1C180] =	vst v63  }
0xb8: {  	_ =	swait.ge [sflag:s13], $0x4000  }
0xb9: {  	s25 =	simm.s32 $0x2800;
	s23 =	simm.s32 $0x1400;
	[sflag:s13] =	ssyncset.done $0x0  }
.LBB2_2:
0xba: {  	s26 =	sadd.s32 s23, s11  }
0xbb: {  	[sflag:s13] =	ssyncadd.s32 $0xFFFFC000;
	s28 =	smov.u32 s25;
	s24 =	sadd.s32 $0x1400, s25  }
0xbc: {  	[tilespmem:s14], [sflag:$0x3] =	stream.linear.gather [hbm4b:s26+s4], $0x80, $0x38;
	[tilespmem:$0x1C180] =	vst v63  }
0xbd: {  	p1 =	sne.s32 s25, $0x8C00;
	_ =	swait.ge [sflag:s13], $0x80  }
0xbe: {  	[sflag:s13] =	ssyncset.done $0x0  }
0xbf: {  	[sflag:s13] =	ssyncadd.s32 $0xFFFFFF80  }
0xc0: {  	[tilespmem:s15], [sflag:$0x1] =	stream.indirect.gather [hbm4b:s1+s14], $0x80, s14, s14, $0xb8;
	[tilespmem:$0x1C180] =	vst v63  }
0xc1: {  	s25 =	sadd.s32 $0x200, s26  }
0xc2: {  	[tilespmem:s16], [sflag:$0x3] =	stream.linear.gather [hbm4b:s25+s4], $0x80, $0x38;
	[tilespmem:$0x1C180] =	vst v63  }
0xc3: {  	_ =	swait.ge [sflag:s13], $0x80  }
0xc4: {  	[sflag:s13] =	ssyncset.done $0x0  }
0xc5: {  	[sflag:s13] =	ssyncadd.s32 $0xFFFFFF80  }
0xc6: {  	[tilespmem:s17], [sflag:$0x2] =	stream.indirect.gather [hbm4b:s1+s14], $0x80, s16, s14, $0xb8;
	[tilespmem:$0x1C180] =	vst v63  }
0xc7: {  	_ =	swait.ge [sflag:s18], $0x4000  }
0xc8: {  	[sflag:s18] =	ssyncset.done $0x0  }
0xc9: {  	s25 =	sadd.s32 s23, s10;
	s23 =	smov.u32 s28;
	[sflag:s18] =	ssyncadd.s32 $0xFFFFC000  }
0xca: {  	[tilespmem:s4], [sflag:$0x3] =	stream.linear.gather [hbm4b:s25+s4], $0x80, $0x38;
	[tilespmem:$0x1C180] =	vst v63  }
0xcb: {  	_ =	swait.ge [sflag:s13], $0x80  }
0xcc: {  	[sflag:s13] =	ssyncset.done $0x0  }
0xcd: {  	[sflag:s13] =	ssyncadd.s32 $0xFFFFFF80  }
0xce: {  	[spmem:s2] =	stream.indirect.scatter.add.f32 [tilespmem:s15], [sflag:$0x3], $0x80, s4, s14, $0xb8;
	[tilespmem:$0x1C180] =	vst v63  }
0xcf: {  	_ =	swait.ge [sflag:s13], $0x4000  }
0xd0: {  	[sflag:s13] =	ssyncset.done $0x0  }
0xd1: {  	s28 =	sadd.s32 $0x400, s26;
	[sflag:s13] =	ssyncadd.s32 $0xFFFFC000  }
0xd2: {  	[tilespmem:s14], [sflag:$0x3] =	stream.linear.gather [hbm4b:s28+s4], $0x80, $0x38;
	[tilespmem:$0x1C180] =	vst v63  }
0xd3: {  	_ =	swait.ge [sflag:s13], $0x80  }
0xd4: {  	[sflag:s13] =	ssyncset.done $0x0  }
0xd5: {  	[sflag:s13] =	ssyncadd.s32 $0xFFFFFF80  }
0xd6: {  	[tilespmem:s15], [sflag:$0x1] =	stream.indirect.gather [hbm4b:s1+s14], $0x80, s14, s14, $0xb8;
	[tilespmem:$0x1C180] =	vst v63  }
0xd7: {  	_ =	swait.ge [sflag:s19], $0x4000  }
0xd8: {  	[sflag:s19] =	ssyncset.done $0x0  }
0xd9: {  	s28 =	sadd.s32 $0x200, s25;
	[sflag:s19] =	ssyncadd.s32 $0xFFFFC000  }
0xda: {  	[tilespmem:s4], [sflag:$0x3] =	stream.linear.gather [hbm4b:s28+s4], $0x80, $0x38;
	[tilespmem:$0x1C180] =	vst v63  }
0xdb: {  	_ =	swait.ge [sflag:s13], $0x80  }
0xdc: {  	[sflag:s13] =	ssyncset.done $0x0  }
0xdd: {  	[sflag:s13] =	ssyncadd.s32 $0xFFFFFF80  }
0xde: {  	[spmem:s2] =	stream.indirect.scatter.add.f32 [tilespmem:s17], [sflag:$0x3], $0x80, s4, s14, $0xb8;
	[tilespmem:$0x1C180] =	vst v63  }
0xdf: {  	_ =	swait.ge [sflag:s13], $0x4000  }
0xe0: {  	[sflag:s13] =	ssyncset.done $0x0  }
0xe1: {  	s28 =	sadd.s32 $0x600, s26;
	[sflag:s13] =	ssyncadd.s32 $0xFFFFC000  }
0xe2: {  	[tilespmem:s16], [sflag:$0x3] =	stream.linear.gather [hbm4b:s28+s4], $0x80, $0x38;
	[tilespmem:$0x1C180] =	vst v63  }
0xe3: {  	_ =	swait.ge [sflag:s13], $0x80  }
0xe4: {  	[sflag:s13] =	ssyncset.done $0x0  }
0xe5: {  	[sflag:s13] =	ssyncadd.s32 $0xFFFFFF80  }
0xe6: {  	[tilespmem:s17], [sflag:$0x2] =	stream.indirect.gather [hbm4b:s1+s14], $0x80, s16, s14, $0xb8;
	[tilespmem:$0x1C180] =	vst v63  }
0xe7: {  	_ =	swait.ge [sflag:s18], $0x4000  }
0xe8: {  	[sflag:s18] =	ssyncset.done $0x0  }
0xe9: {  	s28 =	sadd.s32 $0x400, s25;
	[sflag:s18] =	ssyncadd.s32 $0xFFFFC000  }
0xea: {  	[tilespmem:s4], [sflag:$0x3] =	stream.linear.gather [hbm4b:s28+s4], $0x80, $0x38;
	[tilespmem:$0x1C180] =	vst v63  }
0xeb: {  	_ =	swait.ge [sflag:s13], $0x80  }
0xec: {  	[sflag:s13] =	ssyncset.done $0x0  }
0xed: {  	[sflag:s13] =	ssyncadd.s32 $0xFFFFFF80  }
0xee: {  	[spmem:s2] =	stream.indirect.scatter.add.f32 [tilespmem:s15], [sflag:$0x3], $0x80, s4, s14, $0xb8;
	[tilespmem:$0x1C180] =	vst v63  }
0xef: {  	_ =	swait.ge [sflag:s13], $0x4000  }
0xf0: {  	[sflag:s13] =	ssyncset.done $0x0  }
0xf1: {  	s28 =	sadd.s32 $0x800, s26;
	[sflag:s13] =	ssyncadd.s32 $0xFFFFC000  }
0xf2: {  	[tilespmem:s14], [sflag:$0x3] =	stream.linear.gather [hbm4b:s28+s4], $0x80, $0x38;
	[tilespmem:$0x1C180] =	vst v63  }
0xf3: {  	_ =	swait.ge [sflag:s13], $0x80  }
0xf4: {  	[sflag:s13] =	ssyncset.done $0x0  }
0xf5: {  	[sflag:s13] =	ssyncadd.s32 $0xFFFFFF80  }
0xf6: {  	[tilespmem:s15], [sflag:$0x1] =	stream.indirect.gather [hbm4b:s1+s14], $0x80, s14, s14, $0xb8;
	[tilespmem:$0x1C180] =	vst v63  }
0xf7: {  	_ =	swait.ge [sflag:s19], $0x4000  }
0xf8: {  	[sflag:s19] =	ssyncset.done $0x0  }
0xf9: {  	s28 =	sadd.s32 $0x600, s25;
	[sflag:s19] =	ssyncadd.s32 $0xFFFFC000  }
0xfa: {  	[tilespmem:s4], [sflag:$0x3] =	stream.linear.gather [hbm4b:s28+s4], $0x80, $0x38;
	[tilespmem:$0x1C180] =	vst v63  }
0xfb: {  	_ =	swait.ge [sflag:s13], $0x80  }
0xfc: {  	[sflag:s13] =	ssyncset.done $0x0  }
0xfd: {  	[sflag:s13] =	ssyncadd.s32 $0xFFFFFF80  }
0xfe: {  	[spmem:s2] =	stream.indirect.scatter.add.f32 [tilespmem:s17], [sflag:$0x3], $0x80, s4, s14, $0xb8;
	[tilespmem:$0x1C180] =	vst v63  }
0xff: {  	_ =	swait.ge [sflag:s13], $0x4000  }
0x100: {  	[sflag:s13] =	ssyncset.done $0x0  }
0x101: {  	s28 =	sadd.s32 $0xA00, s26;
	[sflag:s13] =	ssyncadd.s32 $0xFFFFC000  }
0x102: {  	[tilespmem:s16], [sflag:$0x3] =	stream.linear.gather [hbm4b:s28+s4], $0x80, $0x38;
	[tilespmem:$0x1C180] =	vst v63  }
0x103: {  	_ =	swait.ge [sflag:s13], $0x80  }
0x104: {  	[sflag:s13] =	ssyncset.done $0x0  }
0x105: {  	[sflag:s13] =	ssyncadd.s32 $0xFFFFFF80  }
0x106: {  	[tilespmem:s17], [sflag:$0x2] =	stream.indirect.gather [hbm4b:s1+s14], $0x80, s16, s14, $0xb8;
	[tilespmem:$0x1C180] =	vst v63  }
0x107: {  	_ =	swait.ge [sflag:s18], $0x4000  }
0x108: {  	[sflag:s18] =	ssyncset.done $0x0  }
0x109: {  	s28 =	sadd.s32 $0x800, s25;
	[sflag:s18] =	ssyncadd.s32 $0xFFFFC000  }
0x10a: {  	[tilespmem:s4], [sflag:$0x3] =	stream.linear.gather [hbm4b:s28+s4], $0x80, $0x38;
	[tilespmem:$0x1C180] =	vst v63  }
0x10b: {  	_ =	swait.ge [sflag:s13], $0x80  }
0x10c: {  	[sflag:s13] =	ssyncset.done $0x0  }
0x10d: {  	[sflag:s13] =	ssyncadd.s32 $0xFFFFFF80  }
0x10e: {  	[spmem:s2] =	stream.indirect.scatter.add.f32 [tilespmem:s15], [sflag:$0x3], $0x80, s4, s14, $0xb8;
	[tilespmem:$0x1C180] =	vst v63  }
0x10f: {  	_ =	swait.ge [sflag:s13], $0x4000  }
0x110: {  	[sflag:s13] =	ssyncset.done $0x0  }
0x111: {  	s28 =	sadd.s32 $0xC00, s26;
	[sflag:s13] =	ssyncadd.s32 $0xFFFFC000  }
0x112: {  	[tilespmem:s14], [sflag:$0x3] =	stream.linear.gather [hbm4b:s28+s4], $0x80, $0x38;
	[tilespmem:$0x1C180] =	vst v63  }
0x113: {  	_ =	swait.ge [sflag:s13], $0x80  }
0x114: {  	[sflag:s13] =	ssyncset.done $0x0  }
0x115: {  	[sflag:s13] =	ssyncadd.s32 $0xFFFFFF80  }
0x116: {  	[tilespmem:s15], [sflag:$0x1] =	stream.indirect.gather [hbm4b:s1+s14], $0x80, s14, s14, $0xb8;
	[tilespmem:$0x1C180] =	vst v63  }
0x117: {  	_ =	swait.ge [sflag:s19], $0x4000  }
0x118: {  	[sflag:s19] =	ssyncset.done $0x0  }
0x119: {  	s28 =	sadd.s32 $0xA00, s25;
	[sflag:s19] =	ssyncadd.s32 $0xFFFFC000  }
0x11a: {  	[tilespmem:s4], [sflag:$0x3] =	stream.linear.gather [hbm4b:s28+s4], $0x80, $0x38;
	[tilespmem:$0x1C180] =	vst v63  }
0x11b: {  	_ =	swait.ge [sflag:s13], $0x80  }
0x11c: {  	[sflag:s13] =	ssyncset.done $0x0  }
0x11d: {  	[sflag:s13] =	ssyncadd.s32 $0xFFFFFF80  }
0x11e: {  	[spmem:s2] =	stream.indirect.scatter.add.f32 [tilespmem:s17], [sflag:$0x3], $0x80, s4, s14, $0xb8;
	[tilespmem:$0x1C180] =	vst v63  }
0x11f: {  	_ =	swait.ge [sflag:s13], $0x4000  }
0x120: {  	[sflag:s13] =	ssyncset.done $0x0  }
0x121: {  	s28 =	sadd.s32 $0xE00, s26;
	[sflag:s13] =	ssyncadd.s32 $0xFFFFC000  }
0x122: {  	[tilespmem:s16], [sflag:$0x3] =	stream.linear.gather [hbm4b:s28+s4], $0x80, $0x38;
	[tilespmem:$0x1C180] =	vst v63  }
0x123: {  	_ =	swait.ge [sflag:s13], $0x80  }
0x124: {  	[sflag:s13] =	ssyncset.done $0x0  }
0x125: {  	[sflag:s13] =	ssyncadd.s32 $0xFFFFFF80  }
0x126: {  	[tilespmem:s17], [sflag:$0x2] =	stream.indirect.gather [hbm4b:s1+s14], $0x80, s16, s14, $0xb8;
	[tilespmem:$0x1C180] =	vst v63  }
0x127: {  	_ =	swait.ge [sflag:s18], $0x4000  }
0x128: {  	[sflag:s18] =	ssyncset.done $0x0  }
0x129: {  	s28 =	sadd.s32 $0xC00, s25;
	[sflag:s18] =	ssyncadd.s32 $0xFFFFC000  }
0x12a: {  	[tilespmem:s4], [sflag:$0x3] =	stream.linear.gather [hbm4b:s28+s4], $0x80, $0x38;
	[tilespmem:$0x1C180] =	vst v63  }
0x12b: {  	_ =	swait.ge [sflag:s13], $0x80  }
0x12c: {  	[sflag:s13] =	ssyncset.done $0x0  }
0x12d: {  	[sflag:s13] =	ssyncadd.s32 $0xFFFFFF80  }
0x12e: {  	[spmem:s2] =	stream.indirect.scatter.add.f32 [tilespmem:s15], [sflag:$0x3], $0x80, s4, s14, $0xb8;
	[tilespmem:$0x1C180] =	vst v63  }
0x12f: {  	_ =	swait.ge [sflag:s13], $0x4000  }
0x130: {  	[sflag:s13] =	ssyncset.done $0x0  }
0x131: {  	s28 =	sadd.s32 $0x1000, s26;
	[sflag:s13] =	ssyncadd.s32 $0xFFFFC000  }
0x132: {  	[tilespmem:s14], [sflag:$0x3] =	stream.linear.gather [hbm4b:s28+s4], $0x80, $0x38;
	[tilespmem:$0x1C180] =	vst v63  }
0x133: {  	_ =	swait.ge [sflag:s13], $0x80  }
0x134: {  	[sflag:s13] =	ssyncset.done $0x0  }
0x135: {  	[sflag:s13] =	ssyncadd.s32 $0xFFFFFF80  }
0x136: {  	[tilespmem:s15], [sflag:$0x1] =	stream.indirect.gather [hbm4b:s1+s14], $0x80, s14, s14, $0xb8;
	[tilespmem:$0x1C180] =	vst v63  }
0x137: {  	_ =	swait.ge [sflag:s19], $0x4000  }
0x138: {  	[sflag:s19] =	ssyncset.done $0x0  }
0x139: {  	s28 =	sadd.s32 $0xE00, s25;
	[sflag:s19] =	ssyncadd.s32 $0xFFFFC000  }
0x13a: {  	[tilespmem:s4], [sflag:$0x3] =	stream.linear.gather [hbm4b:s28+s4], $0x80, $0x38;
	[tilespmem:$0x1C180] =	vst v63  }
0x13b: {  	_ =	swait.ge [sflag:s13], $0x80  }
0x13c: {  	[sflag:s13] =	ssyncset.done $0x0  }
0x13d: {  	[sflag:s13] =	ssyncadd.s32 $0xFFFFFF80  }
0x13e: {  	[spmem:s2] =	stream.indirect.scatter.add.f32 [tilespmem:s17], [sflag:$0x3], $0x80, s4, s14, $0xb8;
	[tilespmem:$0x1C180] =	vst v63  }
0x13f: {  	_ =	swait.ge [sflag:s13], $0x4000  }
0x140: {  	[sflag:s13] =	ssyncset.done $0x0  }
0x141: {  	s26 =	sadd.s32 $0x1200, s26;
	[sflag:s13] =	ssyncadd.s32 $0xFFFFC000  }
0x142: {  	[tilespmem:s16], [sflag:$0x3] =	stream.linear.gather [hbm4b:s26+s4], $0x80, $0x38;
	[tilespmem:$0x1C180] =	vst v63  }
0x143: {  	_ =	swait.ge [sflag:s13], $0x80  }
0x144: {  	[sflag:s13] =	ssyncset.done $0x0  }
0x145: {  	[sflag:s13] =	ssyncadd.s32 $0xFFFFFF80  }
0x146: {  	[tilespmem:s17], [sflag:$0x2] =	stream.indirect.gather [hbm4b:s1+s14], $0x80, s16, s14, $0xb8;
	[tilespmem:$0x1C180] =	vst v63  }
0x147: {  	_ =	swait.ge [sflag:s18], $0x4000  }
0x148: {  	[sflag:s18] =	ssyncset.done $0x0  }
0x149: {  	s26 =	sadd.s32 $0x1000, s25;
	[sflag:s18] =	ssyncadd.s32 $0xFFFFC000  }
0x14a: {  	[tilespmem:s4], [sflag:$0x3] =	stream.linear.gather [hbm4b:s26+s4], $0x80, $0x38;
	[tilespmem:$0x1C180] =	vst v63  }
0x14b: {  	_ =	swait.ge [sflag:s13], $0x80  }
0x14c: {  	[sflag:s13] =	ssyncset.done $0x0  }
0x14d: {  	[sflag:s13] =	ssyncadd.s32 $0xFFFFFF80  }
0x14e: {  	[spmem:s2] =	stream.indirect.scatter.add.f32 [tilespmem:s15], [sflag:$0x3], $0x80, s4, s14, $0xb8;
	[tilespmem:$0x1C180] =	vst v63  }
0x14f: {  	_ =	swait.ge [sflag:s13], $0x4000  }
0x150: {  	[sflag:s13] =	ssyncset.done $0x0  }
0x151: {  	[sflag:s13] =	ssyncadd.s32 $0xFFFFC000  }
0x152: {  	_ =	swait.ge [sflag:s19], $0x4000  }
0x153: {  	[sflag:s19] =	ssyncset.done $0x0  }
0x154: {  	s25 =	sadd.s32 $0x1200, s25;
	[sflag:s19] =	ssyncadd.s32 $0xFFFFC000  }
0x155: {  	[tilespmem:s4], [sflag:$0x3] =	stream.linear.gather [hbm4b:s25+s4], $0x80, $0x38;
	[tilespmem:$0x1C180] =	vst v63  }
0x156: {  	_ =	swait.ge [sflag:s13], $0x80  }
.Ltmp0:
0x157: {  	[sflag:s13] =	ssyncset.done $0x0;
	(pc) =	sbr.rel @p1 .LBB2_2-.Ltmp0, $4  }
0x158: {  	[sflag:s13] =	ssyncadd.s32 $0xFFFFFF80  }
0x159: {  	[spmem:s2] =	stream.indirect.scatter.add.f32 [tilespmem:s17], [sflag:$0x3], $0x80, s4, s14, $0xb8;
	[tilespmem:$0x1C180] =	vst v63  }
0x15a: {  	_ =	swait.ge [sflag:s13], $0x4000  }
0x15b: {  	s25 =	smov.u32 s24;
	[sflag:s13] =	ssyncset.done $0x0  }
0x15c: {  	s24 =	sadd.s32 s23, s11;
	[sflag:s13] =	ssyncadd.s32 $0xFFFFC000  }
0x15d: {  	[tilespmem:s14], [sflag:$0x3] =	stream.linear.gather [hbm4b:s24+s4], $0x80, $0x38;
	[tilespmem:$0x1C180] =	vst v63  }
0x15e: {  	_ =	swait.ge [sflag:s13], $0x80  }
0x15f: {  	[sflag:s13] =	ssyncset.done $0x0  }
0x160: {  	[sflag:s13] =	ssyncadd.s32 $0xFFFFFF80  }
0x161: {  	[tilespmem:s15], [sflag:$0x1] =	stream.indirect.gather [hbm4b:s1+s14], $0x80, s14, s14, $0xb8;
	[tilespmem:$0x1C180] =	vst v63  }
0x162: {  	s25 =	sadd.s32 $0x200, s24  }
0x163: {  	[tilespmem:s16], [sflag:$0x3] =	stream.linear.gather [hbm4b:s25+s4], $0x80, $0x38;
	[tilespmem:$0x1C180] =	vst v63  }
0x164: {  	_ =	swait.ge [sflag:s13], $0x80  }
0x165: {  	[sflag:s13] =	ssyncset.done $0x0  }
0x166: {  	[sflag:s13] =	ssyncadd.s32 $0xFFFFFF80  }
0x167: {  	[tilespmem:s17], [sflag:$0x2] =	stream.indirect.gather [hbm4b:s1+s14], $0x80, s16, s14, $0xb8;
	[tilespmem:$0x1C180] =	vst v63  }
0x168: {  	_ =	swait.ge [sflag:s18], $0x4000  }
0x169: {  	[sflag:s18] =	ssyncset.done $0x0  }
0x16a: {  	s23 =	sadd.s32 s23, s10;
	[sflag:s18] =	ssyncadd.s32 $0xFFFFC000  }
0x16b: {  	[tilespmem:s4], [sflag:$0x3] =	stream.linear.gather [hbm4b:s23+s4], $0x80, $0x38;
	[tilespmem:$0x1C180] =	vst v63  }
0x16c: {  	_ =	swait.ge [sflag:s13], $0x80  }
0x16d: {  	[sflag:s13] =	ssyncset.done $0x0  }
0x16e: {  	[sflag:s13] =	ssyncadd.s32 $0xFFFFFF80  }
0x16f: {  	[spmem:s2] =	stream.indirect.scatter.add.f32 [tilespmem:s15], [sflag:$0x3], $0x80, s4, s14, $0xb8;
	[tilespmem:$0x1C180] =	vst v63  }
0x170: {  	_ =	swait.ge [sflag:s13], $0x4000  }
0x171: {  	[sflag:s13] =	ssyncset.done $0x0  }
0x172: {  	s26 =	sadd.s32 $0x400, s24;
	[sflag:s13] =	ssyncadd.s32 $0xFFFFC000  }
0x173: {  	[tilespmem:s14], [sflag:$0x3] =	stream.linear.gather [hbm4b:s26+s4], $0x80, $0x38;
	[tilespmem:$0x1C180] =	vst v63  }
0x174: {  	_ =	swait.ge [sflag:s13], $0x80  }
0x175: {  	[sflag:s13] =	ssyncset.done $0x0  }
0x176: {  	[sflag:s13] =	ssyncadd.s32 $0xFFFFFF80  }
0x177: {  	[tilespmem:s15], [sflag:$0x1] =	stream.indirect.gather [hbm4b:s1+s14], $0x80, s14, s14, $0xb8;
	[tilespmem:$0x1C180] =	vst v63  }
0x178: {  	_ =	swait.ge [sflag:s19], $0x4000  }
0x179: {  	[sflag:s19] =	ssyncset.done $0x0  }
0x17a: {  	s28 =	sadd.s32 $0x200, s23;
	[sflag:s19] =	ssyncadd.s32 $0xFFFFC000  }
0x17b: {  	[tilespmem:s4], [sflag:$0x3] =	stream.linear.gather [hbm4b:s28+s4], $0x80, $0x38;
	[tilespmem:$0x1C180] =	vst v63  }
0x17c: {  	_ =	swait.ge [sflag:s13], $0x80  }
0x17d: {  	[sflag:s13] =	ssyncset.done $0x0  }
0x17e: {  	[sflag:s13] =	ssyncadd.s32 $0xFFFFFF80  }
0x17f: {  	[spmem:s2] =	stream.indirect.scatter.add.f32 [tilespmem:s17], [sflag:$0x3], $0x80, s4, s14, $0xb8;
	[tilespmem:$0x1C180] =	vst v63  }
0x180: {  	_ =	swait.ge [sflag:s13], $0x4000  }
0x181: {  	[sflag:s13] =	ssyncset.done $0x0  }
0x182: {  	s29 =	sadd.s32 $0x600, s24;
	[sflag:s13] =	ssyncadd.s32 $0xFFFFC000  }
0x183: {  	[tilespmem:s16], [sflag:$0x3] =	stream.linear.gather [hbm4b:s29+s4], $0x80, $0x38;
	[tilespmem:$0x1C180] =	vst v63  }
0x184: {  	_ =	swait.ge [sflag:s13], $0x80  }
0x185: {  	[sflag:s13] =	ssyncset.done $0x0  }
0x186: {  	[sflag:s13] =	ssyncadd.s32 $0xFFFFFF80  }
0x187: {  	[tilespmem:s17], [sflag:$0x2] =	stream.indirect.gather [hbm4b:s1+s14], $0x80, s16, s14, $0xb8;
	[tilespmem:$0x1C180] =	vst v63  }
0x188: {  	_ =	swait.ge [sflag:s18], $0x4000  }
0x189: {  	[sflag:s18] =	ssyncset.done $0x0  }
0x18a: {  	s30 =	sadd.s32 $0x400, s23;
	[sflag:s18] =	ssyncadd.s32 $0xFFFFC000  }
0x18b: {  	[tilespmem:s4], [sflag:$0x3] =	stream.linear.gather [hbm4b:s30+s4], $0x80, $0x38;
	[tilespmem:$0x1C180] =	vst v63  }
0x18c: {  	_ =	swait.ge [sflag:s13], $0x80  }
0x18d: {  	[sflag:s13] =	ssyncset.done $0x0  }
0x18e: {  	[sflag:s13] =	ssyncadd.s32 $0xFFFFFF80  }
0x18f: {  	[spmem:s2] =	stream.indirect.scatter.add.f32 [tilespmem:s15], [sflag:$0x3], $0x80, s4, s14, $0xb8;
	[tilespmem:$0x1C180] =	vst v63  }
0x190: {  	_ =	swait.ge [sflag:s13], $0x4000  }
0x191: {  	[sflag:s13] =	ssyncset.done $0x0  }
0x192: {  	s31 =	sadd.s32 $0x800, s24;
	[sflag:s13] =	ssyncadd.s32 $0xFFFFC000  }
0x193: {  	[tilespmem:s14], [sflag:$0x3] =	stream.linear.gather [hbm4b:s31+s4], $0x80, $0x38;
	[tilespmem:$0x1C180] =	vst v63  }
0x194: {  	_ =	swait.ge [sflag:s13], $0x80  }
0x195: {  	[sflag:s13] =	ssyncset.done $0x0  }
0x196: {  	[sflag:s13] =	ssyncadd.s32 $0xFFFFFF80  }
0x197: {  	[tilespmem:s15], [sflag:$0x1] =	stream.indirect.gather [hbm4b:s1+s14], $0x80, s14, s14, $0xb8;
	[tilespmem:$0x1C180] =	vst v63  }
0x198: {  	_ =	swait.ge [sflag:s19], $0x4000  }
0x199: {  	[sflag:s19] =	ssyncset.done $0x0  }
0x19a: {  	s26 =	sadd.s32 $0x600, s23;
	[sflag:s19] =	ssyncadd.s32 $0xFFFFC000  }
0x19b: {  	[tilespmem:s4], [sflag:$0x3] =	stream.linear.gather [hbm4b:s26+s4], $0x80, $0x38;
	[tilespmem:$0x1C180] =	vst v63  }
0x19c: {  	_ =	swait.ge [sflag:s13], $0x80  }
0x19d: {  	[sflag:s13] =	ssyncset.done $0x0  }
0x19e: {  	[sflag:s13] =	ssyncadd.s32 $0xFFFFFF80  }
0x19f: {  	[spmem:s2] =	stream.indirect.scatter.add.f32 [tilespmem:s17], [sflag:$0x3], $0x80, s4, s14, $0xb8;
	[tilespmem:$0x1C180] =	vst v63  }
0x1a0: {  	_ =	swait.ge [sflag:s13], $0x4000  }
0x1a1: {  	[sflag:s13] =	ssyncset.done $0x0  }
0x1a2: {  	s28 =	sadd.s32 $0xA00, s24;
	[sflag:s13] =	ssyncadd.s32 $0xFFFFC000  }
0x1a3: {  	[tilespmem:s16], [sflag:$0x3] =	stream.linear.gather [hbm4b:s28+s4], $0x80, $0x38;
	[tilespmem:$0x1C180] =	vst v63  }
0x1a4: {  	_ =	swait.ge [sflag:s13], $0x80  }
0x1a5: {  	[sflag:s13] =	ssyncset.done $0x0  }
0x1a6: {  	[sflag:s13] =	ssyncadd.s32 $0xFFFFFF80  }
0x1a7: {  	[tilespmem:s17], [sflag:$0x2] =	stream.indirect.gather [hbm4b:s1+s14], $0x80, s16, s14, $0xb8;
	[tilespmem:$0x1C180] =	vst v63  }
0x1a8: {  	_ =	swait.ge [sflag:s18], $0x4000  }
0x1a9: {  	[sflag:s18] =	ssyncset.done $0x0  }
0x1aa: {  	s29 =	sadd.s32 $0x800, s23;
	[sflag:s18] =	ssyncadd.s32 $0xFFFFC000  }
0x1ab: {  	[tilespmem:s4], [sflag:$0x3] =	stream.linear.gather [hbm4b:s29+s4], $0x80, $0x38;
	[tilespmem:$0x1C180] =	vst v63  }
0x1ac: {  	_ =	swait.ge [sflag:s13], $0x80  }
0x1ad: {  	[sflag:s13] =	ssyncset.done $0x0  }
0x1ae: {  	[sflag:s13] =	ssyncadd.s32 $0xFFFFFF80  }
0x1af: {  	[spmem:s2] =	stream.indirect.scatter.add.f32 [tilespmem:s15], [sflag:$0x3], $0x80, s4, s14, $0xb8;
	[tilespmem:$0x1C180] =	vst v63  }
0x1b0: {  	_ =	swait.ge [sflag:s13], $0x4000  }
0x1b1: {  	[sflag:s13] =	ssyncset.done $0x0  }
0x1b2: {  	s30 =	sadd.s32 $0xC00, s24;
	[sflag:s13] =	ssyncadd.s32 $0xFFFFC000  }
0x1b3: {  	[tilespmem:s14], [sflag:$0x3] =	stream.linear.gather [hbm4b:s30+s4], $0x80, $0x38;
	[tilespmem:$0x1C180] =	vst v63  }
0x1b4: {  	_ =	swait.ge [sflag:s13], $0x80  }
0x1b5: {  	[sflag:s13] =	ssyncset.done $0x0  }
0x1b6: {  	[sflag:s13] =	ssyncadd.s32 $0xFFFFFF80  }
0x1b7: {  	[tilespmem:s15], [sflag:$0x1] =	stream.indirect.gather [hbm4b:s1+s14], $0x80, s14, s14, $0xb8;
	[tilespmem:$0x1C180] =	vst v63  }
0x1b8: {  	_ =	swait.ge [sflag:s19], $0x4000  }
0x1b9: {  	[sflag:s19] =	ssyncset.done $0x0  }
0x1ba: {  	s31 =	sadd.s32 $0xA00, s23;
	[sflag:s19] =	ssyncadd.s32 $0xFFFFC000  }
0x1bb: {  	[tilespmem:s4], [sflag:$0x3] =	stream.linear.gather [hbm4b:s31+s4], $0x80, $0x38;
	[tilespmem:$0x1C180] =	vst v63  }
0x1bc: {  	_ =	swait.ge [sflag:s13], $0x80  }
0x1bd: {  	[sflag:s13] =	ssyncset.done $0x0  }
0x1be: {  	[sflag:s13] =	ssyncadd.s32 $0xFFFFFF80  }
0x1bf: {  	[spmem:s2] =	stream.indirect.scatter.add.f32 [tilespmem:s17], [sflag:$0x3], $0x80, s4, s14, $0xb8;
	[tilespmem:$0x1C180] =	vst v63  }
0x1c0: {  	_ =	swait.ge [sflag:s13], $0x4000  }
0x1c1: {  	[sflag:s13] =	ssyncset.done $0x0  }
0x1c2: {  	s26 =	sadd.s32 $0xE00, s24;
	[sflag:s13] =	ssyncadd.s32 $0xFFFFC000  }
0x1c3: {  	[tilespmem:s16], [sflag:$0x3] =	stream.linear.gather [hbm4b:s26+s4], $0x80, $0x38;
	[tilespmem:$0x1C180] =	vst v63  }
0x1c4: {  	_ =	swait.ge [sflag:s13], $0x80  }
0x1c5: {  	[sflag:s13] =	ssyncset.done $0x0  }
0x1c6: {  	[sflag:s13] =	ssyncadd.s32 $0xFFFFFF80  }
0x1c7: {  	[tilespmem:s17], [sflag:$0x2] =	stream.indirect.gather [hbm4b:s1+s14], $0x80, s16, s14, $0xb8;
	[tilespmem:$0x1C180] =	vst v63  }
0x1c8: {  	_ =	swait.ge [sflag:s18], $0x4000  }
0x1c9: {  	[sflag:s18] =	ssyncset.done $0x0  }
0x1ca: {  	s28 =	sadd.s32 $0xC00, s23;
	[sflag:s18] =	ssyncadd.s32 $0xFFFFC000  }
0x1cb: {  	[tilespmem:s4], [sflag:$0x3] =	stream.linear.gather [hbm4b:s28+s4], $0x80, $0x38;
	[tilespmem:$0x1C180] =	vst v63  }
0x1cc: {  	_ =	swait.ge [sflag:s13], $0x80  }
0x1cd: {  	[sflag:s13] =	ssyncset.done $0x0  }
0x1ce: {  	[sflag:s13] =	ssyncadd.s32 $0xFFFFFF80  }
0x1cf: {  	[spmem:s2] =	stream.indirect.scatter.add.f32 [tilespmem:s15], [sflag:$0x3], $0x80, s4, s14, $0xb8;
	[tilespmem:$0x1C180] =	vst v63  }
0x1d0: {  	_ =	swait.ge [sflag:s13], $0x4000  }
0x1d1: {  	[sflag:s13] =	ssyncset.done $0x0  }
0x1d2: {  	s29 =	sadd.s32 $0x1000, s24;
	[sflag:s13] =	ssyncadd.s32 $0xFFFFC000  }
0x1d3: {  	[tilespmem:s14], [sflag:$0x3] =	stream.linear.gather [hbm4b:s29+s4], $0x80, $0x38;
	[tilespmem:$0x1C180] =	vst v63  }
0x1d4: {  	_ =	swait.ge [sflag:s13], $0x80  }
0x1d5: {  	[sflag:s13] =	ssyncset.done $0x0  }
0x1d6: {  	[sflag:s13] =	ssyncadd.s32 $0xFFFFFF80  }
0x1d7: {  	[tilespmem:s15], [sflag:$0x1] =	stream.indirect.gather [hbm4b:s1+s14], $0x80, s14, s14, $0xb8;
	[tilespmem:$0x1C180] =	vst v63  }
0x1d8: {  	_ =	swait.ge [sflag:s19], $0x4000  }
0x1d9: {  	[sflag:s19] =	ssyncset.done $0x0  }
0x1da: {  	s30 =	sadd.s32 $0xE00, s23;
	[sflag:s19] =	ssyncadd.s32 $0xFFFFC000  }
0x1db: {  	[tilespmem:s4], [sflag:$0x3] =	stream.linear.gather [hbm4b:s30+s4], $0x80, $0x38;
	[tilespmem:$0x1C180] =	vst v63  }
0x1dc: {  	_ =	swait.ge [sflag:s13], $0x80  }
0x1dd: {  	[sflag:s13] =	ssyncset.done $0x0  }
0x1de: {  	[sflag:s13] =	ssyncadd.s32 $0xFFFFFF80  }
0x1df: {  	[spmem:s2] =	stream.indirect.scatter.add.f32 [tilespmem:s17], [sflag:$0x3], $0x80, s4, s14, $0xb8;
	[tilespmem:$0x1C180] =	vst v63  }
0x1e0: {  	_ =	swait.ge [sflag:s13], $0x4000  }
0x1e1: {  	[sflag:s13] =	ssyncset.done $0x0  }
0x1e2: {  	s24 =	sadd.s32 $0x1200, s24;
	[sflag:s13] =	ssyncadd.s32 $0xFFFFC000  }
0x1e3: {  	[tilespmem:s16], [sflag:$0x3] =	stream.linear.gather [hbm4b:s24+s4], $0x80, $0x38;
	[tilespmem:$0x1C180] =	vst v63  }
0x1e4: {  	_ =	swait.ge [sflag:s13], $0x80  }
0x1e5: {  	[sflag:s13] =	ssyncset.done $0x0  }
0x1e6: {  	[sflag:s13] =	ssyncadd.s32 $0xFFFFFF80  }
0x1e7: {  	[tilespmem:s17], [sflag:$0x2] =	stream.indirect.gather [hbm4b:s1+s14], $0x80, s16, s14, $0xb8;
	[tilespmem:$0x1C180] =	vst v63  }
0x1e8: {  	_ =	swait.ge [sflag:s18], $0x4000  }
0x1e9: {  	[sflag:s18] =	ssyncset.done $0x0  }
0x1ea: {  	s31 =	sadd.s32 $0x1000, s23;
	[sflag:s18] =	ssyncadd.s32 $0xFFFFC000  }
0x1eb: {  	[tilespmem:s4], [sflag:$0x3] =	stream.linear.gather [hbm4b:s31+s4], $0x80, $0x38;
	[tilespmem:$0x1C180] =	vst v63  }
0x1ec: {  	_ =	swait.ge [sflag:s13], $0x80  }
0x1ed: {  	[sflag:s13] =	ssyncset.done $0x0  }
0x1ee: {  	[sflag:s13] =	ssyncadd.s32 $0xFFFFFF80  }
0x1ef: {  	[spmem:s2] =	stream.indirect.scatter.add.f32 [tilespmem:s15], [sflag:$0x3], $0x80, s4, s14, $0xb8;
	[tilespmem:$0x1C180] =	vst v63  }
0x1f0: {  	_ =	swait.ge [sflag:s13], $0x4000  }
0x1f1: {  	[sflag:s13] =	ssyncset.done $0x0  }
0x1f2: {  	[sflag:s13] =	ssyncadd.s32 $0xFFFFC000  }
0x1f3: {  	_ =	swait.ge [sflag:s19], $0x4000  }
0x1f4: {  	[sflag:s19] =	ssyncset.done $0x0  }
0x1f5: {  	s23 =	sadd.s32 $0x1200, s23;
	[sflag:s19] =	ssyncadd.s32 $0xFFFFC000  }
0x1f6: {  	[tilespmem:s4], [sflag:$0x3] =	stream.linear.gather [hbm4b:s23+s4], $0x80, $0x38;
	[tilespmem:$0x1C180] =	vst v63  }
0x1f7: {  	_ =	swait.ge [sflag:s13], $0x80  }
0x1f8: {  	[sflag:s13] =	ssyncset.done $0x0  }
0x1f9: {  	[sflag:s13] =	ssyncadd.s32 $0xFFFFFF80  }
0x1fa: {  	[spmem:s2] =	stream.indirect.scatter.add.f32 [tilespmem:s17], [sflag:$0x3], $0x80, s4, s14, $0xb8;
	[tilespmem:$0x1C180] =	vst v63  }
0x1fb: {  	_ =	swait.ge [sflag:s13], $0x4000  }
0x1fc: {  	[sflag:s13] =	ssyncset.done $0x0  }
0x1fd: {  	[sflag:s13] =	ssyncadd.s32 $0xFFFFC000  }
0x1fe: {  	[bflag:$0x0] =	sbarrier.arrive $0xFFFF  }
0x1ff: {  	[hbm:s7], [sflag:s6] =	dma.local [spmem:s20], $0x2700  }
0x200: {  	s22 =	sadd.s32 $0x1, s22;
	_ =	swait.ge [sflag:s13], $0x2700  }
0x201: {  	p1 =	sne.s32 s22, s9;
	[sflag:s13] =	ssyncset.done $0x0  }
.Ltmp1:
0x202: {  	s23 =	simm.s32 @!p0 $0x3;
	[sflag:s13] =	ssyncadd.s32 $0xFFFFD900;
	(pc) =	sbr.rel @p1 .LBB2_1-.Ltmp1, $4  }
0x203: {  	[hbm:s8], [sflag:s6] =	dma.local @!p0 [spmem:s21], $0x100  }
0x204: {  	_ =	swait.ge @!p0 [sflag:s23], $0x100  }
0x205: {  	[sflag:s23] =	ssyncset.done @!p0 $0x0  }
0x206: {  	[sflag:s23] =	ssyncadd.s32 @!p0 $0xFFFFFF00  }
0x207: {  	_ =	sfence.sel $0x180000  }
0x208: {  	[bflag:$0x0] =	sbarrier.arrive $0xFFFF  }
0x209: {  	p0 =	sne.s32 s3, $0x0;
	_ =	strace $0x9000004D  }
0x20a: {  	s0 =	sadd.s32 @!p0 $0x100000, s0;
	[bflag:$0x2] =	sbarrier.arrive $0xFFFF  }
0x20b: {  	[sflag:s0] =	ssyncadd.tile.s32 @!p0 $0x1;
	_ =	shalt  }
.Lfunc_end2:
_tile_overlayer_lowered:
.L_overlay_start_2:
0x20c: {  	(tag) =	ssettag $0x2  }
0x20d: {  	s0 =	rddreg [dreg:$0x0];
	s2 =	stileid.u32  }
0x20e: {  	s1 =	rddreg [dreg:$0x1];
	p0 =	sne.s32 s2, $0x0  }
0x20f: {  	s3 =	rddreg [dreg:$0x2];
	[bflag:$0x3] =	sbarrier.arrive $0xFFFF;
	s2 =	simm.s32 @!p0 $0x1C03  }
0x210: {  	[timem:s3], [sflag:s2] =	dma.local @!p0 [hbm:s0], s1  }
0x211: {  	s0 =	simm.s32 @!p0 $0x3  }
0x212: {  	_ =	swait.ge @!p0 [sflag:s0], s1  }
0x213: {  	s1 =	ssub.s32 @!p0 $0x0, s1;
	[sflag:s0] =	ssyncset.done @!p0 $0x0  }
0x214: {  	[sflag:s0] =	ssyncadd.s32 @!p0 s1  }
0x215: {  	[bflag:$0x3] =	sbarrier.arrive $0xFFFF  }
0x216: {  	_ =	shalt  }

// kernel: kernel.19.cloned.1.call-start
scs
__scs_entry_jumppad:
0x0: {  	(pc) =	sbr.rel $0x88, $3  }
0x1: {  	(tag) =	ssettag $0x0;
	lr =	simm.s32 $0x1  }
0x2: {  	[smem:$0x3F99] =	sst lr;
	_ =	strace $0xD0000000  }
0x3: {  	_ = 	snop  }
0x4: {  	_ = 	snop  }
0x5: {  	_ = 	snop  }
0x6: {  	_ = 	snop  }
0x7: {  	_ = 	snop  }
__scs_overlays_trampoline_lowered:
0x8: {  	[smem:$0x3FA8] =	sst s0  }
0x9: {  	[smem:$0x3FA9] =	sst s1  }
0xa: {  	[smem:$0x3FAA] =	sst s2  }
0xb: {  	[smem:$0x3FAB] =	sst s3  }
0xc: {  	[smem:$0x3FAC] =	sst s4  }
0xd: {  	[smem:$0x3FAD] =	sst s5  }
0xe: {  	[smem:$0x3FAE] =	sst s6  }
0xf: {  	[smem:$0x3FAF] =	sst s7  }
0x10: {  	[smem:$0x3FB0] =	sst s8  }
0x11: {  	[smem:$0x3FB1] =	sst s9;
	s0 =	simm.s32 @!p0 $0x0  }
0x12: {  	s1 =	sld [smem:$0x3F97];
	s0 =	simm.s32 @p0 $0x1  }
0x13: {  	[smem:$0x3FB2] =	sst s0;
	s0 =	simm.s32 @!p1 $0x0  }
0x14: {  	s2 =	sld [smem:$0x3F96];
	s0 =	simm.s32 @p1 $0x1  }
0x15: {  	[smem:$0x3FB3] =	sst s0;
	s0 =	simm.s32 @!p2 $0x0  }
0x16: {  	s3 =	sld [smem:$0x3FDB];
	s0 =	simm.s32 @p2 $0x1  }
0x17: {  	s4 =	simm.s32 $0x1BF5;
	[smem:$0x3FB5] =	sst s0  }
0x18: {  	s0 =	sld [smem:$0x3F98];
	_ =	swait.ge [sflag:s4], $0x0  }
0x19: {  	s7 =	sld [smem:$0x3F99]  }
0x1a: {  	s8 =	sadd.s32 $0xFFFFE003, lr  }
0x1b: {  	s9 =	sadd.s32 $0xFFFFFEF7, lr;
	s5 =	simm.s32 $0xFFFFFFFF;
	p2 =	slt.u32 s8, $0xFFFFF086  }
0x1c: {  	p1 =	slt.u32 s9, $0xF7A;
	s5 =	simm.s32 @!p2 $0x0  }
0x1d: {  	s5 =	simm.s32 @p1 $0x1;
	p0 =	seq.s32 s7, s2  }
0x1e: {  	s7 =	smul.u32 @!p0 $0xF7A, s2;
	p2 =	seq.s32 @!p0 s5, $0x0  }
0x1f: {  	s9 =	smul.u32 $0xF7A, s1;
	s8 =	simm.s32 @!p0 $0x1BF5;
	p2 =	por !p2, p0  }
0x20: {  	[sflag:s8] =	ssyncset.s32 @!p0 $0xFFFFF086;
	s6 =	sadd.s32 @!p0 s3, s7;
	s7 =	simm.s32 @!p0 $0x108  }
0x21: {  	s3 =	sadd.s32 s3, s9;
	s6 =	sadd.s32 @!p0 $0x88, s6;
	s7 =	simm.s32 @p2 $0x1082  }
0x22: {  	[simem:s7], [sflag:s8] =	dma.local @!p0 [hbm:s6], $0xF7A  }
0x23: {  	s9 =	sor.u32 $0xD0000000, s2;
	s6 =	simm.s32 $0x108;
	_ =	swait.ge @!p0 [sflag:s8], $0x0  }
0x24: {  	s3 =	sadd.s32 $0x88, s3;
	s6 =	simm.s32 @!p1 $0x1082;
	[sflag:s4] =	ssyncset.s32 $0xFFFFF086  }
0x25: {  	[simem:s6], [sflag:s4] =	dma.local [hbm:s3], $0xF7A  }
0x26: {  	[smem:$0x3F99] =	sst s1;
	(tag) =	ssettag s2;
	_ =	strace s9  }
0x27: {  	s1 =	sld [smem:$0x3FA9]  }
0x28: {  	s2 =	sld [smem:$0x3FAA]  }
0x29: {  	s4 =	sld [smem:$0x3FAC]  }
0x2a: {  	p0 =	seq.s32 s5, $0x0;
	s5 =	sld [smem:$0x3FAD]  }
0x2b: {  	s6 =	sld [smem:$0x3FAE]  }
0x2c: {  	s7 =	sld [smem:$0x3FAF]  }
0x2d: {  	s3 =	simm.s32 $0x108;
	s8 =	sld [smem:$0x3FB0]  }
0x2e: {  	s3 =	simm.s32 @!p0 $0x1082;
	s9 =	sld [smem:$0x3FB1]  }
0x2f: {  	lr =	sadd.s32 s0, s3;
	s0 =	sld [smem:$0x3FA8]  }
0x30: {  	s3 =	sld [smem:$0x3FAB]  }
0x31: {  	[smem:$0x3FB4] =	sst s10  }
0x32: {  	s10 =	sld [smem:$0x3FB2];
	_ =	sdelay $0x3  }
0x33: {  	p0 =	seq.s32 s10, $0x1;
	s10 =	sld [smem:$0x3FB4];
	_ =	sdelay $0x3  }
0x34: {  	[smem:$0x3FB4] =	sst s10  }
0x35: {  	s10 =	sld [smem:$0x3FB3];
	_ =	sdelay $0x3  }
0x36: {  	p1 =	seq.s32 s10, $0x1;
	s10 =	sld [smem:$0x3FB4];
	_ =	sdelay $0x3  }
0x37: {  	[smem:$0x3FB4] =	sst s10  }
0x38: {  	s10 =	sld [smem:$0x3FB5]  }
0x39: {  	_ = 	snop;
	(pc) =	sbr.ind lr, $3  }
0x3a: {  	_ = 	snop  }
0x3b: {  	_ = 	snop  }
0x3c: {  	p2 =	seq.s32 s10, $0x1;
	s10 =	sld [smem:$0x3FB4]  }
0x3d: {  	_ =	shalt  }
0x3e: {  	_ =	shalt  }
0x3f: {  	_ =	shalt  }
0x40: {  	_ =	shalt  }
0x41: {  	_ =	shalt  }
0x42: {  	_ =	shalt  }
0x43: {  	_ =	shalt  }
0x44: {  	_ =	shalt  }
0x45: {  	_ =	shalt  }
0x46: {  	_ =	shalt  }
0x47: {  	_ =	shalt  }
0x48: {  	_ =	shalt  }
0x49: {  	_ =	shalt  }
0x4a: {  	_ =	shalt  }
0x4b: {  	_ =	shalt  }
0x4c: {  	_ =	shalt  }
0x4d: {  	_ =	shalt  }
0x4e: {  	_ =	shalt  }
0x4f: {  	_ =	shalt  }
0x50: {  	_ =	shalt  }
0x51: {  	_ =	shalt  }
0x52: {  	_ =	shalt  }
0x53: {  	_ =	shalt  }
0x54: {  	_ =	shalt  }
0x55: {  	_ =	shalt  }
0x56: {  	_ =	shalt  }
0x57: {  	_ =	shalt  }
0x58: {  	_ =	shalt  }
0x59: {  	_ =	shalt  }
0x5a: {  	_ =	shalt  }
0x5b: {  	_ =	shalt  }
0x5c: {  	_ =	shalt  }
0x5d: {  	_ =	shalt  }
0x5e: {  	_ =	shalt  }
0x5f: {  	_ =	shalt  }
0x60: {  	_ =	shalt  }
0x61: {  	_ =	shalt  }
0x62: {  	_ =	shalt  }
0x63: {  	_ =	shalt  }
0x64: {  	_ =	shalt  }
0x65: {  	_ =	shalt  }
0x66: {  	_ =	shalt  }
0x67: {  	_ =	shalt  }
0x68: {  	_ =	shalt  }
0x69: {  	_ =	shalt  }
0x6a: {  	_ =	shalt  }
0x6b: {  	_ =	shalt  }
0x6c: {  	_ =	shalt  }
0x6d: {  	_ =	shalt  }
0x6e: {  	_ =	shalt  }
0x6f: {  	_ =	shalt  }
0x70: {  	_ =	shalt  }
0x71: {  	_ =	shalt  }
0x72: {  	_ =	shalt  }
0x73: {  	_ =	shalt  }
0x74: {  	_ =	shalt  }
0x75: {  	_ =	shalt  }
0x76: {  	_ =	shalt  }
0x77: {  	_ =	shalt  }
0x78: {  	_ =	shalt  }
0x79: {  	_ =	shalt  }
0x7a: {  	_ =	shalt  }
0x7b: {  	_ =	shalt  }
0x7c: {  	_ =	shalt  }
0x7d: {  	_ =	shalt  }
0x7e: {  	_ =	shalt  }
0x7f: {  	_ =	shalt  }
0x80: {  	_ =	shalt  }
0x81: {  	_ =	shalt  }
0x82: {  	_ =	shalt  }
0x83: {  	_ =	shalt  }
0x84: {  	_ =	shalt  }
0x85: {  	_ =	shalt  }
0x86: {  	_ =	shalt  }
0x87: {  	_ =	shalt  }
.Lfunc_end0:
.L_simem_size_0:
called_computation.3_lowered:
.L_overlay_start_0:
0x88: {  	s2 =	sld [smem:$0x3FD9]  }
0x89: {  	s3 =	sld [smem:$0x3FFE];
	_ =	sdelay $0x1  }
0x8a: {  	s1 =	srdreg.scid  }
0x8b: {  	s0 =	sand.u32 $0x1, s1  }
0x8c: {  	s17 =	sshll.u32 s0, $0xA;
	s2 =	sadd.s32 s3, s2  }
0x8d: {  	s2 =	sadd.s32 s2, s17  }
0x8e: {  	[smem:$0x3FC0] =	sst s2  }
0x8f: {  	_ = 	snop  }
0x90: {  	s2 =	sld [smem:$0x3FD0];
	(tm) =	ssettm $0x1  }
0x91: {  	s18 =	sld [smem:$0x3FFB];
	_ =	sdelay $0x3  }
0x92: {  	_ =	strace s18  }
0x93: {  	s3 =	sld [smem:$0x3FFC];
	_ =	sdelay $0x3  }
0x94: {  	_ =	strace s3  }
0x95: {  	s3 =	sld [smem:$0x3FFD];
	_ =	sdelay $0x3  }
0x96: {  	_ =	strace s3  }
0x97: {  	_ =	strace $0x8FFFFFFF  }
0x98: {  	s19 =	sld [smem:$0x3FDB];
	_ =	sdelay $0x1  }
0x99: {  	s4 =	simm.s32 $_scs_section_size  }
0x9a: {  	s5 =	simm.s32 $_size__tile_overlayer_lowered;
	s6 =	simm.s32 $_tile_overlayer_lowered  }
0x9b: {  	s22 =	simm.s32 $0x1BFF;
	s21 =	sshll.u32 s6, $0x1;
	s3 =	sadd.s32 s4, s19  }
0x9c: {  	s7 =	simm.s32 $0x0;
	s20 =	sshll.u32 s5, $0x1;
	s5 =	sadd.s32 s21, s3  }
0x9d: {  	[timem:s7], [sflag:s22] =	dma.local [hbm:s5], s20  }
0x9e: {  	_ =	swait.ge [sflag:s22], s20  }
0x9f: {  	s4 =	ssub.s32 $0x0, s20;
	[sflag:s22] =	ssyncset.done $0x0  }
0xa0: {  	[sflag:s22] =	ssyncadd.s32 s4;
	_ =	sdelay $0x1  }
0xa1: {  	s23 =	simm.s32 $0x1B8B  }
0xa2: {  	_ =	swait.ge [sflag:s23], $0x1  }
0xa3: {  	[sflag:s23] =	ssyncset.done $0x0  }
0xa4: {  	s25 =	simm.s32 $0x1B8E;
	s24 =	sld [smem:$0x3FFE];
	[sflag:s23] =	ssyncadd.s32 $0xFFFFFFFF  }
0xa5: {  	s26 =	simm.s32 $execute0_lowered;
	[smem:$0x3FD2] =	sst s25  }
0xa6: {  	s5 =	sshll.u32 s26, $0x1;
	_ =	strace $0x8000004F;
	[dreg:$0x1] =	wrdreg $0xFFFFFFFF  }
0xa7: {  	s28 =	simm.s32 $_size_execute0_lowered;
	s3 =	sadd.s32 s3, s5;
	[dreg:$0x0] =	wrdreg $0x0  }
0xa8: {  	s5 =	sshll.u32 s28, $0x1;
	[dreg:$0x2] =	wrdreg s3  }
0xa9: {  	[dreg:$0x3] =	wrdreg s5  }
0xaa: {  	[dreg:$0x4] =	wrdreg $0xC0  }
0xab: {  	_ =	task [dreg:s7], $0x5FFFF  }
0xac: {  	[dreg:$0x1] =	wrdreg $0xFFFFFFFF  }
0xad: {  	[dreg:$0x0] =	wrdreg $0x60  }
0xae: {  	[dreg:$0x2] =	wrdreg s2  }
0xaf: {  	[dreg:$0x3] =	wrdreg s24  }
0xb0: {  	[dreg:$0x4] =	wrdreg $0x81800  }
0xb1: {  	[dreg:$0x5] =	wrdreg $0x9  }
0xb2: {  	_ =	task.clear_ibuf [dreg:s7], $0x6FFFF;
	_ =	strace $0x9000004F  }
0xb3: {  	s29 =	simm.s32 $0x9;
	_ =	strace $0x80000051  }
0xb4: {  	_ =	swait.ge [sflag:s29], $0x1  }
0xb5: {  	[sflag:s29] =	ssyncadd.s32 $0xFFFFFFFF  }
0xb6: {  	_ =	strace $0x90000051  }
0xb7: {  	_ =	sfence  }
0xb8: {  	s30 =	sld [smem:$0x0];
	_ =	sdelay $0x2  }
0xb9: {  	s31 =	sshll.u32 s1, $0xD;
	s1 =	sshrl.u32 s1, $0x2  }
0xba: {  	s3 =	sand.u32 $0x4000, s31;
	s1 =	sadd.s32 s1, s30  }
0xbb: {  	s0 =	sor.u32 s3, s0;
	s1 =	sshll.u32 s1, $0x11  }
0xbc: {  	s0 =	sor.u32 s1, s0  }
0xbd: {  	s0 =	sadd.s32 $0x8F2B, s0  }
0xbe: {  	[sflag:s0] =	ssyncadd.remote.s32 $0x1  }
0xbf: {  	_ =	sfence.sel $0xFFFF  }
0xc0: {  	[dreg:$0x0] =	wrdreg $0xFFFFFFFF;
	(pc) =	sbr.abs _section_cstart, $3  }
0xc1: {  	[dreg:$0x1] =	wrdreg $0xFFFFFFFF  }
0xc2: {  	_ =	task.clear_ibuf [dreg:s7], $0x2FFFF;
	_ =	strace $0x9FFFFFFF  }
0xc3: {  	(tm) =	ssettm $0x7FFFFFFF  }
tec
execute0_lowered:
.L_overlay_start_1:
0x0: {  	(tag) =	ssettag $0x1  }
0x1: {  	s1 =	rddreg [dreg:$0x0]  }
0x2: {  	s5 =	rddreg [dreg:$0x1]  }
0x3: {  	s2 =	rddreg [dreg:$0x2]  }
0x4: {  	s0 =	rddreg [dreg:$0x3];
	s4 =	simm.s32 $0x0  }
0x5: {  	s3 =	stileid.u32;
	s8 =	srdreg.scid;
	s16 =	simm.s32 $0x100  }
0x6: {  	s17 =	simm.s32 $0x4180;
	s18 =	simm.s32 $0x1;
	s19 =	simm.s32 $0x2  }
0x7: {  	s22 =	simm.s32 $0x0;
	[smem:$0x7FF] =	sst s4;
	s7 =	smul.u32 $0x2800, s3  }
0x8: {  	s6 =	sshll.u32 s3, $0x5;
	s8 =	sand.u32 $0x1, s8;
	s24 =	smul.u32 $0x50000, s3  }
0x9: {  	s13 =	smul.u32 $0x13800, s3;
	s14 =	sadd.s32 $0x3F400, s5;
	s26 =	sshll.u32 s3, $0x6  }
0xa: {  	s15 =	smul.u32 $0x4E000, s3;
	s21 =	sadd.s32 $0x138000, s2;
	p0 =	sne.s32 s3, $0xF  }
0xb: {  	_ =	strace $0x80000050;
	s9 =	sadd.s32 s6, s5;
	s10 =	ssub.s32 $0x2, s8  }
0xc: {  	s11 =	smul.u32 $0x138800, s8;
	s30 =	sshll.u32 s8, $0x4;
	s21 =	sshrl.u32 @!p0 s21, $0x3  }
0xd: {  	s7 =	sadd.s32 s7, s5;
	s12 =	sshrl.u32 s10, $0x1;
	s6 =	sshrl.u32 s24, $0x2  }
0xe: {  	s29 =	sshrl.u32 s15, $0x2;
	s31 =	sadd.s32 s30, s9;
	s15 =	simm.s32 $0x180  }
0xf: {  	s10 =	ssub.s32 s10, s12;
	s25 =	sadd.s32 s6, s2;
	s13 =	sadd.s32 s13, s11  }
0x10: {  	s5 =	sadd.s32 $0x17400, s7;
	s6 =	sor.u32 $0x1C03, s26;
	s11 =	sshrl.u32 s11, $0x3  }
0x11: {  	s20 =	sadd.s32 s29, s2;
	s28 =	sshrl.u32 s13, $0x3;
	s11 =	sadd.s32 s14, s11  }
0x12: {  	s9 =	smax.u32 s10, $0x1;
	s10 =	sadd.s32 $0x3400, s31;
	s12 =	sshrl.u32 s25, $0x3  }
0x13: {  	s13 =	simm.s32 $0x3;
	s20 =	sshrl.u32 s20, $0x3;
	s7 =	sadd.s32 s14, s28  }
0x14: {  	s8 =	sadd.s32 $0x27000, s11;
	s11 =	sadd.s32 $0xD400, s31;
	s14 =	simm.s32 $0x80  }
.LBB2_1:
0x15: {  	[spmem:s12], [sflag:s6] =	dma.local [hbm:s5], $0x2800  }
0x16: {  	_ =	swait.ge [sflag:s13], $0x2800  }
0x17: {  	[sflag:s13] =	ssyncset.done $0x0  }
0x18: {  	[sflag:s13] =	ssyncadd.s32 $0xFFFFD800  }
0x19: {  	s24 =	sadd.s32 $0x0, s11;
	[bflag:$0x0] =	sbarrier.arrive $0xFFFF  }
0x1a: {  	[tilespmem:s14], [sflag:$0x3] =	stream.linear.gather [hbm4b:s24+s4], $0x80, $0x38;
	[tilespmem:$0x1C180] =	vst v63  }
0x1b: {  	_ =	swait.ge [sflag:s13], $0x80  }
0x1c: {  	[sflag:s13] =	ssyncset.done $0x0  }
0x1d: {  	[sflag:s13] =	ssyncadd.s32 $0xFFFFFF80  }
0x1e: {  	[tilespmem:s15], [sflag:$0x1] =	stream.indirect.gather [hbm4b:s1+s14], $0x80, s14, s14, $0xb8;
	[tilespmem:$0x1C180] =	vst v63  }
0x1f: {  	s23 =	sadd.s32 $0x200, s24  }
0x20: {  	[tilespmem:s16], [sflag:$0x3] =	stream.linear.gather [hbm4b:s23+s4], $0x80, $0x38;
	[tilespmem:$0x1C180] =	vst v63  }
0x21: {  	_ =	swait.ge [sflag:s13], $0x80  }
0x22: {  	[sflag:s13] =	ssyncset.done $0x0  }
0x23: {  	[sflag:s13] =	ssyncadd.s32 $0xFFFFFF80  }
0x24: {  	[tilespmem:s17], [sflag:$0x2] =	stream.indirect.gather [hbm4b:s1+s14], $0x80, s16, s14, $0xb8;
	[tilespmem:$0x1C180] =	vst v63  }
0x25: {  	_ =	swait.ge [sflag:s18], $0x4000  }
0x26: {  	[sflag:s18] =	ssyncset.done $0x0  }
0x27: {  	s23 =	sadd.s32 $0x0, s10;
	[sflag:s18] =	ssyncadd.s32 $0xFFFFC000  }
0x28: {  	[tilespmem:s4], [sflag:$0x3] =	stream.linear.gather [hbm4b:s23+s4], $0x80, $0x38;
	[tilespmem:$0x1C180] =	vst v63  }
0x29: {  	_ =	swait.ge [sflag:s13], $0x80  }
0x2a: {  	[sflag:s13] =	ssyncset.done $0x0  }
0x2b: {  	[sflag:s13] =	ssyncadd.s32 $0xFFFFFF80  }
0x2c: {  	[spmem:s2] =	stream.indirect.scatter.add.f32 [tilespmem:s15], [sflag:$0x3], $0x80, s4, s14, $0xb8;
	[tilespmem:$0x1C180] =	vst v63  }
0x2d: {  	_ =	swait.ge [sflag:s13], $0x4000  }
0x2e: {  	[sflag:s13] =	ssyncset.done $0x0  }
0x2f: {  	s25 =	sadd.s32 $0x400, s24;
	[sflag:s13] =	ssyncadd.s32 $0xFFFFC000  }
0x30: {  	[tilespmem:s14], [sflag:$0x3] =	stream.linear.gather [hbm4b:s25+s4], $0x80, $0x38;
	[tilespmem:$0x1C180] =	vst v63  }
0x31: {  	_ =	swait.ge [sflag:s13], $0x80  }
0x32: {  	[sflag:s13] =	ssyncset.done $0x0  }
0x33: {  	[sflag:s13] =	ssyncadd.s32 $0xFFFFFF80  }
0x34: {  	[tilespmem:s15], [sflag:$0x1] =	stream.indirect.gather [hbm4b:s1+s14], $0x80, s14, s14, $0xb8;
	[tilespmem:$0x1C180] =	vst v63  }
0x35: {  	_ =	swait.ge [sflag:s19], $0x4000  }
0x36: {  	[sflag:s19] =	ssyncset.done $0x0  }
0x37: {  	s28 =	sadd.s32 $0x200, s23;
	[sflag:s19] =	ssyncadd.s32 $0xFFFFC000  }
0x38: {  	[tilespmem:s4], [sflag:$0x3] =	stream.linear.gather [hbm4b:s28+s4], $0x80, $0x38;
	[tilespmem:$0x1C180] =	vst v63  }
0x39: {  	_ =	swait.ge [sflag:s13], $0x80  }
0x3a: {  	[sflag:s13] =	ssyncset.done $0x0  }
0x3b: {  	[sflag:s13] =	ssyncadd.s32 $0xFFFFFF80  }
0x3c: {  	[spmem:s2] =	stream.indirect.scatter.add.f32 [tilespmem:s17], [sflag:$0x3], $0x80, s4, s14, $0xb8;
	[tilespmem:$0x1C180] =	vst v63  }
0x3d: {  	_ =	swait.ge [sflag:s13], $0x4000  }
0x3e: {  	[sflag:s13] =	ssyncset.done $0x0  }
0x3f: {  	s29 =	sadd.s32 $0x600, s24;
	[sflag:s13] =	ssyncadd.s32 $0xFFFFC000  }
0x40: {  	[tilespmem:s16], [sflag:$0x3] =	stream.linear.gather [hbm4b:s29+s4], $0x80, $0x38;
	[tilespmem:$0x1C180] =	vst v63  }
0x41: {  	_ =	swait.ge [sflag:s13], $0x80  }
0x42: {  	[sflag:s13] =	ssyncset.done $0x0  }
0x43: {  	[sflag:s13] =	ssyncadd.s32 $0xFFFFFF80  }
0x44: {  	[tilespmem:s17], [sflag:$0x2] =	stream.indirect.gather [hbm4b:s1+s14], $0x80, s16, s14, $0xb8;
	[tilespmem:$0x1C180] =	vst v63  }
0x45: {  	_ =	swait.ge [sflag:s18], $0x4000  }
0x46: {  	[sflag:s18] =	ssyncset.done $0x0  }
0x47: {  	s30 =	sadd.s32 $0x400, s23;
	[sflag:s18] =	ssyncadd.s32 $0xFFFFC000  }
0x48: {  	[tilespmem:s4], [sflag:$0x3] =	stream.linear.gather [hbm4b:s30+s4], $0x80, $0x38;
	[tilespmem:$0x1C180] =	vst v63  }
0x49: {  	_ =	swait.ge [sflag:s13], $0x80  }
0x4a: {  	[sflag:s13] =	ssyncset.done $0x0  }
0x4b: {  	[sflag:s13] =	ssyncadd.s32 $0xFFFFFF80  }
0x4c: {  	[spmem:s2] =	stream.indirect.scatter.add.f32 [tilespmem:s15], [sflag:$0x3], $0x80, s4, s14, $0xb8;
	[tilespmem:$0x1C180] =	vst v63  }
0x4d: {  	_ =	swait.ge [sflag:s13], $0x4000  }
0x4e: {  	[sflag:s13] =	ssyncset.done $0x0  }
0x4f: {  	s31 =	sadd.s32 $0x800, s24;
	[sflag:s13] =	ssyncadd.s32 $0xFFFFC000  }
0x50: {  	[tilespmem:s14], [sflag:$0x3] =	stream.linear.gather [hbm4b:s31+s4], $0x80, $0x38;
	[tilespmem:$0x1C180] =	vst v63  }
0x51: {  	_ =	swait.ge [sflag:s13], $0x80  }
0x52: {  	[sflag:s13] =	ssyncset.done $0x0  }
0x53: {  	[sflag:s13] =	ssyncadd.s32 $0xFFFFFF80  }
0x54: {  	[tilespmem:s15], [sflag:$0x1] =	stream.indirect.gather [hbm4b:s1+s14], $0x80, s14, s14, $0xb8;
	[tilespmem:$0x1C180] =	vst v63  }
0x55: {  	_ =	swait.ge [sflag:s19], $0x4000  }
0x56: {  	[sflag:s19] =	ssyncset.done $0x0  }
0x57: {  	s26 =	sadd.s32 $0x600, s23;
	[sflag:s19] =	ssyncadd.s32 $0xFFFFC000  }
0x58: {  	[tilespmem:s4], [sflag:$0x3] =	stream.linear.gather [hbm4b:s26+s4], $0x80, $0x38;
	[tilespmem:$0x1C180] =	vst v63  }
0x59: {  	_ =	swait.ge [sflag:s13], $0x80  }
0x5a: {  	[sflag:s13] =	ssyncset.done $0x0  }
0x5b: {  	[sflag:s13] =	ssyncadd.s32 $0xFFFFFF80  }
0x5c: {  	[spmem:s2] =	stream.indirect.scatter.add.f32 [tilespmem:s17], [sflag:$0x3], $0x80, s4, s14, $0xb8;
	[tilespmem:$0x1C180] =	vst v63  }
0x5d: {  	_ =	swait.ge [sflag:s13], $0x4000  }
0x5e: {  	[sflag:s13] =	ssyncset.done $0x0  }
0x5f: {  	s28 =	sadd.s32 $0xA00, s24;
	[sflag:s13] =	ssyncadd.s32 $0xFFFFC000  }
0x60: {  	[tilespmem:s16], [sflag:$0x3] =	stream.linear.gather [hbm4b:s28+s4], $0x80, $0x38;
	[tilespmem:$0x1C180] =	vst v63  }
0x61: {  	_ =	swait.ge [sflag:s13], $0x80  }
0x62: {  	[sflag:s13] =	ssyncset.done $0x0  }
0x63: {  	[sflag:s13] =	ssyncadd.s32 $0xFFFFFF80  }
0x64: {  	[tilespmem:s17], [sflag:$0x2] =	stream.indirect.gather [hbm4b:s1+s14], $0x80, s16, s14, $0xb8;
	[tilespmem:$0x1C180] =	vst v63  }
0x65: {  	_ =	swait.ge [sflag:s18], $0x4000  }
0x66: {  	[sflag:s18] =	ssyncset.done $0x0  }
0x67: {  	s29 =	sadd.s32 $0x800, s23;
	[sflag:s18] =	ssyncadd.s32 $0xFFFFC000  }
0x68: {  	[tilespmem:s4], [sflag:$0x3] =	stream.linear.gather [hbm4b:s29+s4], $0x80, $0x38;
	[tilespmem:$0x1C180] =	vst v63  }
0x69: {  	_ =	swait.ge [sflag:s13], $0x80  }
0x6a: {  	[sflag:s13] =	ssyncset.done $0x0  }
0x6b: {  	[sflag:s13] =	ssyncadd.s32 $0xFFFFFF80  }
0x6c: {  	[spmem:s2] =	stream.indirect.scatter.add.f32 [tilespmem:s15], [sflag:$0x3], $0x80, s4, s14, $0xb8;
	[tilespmem:$0x1C180] =	vst v63  }
0x6d: {  	_ =	swait.ge [sflag:s13], $0x4000  }
0x6e: {  	[sflag:s13] =	ssyncset.done $0x0  }
0x6f: {  	s30 =	sadd.s32 $0xC00, s24;
	[sflag:s13] =	ssyncadd.s32 $0xFFFFC000  }
0x70: {  	[tilespmem:s14], [sflag:$0x3] =	stream.linear.gather [hbm4b:s30+s4], $0x80, $0x38;
	[tilespmem:$0x1C180] =	vst v63  }
0x71: {  	_ =	swait.ge [sflag:s13], $0x80  }
0x72: {  	[sflag:s13] =	ssyncset.done $0x0  }
0x73: {  	[sflag:s13] =	ssyncadd.s32 $0xFFFFFF80  }
0x74: {  	[tilespmem:s15], [sflag:$0x1] =	stream.indirect.gather [hbm4b:s1+s14], $0x80, s14, s14, $0xb8;
	[tilespmem:$0x1C180] =	vst v63  }
0x75: {  	_ =	swait.ge [sflag:s19], $0x4000  }
0x76: {  	[sflag:s19] =	ssyncset.done $0x0  }
0x77: {  	s31 =	sadd.s32 $0xA00, s23;
	[sflag:s19] =	ssyncadd.s32 $0xFFFFC000  }
0x78: {  	[tilespmem:s4], [sflag:$0x3] =	stream.linear.gather [hbm4b:s31+s4], $0x80, $0x38;
	[tilespmem:$0x1C180] =	vst v63  }
0x79: {  	_ =	swait.ge [sflag:s13], $0x80  }
0x7a: {  	[sflag:s13] =	ssyncset.done $0x0  }
0x7b: {  	[sflag:s13] =	ssyncadd.s32 $0xFFFFFF80  }
0x7c: {  	[spmem:s2] =	stream.indirect.scatter.add.f32 [tilespmem:s17], [sflag:$0x3], $0x80, s4, s14, $0xb8;
	[tilespmem:$0x1C180] =	vst v63  }
0x7d: {  	_ =	swait.ge [sflag:s13], $0x4000  }
0x7e: {  	[sflag:s13] =	ssyncset.done $0x0  }
0x7f: {  	s26 =	sadd.s32 $0xE00, s24;
	[sflag:s13] =	ssyncadd.s32 $0xFFFFC000  }
0x80: {  	[tilespmem:s16], [sflag:$0x3] =	stream.linear.gather [hbm4b:s26+s4], $0x80, $0x38;
	[tilespmem:$0x1C180] =	vst v63  }
0x81: {  	_ =	swait.ge [sflag:s13], $0x80  }
0x82: {  	[sflag:s13] =	ssyncset.done $0x0  }
0x83: {  	[sflag:s13] =	ssyncadd.s32 $0xFFFFFF80  }
0x84: {  	[tilespmem:s17], [sflag:$0x2] =	stream.indirect.gather [hbm4b:s1+s14], $0x80, s16, s14, $0xb8;
	[tilespmem:$0x1C180] =	vst v63  }
0x85: {  	_ =	swait.ge [sflag:s18], $0x4000  }
0x86: {  	[sflag:s18] =	ssyncset.done $0x0  }
0x87: {  	s28 =	sadd.s32 $0xC00, s23;
	[sflag:s18] =	ssyncadd.s32 $0xFFFFC000  }
0x88: {  	[tilespmem:s4], [sflag:$0x3] =	stream.linear.gather [hbm4b:s28+s4], $0x80, $0x38;
	[tilespmem:$0x1C180] =	vst v63  }
0x89: {  	_ =	swait.ge [sflag:s13], $0x80  }
0x8a: {  	[sflag:s13] =	ssyncset.done $0x0  }
0x8b: {  	[sflag:s13] =	ssyncadd.s32 $0xFFFFFF80  }
0x8c: {  	[spmem:s2] =	stream.indirect.scatter.add.f32 [tilespmem:s15], [sflag:$0x3], $0x80, s4, s14, $0xb8;
	[tilespmem:$0x1C180] =	vst v63  }
0x8d: {  	_ =	swait.ge [sflag:s13], $0x4000  }
0x8e: {  	[sflag:s13] =	ssyncset.done $0x0  }
0x8f: {  	s29 =	sadd.s32 $0x1000, s24;
	[sflag:s13] =	ssyncadd.s32 $0xFFFFC000  }
0x90: {  	[tilespmem:s14], [sflag:$0x3] =	stream.linear.gather [hbm4b:s29+s4], $0x80, $0x38;
	[tilespmem:$0x1C180] =	vst v63  }
0x91: {  	_ =	swait.ge [sflag:s13], $0x80  }
0x92: {  	[sflag:s13] =	ssyncset.done $0x0  }
0x93: {  	[sflag:s13] =	ssyncadd.s32 $0xFFFFFF80  }
0x94: {  	[tilespmem:s15], [sflag:$0x1] =	stream.indirect.gather [hbm4b:s1+s14], $0x80, s14, s14, $0xb8;
	[tilespmem:$0x1C180] =	vst v63  }
0x95: {  	_ =	swait.ge [sflag:s19], $0x4000  }
0x96: {  	[sflag:s19] =	ssyncset.done $0x0  }
0x97: {  	s30 =	sadd.s32 $0xE00, s23;
	[sflag:s19] =	ssyncadd.s32 $0xFFFFC000  }
0x98: {  	[tilespmem:s4], [sflag:$0x3] =	stream.linear.gather [hbm4b:s30+s4], $0x80, $0x38;
	[tilespmem:$0x1C180] =	vst v63  }
0x99: {  	_ =	swait.ge [sflag:s13], $0x80  }
0x9a: {  	[sflag:s13] =	ssyncset.done $0x0  }
0x9b: {  	[sflag:s13] =	ssyncadd.s32 $0xFFFFFF80  }
0x9c: {  	[spmem:s2] =	stream.indirect.scatter.add.f32 [tilespmem:s17], [sflag:$0x3], $0x80, s4, s14, $0xb8;
	[tilespmem:$0x1C180] =	vst v63  }
0x9d: {  	_ =	swait.ge [sflag:s13], $0x4000  }
0x9e: {  	[sflag:s13] =	ssyncset.done $0x0  }
0x9f: {  	s24 =	sadd.s32 $0x1200, s24;
	[sflag:s13] =	ssyncadd.s32 $0xFFFFC000  }
0xa0: {  	[tilespmem:s16], [sflag:$0x3] =	stream.linear.gather [hbm4b:s24+s4], $0x80, $0x38;
	[tilespmem:$0x1C180] =	vst v63  }
0xa1: {  	_ =	swait.ge [sflag:s13], $0x80  }
0xa2: {  	[sflag:s13] =	ssyncset.done $0x0  }
0xa3: {  	[sflag:s13] =	ssyncadd.s32 $0xFFFFFF80  }
0xa4: {  	[tilespmem:s17], [sflag:$0x2] =	stream.indirect.gather [hbm4b:s1+s14], $0x80, s16, s14, $0xb8;
	[tilespmem:$0x1C180] =	vst v63  }
0xa5: {  	_ =	swait.ge [sflag:s18], $0x4000  }
0xa6: {  	[sflag:s18] =	ssyncset.done $0x0  }
0xa7: {  	s31 =	sadd.s32 $0x1000, s23;
	[sflag:s18] =	ssyncadd.s32 $0xFFFFC000  }
0xa8: {  	[tilespmem:s4], [sflag:$0x3] =	stream.linear.gather [hbm4b:s31+s4], $0x80, $0x38;
	[tilespmem:$0x1C180] =	vst v63  }
0xa9: {  	_ =	swait.ge [sflag:s13], $0x80  }
0xaa: {  	[sflag:s13] =	ssyncset.done $0x0  }
0xab: {  	[sflag:s13] =	ssyncadd.s32 $0xFFFFFF80  }
0xac: {  	[spmem:s2] =	stream.indirect.scatter.add.f32 [tilespmem:s15], [sflag:$0x3], $0x80, s4, s14, $0xb8;
	[tilespmem:$0x1C180] =	vst v63  }
0xad: {  	_ =	swait.ge [sflag:s13], $0x4000  }
0xae: {  	[sflag:s13] =	ssyncset.done $0x0  }
0xaf: {  	[sflag:s13] =	ssyncadd.s32 $0xFFFFC000  }
0xb0: {  	_ =	swait.ge [sflag:s19], $0x4000  }
0xb1: {  	[sflag:s19] =	ssyncset.done $0x0  }
0xb2: {  	s23 =	sadd.s32 $0x1200, s23;
	[sflag:s19] =	ssyncadd.s32 $0xFFFFC000  }
0xb3: {  	[tilespmem:s4], [sflag:$0x3] =	stream.linear.gather [hbm4b:s23+s4], $0x80, $0x38;
	[tilespmem:$0x1C180] =	vst v63  }
0xb4: {  	_ =	swait.ge [sflag:s13], $0x80  }
0xb5: {  	[sflag:s13] =	ssyncset.done $0x0  }
0xb6: {  	[sflag:s13] =	ssyncadd.s32 $0xFFFFFF80  }
0xb7: {  	[spmem:s2] =	stream.indirect.scatter.add.f32 [tilespmem:s17], [sflag:$0x3], $0x80, s4, s14, $0xb8;
	[tilespmem:$0x1C180] =	vst v63  }
0xb8: {  	_ =	swait.ge [sflag:s13], $0x4000  }
0xb9: {  	s25 =	simm.s32 $0x2800;
	s23 =	simm.s32 $0x1400;
	[sflag:s13] =	ssyncset.done $0x0  }
.LBB2_2:
0xba: {  	s26 =	sadd.s32 s23, s11  }
0xbb: {  	[sflag:s13] =	ssyncadd.s32 $0xFFFFC000;
	s28 =	smov.u32 s25;
	s24 =	sadd.s32 $0x1400, s25  }
0xbc: {  	[tilespmem:s14], [sflag:$0x3] =	stream.linear.gather [hbm4b:s26+s4], $0x80, $0x38;
	[tilespmem:$0x1C180] =	vst v63  }
0xbd: {  	p1 =	sne.s32 s25, $0x8C00;
	_ =	swait.ge [sflag:s13], $0x80  }
0xbe: {  	[sflag:s13] =	ssyncset.done $0x0  }
0xbf: {  	[sflag:s13] =	ssyncadd.s32 $0xFFFFFF80  }
0xc0: {  	[tilespmem:s15], [sflag:$0x1] =	stream.indirect.gather [hbm4b:s1+s14], $0x80, s14, s14, $0xb8;
	[tilespmem:$0x1C180] =	vst v63  }
0xc1: {  	s25 =	sadd.s32 $0x200, s26  }
0xc2: {  	[tilespmem:s16], [sflag:$0x3] =	stream.linear.gather [hbm4b:s25+s4], $0x80, $0x38;
	[tilespmem:$0x1C180] =	vst v63  }
0xc3: {  	_ =	swait.ge [sflag:s13], $0x80  }
0xc4: {  	[sflag:s13] =	ssyncset.done $0x0  }
0xc5: {  	[sflag:s13] =	ssyncadd.s32 $0xFFFFFF80  }
0xc6: {  	[tilespmem:s17], [sflag:$0x2] =	stream.indirect.gather [hbm4b:s1+s14], $0x80, s16, s14, $0xb8;
	[tilespmem:$0x1C180] =	vst v63  }
0xc7: {  	_ =	swait.ge [sflag:s18], $0x4000  }
0xc8: {  	[sflag:s18] =	ssyncset.done $0x0  }
0xc9: {  	s25 =	sadd.s32 s23, s10;
	s23 =	smov.u32 s28;
	[sflag:s18] =	ssyncadd.s32 $0xFFFFC000  }
0xca: {  	[tilespmem:s4], [sflag:$0x3] =	stream.linear.gather [hbm4b:s25+s4], $0x80, $0x38;
	[tilespmem:$0x1C180] =	vst v63  }
0xcb: {  	_ =	swait.ge [sflag:s13], $0x80  }
0xcc: {  	[sflag:s13] =	ssyncset.done $0x0  }
0xcd: {  	[sflag:s13] =	ssyncadd.s32 $0xFFFFFF80  }
0xce: {  	[spmem:s2] =	stream.indirect.scatter.add.f32 [tilespmem:s15], [sflag:$0x3], $0x80, s4, s14, $0xb8;
	[tilespmem:$0x1C180] =	vst v63  }
0xcf: {  	_ =	swait.ge [sflag:s13], $0x4000  }
0xd0: {  	[sflag:s13] =	ssyncset.done $0x0  }
0xd1: {  	s28 =	sadd.s32 $0x400, s26;
	[sflag:s13] =	ssyncadd.s32 $0xFFFFC000  }
0xd2: {  	[tilespmem:s14], [sflag:$0x3] =	stream.linear.gather [hbm4b:s28+s4], $0x80, $0x38;
	[tilespmem:$0x1C180] =	vst v63  }
0xd3: {  	_ =	swait.ge [sflag:s13], $0x80  }
0xd4: {  	[sflag:s13] =	ssyncset.done $0x0  }
0xd5: {  	[sflag:s13] =	ssyncadd.s32 $0xFFFFFF80  }
0xd6: {  	[tilespmem:s15], [sflag:$0x1] =	stream.indirect.gather [hbm4b:s1+s14], $0x80, s14, s14, $0xb8;
	[tilespmem:$0x1C180] =	vst v63  }
0xd7: {  	_ =	swait.ge [sflag:s19], $0x4000  }
0xd8: {  	[sflag:s19] =	ssyncset.done $0x0  }
0xd9: {  	s28 =	sadd.s32 $0x200, s25;
	[sflag:s19] =	ssyncadd.s32 $0xFFFFC000  }
0xda: {  	[tilespmem:s4], [sflag:$0x3] =	stream.linear.gather [hbm4b:s28+s4], $0x80, $0x38;
	[tilespmem:$0x1C180] =	vst v63  }
0xdb: {  	_ =	swait.ge [sflag:s13], $0x80  }
0xdc: {  	[sflag:s13] =	ssyncset.done $0x0  }
0xdd: {  	[sflag:s13] =	ssyncadd.s32 $0xFFFFFF80  }
0xde: {  	[spmem:s2] =	stream.indirect.scatter.add.f32 [tilespmem:s17], [sflag:$0x3], $0x80, s4, s14, $0xb8;
	[tilespmem:$0x1C180] =	vst v63  }
0xdf: {  	_ =	swait.ge [sflag:s13], $0x4000  }
0xe0: {  	[sflag:s13] =	ssyncset.done $0x0  }
0xe1: {  	s28 =	sadd.s32 $0x600, s26;
	[sflag:s13] =	ssyncadd.s32 $0xFFFFC000  }
0xe2: {  	[tilespmem:s16], [sflag:$0x3] =	stream.linear.gather [hbm4b:s28+s4], $0x80, $0x38;
	[tilespmem:$0x1C180] =	vst v63  }
0xe3: {  	_ =	swait.ge [sflag:s13], $0x80  }
0xe4: {  	[sflag:s13] =	ssyncset.done $0x0  }
0xe5: {  	[sflag:s13] =	ssyncadd.s32 $0xFFFFFF80  }
0xe6: {  	[tilespmem:s17], [sflag:$0x2] =	stream.indirect.gather [hbm4b:s1+s14], $0x80, s16, s14, $0xb8;
	[tilespmem:$0x1C180] =	vst v63  }
0xe7: {  	_ =	swait.ge [sflag:s18], $0x4000  }
0xe8: {  	[sflag:s18] =	ssyncset.done $0x0  }
0xe9: {  	s28 =	sadd.s32 $0x400, s25;
	[sflag:s18] =	ssyncadd.s32 $0xFFFFC000  }
0xea: {  	[tilespmem:s4], [sflag:$0x3] =	stream.linear.gather [hbm4b:s28+s4], $0x80, $0x38;
	[tilespmem:$0x1C180] =	vst v63  }
0xeb: {  	_ =	swait.ge [sflag:s13], $0x80  }
0xec: {  	[sflag:s13] =	ssyncset.done $0x0  }
0xed: {  	[sflag:s13] =	ssyncadd.s32 $0xFFFFFF80  }
0xee: {  	[spmem:s2] =	stream.indirect.scatter.add.f32 [tilespmem:s15], [sflag:$0x3], $0x80, s4, s14, $0xb8;
	[tilespmem:$0x1C180] =	vst v63  }
0xef: {  	_ =	swait.ge [sflag:s13], $0x4000  }
0xf0: {  	[sflag:s13] =	ssyncset.done $0x0  }
0xf1: {  	s28 =	sadd.s32 $0x800, s26;
	[sflag:s13] =	ssyncadd.s32 $0xFFFFC000  }
0xf2: {  	[tilespmem:s14], [sflag:$0x3] =	stream.linear.gather [hbm4b:s28+s4], $0x80, $0x38;
	[tilespmem:$0x1C180] =	vst v63  }
0xf3: {  	_ =	swait.ge [sflag:s13], $0x80  }
0xf4: {  	[sflag:s13] =	ssyncset.done $0x0  }
0xf5: {  	[sflag:s13] =	ssyncadd.s32 $0xFFFFFF80  }
0xf6: {  	[tilespmem:s15], [sflag:$0x1] =	stream.indirect.gather [hbm4b:s1+s14], $0x80, s14, s14, $0xb8;
	[tilespmem:$0x1C180] =	vst v63  }
0xf7: {  	_ =	swait.ge [sflag:s19], $0x4000  }
0xf8: {  	[sflag:s19] =	ssyncset.done $0x0  }
0xf9: {  	s28 =	sadd.s32 $0x600, s25;
	[sflag:s19] =	ssyncadd.s32 $0xFFFFC000  }
0xfa: {  	[tilespmem:s4], [sflag:$0x3] =	stream.linear.gather [hbm4b:s28+s4], $0x80, $0x38;
	[tilespmem:$0x1C180] =	vst v63  }
0xfb: {  	_ =	swait.ge [sflag:s13], $0x80  }
0xfc: {  	[sflag:s13] =	ssyncset.done $0x0  }
0xfd: {  	[sflag:s13] =	ssyncadd.s32 $0xFFFFFF80  }
0xfe: {  	[spmem:s2] =	stream.indirect.scatter.add.f32 [tilespmem:s17], [sflag:$0x3], $0x80, s4, s14, $0xb8;
	[tilespmem:$0x1C180] =	vst v63  }
0xff: {  	_ =	swait.ge [sflag:s13], $0x4000  }
0x100: {  	[sflag:s13] =	ssyncset.done $0x0  }
0x101: {  	s28 =	sadd.s32 $0xA00, s26;
	[sflag:s13] =	ssyncadd.s32 $0xFFFFC000  }
0x102: {  	[tilespmem:s16], [sflag:$0x3] =	stream.linear.gather [hbm4b:s28+s4], $0x80, $0x38;
	[tilespmem:$0x1C180] =	vst v63  }
0x103: {  	_ =	swait.ge [sflag:s13], $0x80  }
0x104: {  	[sflag:s13] =	ssyncset.done $0x0  }
0x105: {  	[sflag:s13] =	ssyncadd.s32 $0xFFFFFF80  }
0x106: {  	[tilespmem:s17], [sflag:$0x2] =	stream.indirect.gather [hbm4b:s1+s14], $0x80, s16, s14, $0xb8;
	[tilespmem:$0x1C180] =	vst v63  }
0x107: {  	_ =	swait.ge [sflag:s18], $0x4000  }
0x108: {  	[sflag:s18] =	ssyncset.done $0x0  }
0x109: {  	s28 =	sadd.s32 $0x800, s25;
	[sflag:s18] =	ssyncadd.s32 $0xFFFFC000  }
0x10a: {  	[tilespmem:s4], [sflag:$0x3] =	stream.linear.gather [hbm4b:s28+s4], $0x80, $0x38;
	[tilespmem:$0x1C180] =	vst v63  }
0x10b: {  	_ =	swait.ge [sflag:s13], $0x80  }
0x10c: {  	[sflag:s13] =	ssyncset.done $0x0  }
0x10d: {  	[sflag:s13] =	ssyncadd.s32 $0xFFFFFF80  }
0x10e: {  	[spmem:s2] =	stream.indirect.scatter.add.f32 [tilespmem:s15], [sflag:$0x3], $0x80, s4, s14, $0xb8;
	[tilespmem:$0x1C180] =	vst v63  }
0x10f: {  	_ =	swait.ge [sflag:s13], $0x4000  }
0x110: {  	[sflag:s13] =	ssyncset.done $0x0  }
0x111: {  	s28 =	sadd.s32 $0xC00, s26;
	[sflag:s13] =	ssyncadd.s32 $0xFFFFC000  }
0x112: {  	[tilespmem:s14], [sflag:$0x3] =	stream.linear.gather [hbm4b:s28+s4], $0x80, $0x38;
	[tilespmem:$0x1C180] =	vst v63  }
0x113: {  	_ =	swait.ge [sflag:s13], $0x80  }
0x114: {  	[sflag:s13] =	ssyncset.done $0x0  }
0x115: {  	[sflag:s13] =	ssyncadd.s32 $0xFFFFFF80  }
0x116: {  	[tilespmem:s15], [sflag:$0x1] =	stream.indirect.gather [hbm4b:s1+s14], $0x80, s14, s14, $0xb8;
	[tilespmem:$0x1C180] =	vst v63  }
0x117: {  	_ =	swait.ge [sflag:s19], $0x4000  }
0x118: {  	[sflag:s19] =	ssyncset.done $0x0  }
0x119: {  	s28 =	sadd.s32 $0xA00, s25;
	[sflag:s19] =	ssyncadd.s32 $0xFFFFC000  }
0x11a: {  	[tilespmem:s4], [sflag:$0x3] =	stream.linear.gather [hbm4b:s28+s4], $0x80, $0x38;
	[tilespmem:$0x1C180] =	vst v63  }
0x11b: {  	_ =	swait.ge [sflag:s13], $0x80  }
0x11c: {  	[sflag:s13] =	ssyncset.done $0x0  }
0x11d: {  	[sflag:s13] =	ssyncadd.s32 $0xFFFFFF80  }
0x11e: {  	[spmem:s2] =	stream.indirect.scatter.add.f32 [tilespmem:s17], [sflag:$0x3], $0x80, s4, s14, $0xb8;
	[tilespmem:$0x1C180] =	vst v63  }
0x11f: {  	_ =	swait.ge [sflag:s13], $0x4000  }
0x120: {  	[sflag:s13] =	ssyncset.done $0x0  }
0x121: {  	s28 =	sadd.s32 $0xE00, s26;
	[sflag:s13] =	ssyncadd.s32 $0xFFFFC000  }
0x122: {  	[tilespmem:s16], [sflag:$0x3] =	stream.linear.gather [hbm4b:s28+s4], $0x80, $0x38;
	[tilespmem:$0x1C180] =	vst v63  }
0x123: {  	_ =	swait.ge [sflag:s13], $0x80  }
0x124: {  	[sflag:s13] =	ssyncset.done $0x0  }
0x125: {  	[sflag:s13] =	ssyncadd.s32 $0xFFFFFF80  }
0x126: {  	[tilespmem:s17], [sflag:$0x2] =	stream.indirect.gather [hbm4b:s1+s14], $0x80, s16, s14, $0xb8;
	[tilespmem:$0x1C180] =	vst v63  }
0x127: {  	_ =	swait.ge [sflag:s18], $0x4000  }
0x128: {  	[sflag:s18] =	ssyncset.done $0x0  }
0x129: {  	s28 =	sadd.s32 $0xC00, s25;
	[sflag:s18] =	ssyncadd.s32 $0xFFFFC000  }
0x12a: {  	[tilespmem:s4], [sflag:$0x3] =	stream.linear.gather [hbm4b:s28+s4], $0x80, $0x38;
	[tilespmem:$0x1C180] =	vst v63  }
0x12b: {  	_ =	swait.ge [sflag:s13], $0x80  }
0x12c: {  	[sflag:s13] =	ssyncset.done $0x0  }
0x12d: {  	[sflag:s13] =	ssyncadd.s32 $0xFFFFFF80  }
0x12e: {  	[spmem:s2] =	stream.indirect.scatter.add.f32 [tilespmem:s15], [sflag:$0x3], $0x80, s4, s14, $0xb8;
	[tilespmem:$0x1C180] =	vst v63  }
0x12f: {  	_ =	swait.ge [sflag:s13], $0x4000  }
0x130: {  	[sflag:s13] =	ssyncset.done $0x0  }
0x131: {  	s28 =	sadd.s32 $0x1000, s26;
	[sflag:s13] =	ssyncadd.s32 $0xFFFFC000  }
0x132: {  	[tilespmem:s14], [sflag:$0x3] =	stream.linear.gather [hbm4b:s28+s4], $0x80, $0x38;
	[tilespmem:$0x1C180] =	vst v63  }
0x133: {  	_ =	swait.ge [sflag:s13], $0x80  }
0x134: {  	[sflag:s13] =	ssyncset.done $0x0  }
0x135: {  	[sflag:s13] =	ssyncadd.s32 $0xFFFFFF80  }
0x136: {  	[tilespmem:s15], [sflag:$0x1] =	stream.indirect.gather [hbm4b:s1+s14], $0x80, s14, s14, $0xb8;
	[tilespmem:$0x1C180] =	vst v63  }
0x137: {  	_ =	swait.ge [sflag:s19], $0x4000  }
0x138: {  	[sflag:s19] =	ssyncset.done $0x0  }
0x139: {  	s28 =	sadd.s32 $0xE00, s25;
	[sflag:s19] =	ssyncadd.s32 $0xFFFFC000  }
0x13a: {  	[tilespmem:s4], [sflag:$0x3] =	stream.linear.gather [hbm4b:s28+s4], $0x80, $0x38;
	[tilespmem:$0x1C180] =	vst v63  }
0x13b: {  	_ =	swait.ge [sflag:s13], $0x80  }
0x13c: {  	[sflag:s13] =	ssyncset.done $0x0  }
0x13d: {  	[sflag:s13] =	ssyncadd.s32 $0xFFFFFF80  }
0x13e: {  	[spmem:s2] =	stream.indirect.scatter.add.f32 [tilespmem:s17], [sflag:$0x3], $0x80, s4, s14, $0xb8;
	[tilespmem:$0x1C180] =	vst v63  }
0x13f: {  	_ =	swait.ge [sflag:s13], $0x4000  }
0x140: {  	[sflag:s13] =	ssyncset.done $0x0  }
0x141: {  	s26 =	sadd.s32 $0x1200, s26;
	[sflag:s13] =	ssyncadd.s32 $0xFFFFC000  }
0x142: {  	[tilespmem:s16], [sflag:$0x3] =	stream.linear.gather [hbm4b:s26+s4], $0x80, $0x38;
	[tilespmem:$0x1C180] =	vst v63  }
0x143: {  	_ =	swait.ge [sflag:s13], $0x80  }
0x144: {  	[sflag:s13] =	ssyncset.done $0x0  }
0x145: {  	[sflag:s13] =	ssyncadd.s32 $0xFFFFFF80  }
0x146: {  	[tilespmem:s17], [sflag:$0x2] =	stream.indirect.gather [hbm4b:s1+s14], $0x80, s16, s14, $0xb8;
	[tilespmem:$0x1C180] =	vst v63  }
0x147: {  	_ =	swait.ge [sflag:s18], $0x4000  }
0x148: {  	[sflag:s18] =	ssyncset.done $0x0  }
0x149: {  	s26 =	sadd.s32 $0x1000, s25;
	[sflag:s18] =	ssyncadd.s32 $0xFFFFC000  }
0x14a: {  	[tilespmem:s4], [sflag:$0x3] =	stream.linear.gather [hbm4b:s26+s4], $0x80, $0x38;
	[tilespmem:$0x1C180] =	vst v63  }
0x14b: {  	_ =	swait.ge [sflag:s13], $0x80  }
0x14c: {  	[sflag:s13] =	ssyncset.done $0x0  }
0x14d: {  	[sflag:s13] =	ssyncadd.s32 $0xFFFFFF80  }
0x14e: {  	[spmem:s2] =	stream.indirect.scatter.add.f32 [tilespmem:s15], [sflag:$0x3], $0x80, s4, s14, $0xb8;
	[tilespmem:$0x1C180] =	vst v63  }
0x14f: {  	_ =	swait.ge [sflag:s13], $0x4000  }
0x150: {  	[sflag:s13] =	ssyncset.done $0x0  }
0x151: {  	[sflag:s13] =	ssyncadd.s32 $0xFFFFC000  }
0x152: {  	_ =	swait.ge [sflag:s19], $0x4000  }
0x153: {  	[sflag:s19] =	ssyncset.done $0x0  }
0x154: {  	s25 =	sadd.s32 $0x1200, s25;
	[sflag:s19] =	ssyncadd.s32 $0xFFFFC000  }
0x155: {  	[tilespmem:s4], [sflag:$0x3] =	stream.linear.gather [hbm4b:s25+s4], $0x80, $0x38;
	[tilespmem:$0x1C180] =	vst v63  }
0x156: {  	_ =	swait.ge [sflag:s13], $0x80  }
.Ltmp0:
0x157: {  	[sflag:s13] =	ssyncset.done $0x0;
	(pc) =	sbr.rel @p1 .LBB2_2-.Ltmp0, $4  }
0x158: {  	[sflag:s13] =	ssyncadd.s32 $0xFFFFFF80  }
0x159: {  	[spmem:s2] =	stream.indirect.scatter.add.f32 [tilespmem:s17], [sflag:$0x3], $0x80, s4, s14, $0xb8;
	[tilespmem:$0x1C180] =	vst v63  }
0x15a: {  	_ =	swait.ge [sflag:s13], $0x4000  }
0x15b: {  	s25 =	smov.u32 s24;
	[sflag:s13] =	ssyncset.done $0x0  }
0x15c: {  	s24 =	sadd.s32 s23, s11;
	[sflag:s13] =	ssyncadd.s32 $0xFFFFC000  }
0x15d: {  	[tilespmem:s14], [sflag:$0x3] =	stream.linear.gather [hbm4b:s24+s4], $0x80, $0x38;
	[tilespmem:$0x1C180] =	vst v63  }
0x15e: {  	_ =	swait.ge [sflag:s13], $0x80  }
0x15f: {  	[sflag:s13] =	ssyncset.done $0x0  }
0x160: {  	[sflag:s13] =	ssyncadd.s32 $0xFFFFFF80  }
0x161: {  	[tilespmem:s15], [sflag:$0x1] =	stream.indirect.gather [hbm4b:s1+s14], $0x80, s14, s14, $0xb8;
	[tilespmem:$0x1C180] =	vst v63  }
0x162: {  	s25 =	sadd.s32 $0x200, s24  }
0x163: {  	[tilespmem:s16], [sflag:$0x3] =	stream.linear.gather [hbm4b:s25+s4], $0x80, $0x38;
	[tilespmem:$0x1C180] =	vst v63  }
0x164: {  	_ =	swait.ge [sflag:s13], $0x80  }
0x165: {  	[sflag:s13] =	ssyncset.done $0x0  }
0x166: {  	[sflag:s13] =	ssyncadd.s32 $0xFFFFFF80  }
0x167: {  	[tilespmem:s17], [sflag:$0x2] =	stream.indirect.gather [hbm4b:s1+s14], $0x80, s16, s14, $0xb8;
	[tilespmem:$0x1C180] =	vst v63  }
0x168: {  	_ =	swait.ge [sflag:s18], $0x4000  }
0x169: {  	[sflag:s18] =	ssyncset.done $0x0  }
0x16a: {  	s23 =	sadd.s32 s23, s10;
	[sflag:s18] =	ssyncadd.s32 $0xFFFFC000  }
0x16b: {  	[tilespmem:s4], [sflag:$0x3] =	stream.linear.gather [hbm4b:s23+s4], $0x80, $0x38;
	[tilespmem:$0x1C180] =	vst v63  }
0x16c: {  	_ =	swait.ge [sflag:s13], $0x80  }
0x16d: {  	[sflag:s13] =	ssyncset.done $0x0  }
0x16e: {  	[sflag:s13] =	ssyncadd.s32 $0xFFFFFF80  }
0x16f: {  	[spmem:s2] =	stream.indirect.scatter.add.f32 [tilespmem:s15], [sflag:$0x3], $0x80, s4, s14, $0xb8;
	[tilespmem:$0x1C180] =	vst v63  }
0x170: {  	_ =	swait.ge [sflag:s13], $0x4000  }
0x171: {  	[sflag:s13] =	ssyncset.done $0x0  }
0x172: {  	s26 =	sadd.s32 $0x400, s24;
	[sflag:s13] =	ssyncadd.s32 $0xFFFFC000  }
0x173: {  	[tilespmem:s14], [sflag:$0x3] =	stream.linear.gather [hbm4b:s26+s4], $0x80, $0x38;
	[tilespmem:$0x1C180] =	vst v63  }
0x174: {  	_ =	swait.ge [sflag:s13], $0x80  }
0x175: {  	[sflag:s13] =	ssyncset.done $0x0  }
0x176: {  	[sflag:s13] =	ssyncadd.s32 $0xFFFFFF80  }
0x177: {  	[tilespmem:s15], [sflag:$0x1] =	stream.indirect.gather [hbm4b:s1+s14], $0x80, s14, s14, $0xb8;
	[tilespmem:$0x1C180] =	vst v63  }
0x178: {  	_ =	swait.ge [sflag:s19], $0x4000  }
0x179: {  	[sflag:s19] =	ssyncset.done $0x0  }
0x17a: {  	s28 =	sadd.s32 $0x200, s23;
	[sflag:s19] =	ssyncadd.s32 $0xFFFFC000  }
0x17b: {  	[tilespmem:s4], [sflag:$0x3] =	stream.linear.gather [hbm4b:s28+s4], $0x80, $0x38;
	[tilespmem:$0x1C180] =	vst v63  }
0x17c: {  	_ =	swait.ge [sflag:s13], $0x80  }
0x17d: {  	[sflag:s13] =	ssyncset.done $0x0  }
0x17e: {  	[sflag:s13] =	ssyncadd.s32 $0xFFFFFF80  }
0x17f: {  	[spmem:s2] =	stream.indirect.scatter.add.f32 [tilespmem:s17], [sflag:$0x3], $0x80, s4, s14, $0xb8;
	[tilespmem:$0x1C180] =	vst v63  }
0x180: {  	_ =	swait.ge [sflag:s13], $0x4000  }
0x181: {  	[sflag:s13] =	ssyncset.done $0x0  }
0x182: {  	s29 =	sadd.s32 $0x600, s24;
	[sflag:s13] =	ssyncadd.s32 $0xFFFFC000  }
0x183: {  	[tilespmem:s16], [sflag:$0x3] =	stream.linear.gather [hbm4b:s29+s4], $0x80, $0x38;
	[tilespmem:$0x1C180] =	vst v63  }
0x184: {  	_ =	swait.ge [sflag:s13], $0x80  }
0x185: {  	[sflag:s13] =	ssyncset.done $0x0  }
0x186: {  	[sflag:s13] =	ssyncadd.s32 $0xFFFFFF80  }
0x187: {  	[tilespmem:s17], [sflag:$0x2] =	stream.indirect.gather [hbm4b:s1+s14], $0x80, s16, s14, $0xb8;
	[tilespmem:$0x1C180] =	vst v63  }
0x188: {  	_ =	swait.ge [sflag:s18], $0x4000  }
0x189: {  	[sflag:s18] =	ssyncset.done $0x0  }
0x18a: {  	s30 =	sadd.s32 $0x400, s23;
	[sflag:s18] =	ssyncadd.s32 $0xFFFFC000  }
0x18b: {  	[tilespmem:s4], [sflag:$0x3] =	stream.linear.gather [hbm4b:s30+s4], $0x80, $0x38;
	[tilespmem:$0x1C180] =	vst v63  }
0x18c: {  	_ =	swait.ge [sflag:s13], $0x80  }
0x18d: {  	[sflag:s13] =	ssyncset.done $0x0  }
0x18e: {  	[sflag:s13] =	ssyncadd.s32 $0xFFFFFF80  }
0x18f: {  	[spmem:s2] =	stream.indirect.scatter.add.f32 [tilespmem:s15], [sflag:$0x3], $0x80, s4, s14, $0xb8;
	[tilespmem:$0x1C180] =	vst v63  }
0x190: {  	_ =	swait.ge [sflag:s13], $0x4000  }
0x191: {  	[sflag:s13] =	ssyncset.done $0x0  }
0x192: {  	s31 =	sadd.s32 $0x800, s24;
	[sflag:s13] =	ssyncadd.s32 $0xFFFFC000  }
0x193: {  	[tilespmem:s14], [sflag:$0x3] =	stream.linear.gather [hbm4b:s31+s4], $0x80, $0x38;
	[tilespmem:$0x1C180] =	vst v63  }
0x194: {  	_ =	swait.ge [sflag:s13], $0x80  }
0x195: {  	[sflag:s13] =	ssyncset.done $0x0  }
0x196: {  	[sflag:s13] =	ssyncadd.s32 $0xFFFFFF80  }
0x197: {  	[tilespmem:s15], [sflag:$0x1] =	stream.indirect.gather [hbm4b:s1+s14], $0x80, s14, s14, $0xb8;
	[tilespmem:$0x1C180] =	vst v63  }
0x198: {  	_ =	swait.ge [sflag:s19], $0x4000  }
0x199: {  	[sflag:s19] =	ssyncset.done $0x0  }
0x19a: {  	s26 =	sadd.s32 $0x600, s23;
	[sflag:s19] =	ssyncadd.s32 $0xFFFFC000  }
0x19b: {  	[tilespmem:s4], [sflag:$0x3] =	stream.linear.gather [hbm4b:s26+s4], $0x80, $0x38;
	[tilespmem:$0x1C180] =	vst v63  }
0x19c: {  	_ =	swait.ge [sflag:s13], $0x80  }
0x19d: {  	[sflag:s13] =	ssyncset.done $0x0  }
0x19e: {  	[sflag:s13] =	ssyncadd.s32 $0xFFFFFF80  }
0x19f: {  	[spmem:s2] =	stream.indirect.scatter.add.f32 [tilespmem:s17], [sflag:$0x3], $0x80, s4, s14, $0xb8;
	[tilespmem:$0x1C180] =	vst v63  }
0x1a0: {  	_ =	swait.ge [sflag:s13], $0x4000  }
0x1a1: {  	[sflag:s13] =	ssyncset.done $0x0  }
0x1a2: {  	s28 =	sadd.s32 $0xA00, s24;
	[sflag:s13] =	ssyncadd.s32 $0xFFFFC000  }
0x1a3: {  	[tilespmem:s16], [sflag:$0x3] =	stream.linear.gather [hbm4b:s28+s4], $0x80, $0x38;
	[tilespmem:$0x1C180] =	vst v63  }
0x1a4: {  	_ =	swait.ge [sflag:s13], $0x80  }
0x1a5: {  	[sflag:s13] =	ssyncset.done $0x0  }
0x1a6: {  	[sflag:s13] =	ssyncadd.s32 $0xFFFFFF80  }
0x1a7: {  	[tilespmem:s17], [sflag:$0x2] =	stream.indirect.gather [hbm4b:s1+s14], $0x80, s16, s14, $0xb8;
	[tilespmem:$0x1C180] =	vst v63  }
0x1a8: {  	_ =	swait.ge [sflag:s18], $0x4000  }
0x1a9: {  	[sflag:s18] =	ssyncset.done $0x0  }
0x1aa: {  	s29 =	sadd.s32 $0x800, s23;
	[sflag:s18] =	ssyncadd.s32 $0xFFFFC000  }
0x1ab: {  	[tilespmem:s4], [sflag:$0x3] =	stream.linear.gather [hbm4b:s29+s4], $0x80, $0x38;
	[tilespmem:$0x1C180] =	vst v63  }
0x1ac: {  	_ =	swait.ge [sflag:s13], $0x80  }
0x1ad: {  	[sflag:s13] =	ssyncset.done $0x0  }
0x1ae: {  	[sflag:s13] =	ssyncadd.s32 $0xFFFFFF80  }
0x1af: {  	[spmem:s2] =	stream.indirect.scatter.add.f32 [tilespmem:s15], [sflag:$0x3], $0x80, s4, s14, $0xb8;
	[tilespmem:$0x1C180] =	vst v63  }
0x1b0: {  	_ =	swait.ge [sflag:s13], $0x4000  }
0x1b1: {  	[sflag:s13] =	ssyncset.done $0x0  }
0x1b2: {  	s30 =	sadd.s32 $0xC00, s24;
	[sflag:s13] =	ssyncadd.s32 $0xFFFFC000  }
0x1b3: {  	[tilespmem:s14], [sflag:$0x3] =	stream.linear.gather [hbm4b:s30+s4], $0x80, $0x38;
	[tilespmem:$0x1C180] =	vst v63  }
0x1b4: {  	_ =	swait.ge [sflag:s13], $0x80  }
0x1b5: {  	[sflag:s13] =	ssyncset.done $0x0  }
0x1b6: {  	[sflag:s13] =	ssyncadd.s32 $0xFFFFFF80  }
0x1b7: {  	[tilespmem:s15], [sflag:$0x1] =	stream.indirect.gather [hbm4b:s1+s14], $0x80, s14, s14, $0xb8;
	[tilespmem:$0x1C180] =	vst v63  }
0x1b8: {  	_ =	swait.ge [sflag:s19], $0x4000  }
0x1b9: {  	[sflag:s19] =	ssyncset.done $0x0  }
0x1ba: {  	s31 =	sadd.s32 $0xA00, s23;
	[sflag:s19] =	ssyncadd.s32 $0xFFFFC000  }
0x1bb: {  	[tilespmem:s4], [sflag:$0x3] =	stream.linear.gather [hbm4b:s31+s4], $0x80, $0x38;
	[tilespmem:$0x1C180] =	vst v63  }
0x1bc: {  	_ =	swait.ge [sflag:s13], $0x80  }
0x1bd: {  	[sflag:s13] =	ssyncset.done $0x0  }
0x1be: {  	[sflag:s13] =	ssyncadd.s32 $0xFFFFFF80  }
0x1bf: {  	[spmem:s2] =	stream.indirect.scatter.add.f32 [tilespmem:s17], [sflag:$0x3], $0x80, s4, s14, $0xb8;
	[tilespmem:$0x1C180] =	vst v63  }
0x1c0: {  	_ =	swait.ge [sflag:s13], $0x4000  }
0x1c1: {  	[sflag:s13] =	ssyncset.done $0x0  }
0x1c2: {  	s26 =	sadd.s32 $0xE00, s24;
	[sflag:s13] =	ssyncadd.s32 $0xFFFFC000  }
0x1c3: {  	[tilespmem:s16], [sflag:$0x3] =	stream.linear.gather [hbm4b:s26+s4], $0x80, $0x38;
	[tilespmem:$0x1C180] =	vst v63  }
0x1c4: {  	_ =	swait.ge [sflag:s13], $0x80  }
0x1c5: {  	[sflag:s13] =	ssyncset.done $0x0  }
0x1c6: {  	[sflag:s13] =	ssyncadd.s32 $0xFFFFFF80  }
0x1c7: {  	[tilespmem:s17], [sflag:$0x2] =	stream.indirect.gather [hbm4b:s1+s14], $0x80, s16, s14, $0xb8;
	[tilespmem:$0x1C180] =	vst v63  }
0x1c8: {  	_ =	swait.ge [sflag:s18], $0x4000  }
0x1c9: {  	[sflag:s18] =	ssyncset.done $0x0  }
0x1ca: {  	s28 =	sadd.s32 $0xC00, s23;
	[sflag:s18] =	ssyncadd.s32 $0xFFFFC000  }
0x1cb: {  	[tilespmem:s4], [sflag:$0x3] =	stream.linear.gather [hbm4b:s28+s4], $0x80, $0x38;
	[tilespmem:$0x1C180] =	vst v63  }
0x1cc: {  	_ =	swait.ge [sflag:s13], $0x80  }
0x1cd: {  	[sflag:s13] =	ssyncset.done $0x0  }
0x1ce: {  	[sflag:s13] =	ssyncadd.s32 $0xFFFFFF80  }
0x1cf: {  	[spmem:s2] =	stream.indirect.scatter.add.f32 [tilespmem:s15], [sflag:$0x3], $0x80, s4, s14, $0xb8;
	[tilespmem:$0x1C180] =	vst v63  }
0x1d0: {  	_ =	swait.ge [sflag:s13], $0x4000  }
0x1d1: {  	[sflag:s13] =	ssyncset.done $0x0  }
0x1d2: {  	s29 =	sadd.s32 $0x1000, s24;
	[sflag:s13] =	ssyncadd.s32 $0xFFFFC000  }
0x1d3: {  	[tilespmem:s14], [sflag:$0x3] =	stream.linear.gather [hbm4b:s29+s4], $0x80, $0x38;
	[tilespmem:$0x1C180] =	vst v63  }
0x1d4: {  	_ =	swait.ge [sflag:s13], $0x80  }
0x1d5: {  	[sflag:s13] =	ssyncset.done $0x0  }
0x1d6: {  	[sflag:s13] =	ssyncadd.s32 $0xFFFFFF80  }
0x1d7: {  	[tilespmem:s15], [sflag:$0x1] =	stream.indirect.gather [hbm4b:s1+s14], $0x80, s14, s14, $0xb8;
	[tilespmem:$0x1C180] =	vst v63  }
0x1d8: {  	_ =	swait.ge [sflag:s19], $0x4000  }
0x1d9: {  	[sflag:s19] =	ssyncset.done $0x0  }
0x1da: {  	s30 =	sadd.s32 $0xE00, s23;
	[sflag:s19] =	ssyncadd.s32 $0xFFFFC000  }
0x1db: {  	[tilespmem:s4], [sflag:$0x3] =	stream.linear.gather [hbm4b:s30+s4], $0x80, $0x38;
	[tilespmem:$0x1C180] =	vst v63  }
0x1dc: {  	_ =	swait.ge [sflag:s13], $0x80  }
0x1dd: {  	[sflag:s13] =	ssyncset.done $0x0  }
0x1de: {  	[sflag:s13] =	ssyncadd.s32 $0xFFFFFF80  }
0x1df: {  	[spmem:s2] =	stream.indirect.scatter.add.f32 [tilespmem:s17], [sflag:$0x3], $0x80, s4, s14, $0xb8;
	[tilespmem:$0x1C180] =	vst v63  }
0x1e0: {  	_ =	swait.ge [sflag:s13], $0x4000  }
0x1e1: {  	[sflag:s13] =	ssyncset.done $0x0  }
0x1e2: {  	s24 =	sadd.s32 $0x1200, s24;
	[sflag:s13] =	ssyncadd.s32 $0xFFFFC000  }
0x1e3: {  	[tilespmem:s16], [sflag:$0x3] =	stream.linear.gather [hbm4b:s24+s4], $0x80, $0x38;
	[tilespmem:$0x1C180] =	vst v63  }
0x1e4: {  	_ =	swait.ge [sflag:s13], $0x80  }
0x1e5: {  	[sflag:s13] =	ssyncset.done $0x0  }
0x1e6: {  	[sflag:s13] =	ssyncadd.s32 $0xFFFFFF80  }
0x1e7: {  	[tilespmem:s17], [sflag:$0x2] =	stream.indirect.gather [hbm4b:s1+s14], $0x80, s16, s14, $0xb8;
	[tilespmem:$0x1C180] =	vst v63  }
0x1e8: {  	_ =	swait.ge [sflag:s18], $0x4000  }
0x1e9: {  	[sflag:s18] =	ssyncset.done $0x0  }
0x1ea: {  	s31 =	sadd.s32 $0x1000, s23;
	[sflag:s18] =	ssyncadd.s32 $0xFFFFC000  }
0x1eb: {  	[tilespmem:s4], [sflag:$0x3] =	stream.linear.gather [hbm4b:s31+s4], $0x80, $0x38;
	[tilespmem:$0x1C180] =	vst v63  }
0x1ec: {  	_ =	swait.ge [sflag:s13], $0x80  }
0x1ed: {  	[sflag:s13] =	ssyncset.done $0x0  }
0x1ee: {  	[sflag:s13] =	ssyncadd.s32 $0xFFFFFF80  }
0x1ef: {  	[spmem:s2] =	stream.indirect.scatter.add.f32 [tilespmem:s15], [sflag:$0x3], $0x80, s4, s14, $0xb8;
	[tilespmem:$0x1C180] =	vst v63  }
0x1f0: {  	_ =	swait.ge [sflag:s13], $0x4000  }
0x1f1: {  	[sflag:s13] =	ssyncset.done $0x0  }
0x1f2: {  	[sflag:s13] =	ssyncadd.s32 $0xFFFFC000  }
0x1f3: {  	_ =	swait.ge [sflag:s19], $0x4000  }
0x1f4: {  	[sflag:s19] =	ssyncset.done $0x0  }
0x1f5: {  	s23 =	sadd.s32 $0x1200, s23;
	[sflag:s19] =	ssyncadd.s32 $0xFFFFC000  }
0x1f6: {  	[tilespmem:s4], [sflag:$0x3] =	stream.linear.gather [hbm4b:s23+s4], $0x80, $0x38;
	[tilespmem:$0x1C180] =	vst v63  }
0x1f7: {  	_ =	swait.ge [sflag:s13], $0x80  }
0x1f8: {  	[sflag:s13] =	ssyncset.done $0x0  }
0x1f9: {  	[sflag:s13] =	ssyncadd.s32 $0xFFFFFF80  }
0x1fa: {  	[spmem:s2] =	stream.indirect.scatter.add.f32 [tilespmem:s17], [sflag:$0x3], $0x80, s4, s14, $0xb8;
	[tilespmem:$0x1C180] =	vst v63  }
0x1fb: {  	_ =	swait.ge [sflag:s13], $0x4000  }
0x1fc: {  	[sflag:s13] =	ssyncset.done $0x0  }
0x1fd: {  	[sflag:s13] =	ssyncadd.s32 $0xFFFFC000  }
0x1fe: {  	[bflag:$0x0] =	sbarrier.arrive $0xFFFF  }
0x1ff: {  	[hbm:s7], [sflag:s6] =	dma.local [spmem:s20], $0x2700  }
0x200: {  	s22 =	sadd.s32 $0x1, s22;
	_ =	swait.ge [sflag:s13], $0x2700  }
0x201: {  	p1 =	sne.s32 s22, s9;
	[sflag:s13] =	ssyncset.done $0x0  }
.Ltmp1:
0x202: {  	s23 =	simm.s32 @!p0 $0x3;
	[sflag:s13] =	ssyncadd.s32 $0xFFFFD900;
	(pc) =	sbr.rel @p1 .LBB2_1-.Ltmp1, $4  }
0x203: {  	[hbm:s8], [sflag:s6] =	dma.local @!p0 [spmem:s21], $0x100  }
0x204: {  	_ =	swait.ge @!p0 [sflag:s23], $0x100  }
0x205: {  	[sflag:s23] =	ssyncset.done @!p0 $0x0  }
0x206: {  	[sflag:s23] =	ssyncadd.s32 @!p0 $0xFFFFFF00  }
0x207: {  	_ =	sfence.sel $0x180000  }
0x208: {  	[bflag:$0x0] =	sbarrier.arrive $0xFFFF  }
0x209: {  	p0 =	sne.s32 s3, $0x0;
	_ =	strace $0x90000050  }
0x20a: {  	s0 =	sadd.s32 @!p0 $0x100000, s0;
	[bflag:$0x2] =	sbarrier.arrive $0xFFFF  }
0x20b: {  	[sflag:s0] =	ssyncadd.tile.s32 @!p0 $0x1;
	_ =	shalt  }
.Lfunc_end2:
_tile_overlayer_lowered:
.L_overlay_start_2:
0x20c: {  	(tag) =	ssettag $0x2  }
0x20d: {  	s0 =	rddreg [dreg:$0x0];
	s2 =	stileid.u32  }
0x20e: {  	s1 =	rddreg [dreg:$0x1];
	p0 =	sne.s32 s2, $0x0  }
0x20f: {  	s3 =	rddreg [dreg:$0x2];
	[bflag:$0x3] =	sbarrier.arrive $0xFFFF;
	s2 =	simm.s32 @!p0 $0x1C03  }
0x210: {  	[timem:s3], [sflag:s2] =	dma.local @!p0 [hbm:s0], s1  }
0x211: {  	s0 =	simm.s32 @!p0 $0x3  }
0x212: {  	_ =	swait.ge @!p0 [sflag:s0], s1  }
0x213: {  	s1 =	ssub.s32 @!p0 $0x0, s1;
	[sflag:s0] =	ssyncset.done @!p0 $0x0  }
0x214: {  	[sflag:s0] =	ssyncadd.s32 @!p0 s1  }
0x215: {  	[bflag:$0x3] =	sbarrier.arrive $0xFFFF  }
0x216: {  	_ =	shalt  }

</sc_bundles>
